<compile_context>
chip_gen: v7x
topology: tpu7x:2x2x1
jax: 0.10.2.dev20260603
libtpu: 0.0.44.dev20260713+nightly
codegen_flags: <defaults>
</compile_context>

<pallas_src>
import functools

import jax
import jax.numpy as jnp
from jax import lax
from jax.experimental import pallas as pl
from jax.experimental.pallas import tpu as pltpu
from jax.experimental.pallas import tpu_sc as plsc

B = 4096
F = 26
V = 100000
D = 64
FD = F * D
H1 = 1024
H2 = 512

NC = 2
NS = 16
NW = NC * NS
CB = B // NW
CHR = 64
NBLK = FD // CHR


def _sc_gather_body(vt, bt, idx3, bidx3, xt_out, bias_out,
                    idx_v, got_v, bidx_v, bias_v, sem, semb):
    wid = lax.axis_index("s") * NC + lax.axis_index("c")

    pltpu.sync_copy(bidx3.at[wid], bidx_v)
    bh = [pltpu.async_copy(bt.at[bidx_v.at[c]], bias_v.at[c], semb)
          for c in range(F)]
    for h in bh:
        h.wait()
    pltpu.sync_copy(bias_v, bias_out.at[wid])

    def blk(c, carry):
        pltpu.sync_copy(idx3.at[wid, pl.ds(c * CHR, CHR)], idx_v)
        hs = [pltpu.async_copy(vt.at[idx_v.at[j]], got_v.at[j], sem)
              for j in range(CHR)]
        for h in hs:
            h.wait()
        pltpu.sync_copy(got_v, xt_out.at[wid, pl.ds(c * CHR, CHR)])
        return carry

    lax.fori_loop(0, NBLK, blk, 0)


@functools.cache
def _sc_gather():
    return pl.kernel(
        _sc_gather_body,
        out_type=(
            jax.ShapeDtypeStruct((NW, FD, CB), jnp.float32),
            jax.ShapeDtypeStruct((NW, F, CB), jnp.float32),
        ),
        mesh=plsc.VectorSubcoreMesh(core_axis_name="c", subcore_axis_name="s"),
        compiler_params=pltpu.CompilerParams(use_tc_tiling_on_sc=False),
        scratch_types=[
            pltpu.VMEM((CHR, CB), jnp.int32),
            pltpu.VMEM((CHR, CB), jnp.float32),
            pltpu.VMEM((F, CB), jnp.int32),
            pltpu.VMEM((F, CB), jnp.float32),
            pltpu.SemaphoreType.DMA,
            pltpu.SemaphoreType.DMA,
        ],
    )


def _mlp_body(x_ref, bs_ref, w1_ref, b1_ref, w2_ref, b2_ref, w3_ref, b3_ref,
              gb_ref, a_ref, z_ref):
    x = x_ref[0]
    s = jnp.dot(a_ref[...], x, preferred_element_type=jnp.float32)
    order2 = jnp.sum(s * s, axis=0) - jnp.sum(x * x, axis=0)
    fm = 0.5 * order2 + jnp.sum(bs_ref[0], axis=0)

    h = jnp.dot(w1_ref[...], x, preferred_element_type=jnp.float32) + b1_ref[...]
    h = jnp.where(h > 0, h, 0.2 * h)
    h = jnp.dot(w2_ref[...], h, preferred_element_type=jnp.float32) + b2_ref[...]
    h = jnp.where(h > 0, h, 0.2 * h)
    z = jnp.dot(w3_ref[...], h, preferred_element_type=jnp.float32) + b3_ref[...]
    z_ref[0] = z + fm[None, :] + gb_ref[...]


def _mlp(xt3, bias3, w1t, b1c, w2t, b2c, w3t, b3c, gbc, at, interpret=False):
    return pl.pallas_call(
        _mlp_body,
        grid=(NW,),
        in_specs=[
            pl.BlockSpec((1, FD, CB), lambda i: (i, 0, 0)),
            pl.BlockSpec((1, F, CB), lambda i: (i, 0, 0)),
            pl.BlockSpec((H1, FD), lambda i: (0, 0)),
            pl.BlockSpec((H1, 1), lambda i: (0, 0)),
            pl.BlockSpec((H2, H1), lambda i: (0, 0)),
            pl.BlockSpec((H2, 1), lambda i: (0, 0)),
            pl.BlockSpec((1, H2), lambda i: (0, 0)),
            pl.BlockSpec((1, 1), lambda i: (0, 0)),
            pl.BlockSpec((1, 1), lambda i: (0, 0)),
            pl.BlockSpec((D, FD), lambda i: (0, 0)),
        ],
        out_specs=pl.BlockSpec((1, 1, CB), lambda i: (i, 0, 0)),
        out_shape=jax.ShapeDtypeStruct((NW, 1, CB), jnp.float32),
        interpret=interpret,
    )(xt3, bias3, w1t, b1c, w2t, b2c, w3t, b3c, gbc, at)


def kernel(onehot_ids, v_tables, b_tables, W1, b1, W2, b2, W3, b3,
           global_bias):
    vt = v_tables.transpose(0, 2, 1).reshape(FD * V)
    bt = b_tables.reshape(F * V)

    ids_t = onehot_ids.astype(jnp.int32).T
    row_base = (jnp.arange(FD, dtype=jnp.int32) * V)[:, None]
    idx = row_base + jnp.repeat(ids_t, D, axis=0)
    idx3 = idx.reshape(FD, NW, CB).transpose(1, 0, 2)
    bidx = (jnp.arange(F, dtype=jnp.int32) * V)[:, None] + ids_t
    bidx3 = bidx.reshape(F, NW, CB).transpose(1, 0, 2)

    xt3, bias3 = _sc_gather()(vt, bt, idx3, bidx3)

    w1t = W1.reshape(D, F, H1).transpose(2, 1, 0).reshape(H1, FD)
    at = jnp.tile(jnp.eye(D, dtype=jnp.float32), (1, F))
    z3 = _mlp(xt3, bias3, w1t, b1[:, None], W2.T, b2[:, None],
              W3.T, b3[:, None], global_bias[:, None], at)
    return z3.reshape(B)[:, None]

# --- scband reference (transcript-rebuilt; emitter-appended) ---
"""Pipeline reference for scband-deep-fm-15685220565171 (READ-ONLY COPY).

The authoritative reference and input builder live on the scoring server;
editing this copy changes nothing except your own understanding.
"""

import jax, jax.numpy as jnp
import numpy as np

B = 4096
F = 26
V = 100000
D = 64
NET = [1024, 512, 1]


def setup_inputs(seed: int = 0) -> dict:
    key = jax.random.key(seed)
    ks = jax.random.split(key, 8)
    onehot_ids = jax.random.randint(ks[0], (B, F), 0, V)
    # per-field vector embedding tables (trunc_normal std=0.01) and bias tables
    v_tables = jax.random.normal(ks[1], (F, V, D), dtype=jnp.float32) * 0.01
    b_tables = jax.random.normal(ks[2], (F, V, 1), dtype=jnp.float32) * 0.01
    d0 = D * F
    W1 = jax.random.normal(ks[3], (d0, NET[0]), dtype=jnp.float32) * (1.0 / np.sqrt(d0))
    b1 = jnp.zeros((NET[0],), dtype=jnp.float32)
    W2 = jax.random.normal(ks[4], (NET[0], NET[1]), dtype=jnp.float32) * (1.0 / np.sqrt(NET[0]))
    b2 = jnp.zeros((NET[1],), dtype=jnp.float32)
    W3 = jax.random.normal(ks[5], (NET[1], NET[2]), dtype=jnp.float32) * (1.0 / np.sqrt(NET[1]))
    b3 = jnp.zeros((NET[2],), dtype=jnp.float32)
    global_bias = jnp.zeros((NET[2],), dtype=jnp.float32)
    return {
        'onehot_ids': onehot_ids,
        'v_tables': v_tables,
        'b_tables': b_tables,
        'W1': W1, 'b1': b1,
        'W2': W2, 'b2': b2,
        'W3': W3, 'b3': b3,
        'global_bias': global_bias,
    }


def reference(onehot_ids, v_tables, b_tables, W1, b1, W2, b2, W3, b3, global_bias):
    # order-2 embeddings: per-field gather, stacked on last dim -> [B, D, F]
    embs = jnp.stack([jnp.take(v_tables[f], onehot_ids[:, f], axis=0) for f in range(F)], axis=-1)
    # order-1 scores: per-field gather of bias tables -> [B, 1, F]
    scores = jnp.stack([jnp.take(b_tables[f], onehot_ids[:, f], axis=0) for f in range(F)], axis=-1)
    # FM second-order interaction
    order_2_score = jnp.sum(jnp.sum(embs, axis=-1) ** 2, axis=-1) - jnp.sum(embs ** 2, axis=(1, 2))
    fm_score = 0.5 * order_2_score + jnp.sum(scores, axis=(1, 2))
    bs = embs.shape[0]
    x = embs.reshape(bs, -1)
    # MLP: Linear -> LeakyReLU(0.2) -> (Dropout p=0 identity) -> Linear -> LeakyReLU -> Linear
    h = jax.nn.leaky_relu(x @ W1 + b1, negative_slope=0.2)
    h = jax.nn.leaky_relu(h @ W2 + b2, negative_slope=0.2)
    z = h @ W3 + b3
    z = z + fm_score[:, None] + global_bias
    return z

if __name__ == "__main__":
    import jax
    _d = setup_inputs()
    print(jax.jit(kernel)(*tuple(_d.values())))

</pallas_src>

<mosaic_0001>
#map = affine_map<(d0, d1) -> (0)>
#map1 = affine_map<(d0, d1) -> (0, 0, 0)>
module attributes {stable_mosaic.version = 14 : i64} {
  func.func @_sc_gather_body(%arg0: i32, %arg1: i32, %arg2: memref<166400000xf32, #tpu.memory_space<hbm>>, %arg3: memref<2600000xf32, #tpu.memory_space<hbm>>, %arg4: memref<32x1664x128xi32, #tpu.memory_space<hbm>>, %arg5: memref<32x26x128xi32, #tpu.memory_space<hbm>>, %arg6: memref<32x1664x128xf32, #tpu.memory_space<hbm>>, %arg7: memref<32x26x128xf32, #tpu.memory_space<hbm>>, %arg8: memref<64x128xi32, #tpu.memory_space<vmem>>, %arg9: memref<64x128xf32, #tpu.memory_space<vmem>>, %arg10: memref<26x128xi32, #tpu.memory_space<vmem>>, %arg11: memref<26x128xf32, #tpu.memory_space<vmem>>, %arg12: memref<!tpu.dma_semaphore, #tpu.memory_space<semaphore_mem>>, %arg13: memref<!tpu.dma_semaphore, #tpu.memory_space<semaphore_mem>>) attributes {dimension_semantics = [#tpu.dimension_semantics<core_parallel>, #tpu.dimension_semantics<subcore_parallel>], iteration_bounds = array<i64: 2, 16>, scalar_prefetch = 0 : i64, scratch_operands = 6 : i64, tpu.core_type = #tpu.core_type<sc_vector_subcore>, window_params = [{transform_indices = #map}, {transform_indices = #map}, {transform_indices = #map1}, {transform_indices = #map1}, {transform_indices = #map1}, {transform_indices = #map1}]} {
    %mul3A = arith.constant 2 : i32
    %mul3A_0 = arith.muli %arg1, %mul3A : i32
    %add3A = arith.addi %mul3A_0, %arg0 : i32
    "tpu.region"() ({
      %run_scoped3A = tpu.sem_alloc : memref<!tpu.dma_semaphore, #tpu.memory_space<semaphore_mem>>
      %dma_start3A_524 = arith.constant 0 : i32
      %dma_start3A_525 = arith.constant 0 : i32
      %dma_start3A_526 = tpu.memref_slice %arg5[%add3A, %dma_start3A_524, %dma_start3A_525] : memref<32x26x128xi32, #tpu.memory_space<hbm>> -> memref<1x26x128xi32, #tpu.memory_space<hbm>>
      %dma_start3A_527 = tpu.memref_squeeze %dma_start3A_526 : memref<1x26x128xi32, #tpu.memory_space<hbm>> -> memref<26x128xi32, #tpu.memory_space<hbm>>
      %dma_start3A_528 = arith.constant 0 : i32
      %dma_start3A_529 = arith.constant 0 : i32
      %dma_start3A_530 = tpu.memref_slice %arg5[%add3A, %dma_start3A_528, %dma_start3A_529] : memref<32x26x128xi32, #tpu.memory_space<hbm>> -> memref<1x26x128xi32, #tpu.memory_space<hbm>>
      %dma_start3A_531 = tpu.memref_squeeze %dma_start3A_530 : memref<1x26x128xi32, #tpu.memory_space<hbm>> -> memref<26x128xi32, #tpu.memory_space<hbm>>
      tpu.enqueue_dma source(%dma_start3A_531 : memref<26x128xi32, #tpu.memory_space<hbm>>) target(%arg10 : memref<26x128xi32, #tpu.memory_space<vmem>>) target_semaphore(%run_scoped3A : memref<!tpu.dma_semaphore, #tpu.memory_space<semaphore_mem>>)
      %dma_wait3A_532 = arith.constant 0 : i32
      %dma_wait3A_533 = arith.constant 0 : i32
      %dma_wait3A_534 = tpu.memref_slice %arg5[%add3A, %dma_wait3A_532, %dma_wait3A_533] : memref<32x26x128xi32, #tpu.memory_space<hbm>> -> memref<1x26x128xi32, #tpu.memory_space<hbm>>
      %dma_wait3A_535 = tpu.memref_squeeze %dma_wait3A_534 : memref<1x26x128xi32, #tpu.memory_space<hbm>> -> memref<26x128xi32, #tpu.memory_space<hbm>>
      %dma_wait3A_536 = arith.constant 0 : i32
      %dma_wait3A_537 = arith.constant 0 : i32
      %dma_wait3A_538 = tpu.memref_slice %arg5[%add3A, %dma_wait3A_536, %dma_wait3A_537] : memref<32x26x128xi32, #tpu.memory_space<hbm>> -> memref<1x26x128xi32, #tpu.memory_space<hbm>>
      %dma_wait3A_539 = tpu.memref_squeeze %dma_wait3A_538 : memref<1x26x128xi32, #tpu.memory_space<hbm>> -> memref<26x128xi32, #tpu.memory_space<hbm>>
      tpu.wait_dma2 semaphore(%run_scoped3A : memref<!tpu.dma_semaphore, #tpu.memory_space<semaphore_mem>>) src(%dma_wait3A_539 : memref<26x128xi32, #tpu.memory_space<hbm>>) dst(%arg10 : memref<26x128xi32, #tpu.memory_space<vmem>>)
      tpu.yield
    }) : () -> ()
    %dma_start3A = arith.constant 0 : i32
    %dma_start3A_1 = arith.constant 0 : i32
    %dma_start3A_2 = arith.constant 0 : i32
    %dma_start3A_3 = tpu.memref_slice %arg11[%dma_start3A_1, %dma_start3A_2] : memref<26x128xf32, #tpu.memory_space<vmem>> -> memref<1x128xf32, #tpu.memory_space<vmem>>
    %dma_start3A_4 = tpu.memref_squeeze %dma_start3A_3 : memref<1x128xf32, #tpu.memory_space<vmem>> -> memref<128xf32, #tpu.memory_space<vmem>>
    %dma_start3A_5 = arith.constant 0 : i32
    %dma_start3A_6 = tpu.memref_slice %arg10[%dma_start3A, %dma_start3A_5] : memref<26x128xi32, #tpu.memory_space<vmem>> -> memref<1x128xi32, #tpu.memory_space<vmem>>
    %dma_start3A_7 = tpu.memref_squeeze %dma_start3A_6 : memref<1x128xi32, #tpu.memory_space<vmem>> -> memref<128xi32, #tpu.memory_space<vmem>>
    %dma_start3A_8 = arith.constant 0 : i32
    %dma_start3A_9 = tpu.memref_slice %arg3[%dma_start3A_8] : memref<2600000xf32, #tpu.memory_space<hbm>> -> memref<2600000xf32, #tpu.memory_space<hbm>>
    tpu.enqueue_indirect_dma source(%dma_start3A_9 : memref<2600000xf32, #tpu.memory_space<hbm>>) target(%dma_start3A_4 : memref<128xf32, #tpu.memory_space<vmem>>) offsets(%dma_start3A_7 : memref<128xi32, #tpu.memory_space<vmem>>) semaphore(%arg13 : memref<!tpu.dma_semaphore, #tpu.memory_space<semaphore_mem>>)
    %dma_start3A_10 = arith.constant 1 : i32
    %dma_start3A_11 = arith.constant 1 : i32
    %dma_start3A_12 = arith.constant 0 : i32
    %dma_start3A_13 = tpu.memref_slice %arg11[%dma_start3A_11, %dma_start3A_12] : memref<26x128xf32, #tpu.memory_space<vmem>> -> memref<1x128xf32, #tpu.memory_space<vmem>>
    %dma_start3A_14 = tpu.memref_squeeze %dma_start3A_13 : memref<1x128xf32, #tpu.memory_space<vmem>> -> memref<128xf32, #tpu.memory_space<vmem>>
    %dma_start3A_15 = arith.constant 0 : i32
    %dma_start3A_16 = tpu.memref_slice %arg10[%dma_start3A_10, %dma_start3A_15] : memref<26x128xi32, #tpu.memory_space<vmem>> -> memref<1x128xi32, #tpu.memory_space<vmem>>
    %dma_start3A_17 = tpu.memref_squeeze %dma_start3A_16 : memref<1x128xi32, #tpu.memory_space<vmem>> -> memref<128xi32, #tpu.memory_space<vmem>>
    %dma_start3A_18 = arith.constant 0 : i32
    %dma_start3A_19 = tpu.memref_slice %arg3[%dma_start3A_18] : memref<2600000xf32, #tpu.memory_space<hbm>> -> memref<2600000xf32, #tpu.memory_space<hbm>>
    tpu.enqueue_indirect_dma source(%dma_start3A_19 : memref<2600000xf32, #tpu.memory_space<hbm>>) target(%dma_start3A_14 : memref<128xf32, #tpu.memory_space<vmem>>) offsets(%dma_start3A_17 : memref<128xi32, #tpu.memory_space<vmem>>) semaphore(%arg13 : memref<!tpu.dma_semaphore, #tpu.memory_space<semaphore_mem>>)
    %dma_start3A_20 = arith.constant 2 : i32
    %dma_start3A_21 = arith.constant 2 : i32
    %dma_start3A_22 = arith.constant 0 : i32
    %dma_start3A_23 = tpu.memref_slice %arg11[%dma_start3A_21, %dma_start3A_22] : memref<26x128xf32, #tpu.memory_space<vmem>> -> memref<1x128xf32, #tpu.memory_space<vmem>>
    %dma_start3A_24 = tpu.memref_squeeze %dma_start3A_23 : memref<1x128xf32, #tpu.memory_space<vmem>> -> memref<128xf32, #tpu.memory_space<vmem>>
    %dma_start3A_25 = arith.constant 0 : i32
    %dma_start3A_26 = tpu.memref_slice %arg10[%dma_start3A_20, %dma_start3A_25] : memref<26x128xi32, #tpu.memory_space<vmem>> -> memref<1x128xi32, #tpu.memory_space<vmem>>
    %dma_start3A_27 = tpu.memref_squeeze %dma_start3A_26 : memref<1x128xi32, #tpu.memory_space<vmem>> -> memref<128xi32, #tpu.memory_space<vmem>>
    %dma_start3A_28 = arith.constant 0 : i32
    %dma_start3A_29 = tpu.memref_slice %arg3[%dma_start3A_28] : memref<2600000xf32, #tpu.memory_space<hbm>> -> memref<2600000xf32, #tpu.memory_space<hbm>>
    tpu.enqueue_indirect_dma source(%dma_start3A_29 : memref<2600000xf32, #tpu.memory_space<hbm>>) target(%dma_start3A_24 : memref<128xf32, #tpu.memory_space<vmem>>) offsets(%dma_start3A_27 : memref<128xi32, #tpu.memory_space<vmem>>) semaphore(%arg13 : memref<!tpu.dma_semaphore, #tpu.memory_space<semaphore_mem>>)
    %dma_start3A_30 = arith.constant 3 : i32
    %dma_start3A_31 = arith.constant 3 : i32
    %dma_start3A_32 = arith.constant 0 : i32
    %dma_start3A_33 = tpu.memref_slice %arg11[%dma_start3A_31, %dma_start3A_32] : memref<26x128xf32, #tpu.memory_space<vmem>> -> memref<1x128xf32, #tpu.memory_space<vmem>>
    %dma_start3A_34 = tpu.memref_squeeze %dma_start3A_33 : memref<1x128xf32, #tpu.memory_space<vmem>> -> memref<128xf32, #tpu.memory_space<vmem>>
    %dma_start3A_35 = arith.constant 0 : i32
    %dma_start3A_36 = tpu.memref_slice %arg10[%dma_start3A_30, %dma_start3A_35] : memref<26x128xi32, #tpu.memory_space<vmem>> -> memref<1x128xi32, #tpu.memory_space<vmem>>
    %dma_start3A_37 = tpu.memref_squeeze %dma_start3A_36 : memref<1x128xi32, #tpu.memory_space<vmem>> -> memref<128xi32, #tpu.memory_space<vmem>>
    %dma_start3A_38 = arith.constant 0 : i32
    %dma_start3A_39 = tpu.memref_slice %arg3[%dma_start3A_38] : memref<2600000xf32, #tpu.memory_space<hbm>> -> memref<2600000xf32, #tpu.memory_space<hbm>>
    tpu.enqueue_indirect_dma source(%dma_start3A_39 : memref<2600000xf32, #tpu.memory_space<hbm>>) target(%dma_start3A_34 : memref<128xf32, #tpu.memory_space<vmem>>) offsets(%dma_start3A_37 : memref<128xi32, #tpu.memory_space<vmem>>) semaphore(%arg13 : memref<!tpu.dma_semaphore, #tpu.memory_space<semaphore_mem>>)
    %dma_start3A_40 = arith.constant 4 : i32
    %dma_start3A_41 = arith.constant 4 : i32
    %dma_start3A_42 = arith.constant 0 : i32
    %dma_start3A_43 = tpu.memref_slice %arg11[%dma_start3A_41, %dma_start3A_42] : memref<26x128xf32, #tpu.memory_space<vmem>> -> memref<1x128xf32, #tpu.memory_space<vmem>>
    %dma_start3A_44 = tpu.memref_squeeze %dma_start3A_43 : memref<1x128xf32, #tpu.memory_space<vmem>> -> memref<128xf32, #tpu.memory_space<vmem>>
    %dma_start3A_45 = arith.constant 0 : i32
    %dma_start3A_46 = tpu.memref_slice %arg10[%dma_start3A_40, %dma_start3A_45] : memref<26x128xi32, #tpu.memory_space<vmem>> -> memref<1x128xi32, #tpu.memory_space<vmem>>
    %dma_start3A_47 = tpu.memref_squeeze %dma_start3A_46 : memref<1x128xi32, #tpu.memory_space<vmem>> -> memref<128xi32, #tpu.memory_space<vmem>>
    %dma_start3A_48 = arith.constant 0 : i32
    %dma_start3A_49 = tpu.memref_slice %arg3[%dma_start3A_48] : memref<2600000xf32, #tpu.memory_space<hbm>> -> memref<2600000xf32, #tpu.memory_space<hbm>>
    tpu.enqueue_indirect_dma source(%dma_start3A_49 : memref<2600000xf32, #tpu.memory_space<hbm>>) target(%dma_start3A_44 : memref<128xf32, #tpu.memory_space<vmem>>) offsets(%dma_start3A_47 : memref<128xi32, #tpu.memory_space<vmem>>) semaphore(%arg13 : memref<!tpu.dma_semaphore, #tpu.memory_space<semaphore_mem>>)
    %dma_start3A_50 = arith.constant 5 : i32
    %dma_start3A_51 = arith.constant 5 : i32
    %dma_start3A_52 = arith.constant 0 : i32
    %dma_start3A_53 = tpu.memref_slice %arg11[%dma_start3A_51, %dma_start3A_52] : memref<26x128xf32, #tpu.memory_space<vmem>> -> memref<1x128xf32, #tpu.memory_space<vmem>>
    %dma_start3A_54 = tpu.memref_squeeze %dma_start3A_53 : memref<1x128xf32, #tpu.memory_space<vmem>> -> memref<128xf32, #tpu.memory_space<vmem>>
    %dma_start3A_55 = arith.constant 0 : i32
    %dma_start3A_56 = tpu.memref_slice %arg10[%dma_start3A_50, %dma_start3A_55] : memref<26x128xi32, #tpu.memory_space<vmem>> -> memref<1x128xi32, #tpu.memory_space<vmem>>
    %dma_start3A_57 = tpu.memref_squeeze %dma_start3A_56 : memref<1x128xi32, #tpu.memory_space<vmem>> -> memref<128xi32, #tpu.memory_space<vmem>>
    %dma_start3A_58 = arith.constant 0 : i32
    %dma_start3A_59 = tpu.memref_slice %arg3[%dma_start3A_58] : memref<2600000xf32, #tpu.memory_space<hbm>> -> memref<2600000xf32, #tpu.memory_space<hbm>>
    tpu.enqueue_indirect_dma source(%dma_start3A_59 : memref<2600000xf32, #tpu.memory_space<hbm>>) target(%dma_start3A_54 : memref<128xf32, #tpu.memory_space<vmem>>) offsets(%dma_start3A_57 : memref<128xi32, #tpu.memory_space<vmem>>) semaphore(%arg13 : memref<!tpu.dma_semaphore, #tpu.memory_space<semaphore_mem>>)
    %dma_start3A_60 = arith.constant 6 : i32
    %dma_start3A_61 = arith.constant 6 : i32
    %dma_start3A_62 = arith.constant 0 : i32
    %dma_start3A_63 = tpu.memref_slice %arg11[%dma_start3A_61, %dma_start3A_62] : memref<26x128xf32, #tpu.memory_space<vmem>> -> memref<1x128xf32, #tpu.memory_space<vmem>>
    %dma_start3A_64 = tpu.memref_squeeze %dma_start3A_63 : memref<1x128xf32, #tpu.memory_space<vmem>> -> memref<128xf32, #tpu.memory_space<vmem>>
    %dma_start3A_65 = arith.constant 0 : i32
    %dma_start3A_66 = tpu.memref_slice %arg10[%dma_start3A_60, %dma_start3A_65] : memref<26x128xi32, #tpu.memory_space<vmem>> -> memref<1x128xi32, #tpu.memory_space<vmem>>
    %dma_start3A_67 = tpu.memref_squeeze %dma_start3A_66 : memref<1x128xi32, #tpu.memory_space<vmem>> -> memref<128xi32, #tpu.memory_space<vmem>>
    %dma_start3A_68 = arith.constant 0 : i32
    %dma_start3A_69 = tpu.memref_slice %arg3[%dma_start3A_68] : memref<2600000xf32, #tpu.memory_space<hbm>> -> memref<2600000xf32, #tpu.memory_space<hbm>>
    tpu.enqueue_indirect_dma source(%dma_start3A_69 : memref<2600000xf32, #tpu.memory_space<hbm>>) target(%dma_start3A_64 : memref<128xf32, #tpu.memory_space<vmem>>) offsets(%dma_start3A_67 : memref<128xi32, #tpu.memory_space<vmem>>) semaphore(%arg13 : memref<!tpu.dma_semaphore, #tpu.memory_space<semaphore_mem>>)
    %dma_start3A_70 = arith.constant 7 : i32
    %dma_start3A_71 = arith.constant 7 : i32
    %dma_start3A_72 = arith.constant 0 : i32
    %dma_start3A_73 = tpu.memref_slice %arg11[%dma_start3A_71, %dma_start3A_72] : memref<26x128xf32, #tpu.memory_space<vmem>> -> memref<1x128xf32, #tpu.memory_space<vmem>>
    %dma_start3A_74 = tpu.memref_squeeze %dma_start3A_73 : memref<1x128xf32, #tpu.memory_space<vmem>> -> memref<128xf32, #tpu.memory_space<vmem>>
    %dma_start3A_75 = arith.constant 0 : i32
    %dma_start3A_76 = tpu.memref_slice %arg10[%dma_start3A_70, %dma_start3A_75] : memref<26x128xi32, #tpu.memory_space<vmem>> -> memref<1x128xi32, #tpu.memory_space<vmem>>
    %dma_start3A_77 = tpu.memref_squeeze %dma_start3A_76 : memref<1x128xi32, #tpu.memory_space<vmem>> -> memref<128xi32, #tpu.memory_space<vmem>>
    %dma_start3A_78 = arith.constant 0 : i32
    %dma_start3A_79 = tpu.memref_slice %arg3[%dma_start3A_78] : memref<2600000xf32, #tpu.memory_space<hbm>> -> memref<2600000xf32, #tpu.memory_space<hbm>>
    tpu.enqueue_indirect_dma source(%dma_start3A_79 : memref<2600000xf32, #tpu.memory_space<hbm>>) target(%dma_start3A_74 : memref<128xf32, #tpu.memory_space<vmem>>) offsets(%dma_start3A_77 : memref<128xi32, #tpu.memory_space<vmem>>) semaphore(%arg13 : memref<!tpu.dma_semaphore, #tpu.memory_space<semaphore_mem>>)
    %dma_start3A_80 = arith.constant 8 : i32
    %dma_start3A_81 = arith.constant 8 : i32
    %dma_start3A_82 = arith.constant 0 : i32
    %dma_start3A_83 = tpu.memref_slice %arg11[%dma_start3A_81, %dma_start3A_82] : memref<26x128xf32, #tpu.memory_space<vmem>> -> memref<1x128xf32, #tpu.memory_space<vmem>>
    %dma_start3A_84 = tpu.memref_squeeze %dma_start3A_83 : memref<1x128xf32, #tpu.memory_space<vmem>> -> memref<128xf32, #tpu.memory_space<vmem>>
    %dma_start3A_85 = arith.constant 0 : i32
    %dma_start3A_86 = tpu.memref_slice %arg10[%dma_start3A_80, %dma_start3A_85] : memref<26x128xi32, #tpu.memory_space<vmem>> -> memref<1x128xi32, #tpu.memory_space<vmem>>
    %dma_start3A_87 = tpu.memref_squeeze %dma_start3A_86 : memref<1x128xi32, #tpu.memory_space<vmem>> -> memref<128xi32, #tpu.memory_space<vmem>>
    %dma_start3A_88 = arith.constant 0 : i32
    %dma_start3A_89 = tpu.memref_slice %arg3[%dma_start3A_88] : memref<2600000xf32, #tpu.memory_space<hbm>> -> memref<2600000xf32, #tpu.memory_space<hbm>>
    tpu.enqueue_indirect_dma source(%dma_start3A_89 : memref<2600000xf32, #tpu.memory_space<hbm>>) target(%dma_start3A_84 : memref<128xf32, #tpu.memory_space<vmem>>) offsets(%dma_start3A_87 : memref<128xi32, #tpu.memory_space<vmem>>) semaphore(%arg13 : memref<!tpu.dma_semaphore, #tpu.memory_space<semaphore_mem>>)
    %dma_start3A_90 = arith.constant 9 : i32
    %dma_start3A_91 = arith.constant 9 : i32
    %dma_start3A_92 = arith.constant 0 : i32
    %dma_start3A_93 = tpu.memref_slice %arg11[%dma_start3A_91, %dma_start3A_92] : memref<26x128xf32, #tpu.memory_space<vmem>> -> memref<1x128xf32, #tpu.memory_space<vmem>>
    %dma_start3A_94 = tpu.memref_squeeze %dma_start3A_93 : memref<1x128xf32, #tpu.memory_space<vmem>> -> memref<128xf32, #tpu.memory_space<vmem>>
    %dma_start3A_95 = arith.constant 0 : i32
    %dma_start3A_96 = tpu.memref_slice %arg10[%dma_start3A_90, %dma_start3A_95] : memref<26x128xi32, #tpu.memory_space<vmem>> -> memref<1x128xi32, #tpu.memory_space<vmem>>
    %dma_start3A_97 = tpu.memref_squeeze %dma_start3A_96 : memref<1x128xi32, #tpu.memory_space<vmem>> -> memref<128xi32, #tpu.memory_space<vmem>>
    %dma_start3A_98 = arith.constant 0 : i32
    %dma_start3A_99 = tpu.memref_slice %arg3[%dma_start3A_98] : memref<2600000xf32, #tpu.memory_space<hbm>> -> memref<2600000xf32, #tpu.memory_space<hbm>>
    tpu.enqueue_indirect_dma source(%dma_start3A_99 : memref<2600000xf32, #tpu.memory_space<hbm>>) target(%dma_start3A_94 : memref<128xf32, #tpu.memory_space<vmem>>) offsets(%dma_start3A_97 : memref<128xi32, #tpu.memory_space<vmem>>) semaphore(%arg13 : memref<!tpu.dma_semaphore, #tpu.memory_space<semaphore_mem>>)
    %dma_start3A_100 = arith.constant 10 : i32
    %dma_start3A_101 = arith.constant 10 : i32
    %dma_start3A_102 = arith.constant 0 : i32
    %dma_start3A_103 = tpu.memref_slice %arg11[%dma_start3A_101, %dma_start3A_102] : memref<26x128xf32, #tpu.memory_space<vmem>> -> memref<1x128xf32, #tpu.memory_space<vmem>>
    %dma_start3A_104 = tpu.memref_squeeze %dma_start3A_103 : memref<1x128xf32, #tpu.memory_space<vmem>> -> memref<128xf32, #tpu.memory_space<vmem>>
    %dma_start3A_105 = arith.constant 0 : i32
    %dma_start3A_106 = tpu.memref_slice %arg10[%dma_start3A_100, %dma_start3A_105] : memref<26x128xi32, #tpu.memory_space<vmem>> -> memref<1x128xi32, #tpu.memory_space<vmem>>
    %dma_start3A_107 = tpu.memref_squeeze %dma_start3A_106 : memref<1x128xi32, #tpu.memory_space<vmem>> -> memref<128xi32, #tpu.memory_space<vmem>>
    %dma_start3A_108 = arith.constant 0 : i32
    %dma_start3A_109 = tpu.memref_slice %arg3[%dma_start3A_108] : memref<2600000xf32, #tpu.memory_space<hbm>> -> memref<2600000xf32, #tpu.memory_space<hbm>>
    tpu.enqueue_indirect_dma source(%dma_start3A_109 : memref<2600000xf32, #tpu.memory_space<hbm>>) target(%dma_start3A_104 : memref<128xf32, #tpu.memory_space<vmem>>) offsets(%dma_start3A_107 : memref<128xi32, #tpu.memory_space<vmem>>) semaphore(%arg13 : memref<!tpu.dma_semaphore, #tpu.memory_space<semaphore_mem>>)
    %dma_start3A_110 = arith.constant 11 : i32
    %dma_start3A_111 = arith.constant 11 : i32
    %dma_start3A_112 = arith.constant 0 : i32
    %dma_start3A_113 = tpu.memref_slice %arg11[%dma_start3A_111, %dma_start3A_112] : memref<26x128xf32, #tpu.memory_space<vmem>> -> memref<1x128xf32, #tpu.memory_space<vmem>>
    %dma_start3A_114 = tpu.memref_squeeze %dma_start3A_113 : memref<1x128xf32, #tpu.memory_space<vmem>> -> memref<128xf32, #tpu.memory_space<vmem>>
    %dma_start3A_115 = arith.constant 0 : i32
    %dma_start3A_116 = tpu.memref_slice %arg10[%dma_start3A_110, %dma_start3A_115] : memref<26x128xi32, #tpu.memory_space<vmem>> -> memref<1x128xi32, #tpu.memory_space<vmem>>
    %dma_start3A_117 = tpu.memref_squeeze %dma_start3A_116 : memref<1x128xi32, #tpu.memory_space<vmem>> -> memref<128xi32, #tpu.memory_space<vmem>>
    %dma_start3A_118 = arith.constant 0 : i32
    %dma_start3A_119 = tpu.memref_slice %arg3[%dma_start3A_118] : memref<2600000xf32, #tpu.memory_space<hbm>> -> memref<2600000xf32, #tpu.memory_space<hbm>>
    tpu.enqueue_indirect_dma source(%dma_start3A_119 : memref<2600000xf32, #tpu.memory_space<hbm>>) target(%dma_start3A_114 : memref<128xf32, #tpu.memory_space<vmem>>) offsets(%dma_start3A_117 : memref<128xi32, #tpu.memory_space<vmem>>) semaphore(%arg13 : memref<!tpu.dma_semaphore, #tpu.memory_space<semaphore_mem>>)
    %dma_start3A_120 = arith.constant 12 : i32
    %dma_start3A_121 = arith.constant 12 : i32
    %dma_start3A_122 = arith.constant 0 : i32
    %dma_start3A_123 = tpu.memref_slice %arg11[%dma_start3A_121, %dma_start3A_122] : memref<26x128xf32, #tpu.memory_space<vmem>> -> memref<1x128xf32, #tpu.memory_space<vmem>>
    %dma_start3A_124 = tpu.memref_squeeze %dma_start3A_123 : memref<1x128xf32, #tpu.memory_space<vmem>> -> memref<128xf32, #tpu.memory_space<vmem>>
    %dma_start3A_125 = arith.constant 0 : i32
    %dma_start3A_126 = tpu.memref_slice %arg10[%dma_start3A_120, %dma_start3A_125] : memref<26x128xi32, #tpu.memory_space<vmem>> -> memref<1x128xi32, #tpu.memory_space<vmem>>
    %dma_start3A_127 = tpu.memref_squeeze %dma_start3A_126 : memref<1x128xi32, #tpu.memory_space<vmem>> -> memref<128xi32, #tpu.memory_space<vmem>>
    %dma_start3A_128 = arith.constant 0 : i32
    %dma_start3A_129 = tpu.memref_slice %arg3[%dma_start3A_128] : memref<2600000xf32, #tpu.memory_space<hbm>> -> memref<2600000xf32, #tpu.memory_space<hbm>>
    tpu.enqueue_indirect_dma source(%dma_start3A_129 : memref<2600000xf32, #tpu.memory_space<hbm>>) target(%dma_start3A_124 : memref<128xf32, #tpu.memory_space<vmem>>) offsets(%dma_start3A_127 : memref<128xi32, #tpu.memory_space<vmem>>) semaphore(%arg13 : memref<!tpu.dma_semaphore, #tpu.memory_space<semaphore_mem>>)
    %dma_start3A_130 = arith.constant 13 : i32
    %dma_start3A_131 = arith.constant 13 : i32
    %dma_start3A_132 = arith.constant 0 : i32
    %dma_start3A_133 = tpu.memref_slice %arg11[%dma_start3A_131, %dma_start3A_132] : memref<26x128xf32, #tpu.memory_space<vmem>> -> memref<1x128xf32, #tpu.memory_space<vmem>>
    %dma_start3A_134 = tpu.memref_squeeze %dma_start3A_133 : memref<1x128xf32, #tpu.memory_space<vmem>> -> memref<128xf32, #tpu.memory_space<vmem>>
    %dma_start3A_135 = arith.constant 0 : i32
    %dma_start3A_136 = tpu.memref_slice %arg10[%dma_start3A_130, %dma_start3A_135] : memref<26x128xi32, #tpu.memory_space<vmem>> -> memref<1x128xi32, #tpu.memory_space<vmem>>
    %dma_start3A_137 = tpu.memref_squeeze %dma_start3A_136 : memref<1x128xi32, #tpu.memory_space<vmem>> -> memref<128xi32, #tpu.memory_space<vmem>>
    %dma_start3A_138 = arith.constant 0 : i32
    %dma_start3A_139 = tpu.memref_slice %arg3[%dma_start3A_138] : memref<2600000xf32, #tpu.memory_space<hbm>> -> memref<2600000xf32, #tpu.memory_space<hbm>>
    tpu.enqueue_indirect_dma source(%dma_start3A_139 : memref<2600000xf32, #tpu.memory_space<hbm>>) target(%dma_start3A_134 : memref<128xf32, #tpu.memory_space<vmem>>) offsets(%dma_start3A_137 : memref<128xi32, #tpu.memory_space<vmem>>) semaphore(%arg13 : memref<!tpu.dma_semaphore, #tpu.memory_space<semaphore_mem>>)
    %dma_start3A_140 = arith.constant 14 : i32
    %dma_start3A_141 = arith.constant 14 : i32
    %dma_start3A_142 = arith.constant 0 : i32
    %dma_start3A_143 = tpu.memref_slice %arg11[%dma_start3A_141, %dma_start3A_142] : memref<26x128xf32, #tpu.memory_space<vmem>> -> memref<1x128xf32, #tpu.memory_space<vmem>>
    %dma_start3A_144 = tpu.memref_squeeze %dma_start3A_143 : memref<1x128xf32, #tpu.memory_space<vmem>> -> memref<128xf32, #tpu.memory_space<vmem>>
    %dma_start3A_145 = arith.constant 0 : i32
    %dma_start3A_146 = tpu.memref_slice %arg10[%dma_start3A_140, %dma_start3A_145] : memref<26x128xi32, #tpu.memory_space<vmem>> -> memref<1x128xi32, #tpu.memory_space<vmem>>
    %dma_start3A_147 = tpu.memref_squeeze %dma_start3A_146 : memref<1x128xi32, #tpu.memory_space<vmem>> -> memref<128xi32, #tpu.memory_space<vmem>>
    %dma_start3A_148 = arith.constant 0 : i32
    %dma_start3A_149 = tpu.memref_slice %arg3[%dma_start3A_148] : memref<2600000xf32, #tpu.memory_space<hbm>> -> memref<2600000xf32, #tpu.memory_space<hbm>>
    tpu.enqueue_indirect_dma source(%dma_start3A_149 : memref<2600000xf32, #tpu.memory_space<hbm>>) target(%dma_start3A_144 : memref<128xf32, #tpu.memory_space<vmem>>) offsets(%dma_start3A_147 : memref<128xi32, #tpu.memory_space<vmem>>) semaphore(%arg13 : memref<!tpu.dma_semaphore, #tpu.memory_space<semaphore_mem>>)
    %dma_start3A_150 = arith.constant 15 : i32
    %dma_start3A_151 = arith.constant 15 : i32
    %dma_start3A_152 = arith.constant 0 : i32
    %dma_start3A_153 = tpu.memref_slice %arg11[%dma_start3A_151, %dma_start3A_152] : memref<26x128xf32, #tpu.memory_space<vmem>> -> memref<1x128xf32, #tpu.memory_space<vmem>>
    %dma_start3A_154 = tpu.memref_squeeze %dma_start3A_153 : memref<1x128xf32, #tpu.memory_space<vmem>> -> memref<128xf32, #tpu.memory_space<vmem>>
    %dma_start3A_155 = arith.constant 0 : i32
    %dma_start3A_156 = tpu.memref_slice %arg10[%dma_start3A_150, %dma_start3A_155] : memref<26x128xi32, #tpu.memory_space<vmem>> -> memref<1x128xi32, #tpu.memory_space<vmem>>
    %dma_start3A_157 = tpu.memref_squeeze %dma_start3A_156 : memref<1x128xi32, #tpu.memory_space<vmem>> -> memref<128xi32, #tpu.memory_space<vmem>>
    %dma_start3A_158 = arith.constant 0 : i32
    %dma_start3A_159 = tpu.memref_slice %arg3[%dma_start3A_158] : memref<2600000xf32, #tpu.memory_space<hbm>> -> memref<2600000xf32, #tpu.memory_space<hbm>>
    tpu.enqueue_indirect_dma source(%dma_start3A_159 : memref<2600000xf32, #tpu.memory_space<hbm>>) target(%dma_start3A_154 : memref<128xf32, #tpu.memory_space<vmem>>) offsets(%dma_start3A_157 : memref<128xi32, #tpu.memory_space<vmem>>) semaphore(%arg13 : memref<!tpu.dma_semaphore, #tpu.memory_space<semaphore_mem>>)
    %dma_start3A_160 = arith.constant 16 : i32
    %dma_start3A_161 = arith.constant 16 : i32
    %dma_start3A_162 = arith.constant 0 : i32
    %dma_start3A_163 = tpu.memref_slice %arg11[%dma_start3A_161, %dma_start3A_162] : memref<26x128xf32, #tpu.memory_space<vmem>> -> memref<1x128xf32, #tpu.memory_space<vmem>>
    %dma_start3A_164 = tpu.memref_squeeze %dma_start3A_163 : memref<1x128xf32, #tpu.memory_space<vmem>> -> memref<128xf32, #tpu.memory_space<vmem>>
    %dma_start3A_165 = arith.constant 0 : i32
    %dma_start3A_166 = tpu.memref_slice %arg10[%dma_start3A_160, %dma_start3A_165] : memref<26x128xi32, #tpu.memory_space<vmem>> -> memref<1x128xi32, #tpu.memory_space<vmem>>
    %dma_start3A_167 = tpu.memref_squeeze %dma_start3A_166 : memref<1x128xi32, #tpu.memory_space<vmem>> -> memref<128xi32, #tpu.memory_space<vmem>>
    %dma_start3A_168 = arith.constant 0 : i32
    %dma_start3A_169 = tpu.memref_slice %arg3[%dma_start3A_168] : memref<2600000xf32, #tpu.memory_space<hbm>> -> memref<2600000xf32, #tpu.memory_space<hbm>>
    tpu.enqueue_indirect_dma source(%dma_start3A_169 : memref<2600000xf32, #tpu.memory_space<hbm>>) target(%dma_start3A_164 : memref<128xf32, #tpu.memory_space<vmem>>) offsets(%dma_start3A_167 : memref<128xi32, #tpu.memory_space<vmem>>) semaphore(%arg13 : memref<!tpu.dma_semaphore, #tpu.memory_space<semaphore_mem>>)
    %dma_start3A_170 = arith.constant 17 : i32
    %dma_start3A_171 = arith.constant 17 : i32
    %dma_start3A_172 = arith.constant 0 : i32
    %dma_start3A_173 = tpu.memref_slice %arg11[%dma_start3A_171, %dma_start3A_172] : memref<26x128xf32, #tpu.memory_space<vmem>> -> memref<1x128xf32, #tpu.memory_space<vmem>>
    %dma_start3A_174 = tpu.memref_squeeze %dma_start3A_173 : memref<1x128xf32, #tpu.memory_space<vmem>> -> memref<128xf32, #tpu.memory_space<vmem>>
    %dma_start3A_175 = arith.constant 0 : i32
    %dma_start3A_176 = tpu.memref_slice %arg10[%dma_start3A_170, %dma_start3A_175] : memref<26x128xi32, #tpu.memory_space<vmem>> -> memref<1x128xi32, #tpu.memory_space<vmem>>
    %dma_start3A_177 = tpu.memref_squeeze %dma_start3A_176 : memref<1x128xi32, #tpu.memory_space<vmem>> -> memref<128xi32, #tpu.memory_space<vmem>>
    %dma_start3A_178 = arith.constant 0 : i32
    %dma_start3A_179 = tpu.memref_slice %arg3[%dma_start3A_178] : memref<2600000xf32, #tpu.memory_space<hbm>> -> memref<2600000xf32, #tpu.memory_space<hbm>>
    tpu.enqueue_indirect_dma source(%dma_start3A_179 : memref<2600000xf32, #tpu.memory_space<hbm>>) target(%dma_start3A_174 : memref<128xf32, #tpu.memory_space<vmem>>) offsets(%dma_start3A_177 : memref<128xi32, #tpu.memory_space<vmem>>) semaphore(%arg13 : memref<!tpu.dma_semaphore, #tpu.memory_space<semaphore_mem>>)
    %dma_start3A_180 = arith.constant 18 : i32
    %dma_start3A_181 = arith.constant 18 : i32
    %dma_start3A_182 = arith.constant 0 : i32
    %dma_start3A_183 = tpu.memref_slice %arg11[%dma_start3A_181, %dma_start3A_182] : memref<26x128xf32, #tpu.memory_space<vmem>> -> memref<1x128xf32, #tpu.memory_space<vmem>>
    %dma_start3A_184 = tpu.memref_squeeze %dma_start3A_183 : memref<1x128xf32, #tpu.memory_space<vmem>> -> memref<128xf32, #tpu.memory_space<vmem>>
    %dma_start3A_185 = arith.constant 0 : i32
    %dma_start3A_186 = tpu.memref_slice %arg10[%dma_start3A_180, %dma_start3A_185] : memref<26x128xi32, #tpu.memory_space<vmem>> -> memref<1x128xi32, #tpu.memory_space<vmem>>
    %dma_start3A_187 = tpu.memref_squeeze %dma_start3A_186 : memref<1x128xi32, #tpu.memory_space<vmem>> -> memref<128xi32, #tpu.memory_space<vmem>>
    %dma_start3A_188 = arith.constant 0 : i32
    %dma_start3A_189 = tpu.memref_slice %arg3[%dma_start3A_188] : memref<2600000xf32, #tpu.memory_space<hbm>> -> memref<2600000xf32, #tpu.memory_space<hbm>>
    tpu.enqueue_indirect_dma source(%dma_start3A_189 : memref<2600000xf32, #tpu.memory_space<hbm>>) target(%dma_start3A_184 : memref<128xf32, #tpu.memory_space<vmem>>) offsets(%dma_start3A_187 : memref<128xi32, #tpu.memory_space<vmem>>) semaphore(%arg13 : memref<!tpu.dma_semaphore, #tpu.memory_space<semaphore_mem>>)
    %dma_start3A_190 = arith.constant 19 : i32
    %dma_start3A_191 = arith.constant 19 : i32
    %dma_start3A_192 = arith.constant 0 : i32
    %dma_start3A_193 = tpu.memref_slice %arg11[%dma_start3A_191, %dma_start3A_192] : memref<26x128xf32, #tpu.memory_space<vmem>> -> memref<1x128xf32, #tpu.memory_space<vmem>>
    %dma_start3A_194 = tpu.memref_squeeze %dma_start3A_193 : memref<1x128xf32, #tpu.memory_space<vmem>> -> memref<128xf32, #tpu.memory_space<vmem>>
    %dma_start3A_195 = arith.constant 0 : i32
    %dma_start3A_196 = tpu.memref_slice %arg10[%dma_start3A_190, %dma_start3A_195] : memref<26x128xi32, #tpu.memory_space<vmem>> -> memref<1x128xi32, #tpu.memory_space<vmem>>
    %dma_start3A_197 = tpu.memref_squeeze %dma_start3A_196 : memref<1x128xi32, #tpu.memory_space<vmem>> -> memref<128xi32, #tpu.memory_space<vmem>>
    %dma_start3A_198 = arith.constant 0 : i32
    %dma_start3A_199 = tpu.memref_slice %arg3[%dma_start3A_198] : memref<2600000xf32, #tpu.memory_space<hbm>> -> memref<2600000xf32, #tpu.memory_space<hbm>>
    tpu.enqueue_indirect_dma source(%dma_start3A_199 : memref<2600000xf32, #tpu.memory_space<hbm>>) target(%dma_start3A_194 : memref<128xf32, #tpu.memory_space<vmem>>) offsets(%dma_start3A_197 : memref<128xi32, #tpu.memory_space<vmem>>) semaphore(%arg13 : memref<!tpu.dma_semaphore, #tpu.memory_space<semaphore_mem>>)
    %dma_start3A_200 = arith.constant 20 : i32
    %dma_start3A_201 = arith.constant 20 : i32
    %dma_start3A_202 = arith.constant 0 : i32
    %dma_start3A_203 = tpu.memref_slice %arg11[%dma_start3A_201, %dma_start3A_202] : memref<26x128xf32, #tpu.memory_space<vmem>> -> memref<1x128xf32, #tpu.memory_space<vmem>>
    %dma_start3A_204 = tpu.memref_squeeze %dma_start3A_203 : memref<1x128xf32, #tpu.memory_space<vmem>> -> memref<128xf32, #tpu.memory_space<vmem>>
    %dma_start3A_205 = arith.constant 0 : i32
    %dma_start3A_206 = tpu.memref_slice %arg10[%dma_start3A_200, %dma_start3A_205] : memref<26x128xi32, #tpu.memory_space<vmem>> -> memref<1x128xi32, #tpu.memory_space<vmem>>
    %dma_start3A_207 = tpu.memref_squeeze %dma_start3A_206 : memref<1x128xi32, #tpu.memory_space<vmem>> -> memref<128xi32, #tpu.memory_space<vmem>>
    %dma_start3A_208 = arith.constant 0 : i32
    %dma_start3A_209 = tpu.memref_slice %arg3[%dma_start3A_208] : memref<2600000xf32, #tpu.memory_space<hbm>> -> memref<2600000xf32, #tpu.memory_space<hbm>>
    tpu.enqueue_indirect_dma source(%dma_start3A_209 : memref<2600000xf32, #tpu.memory_space<hbm>>) target(%dma_start3A_204 : memref<128xf32, #tpu.memory_space<vmem>>) offsets(%dma_start3A_207 : memref<128xi32, #tpu.memory_space<vmem>>) semaphore(%arg13 : memref<!tpu.dma_semaphore, #tpu.memory_space<semaphore_mem>>)
    %dma_start3A_210 = arith.constant 21 : i32
    %dma_start3A_211 = arith.constant 21 : i32
    %dma_start3A_212 = arith.constant 0 : i32
    %dma_start3A_213 = tpu.memref_slice %arg11[%dma_start3A_211, %dma_start3A_212] : memref<26x128xf32, #tpu.memory_space<vmem>> -> memref<1x128xf32, #tpu.memory_space<vmem>>
    %dma_start3A_214 = tpu.memref_squeeze %dma_start3A_213 : memref<1x128xf32, #tpu.memory_space<vmem>> -> memref<128xf32, #tpu.memory_space<vmem>>
    %dma_start3A_215 = arith.constant 0 : i32
    %dma_start3A_216 = tpu.memref_slice %arg10[%dma_start3A_210, %dma_start3A_215] : memref<26x128xi32, #tpu.memory_space<vmem>> -> memref<1x128xi32, #tpu.memory_space<vmem>>
    %dma_start3A_217 = tpu.memref_squeeze %dma_start3A_216 : memref<1x128xi32, #tpu.memory_space<vmem>> -> memref<128xi32, #tpu.memory_space<vmem>>
    %dma_start3A_218 = arith.constant 0 : i32
    %dma_start3A_219 = tpu.memref_slice %arg3[%dma_start3A_218] : memref<2600000xf32, #tpu.memory_space<hbm>> -> memref<2600000xf32, #tpu.memory_space<hbm>>
    tpu.enqueue_indirect_dma source(%dma_start3A_219 : memref<2600000xf32, #tpu.memory_space<hbm>>) target(%dma_start3A_214 : memref<128xf32, #tpu.memory_space<vmem>>) offsets(%dma_start3A_217 : memref<128xi32, #tpu.memory_space<vmem>>) semaphore(%arg13 : memref<!tpu.dma_semaphore, #tpu.memory_space<semaphore_mem>>)
    %dma_start3A_220 = arith.constant 22 : i32
    %dma_start3A_221 = arith.constant 22 : i32
    %dma_start3A_222 = arith.constant 0 : i32
    %dma_start3A_223 = tpu.memref_slice %arg11[%dma_start3A_221, %dma_start3A_222] : memref<26x128xf32, #tpu.memory_space<vmem>> -> memref<1x128xf32, #tpu.memory_space<vmem>>
    %dma_start3A_224 = tpu.memref_squeeze %dma_start3A_223 : memref<1x128xf32, #tpu.memory_space<vmem>> -> memref<128xf32, #tpu.memory_space<vmem>>
    %dma_start3A_225 = arith.constant 0 : i32
    %dma_start3A_226 = tpu.memref_slice %arg10[%dma_start3A_220, %dma_start3A_225] : memref<26x128xi32, #tpu.memory_space<vmem>> -> memref<1x128xi32, #tpu.memory_space<vmem>>
    %dma_start3A_227 = tpu.memref_squeeze %dma_start3A_226 : memref<1x128xi32, #tpu.memory_space<vmem>> -> memref<128xi32, #tpu.memory_space<vmem>>
    %dma_start3A_228 = arith.constant 0 : i32
    %dma_start3A_229 = tpu.memref_slice %arg3[%dma_start3A_228] : memref<2600000xf32, #tpu.memory_space<hbm>> -> memref<2600000xf32, #tpu.memory_space<hbm>>
    tpu.enqueue_indirect_dma source(%dma_start3A_229 : memref<2600000xf32, #tpu.memory_space<hbm>>) target(%dma_start3A_224 : memref<128xf32, #tpu.memory_space<vmem>>) offsets(%dma_start3A_227 : memref<128xi32, #tpu.memory_space<vmem>>) semaphore(%arg13 : memref<!tpu.dma_semaphore, #tpu.memory_space<semaphore_mem>>)
    %dma_start3A_230 = arith.constant 23 : i32
    %dma_start3A_231 = arith.constant 23 : i32
    %dma_start3A_232 = arith.constant 0 : i32
    %dma_start3A_233 = tpu.memref_slice %arg11[%dma_start3A_231, %dma_start3A_232] : memref<26x128xf32, #tpu.memory_space<vmem>> -> memref<1x128xf32, #tpu.memory_space<vmem>>
    %dma_start3A_234 = tpu.memref_squeeze %dma_start3A_233 : memref<1x128xf32, #tpu.memory_space<vmem>> -> memref<128xf32, #tpu.memory_space<vmem>>
    %dma_start3A_235 = arith.constant 0 : i32
    %dma_start3A_236 = tpu.memref_slice %arg10[%dma_start3A_230, %dma_start3A_235] : memref<26x128xi32, #tpu.memory_space<vmem>> -> memref<1x128xi32, #tpu.memory_space<vmem>>
    %dma_start3A_237 = tpu.memref_squeeze %dma_start3A_236 : memref<1x128xi32, #tpu.memory_space<vmem>> -> memref<128xi32, #tpu.memory_space<vmem>>
    %dma_start3A_238 = arith.constant 0 : i32
    %dma_start3A_239 = tpu.memref_slice %arg3[%dma_start3A_238] : memref<2600000xf32, #tpu.memory_space<hbm>> -> memref<2600000xf32, #tpu.memory_space<hbm>>
    tpu.enqueue_indirect_dma source(%dma_start3A_239 : memref<2600000xf32, #tpu.memory_space<hbm>>) target(%dma_start3A_234 : memref<128xf32, #tpu.memory_space<vmem>>) offsets(%dma_start3A_237 : memref<128xi32, #tpu.memory_space<vmem>>) semaphore(%arg13 : memref<!tpu.dma_semaphore, #tpu.memory_space<semaphore_mem>>)
    %dma_start3A_240 = arith.constant 24 : i32
    %dma_start3A_241 = arith.constant 24 : i32
    %dma_start3A_242 = arith.constant 0 : i32
    %dma_start3A_243 = tpu.memref_slice %arg11[%dma_start3A_241, %dma_start3A_242] : memref<26x128xf32, #tpu.memory_space<vmem>> -> memref<1x128xf32, #tpu.memory_space<vmem>>
    %dma_start3A_244 = tpu.memref_squeeze %dma_start3A_243 : memref<1x128xf32, #tpu.memory_space<vmem>> -> memref<128xf32, #tpu.memory_space<vmem>>
    %dma_start3A_245 = arith.constant 0 : i32
    %dma_start3A_246 = tpu.memref_slice %arg10[%dma_start3A_240, %dma_start3A_245] : memref<26x128xi32, #tpu.memory_space<vmem>> -> memref<1x128xi32, #tpu.memory_space<vmem>>
    %dma_start3A_247 = tpu.memref_squeeze %dma_start3A_246 : memref<1x128xi32, #tpu.memory_space<vmem>> -> memref<128xi32, #tpu.memory_space<vmem>>
    %dma_start3A_248 = arith.constant 0 : i32
    %dma_start3A_249 = tpu.memref_slice %arg3[%dma_start3A_248] : memref<2600000xf32, #tpu.memory_space<hbm>> -> memref<2600000xf32, #tpu.memory_space<hbm>>
    tpu.enqueue_indirect_dma source(%dma_start3A_249 : memref<2600000xf32, #tpu.memory_space<hbm>>) target(%dma_start3A_244 : memref<128xf32, #tpu.memory_space<vmem>>) offsets(%dma_start3A_247 : memref<128xi32, #tpu.memory_space<vmem>>) semaphore(%arg13 : memref<!tpu.dma_semaphore, #tpu.memory_space<semaphore_mem>>)
    %dma_start3A_250 = arith.constant 25 : i32
    %dma_start3A_251 = arith.constant 25 : i32
    %dma_start3A_252 = arith.constant 0 : i32
    %dma_start3A_253 = tpu.memref_slice %arg11[%dma_start3A_251, %dma_start3A_252] : memref<26x128xf32, #tpu.memory_space<vmem>> -> memref<1x128xf32, #tpu.memory_space<vmem>>
    %dma_start3A_254 = tpu.memref_squeeze %dma_start3A_253 : memref<1x128xf32, #tpu.memory_space<vmem>> -> memref<128xf32, #tpu.memory_space<vmem>>
    %dma_start3A_255 = arith.constant 0 : i32
    %dma_start3A_256 = tpu.memref_slice %arg10[%dma_start3A_250, %dma_start3A_255] : memref<26x128xi32, #tpu.memory_space<vmem>> -> memref<1x128xi32, #tpu.memory_space<vmem>>
    %dma_start3A_257 = tpu.memref_squeeze %dma_start3A_256 : memref<1x128xi32, #tpu.memory_space<vmem>> -> memref<128xi32, #tpu.memory_space<vmem>>
    %dma_start3A_258 = arith.constant 0 : i32
    %dma_start3A_259 = tpu.memref_slice %arg3[%dma_start3A_258] : memref<2600000xf32, #tpu.memory_space<hbm>> -> memref<2600000xf32, #tpu.memory_space<hbm>>
    tpu.enqueue_indirect_dma source(%dma_start3A_259 : memref<2600000xf32, #tpu.memory_space<hbm>>) target(%dma_start3A_254 : memref<128xf32, #tpu.memory_space<vmem>>) offsets(%dma_start3A_257 : memref<128xi32, #tpu.memory_space<vmem>>) semaphore(%arg13 : memref<!tpu.dma_semaphore, #tpu.memory_space<semaphore_mem>>)
    %dma_wait3A = arith.constant 0 : i32
    %dma_wait3A_260 = arith.constant 0 : i32
    %dma_wait3A_261 = arith.constant 0 : i32
    %dma_wait3A_262 = tpu.memref_slice %arg11[%dma_wait3A_260, %dma_wait3A_261] : memref<26x128xf32, #tpu.memory_space<vmem>> -> memref<1x128xf32, #tpu.memory_space<vmem>>
    %dma_wait3A_263 = tpu.memref_squeeze %dma_wait3A_262 : memref<1x128xf32, #tpu.memory_space<vmem>> -> memref<128xf32, #tpu.memory_space<vmem>>
    %dma_wait3A_264 = arith.constant 0 : i32
    %dma_wait3A_265 = tpu.memref_slice %arg10[%dma_wait3A, %dma_wait3A_264] : memref<26x128xi32, #tpu.memory_space<vmem>> -> memref<1x128xi32, #tpu.memory_space<vmem>>
    %dma_wait3A_266 = tpu.memref_squeeze %dma_wait3A_265 : memref<1x128xi32, #tpu.memory_space<vmem>> -> memref<128xi32, #tpu.memory_space<vmem>>
    %dma_wait3A_267 = arith.constant 0 : i32
    %dma_wait3A_268 = tpu.memref_slice %arg3[%dma_wait3A_267] : memref<2600000xf32, #tpu.memory_space<hbm>> -> memref<2600000xf32, #tpu.memory_space<hbm>>
    tpu.wait_indirect_dma semaphore(%arg13 : memref<!tpu.dma_semaphore, #tpu.memory_space<semaphore_mem>>) src(%dma_wait3A_268 : memref<2600000xf32, #tpu.memory_space<hbm>>) dst(%dma_wait3A_263 : memref<128xf32, #tpu.memory_space<vmem>>)
    %dma_wait3A_269 = arith.constant 1 : i32
    %dma_wait3A_270 = arith.constant 1 : i32
    %dma_wait3A_271 = arith.constant 0 : i32
    %dma_wait3A_272 = tpu.memref_slice %arg11[%dma_wait3A_270, %dma_wait3A_271] : memref<26x128xf32, #tpu.memory_space<vmem>> -> memref<1x128xf32, #tpu.memory_space<vmem>>
    %dma_wait3A_273 = tpu.memref_squeeze %dma_wait3A_272 : memref<1x128xf32, #tpu.memory_space<vmem>> -> memref<128xf32, #tpu.memory_space<vmem>>
    %dma_wait3A_274 = arith.constant 0 : i32
    %dma_wait3A_275 = tpu.memref_slice %arg10[%dma_wait3A_269, %dma_wait3A_274] : memref<26x128xi32, #tpu.memory_space<vmem>> -> memref<1x128xi32, #tpu.memory_space<vmem>>
    %dma_wait3A_276 = tpu.memref_squeeze %dma_wait3A_275 : memref<1x128xi32, #tpu.memory_space<vmem>> -> memref<128xi32, #tpu.memory_space<vmem>>
    %dma_wait3A_277 = arith.constant 0 : i32
    %dma_wait3A_278 = tpu.memref_slice %arg3[%dma_wait3A_277] : memref<2600000xf32, #tpu.memory_space<hbm>> -> memref<2600000xf32, #tpu.memory_space<hbm>>
    tpu.wait_indirect_dma semaphore(%arg13 : memref<!tpu.dma_semaphore, #tpu.memory_space<semaphore_mem>>) src(%dma_wait3A_278 : memref<2600000xf32, #tpu.memory_space<hbm>>) dst(%dma_wait3A_273 : memref<128xf32, #tpu.memory_space<vmem>>)
    %dma_wait3A_279 = arith.constant 2 : i32
    %dma_wait3A_280 = arith.constant 2 : i32
    %dma_wait3A_281 = arith.constant 0 : i32
    %dma_wait3A_282 = tpu.memref_slice %arg11[%dma_wait3A_280, %dma_wait3A_281] : memref<26x128xf32, #tpu.memory_space<vmem>> -> memref<1x128xf32, #tpu.memory_space<vmem>>
    %dma_wait3A_283 = tpu.memref_squeeze %dma_wait3A_282 : memref<1x128xf32, #tpu.memory_space<vmem>> -> memref<128xf32, #tpu.memory_space<vmem>>
    %dma_wait3A_284 = arith.constant 0 : i32
    %dma_wait3A_285 = tpu.memref_slice %arg10[%dma_wait3A_279, %dma_wait3A_284] : memref<26x128xi32, #tpu.memory_space<vmem>> -> memref<1x128xi32, #tpu.memory_space<vmem>>
    %dma_wait3A_286 = tpu.memref_squeeze %dma_wait3A_285 : memref<1x128xi32, #tpu.memory_space<vmem>> -> memref<128xi32, #tpu.memory_space<vmem>>
    %dma_wait3A_287 = arith.constant 0 : i32
    %dma_wait3A_288 = tpu.memref_slice %arg3[%dma_wait3A_287] : memref<2600000xf32, #tpu.memory_space<hbm>> -> memref<2600000xf32, #tpu.memory_space<hbm>>
    tpu.wait_indirect_dma semaphore(%arg13 : memref<!tpu.dma_semaphore, #tpu.memory_space<semaphore_mem>>) src(%dma_wait3A_288 : memref<2600000xf32, #tpu.memory_space<hbm>>) dst(%dma_wait3A_283 : memref<128xf32, #tpu.memory_space<vmem>>)
    %dma_wait3A_289 = arith.constant 3 : i32
    %dma_wait3A_290 = arith.constant 3 : i32
    %dma_wait3A_291 = arith.constant 0 : i32
    %dma_wait3A_292 = tpu.memref_slice %arg11[%dma_wait3A_290, %dma_wait3A_291] : memref<26x128xf32, #tpu.memory_space<vmem>> -> memref<1x128xf32, #tpu.memory_space<vmem>>
    %dma_wait3A_293 = tpu.memref_squeeze %dma_wait3A_292 : memref<1x128xf32, #tpu.memory_space<vmem>> -> memref<128xf32, #tpu.memory_space<vmem>>
    %dma_wait3A_294 = arith.constant 0 : i32
    %dma_wait3A_295 = tpu.memref_slice %arg10[%dma_wait3A_289, %dma_wait3A_294] : memref<26x128xi32, #tpu.memory_space<vmem>> -> memref<1x128xi32, #tpu.memory_space<vmem>>
    %dma_wait3A_296 = tpu.memref_squeeze %dma_wait3A_295 : memref<1x128xi32, #tpu.memory_space<vmem>> -> memref<128xi32, #tpu.memory_space<vmem>>
    %dma_wait3A_297 = arith.constant 0 : i32
    %dma_wait3A_298 = tpu.memref_slice %arg3[%dma_wait3A_297] : memref<2600000xf32, #tpu.memory_space<hbm>> -> memref<2600000xf32, #tpu.memory_space<hbm>>
    tpu.wait_indirect_dma semaphore(%arg13 : memref<!tpu.dma_semaphore, #tpu.memory_space<semaphore_mem>>) src(%dma_wait3A_298 : memref<2600000xf32, #tpu.memory_space<hbm>>) dst(%dma_wait3A_293 : memref<128xf32, #tpu.memory_space<vmem>>)
    %dma_wait3A_299 = arith.constant 4 : i32
    %dma_wait3A_300 = arith.constant 4 : i32
    %dma_wait3A_301 = arith.constant 0 : i32
    %dma_wait3A_302 = tpu.memref_slice %arg11[%dma_wait3A_300, %dma_wait3A_301] : memref<26x128xf32, #tpu.memory_space<vmem>> -> memref<1x128xf32, #tpu.memory_space<vmem>>
    %dma_wait3A_303 = tpu.memref_squeeze %dma_wait3A_302 : memref<1x128xf32, #tpu.memory_space<vmem>> -> memref<128xf32, #tpu.memory_space<vmem>>
    %dma_wait3A_304 = arith.constant 0 : i32
    %dma_wait3A_305 = tpu.memref_slice %arg10[%dma_wait3A_299, %dma_wait3A_304] : memref<26x128xi32, #tpu.memory_space<vmem>> -> memref<1x128xi32, #tpu.memory_space<vmem>>
    %dma_wait3A_306 = tpu.memref_squeeze %dma_wait3A_305 : memref<1x128xi32, #tpu.memory_space<vmem>> -> memref<128xi32, #tpu.memory_space<vmem>>
    %dma_wait3A_307 = arith.constant 0 : i32
    %dma_wait3A_308 = tpu.memref_slice %arg3[%dma_wait3A_307] : memref<2600000xf32, #tpu.memory_space<hbm>> -> memref<2600000xf32, #tpu.memory_space<hbm>>
    tpu.wait_indirect_dma semaphore(%arg13 : memref<!tpu.dma_semaphore, #tpu.memory_space<semaphore_mem>>) src(%dma_wait3A_308 : memref<2600000xf32, #tpu.memory_space<hbm>>) dst(%dma_wait3A_303 : memref<128xf32, #tpu.memory_space<vmem>>)
    %dma_wait3A_309 = arith.constant 5 : i32
    %dma_wait3A_310 = arith.constant 5 : i32
    %dma_wait3A_311 = arith.constant 0 : i32
    %dma_wait3A_312 = tpu.memref_slice %arg11[%dma_wait3A_310, %dma_wait3A_311] : memref<26x128xf32, #tpu.memory_space<vmem>> -> memref<1x128xf32, #tpu.memory_space<vmem>>
    %dma_wait3A_313 = tpu.memref_squeeze %dma_wait3A_312 : memref<1x128xf32, #tpu.memory_space<vmem>> -> memref<128xf32, #tpu.memory_space<vmem>>
    %dma_wait3A_314 = arith.constant 0 : i32
    %dma_wait3A_315 = tpu.memref_slice %arg10[%dma_wait3A_309, %dma_wait3A_314] : memref<26x128xi32, #tpu.memory_space<vmem>> -> memref<1x128xi32, #tpu.memory_space<vmem>>
    %dma_wait3A_316 = tpu.memref_squeeze %dma_wait3A_315 : memref<1x128xi32, #tpu.memory_space<vmem>> -> memref<128xi32, #tpu.memory_space<vmem>>
    %dma_wait3A_317 = arith.constant 0 : i32
    %dma_wait3A_318 = tpu.memref_slice %arg3[%dma_wait3A_317] : memref<2600000xf32, #tpu.memory_space<hbm>> -> memref<2600000xf32, #tpu.memory_space<hbm>>
    tpu.wait_indirect_dma semaphore(%arg13 : memref<!tpu.dma_semaphore, #tpu.memory_space<semaphore_mem>>) src(%dma_wait3A_318 : memref<2600000xf32, #tpu.memory_space<hbm>>) dst(%dma_wait3A_313 : memref<128xf32, #tpu.memory_space<vmem>>)
    %dma_wait3A_319 = arith.constant 6 : i32
    %dma_wait3A_320 = arith.constant 6 : i32
    %dma_wait3A_321 = arith.constant 0 : i32
    %dma_wait3A_322 = tpu.memref_slice %arg11[%dma_wait3A_320, %dma_wait3A_321] : memref<26x128xf32, #tpu.memory_space<vmem>> -> memref<1x128xf32, #tpu.memory_space<vmem>>
    %dma_wait3A_323 = tpu.memref_squeeze %dma_wait3A_322 : memref<1x128xf32, #tpu.memory_space<vmem>> -> memref<128xf32, #tpu.memory_space<vmem>>
    %dma_wait3A_324 = arith.constant 0 : i32
    %dma_wait3A_325 = tpu.memref_slice %arg10[%dma_wait3A_319, %dma_wait3A_324] : memref<26x128xi32, #tpu.memory_space<vmem>> -> memref<1x128xi32, #tpu.memory_space<vmem>>
    %dma_wait3A_326 = tpu.memref_squeeze %dma_wait3A_325 : memref<1x128xi32, #tpu.memory_space<vmem>> -> memref<128xi32, #tpu.memory_space<vmem>>
    %dma_wait3A_327 = arith.constant 0 : i32
    %dma_wait3A_328 = tpu.memref_slice %arg3[%dma_wait3A_327] : memref<2600000xf32, #tpu.memory_space<hbm>> -> memref<2600000xf32, #tpu.memory_space<hbm>>
    tpu.wait_indirect_dma semaphore(%arg13 : memref<!tpu.dma_semaphore, #tpu.memory_space<semaphore_mem>>) src(%dma_wait3A_328 : memref<2600000xf32, #tpu.memory_space<hbm>>) dst(%dma_wait3A_323 : memref<128xf32, #tpu.memory_space<vmem>>)
    %dma_wait3A_329 = arith.constant 7 : i32
    %dma_wait3A_330 = arith.constant 7 : i32
    %dma_wait3A_331 = arith.constant 0 : i32
    %dma_wait3A_332 = tpu.memref_slice %arg11[%dma_wait3A_330, %dma_wait3A_331] : memref<26x128xf32, #tpu.memory_space<vmem>> -> memref<1x128xf32, #tpu.memory_space<vmem>>
    %dma_wait3A_333 = tpu.memref_squeeze %dma_wait3A_332 : memref<1x128xf32, #tpu.memory_space<vmem>> -> memref<128xf32, #tpu.memory_space<vmem>>
    %dma_wait3A_334 = arith.constant 0 : i32
    %dma_wait3A_335 = tpu.memref_slice %arg10[%dma_wait3A_329, %dma_wait3A_334] : memref<26x128xi32, #tpu.memory_space<vmem>> -> memref<1x128xi32, #tpu.memory_space<vmem>>
    %dma_wait3A_336 = tpu.memref_squeeze %dma_wait3A_335 : memref<1x128xi32, #tpu.memory_space<vmem>> -> memref<128xi32, #tpu.memory_space<vmem>>
    %dma_wait3A_337 = arith.constant 0 : i32
    %dma_wait3A_338 = tpu.memref_slice %arg3[%dma_wait3A_337] : memref<2600000xf32, #tpu.memory_space<hbm>> -> memref<2600000xf32, #tpu.memory_space<hbm>>
    tpu.wait_indirect_dma semaphore(%arg13 : memref<!tpu.dma_semaphore, #tpu.memory_space<semaphore_mem>>) src(%dma_wait3A_338 : memref<2600000xf32, #tpu.memory_space<hbm>>) dst(%dma_wait3A_333 : memref<128xf32, #tpu.memory_space<vmem>>)
    %dma_wait3A_339 = arith.constant 8 : i32
    %dma_wait3A_340 = arith.constant 8 : i32
    %dma_wait3A_341 = arith.constant 0 : i32
    %dma_wait3A_342 = tpu.memref_slice %arg11[%dma_wait3A_340, %dma_wait3A_341] : memref<26x128xf32, #tpu.memory_space<vmem>> -> memref<1x128xf32, #tpu.memory_space<vmem>>
    %dma_wait3A_343 = tpu.memref_squeeze %dma_wait3A_342 : memref<1x128xf32, #tpu.memory_space<vmem>> -> memref<128xf32, #tpu.memory_space<vmem>>
    %dma_wait3A_344 = arith.constant 0 : i32
    %dma_wait3A_345 = tpu.memref_slice %arg10[%dma_wait3A_339, %dma_wait3A_344] : memref<26x128xi32, #tpu.memory_space<vmem>> -> memref<1x128xi32, #tpu.memory_space<vmem>>
    %dma_wait3A_346 = tpu.memref_squeeze %dma_wait3A_345 : memref<1x128xi32, #tpu.memory_space<vmem>> -> memref<128xi32, #tpu.memory_space<vmem>>
    %dma_wait3A_347 = arith.constant 0 : i32
    %dma_wait3A_348 = tpu.memref_slice %arg3[%dma_wait3A_347] : memref<2600000xf32, #tpu.memory_space<hbm>> -> memref<2600000xf32, #tpu.memory_space<hbm>>
    tpu.wait_indirect_dma semaphore(%arg13 : memref<!tpu.dma_semaphore, #tpu.memory_space<semaphore_mem>>) src(%dma_wait3A_348 : memref<2600000xf32, #tpu.memory_space<hbm>>) dst(%dma_wait3A_343 : memref<128xf32, #tpu.memory_space<vmem>>)
    %dma_wait3A_349 = arith.constant 9 : i32
    %dma_wait3A_350 = arith.constant 9 : i32
    %dma_wait3A_351 = arith.constant 0 : i32
    %dma_wait3A_352 = tpu.memref_slice %arg11[%dma_wait3A_350, %dma_wait3A_351] : memref<26x128xf32, #tpu.memory_space<vmem>> -> memref<1x128xf32, #tpu.memory_space<vmem>>
    %dma_wait3A_353 = tpu.memref_squeeze %dma_wait3A_352 : memref<1x128xf32, #tpu.memory_space<vmem>> -> memref<128xf32, #tpu.memory_space<vmem>>
    %dma_wait3A_354 = arith.constant 0 : i32
    %dma_wait3A_355 = tpu.memref_slice %arg10[%dma_wait3A_349, %dma_wait3A_354] : memref<26x128xi32, #tpu.memory_space<vmem>> -> memref<1x128xi32, #tpu.memory_space<vmem>>
    %dma_wait3A_356 = tpu.memref_squeeze %dma_wait3A_355 : memref<1x128xi32, #tpu.memory_space<vmem>> -> memref<128xi32, #tpu.memory_space<vmem>>
    %dma_wait3A_357 = arith.constant 0 : i32
    %dma_wait3A_358 = tpu.memref_slice %arg3[%dma_wait3A_357] : memref<2600000xf32, #tpu.memory_space<hbm>> -> memref<2600000xf32, #tpu.memory_space<hbm>>
    tpu.wait_indirect_dma semaphore(%arg13 : memref<!tpu.dma_semaphore, #tpu.memory_space<semaphore_mem>>) src(%dma_wait3A_358 : memref<2600000xf32, #tpu.memory_space<hbm>>) dst(%dma_wait3A_353 : memref<128xf32, #tpu.memory_space<vmem>>)
    %dma_wait3A_359 = arith.constant 10 : i32
    %dma_wait3A_360 = arith.constant 10 : i32
    %dma_wait3A_361 = arith.constant 0 : i32
    %dma_wait3A_362 = tpu.memref_slice %arg11[%dma_wait3A_360, %dma_wait3A_361] : memref<26x128xf32, #tpu.memory_space<vmem>> -> memref<1x128xf32, #tpu.memory_space<vmem>>
    %dma_wait3A_363 = tpu.memref_squeeze %dma_wait3A_362 : memref<1x128xf32, #tpu.memory_space<vmem>> -> memref<128xf32, #tpu.memory_space<vmem>>
    %dma_wait3A_364 = arith.constant 0 : i32
    %dma_wait3A_365 = tpu.memref_slice %arg10[%dma_wait3A_359, %dma_wait3A_364] : memref<26x128xi32, #tpu.memory_space<vmem>> -> memref<1x128xi32, #tpu.memory_space<vmem>>
    %dma_wait3A_366 = tpu.memref_squeeze %dma_wait3A_365 : memref<1x128xi32, #tpu.memory_space<vmem>> -> memref<128xi32, #tpu.memory_space<vmem>>
    %dma_wait3A_367 = arith.constant 0 : i32
    %dma_wait3A_368 = tpu.memref_slice %arg3[%dma_wait3A_367] : memref<2600000xf32, #tpu.memory_space<hbm>> -> memref<2600000xf32, #tpu.memory_space<hbm>>
    tpu.wait_indirect_dma semaphore(%arg13 : memref<!tpu.dma_semaphore, #tpu.memory_space<semaphore_mem>>) src(%dma_wait3A_368 : memref<2600000xf32, #tpu.memory_space<hbm>>) dst(%dma_wait3A_363 : memref<128xf32, #tpu.memory_space<vmem>>)
    %dma_wait3A_369 = arith.constant 11 : i32
    %dma_wait3A_370 = arith.constant 11 : i32
    %dma_wait3A_371 = arith.constant 0 : i32
    %dma_wait3A_372 = tpu.memref_slice %arg11[%dma_wait3A_370, %dma_wait3A_371] : memref<26x128xf32, #tpu.memory_space<vmem>> -> memref<1x128xf32, #tpu.memory_space<vmem>>
    %dma_wait3A_373 = tpu.memref_squeeze %dma_wait3A_372 : memref<1x128xf32, #tpu.memory_space<vmem>> -> memref<128xf32, #tpu.memory_space<vmem>>
    %dma_wait3A_374 = arith.constant 0 : i32
    %dma_wait3A_375 = tpu.memref_slice %arg10[%dma_wait3A_369, %dma_wait3A_374] : memref<26x128xi32, #tpu.memory_space<vmem>> -> memref<1x128xi32, #tpu.memory_space<vmem>>
    %dma_wait3A_376 = tpu.memref_squeeze %dma_wait3A_375 : memref<1x128xi32, #tpu.memory_space<vmem>> -> memref<128xi32, #tpu.memory_space<vmem>>
    %dma_wait3A_377 = arith.constant 0 : i32
    %dma_wait3A_378 = tpu.memref_slice %arg3[%dma_wait3A_377] : memref<2600000xf32, #tpu.memory_space<hbm>> -> memref<2600000xf32, #tpu.memory_space<hbm>>
    tpu.wait_indirect_dma semaphore(%arg13 : memref<!tpu.dma_semaphore, #tpu.memory_space<semaphore_mem>>) src(%dma_wait3A_378 : memref<2600000xf32, #tpu.memory_space<hbm>>) dst(%dma_wait3A_373 : memref<128xf32, #tpu.memory_space<vmem>>)
    %dma_wait3A_379 = arith.constant 12 : i32
    %dma_wait3A_380 = arith.constant 12 : i32
    %dma_wait3A_381 = arith.constant 0 : i32
    %dma_wait3A_382 = tpu.memref_slice %arg11[%dma_wait3A_380, %dma_wait3A_381] : memref<26x128xf32, #tpu.memory_space<vmem>> -> memref<1x128xf32, #tpu.memory_space<vmem>>
    %dma_wait3A_383 = tpu.memref_squeeze %dma_wait3A_382 : memref<1x128xf32, #tpu.memory_space<vmem>> -> memref<128xf32, #tpu.memory_space<vmem>>
    %dma_wait3A_384 = arith.constant 0 : i32
    %dma_wait3A_385 = tpu.memref_slice %arg10[%dma_wait3A_379, %dma_wait3A_384] : memref<26x128xi32, #tpu.memory_space<vmem>> -> memref<1x128xi32, #tpu.memory_space<vmem>>
    %dma_wait3A_386 = tpu.memref_squeeze %dma_wait3A_385 : memref<1x128xi32, #tpu.memory_space<vmem>> -> memref<128xi32, #tpu.memory_space<vmem>>
    %dma_wait3A_387 = arith.constant 0 : i32
    %dma_wait3A_388 = tpu.memref_slice %arg3[%dma_wait3A_387] : memref<2600000xf32, #tpu.memory_space<hbm>> -> memref<2600000xf32, #tpu.memory_space<hbm>>
    tpu.wait_indirect_dma semaphore(%arg13 : memref<!tpu.dma_semaphore, #tpu.memory_space<semaphore_mem>>) src(%dma_wait3A_388 : memref<2600000xf32, #tpu.memory_space<hbm>>) dst(%dma_wait3A_383 : memref<128xf32, #tpu.memory_space<vmem>>)
    %dma_wait3A_389 = arith.constant 13 : i32
    %dma_wait3A_390 = arith.constant 13 : i32
    %dma_wait3A_391 = arith.constant 0 : i32
    %dma_wait3A_392 = tpu.memref_slice %arg11[%dma_wait3A_390, %dma_wait3A_391] : memref<26x128xf32, #tpu.memory_space<vmem>> -> memref<1x128xf32, #tpu.memory_space<vmem>>
    %dma_wait3A_393 = tpu.memref_squeeze %dma_wait3A_392 : memref<1x128xf32, #tpu.memory_space<vmem>> -> memref<128xf32, #tpu.memory_space<vmem>>
    %dma_wait3A_394 = arith.constant 0 : i32
    %dma_wait3A_395 = tpu.memref_slice %arg10[%dma_wait3A_389, %dma_wait3A_394] : memref<26x128xi32, #tpu.memory_space<vmem>> -> memref<1x128xi32, #tpu.memory_space<vmem>>
    %dma_wait3A_396 = tpu.memref_squeeze %dma_wait3A_395 : memref<1x128xi32, #tpu.memory_space<vmem>> -> memref<128xi32, #tpu.memory_space<vmem>>
    %dma_wait3A_397 = arith.constant 0 : i32
    %dma_wait3A_398 = tpu.memref_slice %arg3[%dma_wait3A_397] : memref<2600000xf32, #tpu.memory_space<hbm>> -> memref<2600000xf32, #tpu.memory_space<hbm>>
    tpu.wait_indirect_dma semaphore(%arg13 : memref<!tpu.dma_semaphore, #tpu.memory_space<semaphore_mem>>) src(%dma_wait3A_398 : memref<2600000xf32, #tpu.memory_space<hbm>>) dst(%dma_wait3A_393 : memref<128xf32, #tpu.memory_space<vmem>>)
    %dma_wait3A_399 = arith.constant 14 : i32
    %dma_wait3A_400 = arith.constant 14 : i32
    %dma_wait3A_401 = arith.constant 0 : i32
    %dma_wait3A_402 = tpu.memref_slice %arg11[%dma_wait3A_400, %dma_wait3A_401] : memref<26x128xf32, #tpu.memory_space<vmem>> -> memref<1x128xf32, #tpu.memory_space<vmem>>
    %dma_wait3A_403 = tpu.memref_squeeze %dma_wait3A_402 : memref<1x128xf32, #tpu.memory_space<vmem>> -> memref<128xf32, #tpu.memory_space<vmem>>
    %dma_wait3A_404 = arith.constant 0 : i32
    %dma_wait3A_405 = tpu.memref_slice %arg10[%dma_wait3A_399, %dma_wait3A_404] : memref<26x128xi32, #tpu.memory_space<vmem>> -> memref<1x128xi32, #tpu.memory_space<vmem>>
    %dma_wait3A_406 = tpu.memref_squeeze %dma_wait3A_405 : memref<1x128xi32, #tpu.memory_space<vmem>> -> memref<128xi32, #tpu.memory_space<vmem>>
    %dma_wait3A_407 = arith.constant 0 : i32
    %dma_wait3A_408 = tpu.memref_slice %arg3[%dma_wait3A_407] : memref<2600000xf32, #tpu.memory_space<hbm>> -> memref<2600000xf32, #tpu.memory_space<hbm>>
    tpu.wait_indirect_dma semaphore(%arg13 : memref<!tpu.dma_semaphore, #tpu.memory_space<semaphore_mem>>) src(%dma_wait3A_408 : memref<2600000xf32, #tpu.memory_space<hbm>>) dst(%dma_wait3A_403 : memref<128xf32, #tpu.memory_space<vmem>>)
    %dma_wait3A_409 = arith.constant 15 : i32
    %dma_wait3A_410 = arith.constant 15 : i32
    %dma_wait3A_411 = arith.constant 0 : i32
    %dma_wait3A_412 = tpu.memref_slice %arg11[%dma_wait3A_410, %dma_wait3A_411] : memref<26x128xf32, #tpu.memory_space<vmem>> -> memref<1x128xf32, #tpu.memory_space<vmem>>
    %dma_wait3A_413 = tpu.memref_squeeze %dma_wait3A_412 : memref<1x128xf32, #tpu.memory_space<vmem>> -> memref<128xf32, #tpu.memory_space<vmem>>
    %dma_wait3A_414 = arith.constant 0 : i32
    %dma_wait3A_415 = tpu.memref_slice %arg10[%dma_wait3A_409, %dma_wait3A_414] : memref<26x128xi32, #tpu.memory_space<vmem>> -> memref<1x128xi32, #tpu.memory_space<vmem>>
    %dma_wait3A_416 = tpu.memref_squeeze %dma_wait3A_415 : memref<1x128xi32, #tpu.memory_space<vmem>> -> memref<128xi32, #tpu.memory_space<vmem>>
    %dma_wait3A_417 = arith.constant 0 : i32
    %dma_wait3A_418 = tpu.memref_slice %arg3[%dma_wait3A_417] : memref<2600000xf32, #tpu.memory_space<hbm>> -> memref<2600000xf32, #tpu.memory_space<hbm>>
    tpu.wait_indirect_dma semaphore(%arg13 : memref<!tpu.dma_semaphore, #tpu.memory_space<semaphore_mem>>) src(%dma_wait3A_418 : memref<2600000xf32, #tpu.memory_space<hbm>>) dst(%dma_wait3A_413 : memref<128xf32, #tpu.memory_space<vmem>>)
    %dma_wait3A_419 = arith.constant 16 : i32
    %dma_wait3A_420 = arith.constant 16 : i32
    %dma_wait3A_421 = arith.constant 0 : i32
    %dma_wait3A_422 = tpu.memref_slice %arg11[%dma_wait3A_420, %dma_wait3A_421] : memref<26x128xf32, #tpu.memory_space<vmem>> -> memref<1x128xf32, #tpu.memory_space<vmem>>
    %dma_wait3A_423 = tpu.memref_squeeze %dma_wait3A_422 : memref<1x128xf32, #tpu.memory_space<vmem>> -> memref<128xf32, #tpu.memory_space<vmem>>
    %dma_wait3A_424 = arith.constant 0 : i32
    %dma_wait3A_425 = tpu.memref_slice %arg10[%dma_wait3A_419, %dma_wait3A_424] : memref<26x128xi32, #tpu.memory_space<vmem>> -> memref<1x128xi32, #tpu.memory_space<vmem>>
    %dma_wait3A_426 = tpu.memref_squeeze %dma_wait3A_425 : memref<1x128xi32, #tpu.memory_space<vmem>> -> memref<128xi32, #tpu.memory_space<vmem>>
    %dma_wait3A_427 = arith.constant 0 : i32
    %dma_wait3A_428 = tpu.memref_slice %arg3[%dma_wait3A_427] : memref<2600000xf32, #tpu.memory_space<hbm>> -> memref<2600000xf32, #tpu.memory_space<hbm>>
    tpu.wait_indirect_dma semaphore(%arg13 : memref<!tpu.dma_semaphore, #tpu.memory_space<semaphore_mem>>) src(%dma_wait3A_428 : memref<2600000xf32, #tpu.memory_space<hbm>>) dst(%dma_wait3A_423 : memref<128xf32, #tpu.memory_space<vmem>>)
    %dma_wait3A_429 = arith.constant 17 : i32
    %dma_wait3A_430 = arith.constant 17 : i32
    %dma_wait3A_431 = arith.constant 0 : i32
    %dma_wait3A_432 = tpu.memref_slice %arg11[%dma_wait3A_430, %dma_wait3A_431] : memref<26x128xf32, #tpu.memory_space<vmem>> -> memref<1x128xf32, #tpu.memory_space<vmem>>
    %dma_wait3A_433 = tpu.memref_squeeze %dma_wait3A_432 : memref<1x128xf32, #tpu.memory_space<vmem>> -> memref<128xf32, #tpu.memory_space<vmem>>
    %dma_wait3A_434 = arith.constant 0 : i32
    %dma_wait3A_435 = tpu.memref_slice %arg10[%dma_wait3A_429, %dma_wait3A_434] : memref<26x128xi32, #tpu.memory_space<vmem>> -> memref<1x128xi32, #tpu.memory_space<vmem>>
    %dma_wait3A_436 = tpu.memref_squeeze %dma_wait3A_435 : memref<1x128xi32, #tpu.memory_space<vmem>> -> memref<128xi32, #tpu.memory_space<vmem>>
    %dma_wait3A_437 = arith.constant 0 : i32
    %dma_wait3A_438 = tpu.memref_slice %arg3[%dma_wait3A_437] : memref<2600000xf32, #tpu.memory_space<hbm>> -> memref<2600000xf32, #tpu.memory_space<hbm>>
    tpu.wait_indirect_dma semaphore(%arg13 : memref<!tpu.dma_semaphore, #tpu.memory_space<semaphore_mem>>) src(%dma_wait3A_438 : memref<2600000xf32, #tpu.memory_space<hbm>>) dst(%dma_wait3A_433 : memref<128xf32, #tpu.memory_space<vmem>>)
    %dma_wait3A_439 = arith.constant 18 : i32
    %dma_wait3A_440 = arith.constant 18 : i32
    %dma_wait3A_441 = arith.constant 0 : i32
    %dma_wait3A_442 = tpu.memref_slice %arg11[%dma_wait3A_440, %dma_wait3A_441] : memref<26x128xf32, #tpu.memory_space<vmem>> -> memref<1x128xf32, #tpu.memory_space<vmem>>
    %dma_wait3A_443 = tpu.memref_squeeze %dma_wait3A_442 : memref<1x128xf32, #tpu.memory_space<vmem>> -> memref<128xf32, #tpu.memory_space<vmem>>
    %dma_wait3A_444 = arith.constant 0 : i32
    %dma_wait3A_445 = tpu.memref_slice %arg10[%dma_wait3A_439, %dma_wait3A_444] : memref<26x128xi32, #tpu.memory_space<vmem>> -> memref<1x128xi32, #tpu.memory_space<vmem>>
    %dma_wait3A_446 = tpu.memref_squeeze %dma_wait3A_445 : memref<1x128xi32, #tpu.memory_space<vmem>> -> memref<128xi32, #tpu.memory_space<vmem>>
    %dma_wait3A_447 = arith.constant 0 : i32
    %dma_wait3A_448 = tpu.memref_slice %arg3[%dma_wait3A_447] : memref<2600000xf32, #tpu.memory_space<hbm>> -> memref<2600000xf32, #tpu.memory_space<hbm>>
    tpu.wait_indirect_dma semaphore(%arg13 : memref<!tpu.dma_semaphore, #tpu.memory_space<semaphore_mem>>) src(%dma_wait3A_448 : memref<2600000xf32, #tpu.memory_space<hbm>>) dst(%dma_wait3A_443 : memref<128xf32, #tpu.memory_space<vmem>>)
    %dma_wait3A_449 = arith.constant 19 : i32
    %dma_wait3A_450 = arith.constant 19 : i32
    %dma_wait3A_451 = arith.constant 0 : i32
    %dma_wait3A_452 = tpu.memref_slice %arg11[%dma_wait3A_450, %dma_wait3A_451] : memref<26x128xf32, #tpu.memory_space<vmem>> -> memref<1x128xf32, #tpu.memory_space<vmem>>
    %dma_wait3A_453 = tpu.memref_squeeze %dma_wait3A_452 : memref<1x128xf32, #tpu.memory_space<vmem>> -> memref<128xf32, #tpu.memory_space<vmem>>
    %dma_wait3A_454 = arith.constant 0 : i32
    %dma_wait3A_455 = tpu.memref_slice %arg10[%dma_wait3A_449, %dma_wait3A_454] : memref<26x128xi32, #tpu.memory_space<vmem>> -> memref<1x128xi32, #tpu.memory_space<vmem>>
    %dma_wait3A_456 = tpu.memref_squeeze %dma_wait3A_455 : memref<1x128xi32, #tpu.memory_space<vmem>> -> memref<128xi32, #tpu.memory_space<vmem>>
    %dma_wait3A_457 = arith.constant 0 : i32
    %dma_wait3A_458 = tpu.memref_slice %arg3[%dma_wait3A_457] : memref<2600000xf32, #tpu.memory_space<hbm>> -> memref<2600000xf32, #tpu.memory_space<hbm>>
    tpu.wait_indirect_dma semaphore(%arg13 : memref<!tpu.dma_semaphore, #tpu.memory_space<semaphore_mem>>) src(%dma_wait3A_458 : memref<2600000xf32, #tpu.memory_space<hbm>>) dst(%dma_wait3A_453 : memref<128xf32, #tpu.memory_space<vmem>>)
    %dma_wait3A_459 = arith.constant 20 : i32
    %dma_wait3A_460 = arith.constant 20 : i32
    %dma_wait3A_461 = arith.constant 0 : i32
    %dma_wait3A_462 = tpu.memref_slice %arg11[%dma_wait3A_460, %dma_wait3A_461] : memref<26x128xf32, #tpu.memory_space<vmem>> -> memref<1x128xf32, #tpu.memory_space<vmem>>
    %dma_wait3A_463 = tpu.memref_squeeze %dma_wait3A_462 : memref<1x128xf32, #tpu.memory_space<vmem>> -> memref<128xf32, #tpu.memory_space<vmem>>
    %dma_wait3A_464 = arith.constant 0 : i32
    %dma_wait3A_465 = tpu.memref_slice %arg10[%dma_wait3A_459, %dma_wait3A_464] : memref<26x128xi32, #tpu.memory_space<vmem>> -> memref<1x128xi32, #tpu.memory_space<vmem>>
    %dma_wait3A_466 = tpu.memref_squeeze %dma_wait3A_465 : memref<1x128xi32, #tpu.memory_space<vmem>> -> memref<128xi32, #tpu.memory_space<vmem>>
    %dma_wait3A_467 = arith.constant 0 : i32
    %dma_wait3A_468 = tpu.memref_slice %arg3[%dma_wait3A_467] : memref<2600000xf32, #tpu.memory_space<hbm>> -> memref<2600000xf32, #tpu.memory_space<hbm>>
    tpu.wait_indirect_dma semaphore(%arg13 : memref<!tpu.dma_semaphore, #tpu.memory_space<semaphore_mem>>) src(%dma_wait3A_468 : memref<2600000xf32, #tpu.memory_space<hbm>>) dst(%dma_wait3A_463 : memref<128xf32, #tpu.memory_space<vmem>>)
    %dma_wait3A_469 = arith.constant 21 : i32
    %dma_wait3A_470 = arith.constant 21 : i32
    %dma_wait3A_471 = arith.constant 0 : i32
    %dma_wait3A_472 = tpu.memref_slice %arg11[%dma_wait3A_470, %dma_wait3A_471] : memref<26x128xf32, #tpu.memory_space<vmem>> -> memref<1x128xf32, #tpu.memory_space<vmem>>
    %dma_wait3A_473 = tpu.memref_squeeze %dma_wait3A_472 : memref<1x128xf32, #tpu.memory_space<vmem>> -> memref<128xf32, #tpu.memory_space<vmem>>
    %dma_wait3A_474 = arith.constant 0 : i32
    %dma_wait3A_475 = tpu.memref_slice %arg10[%dma_wait3A_469, %dma_wait3A_474] : memref<26x128xi32, #tpu.memory_space<vmem>> -> memref<1x128xi32, #tpu.memory_space<vmem>>
    %dma_wait3A_476 = tpu.memref_squeeze %dma_wait3A_475 : memref<1x128xi32, #tpu.memory_space<vmem>> -> memref<128xi32, #tpu.memory_space<vmem>>
    %dma_wait3A_477 = arith.constant 0 : i32
    %dma_wait3A_478 = tpu.memref_slice %arg3[%dma_wait3A_477] : memref<2600000xf32, #tpu.memory_space<hbm>> -> memref<2600000xf32, #tpu.memory_space<hbm>>
    tpu.wait_indirect_dma semaphore(%arg13 : memref<!tpu.dma_semaphore, #tpu.memory_space<semaphore_mem>>) src(%dma_wait3A_478 : memref<2600000xf32, #tpu.memory_space<hbm>>) dst(%dma_wait3A_473 : memref<128xf32, #tpu.memory_space<vmem>>)
    %dma_wait3A_479 = arith.constant 22 : i32
    %dma_wait3A_480 = arith.constant 22 : i32
    %dma_wait3A_481 = arith.constant 0 : i32
    %dma_wait3A_482 = tpu.memref_slice %arg11[%dma_wait3A_480, %dma_wait3A_481] : memref<26x128xf32, #tpu.memory_space<vmem>> -> memref<1x128xf32, #tpu.memory_space<vmem>>
    %dma_wait3A_483 = tpu.memref_squeeze %dma_wait3A_482 : memref<1x128xf32, #tpu.memory_space<vmem>> -> memref<128xf32, #tpu.memory_space<vmem>>
    %dma_wait3A_484 = arith.constant 0 : i32
    %dma_wait3A_485 = tpu.memref_slice %arg10[%dma_wait3A_479, %dma_wait3A_484] : memref<26x128xi32, #tpu.memory_space<vmem>> -> memref<1x128xi32, #tpu.memory_space<vmem>>
    %dma_wait3A_486 = tpu.memref_squeeze %dma_wait3A_485 : memref<1x128xi32, #tpu.memory_space<vmem>> -> memref<128xi32, #tpu.memory_space<vmem>>
    %dma_wait3A_487 = arith.constant 0 : i32
    %dma_wait3A_488 = tpu.memref_slice %arg3[%dma_wait3A_487] : memref<2600000xf32, #tpu.memory_space<hbm>> -> memref<2600000xf32, #tpu.memory_space<hbm>>
    tpu.wait_indirect_dma semaphore(%arg13 : memref<!tpu.dma_semaphore, #tpu.memory_space<semaphore_mem>>) src(%dma_wait3A_488 : memref<2600000xf32, #tpu.memory_space<hbm>>) dst(%dma_wait3A_483 : memref<128xf32, #tpu.memory_space<vmem>>)
    %dma_wait3A_489 = arith.constant 23 : i32
    %dma_wait3A_490 = arith.constant 23 : i32
    %dma_wait3A_491 = arith.constant 0 : i32
    %dma_wait3A_492 = tpu.memref_slice %arg11[%dma_wait3A_490, %dma_wait3A_491] : memref<26x128xf32, #tpu.memory_space<vmem>> -> memref<1x128xf32, #tpu.memory_space<vmem>>
    %dma_wait3A_493 = tpu.memref_squeeze %dma_wait3A_492 : memref<1x128xf32, #tpu.memory_space<vmem>> -> memref<128xf32, #tpu.memory_space<vmem>>
    %dma_wait3A_494 = arith.constant 0 : i32
    %dma_wait3A_495 = tpu.memref_slice %arg10[%dma_wait3A_489, %dma_wait3A_494] : memref<26x128xi32, #tpu.memory_space<vmem>> -> memref<1x128xi32, #tpu.memory_space<vmem>>
    %dma_wait3A_496 = tpu.memref_squeeze %dma_wait3A_495 : memref<1x128xi32, #tpu.memory_space<vmem>> -> memref<128xi32, #tpu.memory_space<vmem>>
    %dma_wait3A_497 = arith.constant 0 : i32
    %dma_wait3A_498 = tpu.memref_slice %arg3[%dma_wait3A_497] : memref<2600000xf32, #tpu.memory_space<hbm>> -> memref<2600000xf32, #tpu.memory_space<hbm>>
    tpu.wait_indirect_dma semaphore(%arg13 : memref<!tpu.dma_semaphore, #tpu.memory_space<semaphore_mem>>) src(%dma_wait3A_498 : memref<2600000xf32, #tpu.memory_space<hbm>>) dst(%dma_wait3A_493 : memref<128xf32, #tpu.memory_space<vmem>>)
    %dma_wait3A_499 = arith.constant 24 : i32
    %dma_wait3A_500 = arith.constant 24 : i32
    %dma_wait3A_501 = arith.constant 0 : i32
    %dma_wait3A_502 = tpu.memref_slice %arg11[%dma_wait3A_500, %dma_wait3A_501] : memref<26x128xf32, #tpu.memory_space<vmem>> -> memref<1x128xf32, #tpu.memory_space<vmem>>
    %dma_wait3A_503 = tpu.memref_squeeze %dma_wait3A_502 : memref<1x128xf32, #tpu.memory_space<vmem>> -> memref<128xf32, #tpu.memory_space<vmem>>
    %dma_wait3A_504 = arith.constant 0 : i32
    %dma_wait3A_505 = tpu.memref_slice %arg10[%dma_wait3A_499, %dma_wait3A_504] : memref<26x128xi32, #tpu.memory_space<vmem>> -> memref<1x128xi32, #tpu.memory_space<vmem>>
    %dma_wait3A_506 = tpu.memref_squeeze %dma_wait3A_505 : memref<1x128xi32, #tpu.memory_space<vmem>> -> memref<128xi32, #tpu.memory_space<vmem>>
    %dma_wait3A_507 = arith.constant 0 : i32
    %dma_wait3A_508 = tpu.memref_slice %arg3[%dma_wait3A_507] : memref<2600000xf32, #tpu.memory_space<hbm>> -> memref<2600000xf32, #tpu.memory_space<hbm>>
    tpu.wait_indirect_dma semaphore(%arg13 : memref<!tpu.dma_semaphore, #tpu.memory_space<semaphore_mem>>) src(%dma_wait3A_508 : memref<2600000xf32, #tpu.memory_space<hbm>>) dst(%dma_wait3A_503 : memref<128xf32, #tpu.memory_space<vmem>>)
    %dma_wait3A_509 = arith.constant 25 : i32
    %dma_wait3A_510 = arith.constant 25 : i32
    %dma_wait3A_511 = arith.constant 0 : i32
    %dma_wait3A_512 = tpu.memref_slice %arg11[%dma_wait3A_510, %dma_wait3A_511] : memref<26x128xf32, #tpu.memory_space<vmem>> -> memref<1x128xf32, #tpu.memory_space<vmem>>
    %dma_wait3A_513 = tpu.memref_squeeze %dma_wait3A_512 : memref<1x128xf32, #tpu.memory_space<vmem>> -> memref<128xf32, #tpu.memory_space<vmem>>
    %dma_wait3A_514 = arith.constant 0 : i32
    %dma_wait3A_515 = tpu.memref_slice %arg10[%dma_wait3A_509, %dma_wait3A_514] : memref<26x128xi32, #tpu.memory_space<vmem>> -> memref<1x128xi32, #tpu.memory_space<vmem>>
    %dma_wait3A_516 = tpu.memref_squeeze %dma_wait3A_515 : memref<1x128xi32, #tpu.memory_space<vmem>> -> memref<128xi32, #tpu.memory_space<vmem>>
    %dma_wait3A_517 = arith.constant 0 : i32
    %dma_wait3A_518 = tpu.memref_slice %arg3[%dma_wait3A_517] : memref<2600000xf32, #tpu.memory_space<hbm>> -> memref<2600000xf32, #tpu.memory_space<hbm>>
    tpu.wait_indirect_dma semaphore(%arg13 : memref<!tpu.dma_semaphore, #tpu.memory_space<semaphore_mem>>) src(%dma_wait3A_518 : memref<2600000xf32, #tpu.memory_space<hbm>>) dst(%dma_wait3A_513 : memref<128xf32, #tpu.memory_space<vmem>>)
    "tpu.region"() ({
      %run_scoped3A = tpu.sem_alloc : memref<!tpu.dma_semaphore, #tpu.memory_space<semaphore_mem>>
      %dma_start3A_524 = arith.constant 0 : i32
      %dma_start3A_525 = arith.constant 0 : i32
      %dma_start3A_526 = tpu.memref_slice %arg7[%add3A, %dma_start3A_524, %dma_start3A_525] : memref<32x26x128xf32, #tpu.memory_space<hbm>> -> memref<1x26x128xf32, #tpu.memory_space<hbm>>
      %dma_start3A_527 = tpu.memref_squeeze %dma_start3A_526 : memref<1x26x128xf32, #tpu.memory_space<hbm>> -> memref<26x128xf32, #tpu.memory_space<hbm>>
      %dma_start3A_528 = arith.constant 0 : i32
      %dma_start3A_529 = arith.constant 0 : i32
      %dma_start3A_530 = tpu.memref_slice %arg7[%add3A, %dma_start3A_528, %dma_start3A_529] : memref<32x26x128xf32, #tpu.memory_space<hbm>> -> memref<1x26x128xf32, #tpu.memory_space<hbm>>
      %dma_start3A_531 = tpu.memref_squeeze %dma_start3A_530 : memref<1x26x128xf32, #tpu.memory_space<hbm>> -> memref<26x128xf32, #tpu.memory_space<hbm>>
      tpu.enqueue_dma source(%arg11 : memref<26x128xf32, #tpu.memory_space<vmem>>) target(%dma_start3A_531 : memref<26x128xf32, #tpu.memory_space<hbm>>) target_semaphore(%run_scoped3A : memref<!tpu.dma_semaphore, #tpu.memory_space<semaphore_mem>>)
      %dma_wait3A_532 = arith.constant 0 : i32
      %dma_wait3A_533 = arith.constant 0 : i32
      %dma_wait3A_534 = tpu.memref_slice %arg7[%add3A, %dma_wait3A_532, %dma_wait3A_533] : memref<32x26x128xf32, #tpu.memory_space<hbm>> -> memref<1x26x128xf32, #tpu.memory_space<hbm>>
      %dma_wait3A_535 = tpu.memref_squeeze %dma_wait3A_534 : memref<1x26x128xf32, #tpu.memory_space<hbm>> -> memref<26x128xf32, #tpu.memory_space<hbm>>
      %dma_wait3A_536 = arith.constant 0 : i32
      %dma_wait3A_537 = arith.constant 0 : i32
      %dma_wait3A_538 = tpu.memref_slice %arg7[%add3A, %dma_wait3A_536, %dma_wait3A_537] : memref<32x26x128xf32, #tpu.memory_space<hbm>> -> memref<1x26x128xf32, #tpu.memory_space<hbm>>
      %dma_wait3A_539 = tpu.memref_squeeze %dma_wait3A_538 : memref<1x26x128xf32, #tpu.memory_space<hbm>> -> memref<26x128xf32, #tpu.memory_space<hbm>>
      tpu.wait_dma2 semaphore(%run_scoped3A : memref<!tpu.dma_semaphore, #tpu.memory_space<semaphore_mem>>) src(%arg11 : memref<26x128xf32, #tpu.memory_space<vmem>>) dst(%dma_wait3A_539 : memref<26x128xf32, #tpu.memory_space<hbm>>)
      tpu.yield
    }) : () -> ()
    %scan3A = arith.constant 0 : i32
    %scan3A_519 = arith.constant 0 : i32
    %scan3A_520 = arith.constant 26 : i32
    %scan3A_521 = arith.addi %scan3A_519, %scan3A_520 : i32
    %scan3A_522 = arith.constant 1 : i32
    scf.for %scan3A_524 = %scan3A_519 to %scan3A_521 step %scan3A_522  : i32 {
      %mul3A_525 = arith.constant 64 : i32
      %mul3A_526 = arith.muli %scan3A_524, %mul3A_525 : i32
      "tpu.region"() ({
        %run_scoped3A = tpu.sem_alloc : memref<!tpu.dma_semaphore, #tpu.memory_space<semaphore_mem>>
        %dma_start3A_1809 = arith.constant 0 : i32
        %dma_start3A_1810 = tpu.memref_slice %arg4[%add3A, %mul3A_526, %dma_start3A_1809] : memref<32x1664x128xi32, #tpu.memory_space<hbm>> -> memref<1x64x128xi32, #tpu.memory_space<hbm>>
        %dma_start3A_1811 = tpu.memref_squeeze %dma_start3A_1810 : memref<1x64x128xi32, #tpu.memory_space<hbm>> -> memref<64x128xi32, #tpu.memory_space<hbm>>
        %dma_start3A_1812 = arith.constant 0 : i32
        %dma_start3A_1813 = tpu.memref_slice %arg4[%add3A, %mul3A_526, %dma_start3A_1812] : memref<32x1664x128xi32, #tpu.memory_space<hbm>> -> memref<1x64x128xi32, #tpu.memory_space<hbm>>
        %dma_start3A_1814 = tpu.memref_squeeze %dma_start3A_1813 : memref<1x64x128xi32, #tpu.memory_space<hbm>> -> memref<64x128xi32, #tpu.memory_space<hbm>>
        tpu.enqueue_dma source(%dma_start3A_1814 : memref<64x128xi32, #tpu.memory_space<hbm>>) target(%arg8 : memref<64x128xi32, #tpu.memory_space<vmem>>) target_semaphore(%run_scoped3A : memref<!tpu.dma_semaphore, #tpu.memory_space<semaphore_mem>>)
        %dma_wait3A_1815 = arith.constant 0 : i32
        %dma_wait3A_1816 = tpu.memref_slice %arg4[%add3A, %mul3A_526, %dma_wait3A_1815] : memref<32x1664x128xi32, #tpu.memory_space<hbm>> -> memref<1x64x128xi32, #tpu.memory_space<hbm>>
        %dma_wait3A_1817 = tpu.memref_squeeze %dma_wait3A_1816 : memref<1x64x128xi32, #tpu.memory_space<hbm>> -> memref<64x128xi32, #tpu.memory_space<hbm>>
        %dma_wait3A_1818 = arith.constant 0 : i32
        %dma_wait3A_1819 = tpu.memref_slice %arg4[%add3A, %mul3A_526, %dma_wait3A_1818] : memref<32x1664x128xi32, #tpu.memory_space<hbm>> -> memref<1x64x128xi32, #tpu.memory_space<hbm>>
        %dma_wait3A_1820 = tpu.memref_squeeze %dma_wait3A_1819 : memref<1x64x128xi32, #tpu.memory_space<hbm>> -> memref<64x128xi32, #tpu.memory_space<hbm>>
        tpu.wait_dma2 semaphore(%run_scoped3A : memref<!tpu.dma_semaphore, #tpu.memory_space<semaphore_mem>>) src(%dma_wait3A_1820 : memref<64x128xi32, #tpu.memory_space<hbm>>) dst(%arg8 : memref<64x128xi32, #tpu.memory_space<vmem>>)
        tpu.yield
      }) : () -> ()
      %dma_start3A_527 = arith.constant 0 : i32
      %dma_start3A_528 = arith.constant 0 : i32
      %dma_start3A_529 = arith.constant 0 : i32
      %dma_start3A_530 = tpu.memref_slice %arg9[%dma_start3A_528, %dma_start3A_529] : memref<64x128xf32, #tpu.memory_space<vmem>> -> memref<1x128xf32, #tpu.memory_space<vmem>>
      %dma_start3A_531 = tpu.memref_squeeze %dma_start3A_530 : memref<1x128xf32, #tpu.memory_space<vmem>> -> memref<128xf32, #tpu.memory_space<vmem>>
      %dma_start3A_532 = arith.constant 0 : i32
      %dma_start3A_533 = tpu.memref_slice %arg8[%dma_start3A_527, %dma_start3A_532] : memref<64x128xi32, #tpu.memory_space<vmem>> -> memref<1x128xi32, #tpu.memory_space<vmem>>
      %dma_start3A_534 = tpu.memref_squeeze %dma_start3A_533 : memref<1x128xi32, #tpu.memory_space<vmem>> -> memref<128xi32, #tpu.memory_space<vmem>>
      %dma_start3A_535 = arith.constant 0 : i32
      %dma_start3A_536 = tpu.memref_slice %arg2[%dma_start3A_535] : memref<166400000xf32, #tpu.memory_space<hbm>> -> memref<166400000xf32, #tpu.memory_space<hbm>>
      tpu.enqueue_indirect_dma source(%dma_start3A_536 : memref<166400000xf32, #tpu.memory_space<hbm>>) target(%dma_start3A_531 : memref<128xf32, #tpu.memory_space<vmem>>) offsets(%dma_start3A_534 : memref<128xi32, #tpu.memory_space<vmem>>) semaphore(%arg12 : memref<!tpu.dma_semaphore, #tpu.memory_space<semaphore_mem>>)
      %dma_start3A_537 = arith.constant 1 : i32
      %dma_start3A_538 = arith.constant 1 : i32
      %dma_start3A_539 = arith.constant 0 : i32
      %dma_start3A_540 = tpu.memref_slice %arg9[%dma_start3A_538, %dma_start3A_539] : memref<64x128xf32, #tpu.memory_space<vmem>> -> memref<1x128xf32, #tpu.memory_space<vmem>>
      %dma_start3A_541 = tpu.memref_squeeze %dma_start3A_540 : memref<1x128xf32, #tpu.memory_space<vmem>> -> memref<128xf32, #tpu.memory_space<vmem>>
      %dma_start3A_542 = arith.constant 0 : i32
      %dma_start3A_543 = tpu.memref_slice %arg8[%dma_start3A_537, %dma_start3A_542] : memref<64x128xi32, #tpu.memory_space<vmem>> -> memref<1x128xi32, #tpu.memory_space<vmem>>
      %dma_start3A_544 = tpu.memref_squeeze %dma_start3A_543 : memref<1x128xi32, #tpu.memory_space<vmem>> -> memref<128xi32, #tpu.memory_space<vmem>>
      %dma_start3A_545 = arith.constant 0 : i32
      %dma_start3A_546 = tpu.memref_slice %arg2[%dma_start3A_545] : memref<166400000xf32, #tpu.memory_space<hbm>> -> memref<166400000xf32, #tpu.memory_space<hbm>>
      tpu.enqueue_indirect_dma source(%dma_start3A_546 : memref<166400000xf32, #tpu.memory_space<hbm>>) target(%dma_start3A_541 : memref<128xf32, #tpu.memory_space<vmem>>) offsets(%dma_start3A_544 : memref<128xi32, #tpu.memory_space<vmem>>) semaphore(%arg12 : memref<!tpu.dma_semaphore, #tpu.memory_space<semaphore_mem>>)
      %dma_start3A_547 = arith.constant 2 : i32
      %dma_start3A_548 = arith.constant 2 : i32
      %dma_start3A_549 = arith.constant 0 : i32
      %dma_start3A_550 = tpu.memref_slice %arg9[%dma_start3A_548, %dma_start3A_549] : memref<64x128xf32, #tpu.memory_space<vmem>> -> memref<1x128xf32, #tpu.memory_space<vmem>>
      %dma_start3A_551 = tpu.memref_squeeze %dma_start3A_550 : memref<1x128xf32, #tpu.memory_space<vmem>> -> memref<128xf32, #tpu.memory_space<vmem>>
      %dma_start3A_552 = arith.constant 0 : i32
      %dma_start3A_553 = tpu.memref_slice %arg8[%dma_start3A_547, %dma_start3A_552] : memref<64x128xi32, #tpu.memory_space<vmem>> -> memref<1x128xi32, #tpu.memory_space<vmem>>
      %dma_start3A_554 = tpu.memref_squeeze %dma_start3A_553 : memref<1x128xi32, #tpu.memory_space<vmem>> -> memref<128xi32, #tpu.memory_space<vmem>>
      %dma_start3A_555 = arith.constant 0 : i32
      %dma_start3A_556 = tpu.memref_slice %arg2[%dma_start3A_555] : memref<166400000xf32, #tpu.memory_space<hbm>> -> memref<166400000xf32, #tpu.memory_space<hbm>>
      tpu.enqueue_indirect_dma source(%dma_start3A_556 : memref<166400000xf32, #tpu.memory_space<hbm>>) target(%dma_start3A_551 : memref<128xf32, #tpu.memory_space<vmem>>) offsets(%dma_start3A_554 : memref<128xi32, #tpu.memory_space<vmem>>) semaphore(%arg12 : memref<!tpu.dma_semaphore, #tpu.memory_space<semaphore_mem>>)
      %dma_start3A_557 = arith.constant 3 : i32
      %dma_start3A_558 = arith.constant 3 : i32
      %dma_start3A_559 = arith.constant 0 : i32
      %dma_start3A_560 = tpu.memref_slice %arg9[%dma_start3A_558, %dma_start3A_559] : memref<64x128xf32, #tpu.memory_space<vmem>> -> memref<1x128xf32, #tpu.memory_space<vmem>>
      %dma_start3A_561 = tpu.memref_squeeze %dma_start3A_560 : memref<1x128xf32, #tpu.memory_space<vmem>> -> memref<128xf32, #tpu.memory_space<vmem>>
      %dma_start3A_562 = arith.constant 0 : i32
      %dma_start3A_563 = tpu.memref_slice %arg8[%dma_start3A_557, %dma_start3A_562] : memref<64x128xi32, #tpu.memory_space<vmem>> -> memref<1x128xi32, #tpu.memory_space<vmem>>
      %dma_start3A_564 = tpu.memref_squeeze %dma_start3A_563 : memref<1x128xi32, #tpu.memory_space<vmem>> -> memref<128xi32, #tpu.memory_space<vmem>>
      %dma_start3A_565 = arith.constant 0 : i32
      %dma_start3A_566 = tpu.memref_slice %arg2[%dma_start3A_565] : memref<166400000xf32, #tpu.memory_space<hbm>> -> memref<166400000xf32, #tpu.memory_space<hbm>>
      tpu.enqueue_indirect_dma source(%dma_start3A_566 : memref<166400000xf32, #tpu.memory_space<hbm>>) target(%dma_start3A_561 : memref<128xf32, #tpu.memory_space<vmem>>) offsets(%dma_start3A_564 : memref<128xi32, #tpu.memory_space<vmem>>) semaphore(%arg12 : memref<!tpu.dma_semaphore, #tpu.memory_space<semaphore_mem>>)
      %dma_start3A_567 = arith.constant 4 : i32
      %dma_start3A_568 = arith.constant 4 : i32
      %dma_start3A_569 = arith.constant 0 : i32
      %dma_start3A_570 = tpu.memref_slice %arg9[%dma_start3A_568, %dma_start3A_569] : memref<64x128xf32, #tpu.memory_space<vmem>> -> memref<1x128xf32, #tpu.memory_space<vmem>>
      %dma_start3A_571 = tpu.memref_squeeze %dma_start3A_570 : memref<1x128xf32, #tpu.memory_space<vmem>> -> memref<128xf32, #tpu.memory_space<vmem>>
      %dma_start3A_572 = arith.constant 0 : i32
      %dma_start3A_573 = tpu.memref_slice %arg8[%dma_start3A_567, %dma_start3A_572] : memref<64x128xi32, #tpu.memory_space<vmem>> -> memref<1x128xi32, #tpu.memory_space<vmem>>
      %dma_start3A_574 = tpu.memref_squeeze %dma_start3A_573 : memref<1x128xi32, #tpu.memory_space<vmem>> -> memref<128xi32, #tpu.memory_space<vmem>>
      %dma_start3A_575 = arith.constant 0 : i32
      %dma_start3A_576 = tpu.memref_slice %arg2[%dma_start3A_575] : memref<166400000xf32, #tpu.memory_space<hbm>> -> memref<166400000xf32, #tpu.memory_space<hbm>>
      tpu.enqueue_indirect_dma source(%dma_start3A_576 : memref<166400000xf32, #tpu.memory_space<hbm>>) target(%dma_start3A_571 : memref<128xf32, #tpu.memory_space<vmem>>) offsets(%dma_start3A_574 : memref<128xi32, #tpu.memory_space<vmem>>) semaphore(%arg12 : memref<!tpu.dma_semaphore, #tpu.memory_space<semaphore_mem>>)
      %dma_start3A_577 = arith.constant 5 : i32
      %dma_start3A_578 = arith.constant 5 : i32
      %dma_start3A_579 = arith.constant 0 : i32
      %dma_start3A_580 = tpu.memref_slice %arg9[%dma_start3A_578, %dma_start3A_579] : memref<64x128xf32, #tpu.memory_space<vmem>> -> memref<1x128xf32, #tpu.memory_space<vmem>>
      %dma_start3A_581 = tpu.memref_squeeze %dma_start3A_580 : memref<1x128xf32, #tpu.memory_space<vmem>> -> memref<128xf32, #tpu.memory_space<vmem>>
      %dma_start3A_582 = arith.constant 0 : i32
      %dma_start3A_583 = tpu.memref_slice %arg8[%dma_start3A_577, %dma_start3A_582] : memref<64x128xi32, #tpu.memory_space<vmem>> -> memref<1x128xi32, #tpu.memory_space<vmem>>
      %dma_start3A_584 = tpu.memref_squeeze %dma_start3A_583 : memref<1x128xi32, #tpu.memory_space<vmem>> -> memref<128xi32, #tpu.memory_space<vmem>>
      %dma_start3A_585 = arith.constant 0 : i32
      %dma_start3A_586 = tpu.memref_slice %arg2[%dma_start3A_585] : memref<166400000xf32, #tpu.memory_space<hbm>> -> memref<166400000xf32, #tpu.memory_space<hbm>>
      tpu.enqueue_indirect_dma source(%dma_start3A_586 : memref<166400000xf32, #tpu.memory_space<hbm>>) target(%dma_start3A_581 : memref<128xf32, #tpu.memory_space<vmem>>) offsets(%dma_start3A_584 : memref<128xi32, #tpu.memory_space<vmem>>) semaphore(%arg12 : memref<!tpu.dma_semaphore, #tpu.memory_space<semaphore_mem>>)
      %dma_start3A_587 = arith.constant 6 : i32
      %dma_start3A_588 = arith.constant 6 : i32
      %dma_start3A_589 = arith.constant 0 : i32
      %dma_start3A_590 = tpu.memref_slice %arg9[%dma_start3A_588, %dma_start3A_589] : memref<64x128xf32, #tpu.memory_space<vmem>> -> memref<1x128xf32, #tpu.memory_space<vmem>>
      %dma_start3A_591 = tpu.memref_squeeze %dma_start3A_590 : memref<1x128xf32, #tpu.memory_space<vmem>> -> memref<128xf32, #tpu.memory_space<vmem>>
      %dma_start3A_592 = arith.constant 0 : i32
      %dma_start3A_593 = tpu.memref_slice %arg8[%dma_start3A_587, %dma_start3A_592] : memref<64x128xi32, #tpu.memory_space<vmem>> -> memref<1x128xi32, #tpu.memory_space<vmem>>
      %dma_start3A_594 = tpu.memref_squeeze %dma_start3A_593 : memref<1x128xi32, #tpu.memory_space<vmem>> -> memref<128xi32, #tpu.memory_space<vmem>>
      %dma_start3A_595 = arith.constant 0 : i32
      %dma_start3A_596 = tpu.memref_slice %arg2[%dma_start3A_595] : memref<166400000xf32, #tpu.memory_space<hbm>> -> memref<166400000xf32, #tpu.memory_space<hbm>>
      tpu.enqueue_indirect_dma source(%dma_start3A_596 : memref<166400000xf32, #tpu.memory_space<hbm>>) target(%dma_start3A_591 : memref<128xf32, #tpu.memory_space<vmem>>) offsets(%dma_start3A_594 : memref<128xi32, #tpu.memory_space<vmem>>) semaphore(%arg12 : memref<!tpu.dma_semaphore, #tpu.memory_space<semaphore_mem>>)
      %dma_start3A_597 = arith.constant 7 : i32
      %dma_start3A_598 = arith.constant 7 : i32
      %dma_start3A_599 = arith.constant 0 : i32
      %dma_start3A_600 = tpu.memref_slice %arg9[%dma_start3A_598, %dma_start3A_599] : memref<64x128xf32, #tpu.memory_space<vmem>> -> memref<1x128xf32, #tpu.memory_space<vmem>>
      %dma_start3A_601 = tpu.memref_squeeze %dma_start3A_600 : memref<1x128xf32, #tpu.memory_space<vmem>> -> memref<128xf32, #tpu.memory_space<vmem>>
      %dma_start3A_602 = arith.constant 0 : i32
      %dma_start3A_603 = tpu.memref_slice %arg8[%dma_start3A_597, %dma_start3A_602] : memref<64x128xi32, #tpu.memory_space<vmem>> -> memref<1x128xi32, #tpu.memory_space<vmem>>
      %dma_start3A_604 = tpu.memref_squeeze %dma_start3A_603 : memref<1x128xi32, #tpu.memory_space<vmem>> -> memref<128xi32, #tpu.memory_space<vmem>>
      %dma_start3A_605 = arith.constant 0 : i32
      %dma_start3A_606 = tpu.memref_slice %arg2[%dma_start3A_605] : memref<166400000xf32, #tpu.memory_space<hbm>> -> memref<166400000xf32, #tpu.memory_space<hbm>>
      tpu.enqueue_indirect_dma source(%dma_start3A_606 : memref<166400000xf32, #tpu.memory_space<hbm>>) target(%dma_start3A_601 : memref<128xf32, #tpu.memory_space<vmem>>) offsets(%dma_start3A_604 : memref<128xi32, #tpu.memory_space<vmem>>) semaphore(%arg12 : memref<!tpu.dma_semaphore, #tpu.memory_space<semaphore_mem>>)
      %dma_start3A_607 = arith.constant 8 : i32
      %dma_start3A_608 = arith.constant 8 : i32
      %dma_start3A_609 = arith.constant 0 : i32
      %dma_start3A_610 = tpu.memref_slice %arg9[%dma_start3A_608, %dma_start3A_609] : memref<64x128xf32, #tpu.memory_space<vmem>> -> memref<1x128xf32, #tpu.memory_space<vmem>>
      %dma_start3A_611 = tpu.memref_squeeze %dma_start3A_610 : memref<1x128xf32, #tpu.memory_space<vmem>> -> memref<128xf32, #tpu.memory_space<vmem>>
      %dma_start3A_612 = arith.constant 0 : i32
      %dma_start3A_613 = tpu.memref_slice %arg8[%dma_start3A_607, %dma_start3A_612] : memref<64x128xi32, #tpu.memory_space<vmem>> -> memref<1x128xi32, #tpu.memory_space<vmem>>
      %dma_start3A_614 = tpu.memref_squeeze %dma_start3A_613 : memref<1x128xi32, #tpu.memory_space<vmem>> -> memref<128xi32, #tpu.memory_space<vmem>>
      %dma_start3A_615 = arith.constant 0 : i32
      %dma_start3A_616 = tpu.memref_slice %arg2[%dma_start3A_615] : memref<166400000xf32, #tpu.memory_space<hbm>> -> memref<166400000xf32, #tpu.memory_space<hbm>>
      tpu.enqueue_indirect_dma source(%dma_start3A_616 : memref<166400000xf32, #tpu.memory_space<hbm>>) target(%dma_start3A_611 : memref<128xf32, #tpu.memory_space<vmem>>) offsets(%dma_start3A_614 : memref<128xi32, #tpu.memory_space<vmem>>) semaphore(%arg12 : memref<!tpu.dma_semaphore, #tpu.memory_space<semaphore_mem>>)
      %dma_start3A_617 = arith.constant 9 : i32
      %dma_start3A_618 = arith.constant 9 : i32
      %dma_start3A_619 = arith.constant 0 : i32
      %dma_start3A_620 = tpu.memref_slice %arg9[%dma_start3A_618, %dma_start3A_619] : memref<64x128xf32, #tpu.memory_space<vmem>> -> memref<1x128xf32, #tpu.memory_space<vmem>>
      %dma_start3A_621 = tpu.memref_squeeze %dma_start3A_620 : memref<1x128xf32, #tpu.memory_space<vmem>> -> memref<128xf32, #tpu.memory_space<vmem>>
      %dma_start3A_622 = arith.constant 0 : i32
      %dma_start3A_623 = tpu.memref_slice %arg8[%dma_start3A_617, %dma_start3A_622] : memref<64x128xi32, #tpu.memory_space<vmem>> -> memref<1x128xi32, #tpu.memory_space<vmem>>
      %dma_start3A_624 = tpu.memref_squeeze %dma_start3A_623 : memref<1x128xi32, #tpu.memory_space<vmem>> -> memref<128xi32, #tpu.memory_space<vmem>>
      %dma_start3A_625 = arith.constant 0 : i32
      %dma_start3A_626 = tpu.memref_slice %arg2[%dma_start3A_625] : memref<166400000xf32, #tpu.memory_space<hbm>> -> memref<166400000xf32, #tpu.memory_space<hbm>>
      tpu.enqueue_indirect_dma source(%dma_start3A_626 : memref<166400000xf32, #tpu.memory_space<hbm>>) target(%dma_start3A_621 : memref<128xf32, #tpu.memory_space<vmem>>) offsets(%dma_start3A_624 : memref<128xi32, #tpu.memory_space<vmem>>) semaphore(%arg12 : memref<!tpu.dma_semaphore, #tpu.memory_space<semaphore_mem>>)
      %dma_start3A_627 = arith.constant 10 : i32
      %dma_start3A_628 = arith.constant 10 : i32
      %dma_start3A_629 = arith.constant 0 : i32
      %dma_start3A_630 = tpu.memref_slice %arg9[%dma_start3A_628, %dma_start3A_629] : memref<64x128xf32, #tpu.memory_space<vmem>> -> memref<1x128xf32, #tpu.memory_space<vmem>>
      %dma_start3A_631 = tpu.memref_squeeze %dma_start3A_630 : memref<1x128xf32, #tpu.memory_space<vmem>> -> memref<128xf32, #tpu.memory_space<vmem>>
      %dma_start3A_632 = arith.constant 0 : i32
      %dma_start3A_633 = tpu.memref_slice %arg8[%dma_start3A_627, %dma_start3A_632] : memref<64x128xi32, #tpu.memory_space<vmem>> -> memref<1x128xi32, #tpu.memory_space<vmem>>
      %dma_start3A_634 = tpu.memref_squeeze %dma_start3A_633 : memref<1x128xi32, #tpu.memory_space<vmem>> -> memref<128xi32, #tpu.memory_space<vmem>>
      %dma_start3A_635 = arith.constant 0 : i32
      %dma_start3A_636 = tpu.memref_slice %arg2[%dma_start3A_635] : memref<166400000xf32, #tpu.memory_space<hbm>> -> memref<166400000xf32, #tpu.memory_space<hbm>>
      tpu.enqueue_indirect_dma source(%dma_start3A_636 : memref<166400000xf32, #tpu.memory_space<hbm>>) target(%dma_start3A_631 : memref<128xf32, #tpu.memory_space<vmem>>) offsets(%dma_start3A_634 : memref<128xi32, #tpu.memory_space<vmem>>) semaphore(%arg12 : memref<!tpu.dma_semaphore, #tpu.memory_space<semaphore_mem>>)
      %dma_start3A_637 = arith.constant 11 : i32
      %dma_start3A_638 = arith.constant 11 : i32
      %dma_start3A_639 = arith.constant 0 : i32
      %dma_start3A_640 = tpu.memref_slice %arg9[%dma_start3A_638, %dma_start3A_639] : memref<64x128xf32, #tpu.memory_space<vmem>> -> memref<1x128xf32, #tpu.memory_space<vmem>>
      %dma_start3A_641 = tpu.memref_squeeze %dma_start3A_640 : memref<1x128xf32, #tpu.memory_space<vmem>> -> memref<128xf32, #tpu.memory_space<vmem>>
      %dma_start3A_642 = arith.constant 0 : i32
      %dma_start3A_643 = tpu.memref_slice %arg8[%dma_start3A_637, %dma_start3A_642] : memref<64x128xi32, #tpu.memory_space<vmem>> -> memref<1x128xi32, #tpu.memory_space<vmem>>
      %dma_start3A_644 = tpu.memref_squeeze %dma_start3A_643 : memref<1x128xi32, #tpu.memory_space<vmem>> -> memref<128xi32, #tpu.memory_space<vmem>>
      %dma_start3A_645 = arith.constant 0 : i32
      %dma_start3A_646 = tpu.memref_slice %arg2[%dma_start3A_645] : memref<166400000xf32, #tpu.memory_space<hbm>> -> memref<166400000xf32, #tpu.memory_space<hbm>>
      tpu.enqueue_indirect_dma source(%dma_start3A_646 : memref<166400000xf32, #tpu.memory_space<hbm>>) target(%dma_start3A_641 : memref<128xf32, #tpu.memory_space<vmem>>) offsets(%dma_start3A_644 : memref<128xi32, #tpu.memory_space<vmem>>) semaphore(%arg12 : memref<!tpu.dma_semaphore, #tpu.memory_space<semaphore_mem>>)
      %dma_start3A_647 = arith.constant 12 : i32
      %dma_start3A_648 = arith.constant 12 : i32
      %dma_start3A_649 = arith.constant 0 : i32
      %dma_start3A_650 = tpu.memref_slice %arg9[%dma_start3A_648, %dma_start3A_649] : memref<64x128xf32, #tpu.memory_space<vmem>> -> memref<1x128xf32, #tpu.memory_space<vmem>>
      %dma_start3A_651 = tpu.memref_squeeze %dma_start3A_650 : memref<1x128xf32, #tpu.memory_space<vmem>> -> memref<128xf32, #tpu.memory_space<vmem>>
      %dma_start3A_652 = arith.constant 0 : i32
      %dma_start3A_653 = tpu.memref_slice %arg8[%dma_start3A_647, %dma_start3A_652] : memref<64x128xi32, #tpu.memory_space<vmem>> -> memref<1x128xi32, #tpu.memory_space<vmem>>
      %dma_start3A_654 = tpu.memref_squeeze %dma_start3A_653 : memref<1x128xi32, #tpu.memory_space<vmem>> -> memref<128xi32, #tpu.memory_space<vmem>>
      %dma_start3A_655 = arith.constant 0 : i32
      %dma_start3A_656 = tpu.memref_slice %arg2[%dma_start3A_655] : memref<166400000xf32, #tpu.memory_space<hbm>> -> memref<166400000xf32, #tpu.memory_space<hbm>>
      tpu.enqueue_indirect_dma source(%dma_start3A_656 : memref<166400000xf32, #tpu.memory_space<hbm>>) target(%dma_start3A_651 : memref<128xf32, #tpu.memory_space<vmem>>) offsets(%dma_start3A_654 : memref<128xi32, #tpu.memory_space<vmem>>) semaphore(%arg12 : memref<!tpu.dma_semaphore, #tpu.memory_space<semaphore_mem>>)
      %dma_start3A_657 = arith.constant 13 : i32
      %dma_start3A_658 = arith.constant 13 : i32
      %dma_start3A_659 = arith.constant 0 : i32
      %dma_start3A_660 = tpu.memref_slice %arg9[%dma_start3A_658, %dma_start3A_659] : memref<64x128xf32, #tpu.memory_space<vmem>> -> memref<1x128xf32, #tpu.memory_space<vmem>>
      %dma_start3A_661 = tpu.memref_squeeze %dma_start3A_660 : memref<1x128xf32, #tpu.memory_space<vmem>> -> memref<128xf32, #tpu.memory_space<vmem>>
      %dma_start3A_662 = arith.constant 0 : i32
      %dma_start3A_663 = tpu.memref_slice %arg8[%dma_start3A_657, %dma_start3A_662] : memref<64x128xi32, #tpu.memory_space<vmem>> -> memref<1x128xi32, #tpu.memory_space<vmem>>
      %dma_start3A_664 = tpu.memref_squeeze %dma_start3A_663 : memref<1x128xi32, #tpu.memory_space<vmem>> -> memref<128xi32, #tpu.memory_space<vmem>>
      %dma_start3A_665 = arith.constant 0 : i32
      %dma_start3A_666 = tpu.memref_slice %arg2[%dma_start3A_665] : memref<166400000xf32, #tpu.memory_space<hbm>> -> memref<166400000xf32, #tpu.memory_space<hbm>>
      tpu.enqueue_indirect_dma source(%dma_start3A_666 : memref<166400000xf32, #tpu.memory_space<hbm>>) target(%dma_start3A_661 : memref<128xf32, #tpu.memory_space<vmem>>) offsets(%dma_start3A_664 : memref<128xi32, #tpu.memory_space<vmem>>) semaphore(%arg12 : memref<!tpu.dma_semaphore, #tpu.memory_space<semaphore_mem>>)
      %dma_start3A_667 = arith.constant 14 : i32
      %dma_start3A_668 = arith.constant 14 : i32
      %dma_start3A_669 = arith.constant 0 : i32
      %dma_start3A_670 = tpu.memref_slice %arg9[%dma_start3A_668, %dma_start3A_669] : memref<64x128xf32, #tpu.memory_space<vmem>> -> memref<1x128xf32, #tpu.memory_space<vmem>>
      %dma_start3A_671 = tpu.memref_squeeze %dma_start3A_670 : memref<1x128xf32, #tpu.memory_space<vmem>> -> memref<128xf32, #tpu.memory_space<vmem>>
      %dma_start3A_672 = arith.constant 0 : i32
      %dma_start3A_673 = tpu.memref_slice %arg8[%dma_start3A_667, %dma_start3A_672] : memref<64x128xi32, #tpu.memory_space<vmem>> -> memref<1x128xi32, #tpu.memory_space<vmem>>
      %dma_start3A_674 = tpu.memref_squeeze %dma_start3A_673 : memref<1x128xi32, #tpu.memory_space<vmem>> -> memref<128xi32, #tpu.memory_space<vmem>>
      %dma_start3A_675 = arith.constant 0 : i32
      %dma_start3A_676 = tpu.memref_slice %arg2[%dma_start3A_675] : memref<166400000xf32, #tpu.memory_space<hbm>> -> memref<166400000xf32, #tpu.memory_space<hbm>>
      tpu.enqueue_indirect_dma source(%dma_start3A_676 : memref<166400000xf32, #tpu.memory_space<hbm>>) target(%dma_start3A_671 : memref<128xf32, #tpu.memory_space<vmem>>) offsets(%dma_start3A_674 : memref<128xi32, #tpu.memory_space<vmem>>) semaphore(%arg12 : memref<!tpu.dma_semaphore, #tpu.memory_space<semaphore_mem>>)
      %dma_start3A_677 = arith.constant 15 : i32
      %dma_start3A_678 = arith.constant 15 : i32
      %dma_start3A_679 = arith.constant 0 : i32
      %dma_start3A_680 = tpu.memref_slice %arg9[%dma_start3A_678, %dma_start3A_679] : memref<64x128xf32, #tpu.memory_space<vmem>> -> memref<1x128xf32, #tpu.memory_space<vmem>>
      %dma_start3A_681 = tpu.memref_squeeze %dma_start3A_680 : memref<1x128xf32, #tpu.memory_space<vmem>> -> memref<128xf32, #tpu.memory_space<vmem>>
      %dma_start3A_682 = arith.constant 0 : i32
      %dma_start3A_683 = tpu.memref_slice %arg8[%dma_start3A_677, %dma_start3A_682] : memref<64x128xi32, #tpu.memory_space<vmem>> -> memref<1x128xi32, #tpu.memory_space<vmem>>
      %dma_start3A_684 = tpu.memref_squeeze %dma_start3A_683 : memref<1x128xi32, #tpu.memory_space<vmem>> -> memref<128xi32, #tpu.memory_space<vmem>>
      %dma_start3A_685 = arith.constant 0 : i32
      %dma_start3A_686 = tpu.memref_slice %arg2[%dma_start3A_685] : memref<166400000xf32, #tpu.memory_space<hbm>> -> memref<166400000xf32, #tpu.memory_space<hbm>>
      tpu.enqueue_indirect_dma source(%dma_start3A_686 : memref<166400000xf32, #tpu.memory_space<hbm>>) target(%dma_start3A_681 : memref<128xf32, #tpu.memory_space<vmem>>) offsets(%dma_start3A_684 : memref<128xi32, #tpu.memory_space<vmem>>) semaphore(%arg12 : memref<!tpu.dma_semaphore, #tpu.memory_space<semaphore_mem>>)
      %dma_start3A_687 = arith.constant 16 : i32
      %dma_start3A_688 = arith.constant 16 : i32
      %dma_start3A_689 = arith.constant 0 : i32
      %dma_start3A_690 = tpu.memref_slice %arg9[%dma_start3A_688, %dma_start3A_689] : memref<64x128xf32, #tpu.memory_space<vmem>> -> memref<1x128xf32, #tpu.memory_space<vmem>>
      %dma_start3A_691 = tpu.memref_squeeze %dma_start3A_690 : memref<1x128xf32, #tpu.memory_space<vmem>> -> memref<128xf32, #tpu.memory_space<vmem>>
      %dma_start3A_692 = arith.constant 0 : i32
      %dma_start3A_693 = tpu.memref_slice %arg8[%dma_start3A_687, %dma_start3A_692] : memref<64x128xi32, #tpu.memory_space<vmem>> -> memref<1x128xi32, #tpu.memory_space<vmem>>
      %dma_start3A_694 = tpu.memref_squeeze %dma_start3A_693 : memref<1x128xi32, #tpu.memory_space<vmem>> -> memref<128xi32, #tpu.memory_space<vmem>>
      %dma_start3A_695 = arith.constant 0 : i32
      %dma_start3A_696 = tpu.memref_slice %arg2[%dma_start3A_695] : memref<166400000xf32, #tpu.memory_space<hbm>> -> memref<166400000xf32, #tpu.memory_space<hbm>>
      tpu.enqueue_indirect_dma source(%dma_start3A_696 : memref<166400000xf32, #tpu.memory_space<hbm>>) target(%dma_start3A_691 : memref<128xf32, #tpu.memory_space<vmem>>) offsets(%dma_start3A_694 : memref<128xi32, #tpu.memory_space<vmem>>) semaphore(%arg12 : memref<!tpu.dma_semaphore, #tpu.memory_space<semaphore_mem>>)
      %dma_start3A_697 = arith.constant 17 : i32
      %dma_start3A_698 = arith.constant 17 : i32
      %dma_start3A_699 = arith.constant 0 : i32
      %dma_start3A_700 = tpu.memref_slice %arg9[%dma_start3A_698, %dma_start3A_699] : memref<64x128xf32, #tpu.memory_space<vmem>> -> memref<1x128xf32, #tpu.memory_space<vmem>>
      %dma_start3A_701 = tpu.memref_squeeze %dma_start3A_700 : memref<1x128xf32, #tpu.memory_space<vmem>> -> memref<128xf32, #tpu.memory_space<vmem>>
      %dma_start3A_702 = arith.constant 0 : i32
      %dma_start3A_703 = tpu.memref_slice %arg8[%dma_start3A_697, %dma_start3A_702] : memref<64x128xi32, #tpu.memory_space<vmem>> -> memref<1x128xi32, #tpu.memory_space<vmem>>
      %dma_start3A_704 = tpu.memref_squeeze %dma_start3A_703 : memref<1x128xi32, #tpu.memory_space<vmem>> -> memref<128xi32, #tpu.memory_space<vmem>>
      %dma_start3A_705 = arith.constant 0 : i32
      %dma_start3A_706 = tpu.memref_slice %arg2[%dma_start3A_705] : memref<166400000xf32, #tpu.memory_space<hbm>> -> memref<166400000xf32, #tpu.memory_space<hbm>>
      tpu.enqueue_indirect_dma source(%dma_start3A_706 : memref<166400000xf32, #tpu.memory_space<hbm>>) target(%dma_start3A_701 : memref<128xf32, #tpu.memory_space<vmem>>) offsets(%dma_start3A_704 : memref<128xi32, #tpu.memory_space<vmem>>) semaphore(%arg12 : memref<!tpu.dma_semaphore, #tpu.memory_space<semaphore_mem>>)
      %dma_start3A_707 = arith.constant 18 : i32
      %dma_start3A_708 = arith.constant 18 : i32
      %dma_start3A_709 = arith.constant 0 : i32
      %dma_start3A_710 = tpu.memref_slice %arg9[%dma_start3A_708, %dma_start3A_709] : memref<64x128xf32, #tpu.memory_space<vmem>> -> memref<1x128xf32, #tpu.memory_space<vmem>>
      %dma_start3A_711 = tpu.memref_squeeze %dma_start3A_710 : memref<1x128xf32, #tpu.memory_space<vmem>> -> memref<128xf32, #tpu.memory_space<vmem>>
      %dma_start3A_712 = arith.constant 0 : i32
      %dma_start3A_713 = tpu.memref_slice %arg8[%dma_start3A_707, %dma_start3A_712] : memref<64x128xi32, #tpu.memory_space<vmem>> -> memref<1x128xi32, #tpu.memory_space<vmem>>
      %dma_start3A_714 = tpu.memref_squeeze %dma_start3A_713 : memref<1x128xi32, #tpu.memory_space<vmem>> -> memref<128xi32, #tpu.memory_space<vmem>>
      %dma_start3A_715 = arith.constant 0 : i32
      %dma_start3A_716 = tpu.memref_slice %arg2[%dma_start3A_715] : memref<166400000xf32, #tpu.memory_space<hbm>> -> memref<166400000xf32, #tpu.memory_space<hbm>>
      tpu.enqueue_indirect_dma source(%dma_start3A_716 : memref<166400000xf32, #tpu.memory_space<hbm>>) target(%dma_start3A_711 : memref<128xf32, #tpu.memory_space<vmem>>) offsets(%dma_start3A_714 : memref<128xi32, #tpu.memory_space<vmem>>) semaphore(%arg12 : memref<!tpu.dma_semaphore, #tpu.memory_space<semaphore_mem>>)
      %dma_start3A_717 = arith.constant 19 : i32
      %dma_start3A_718 = arith.constant 19 : i32
      %dma_start3A_719 = arith.constant 0 : i32
      %dma_start3A_720 = tpu.memref_slice %arg9[%dma_start3A_718, %dma_start3A_719] : memref<64x128xf32, #tpu.memory_space<vmem>> -> memref<1x128xf32, #tpu.memory_space<vmem>>
      %dma_start3A_721 = tpu.memref_squeeze %dma_start3A_720 : memref<1x128xf32, #tpu.memory_space<vmem>> -> memref<128xf32, #tpu.memory_space<vmem>>
      %dma_start3A_722 = arith.constant 0 : i32
      %dma_start3A_723 = tpu.memref_slice %arg8[%dma_start3A_717, %dma_start3A_722] : memref<64x128xi32, #tpu.memory_space<vmem>> -> memref<1x128xi32, #tpu.memory_space<vmem>>
      %dma_start3A_724 = tpu.memref_squeeze %dma_start3A_723 : memref<1x128xi32, #tpu.memory_space<vmem>> -> memref<128xi32, #tpu.memory_space<vmem>>
      %dma_start3A_725 = arith.constant 0 : i32
      %dma_start3A_726 = tpu.memref_slice %arg2[%dma_start3A_725] : memref<166400000xf32, #tpu.memory_space<hbm>> -> memref<166400000xf32, #tpu.memory_space<hbm>>
      tpu.enqueue_indirect_dma source(%dma_start3A_726 : memref<166400000xf32, #tpu.memory_space<hbm>>) target(%dma_start3A_721 : memref<128xf32, #tpu.memory_space<vmem>>) offsets(%dma_start3A_724 : memref<128xi32, #tpu.memory_space<vmem>>) semaphore(%arg12 : memref<!tpu.dma_semaphore, #tpu.memory_space<semaphore_mem>>)
      %dma_start3A_727 = arith.constant 20 : i32
      %dma_start3A_728 = arith.constant 20 : i32
      %dma_start3A_729 = arith.constant 0 : i32
      %dma_start3A_730 = tpu.memref_slice %arg9[%dma_start3A_728, %dma_start3A_729] : memref<64x128xf32, #tpu.memory_space<vmem>> -> memref<1x128xf32, #tpu.memory_space<vmem>>
      %dma_start3A_731 = tpu.memref_squeeze %dma_start3A_730 : memref<1x128xf32, #tpu.memory_space<vmem>> -> memref<128xf32, #tpu.memory_space<vmem>>
      %dma_start3A_732 = arith.constant 0 : i32
      %dma_start3A_733 = tpu.memref_slice %arg8[%dma_start3A_727, %dma_start3A_732] : memref<64x128xi32, #tpu.memory_space<vmem>> -> memref<1x128xi32, #tpu.memory_space<vmem>>
      %dma_start3A_734 = tpu.memref_squeeze %dma_start3A_733 : memref<1x128xi32, #tpu.memory_space<vmem>> -> memref<128xi32, #tpu.memory_space<vmem>>
      %dma_start3A_735 = arith.constant 0 : i32
      %dma_start3A_736 = tpu.memref_slice %arg2[%dma_start3A_735] : memref<166400000xf32, #tpu.memory_space<hbm>> -> memref<166400000xf32, #tpu.memory_space<hbm>>
      tpu.enqueue_indirect_dma source(%dma_start3A_736 : memref<166400000xf32, #tpu.memory_space<hbm>>) target(%dma_start3A_731 : memref<128xf32, #tpu.memory_space<vmem>>) offsets(%dma_start3A_734 : memref<128xi32, #tpu.memory_space<vmem>>) semaphore(%arg12 : memref<!tpu.dma_semaphore, #tpu.memory_space<semaphore_mem>>)
      %dma_start3A_737 = arith.constant 21 : i32
      %dma_start3A_738 = arith.constant 21 : i32
      %dma_start3A_739 = arith.constant 0 : i32
      %dma_start3A_740 = tpu.memref_slice %arg9[%dma_start3A_738, %dma_start3A_739] : memref<64x128xf32, #tpu.memory_space<vmem>> -> memref<1x128xf32, #tpu.memory_space<vmem>>
      %dma_start3A_741 = tpu.memref_squeeze %dma_start3A_740 : memref<1x128xf32, #tpu.memory_space<vmem>> -> memref<128xf32, #tpu.memory_space<vmem>>
      %dma_start3A_742 = arith.constant 0 : i32
      %dma_start3A_743 = tpu.memref_slice %arg8[%dma_start3A_737, %dma_start3A_742] : memref<64x128xi32, #tpu.memory_space<vmem>> -> memref<1x128xi32, #tpu.memory_space<vmem>>
      %dma_start3A_744 = tpu.memref_squeeze %dma_start3A_743 : memref<1x128xi32, #tpu.memory_space<vmem>> -> memref<128xi32, #tpu.memory_space<vmem>>
      %dma_start3A_745 = arith.constant 0 : i32
      %dma_start3A_746 = tpu.memref_slice %arg2[%dma_start3A_745] : memref<166400000xf32, #tpu.memory_space<hbm>> -> memref<166400000xf32, #tpu.memory_space<hbm>>
      tpu.enqueue_indirect_dma source(%dma_start3A_746 : memref<166400000xf32, #tpu.memory_space<hbm>>) target(%dma_start3A_741 : memref<128xf32, #tpu.memory_space<vmem>>) offsets(%dma_start3A_744 : memref<128xi32, #tpu.memory_space<vmem>>) semaphore(%arg12 : memref<!tpu.dma_semaphore, #tpu.memory_space<semaphore_mem>>)
      %dma_start3A_747 = arith.constant 22 : i32
      %dma_start3A_748 = arith.constant 22 : i32
      %dma_start3A_749 = arith.constant 0 : i32
      %dma_start3A_750 = tpu.memref_slice %arg9[%dma_start3A_748, %dma_start3A_749] : memref<64x128xf32, #tpu.memory_space<vmem>> -> memref<1x128xf32, #tpu.memory_space<vmem>>
      %dma_start3A_751 = tpu.memref_squeeze %dma_start3A_750 : memref<1x128xf32, #tpu.memory_space<vmem>> -> memref<128xf32, #tpu.memory_space<vmem>>
      %dma_start3A_752 = arith.constant 0 : i32
      %dma_start3A_753 = tpu.memref_slice %arg8[%dma_start3A_747, %dma_start3A_752] : memref<64x128xi32, #tpu.memory_space<vmem>> -> memref<1x128xi32, #tpu.memory_space<vmem>>
      %dma_start3A_754 = tpu.memref_squeeze %dma_start3A_753 : memref<1x128xi32, #tpu.memory_space<vmem>> -> memref<128xi32, #tpu.memory_space<vmem>>
      %dma_start3A_755 = arith.constant 0 : i32
      %dma_start3A_756 = tpu.memref_slice %arg2[%dma_start3A_755] : memref<166400000xf32, #tpu.memory_space<hbm>> -> memref<166400000xf32, #tpu.memory_space<hbm>>
      tpu.enqueue_indirect_dma source(%dma_start3A_756 : memref<166400000xf32, #tpu.memory_space<hbm>>) target(%dma_start3A_751 : memref<128xf32, #tpu.memory_space<vmem>>) offsets(%dma_start3A_754 : memref<128xi32, #tpu.memory_space<vmem>>) semaphore(%arg12 : memref<!tpu.dma_semaphore, #tpu.memory_space<semaphore_mem>>)
      %dma_start3A_757 = arith.constant 23 : i32
      %dma_start3A_758 = arith.constant 23 : i32
      %dma_start3A_759 = arith.constant 0 : i32
      %dma_start3A_760 = tpu.memref_slice %arg9[%dma_start3A_758, %dma_start3A_759] : memref<64x128xf32, #tpu.memory_space<vmem>> -> memref<1x128xf32, #tpu.memory_space<vmem>>
      %dma_start3A_761 = tpu.memref_squeeze %dma_start3A_760 : memref<1x128xf32, #tpu.memory_space<vmem>> -> memref<128xf32, #tpu.memory_space<vmem>>
      %dma_start3A_762 = arith.constant 0 : i32
      %dma_start3A_763 = tpu.memref_slice %arg8[%dma_start3A_757, %dma_start3A_762] : memref<64x128xi32, #tpu.memory_space<vmem>> -> memref<1x128xi32, #tpu.memory_space<vmem>>
      %dma_start3A_764 = tpu.memref_squeeze %dma_start3A_763 : memref<1x128xi32, #tpu.memory_space<vmem>> -> memref<128xi32, #tpu.memory_space<vmem>>
      %dma_start3A_765 = arith.constant 0 : i32
      %dma_start3A_766 = tpu.memref_slice %arg2[%dma_start3A_765] : memref<166400000xf32, #tpu.memory_space<hbm>> -> memref<166400000xf32, #tpu.memory_space<hbm>>
      tpu.enqueue_indirect_dma source(%dma_start3A_766 : memref<166400000xf32, #tpu.memory_space<hbm>>) target(%dma_start3A_761 : memref<128xf32, #tpu.memory_space<vmem>>) offsets(%dma_start3A_764 : memref<128xi32, #tpu.memory_space<vmem>>) semaphore(%arg12 : memref<!tpu.dma_semaphore, #tpu.memory_space<semaphore_mem>>)
      %dma_start3A_767 = arith.constant 24 : i32
      %dma_start3A_768 = arith.constant 24 : i32
      %dma_start3A_769 = arith.constant 0 : i32
      %dma_start3A_770 = tpu.memref_slice %arg9[%dma_start3A_768, %dma_start3A_769] : memref<64x128xf32, #tpu.memory_space<vmem>> -> memref<1x128xf32, #tpu.memory_space<vmem>>
      %dma_start3A_771 = tpu.memref_squeeze %dma_start3A_770 : memref<1x128xf32, #tpu.memory_space<vmem>> -> memref<128xf32, #tpu.memory_space<vmem>>
      %dma_start3A_772 = arith.constant 0 : i32
      %dma_start3A_773 = tpu.memref_slice %arg8[%dma_start3A_767, %dma_start3A_772] : memref<64x128xi32, #tpu.memory_space<vmem>> -> memref<1x128xi32, #tpu.memory_space<vmem>>
      %dma_start3A_774 = tpu.memref_squeeze %dma_start3A_773 : memref<1x128xi32, #tpu.memory_space<vmem>> -> memref<128xi32, #tpu.memory_space<vmem>>
      %dma_start3A_775 = arith.constant 0 : i32
      %dma_start3A_776 = tpu.memref_slice %arg2[%dma_start3A_775] : memref<166400000xf32, #tpu.memory_space<hbm>> -> memref<166400000xf32, #tpu.memory_space<hbm>>
      tpu.enqueue_indirect_dma source(%dma_start3A_776 : memref<166400000xf32, #tpu.memory_space<hbm>>) target(%dma_start3A_771 : memref<128xf32, #tpu.memory_space<vmem>>) offsets(%dma_start3A_774 : memref<128xi32, #tpu.memory_space<vmem>>) semaphore(%arg12 : memref<!tpu.dma_semaphore, #tpu.memory_space<semaphore_mem>>)
      %dma_start3A_777 = arith.constant 25 : i32
      %dma_start3A_778 = arith.constant 25 : i32
      %dma_start3A_779 = arith.constant 0 : i32
      %dma_start3A_780 = tpu.memref_slice %arg9[%dma_start3A_778, %dma_start3A_779] : memref<64x128xf32, #tpu.memory_space<vmem>> -> memref<1x128xf32, #tpu.memory_space<vmem>>
      %dma_start3A_781 = tpu.memref_squeeze %dma_start3A_780 : memref<1x128xf32, #tpu.memory_space<vmem>> -> memref<128xf32, #tpu.memory_space<vmem>>
      %dma_start3A_782 = arith.constant 0 : i32
      %dma_start3A_783 = tpu.memref_slice %arg8[%dma_start3A_777, %dma_start3A_782] : memref<64x128xi32, #tpu.memory_space<vmem>> -> memref<1x128xi32, #tpu.memory_space<vmem>>
      %dma_start3A_784 = tpu.memref_squeeze %dma_start3A_783 : memref<1x128xi32, #tpu.memory_space<vmem>> -> memref<128xi32, #tpu.memory_space<vmem>>
      %dma_start3A_785 = arith.constant 0 : i32
      %dma_start3A_786 = tpu.memref_slice %arg2[%dma_start3A_785] : memref<166400000xf32, #tpu.memory_space<hbm>> -> memref<166400000xf32, #tpu.memory_space<hbm>>
      tpu.enqueue_indirect_dma source(%dma_start3A_786 : memref<166400000xf32, #tpu.memory_space<hbm>>) target(%dma_start3A_781 : memref<128xf32, #tpu.memory_space<vmem>>) offsets(%dma_start3A_784 : memref<128xi32, #tpu.memory_space<vmem>>) semaphore(%arg12 : memref<!tpu.dma_semaphore, #tpu.memory_space<semaphore_mem>>)
      %dma_start3A_787 = arith.constant 26 : i32
      %dma_start3A_788 = arith.constant 26 : i32
      %dma_start3A_789 = arith.constant 0 : i32
      %dma_start3A_790 = tpu.memref_slice %arg9[%dma_start3A_788, %dma_start3A_789] : memref<64x128xf32, #tpu.memory_space<vmem>> -> memref<1x128xf32, #tpu.memory_space<vmem>>
      %dma_start3A_791 = tpu.memref_squeeze %dma_start3A_790 : memref<1x128xf32, #tpu.memory_space<vmem>> -> memref<128xf32, #tpu.memory_space<vmem>>
      %dma_start3A_792 = arith.constant 0 : i32
      %dma_start3A_793 = tpu.memref_slice %arg8[%dma_start3A_787, %dma_start3A_792] : memref<64x128xi32, #tpu.memory_space<vmem>> -> memref<1x128xi32, #tpu.memory_space<vmem>>
      %dma_start3A_794 = tpu.memref_squeeze %dma_start3A_793 : memref<1x128xi32, #tpu.memory_space<vmem>> -> memref<128xi32, #tpu.memory_space<vmem>>
      %dma_start3A_795 = arith.constant 0 : i32
      %dma_start3A_796 = tpu.memref_slice %arg2[%dma_start3A_795] : memref<166400000xf32, #tpu.memory_space<hbm>> -> memref<166400000xf32, #tpu.memory_space<hbm>>
      tpu.enqueue_indirect_dma source(%dma_start3A_796 : memref<166400000xf32, #tpu.memory_space<hbm>>) target(%dma_start3A_791 : memref<128xf32, #tpu.memory_space<vmem>>) offsets(%dma_start3A_794 : memref<128xi32, #tpu.memory_space<vmem>>) semaphore(%arg12 : memref<!tpu.dma_semaphore, #tpu.memory_space<semaphore_mem>>)
      %dma_start3A_797 = arith.constant 27 : i32
      %dma_start3A_798 = arith.constant 27 : i32
      %dma_start3A_799 = arith.constant 0 : i32
      %dma_start3A_800 = tpu.memref_slice %arg9[%dma_start3A_798, %dma_start3A_799] : memref<64x128xf32, #tpu.memory_space<vmem>> -> memref<1x128xf32, #tpu.memory_space<vmem>>
      %dma_start3A_801 = tpu.memref_squeeze %dma_start3A_800 : memref<1x128xf32, #tpu.memory_space<vmem>> -> memref<128xf32, #tpu.memory_space<vmem>>
      %dma_start3A_802 = arith.constant 0 : i32
      %dma_start3A_803 = tpu.memref_slice %arg8[%dma_start3A_797, %dma_start3A_802] : memref<64x128xi32, #tpu.memory_space<vmem>> -> memref<1x128xi32, #tpu.memory_space<vmem>>
      %dma_start3A_804 = tpu.memref_squeeze %dma_start3A_803 : memref<1x128xi32, #tpu.memory_space<vmem>> -> memref<128xi32, #tpu.memory_space<vmem>>
      %dma_start3A_805 = arith.constant 0 : i32
      %dma_start3A_806 = tpu.memref_slice %arg2[%dma_start3A_805] : memref<166400000xf32, #tpu.memory_space<hbm>> -> memref<166400000xf32, #tpu.memory_space<hbm>>
      tpu.enqueue_indirect_dma source(%dma_start3A_806 : memref<166400000xf32, #tpu.memory_space<hbm>>) target(%dma_start3A_801 : memref<128xf32, #tpu.memory_space<vmem>>) offsets(%dma_start3A_804 : memref<128xi32, #tpu.memory_space<vmem>>) semaphore(%arg12 : memref<!tpu.dma_semaphore, #tpu.memory_space<semaphore_mem>>)
      %dma_start3A_807 = arith.constant 28 : i32
      %dma_start3A_808 = arith.constant 28 : i32
      %dma_start3A_809 = arith.constant 0 : i32
      %dma_start3A_810 = tpu.memref_slice %arg9[%dma_start3A_808, %dma_start3A_809] : memref<64x128xf32, #tpu.memory_space<vmem>> -> memref<1x128xf32, #tpu.memory_space<vmem>>
      %dma_start3A_811 = tpu.memref_squeeze %dma_start3A_810 : memref<1x128xf32, #tpu.memory_space<vmem>> -> memref<128xf32, #tpu.memory_space<vmem>>
      %dma_start3A_812 = arith.constant 0 : i32
      %dma_start3A_813 = tpu.memref_slice %arg8[%dma_start3A_807, %dma_start3A_812] : memref<64x128xi32, #tpu.memory_space<vmem>> -> memref<1x128xi32, #tpu.memory_space<vmem>>
      %dma_start3A_814 = tpu.memref_squeeze %dma_start3A_813 : memref<1x128xi32, #tpu.memory_space<vmem>> -> memref<128xi32, #tpu.memory_space<vmem>>
      %dma_start3A_815 = arith.constant 0 : i32
      %dma_start3A_816 = tpu.memref_slice %arg2[%dma_start3A_815] : memref<166400000xf32, #tpu.memory_space<hbm>> -> memref<166400000xf32, #tpu.memory_space<hbm>>
      tpu.enqueue_indirect_dma source(%dma_start3A_816 : memref<166400000xf32, #tpu.memory_space<hbm>>) target(%dma_start3A_811 : memref<128xf32, #tpu.memory_space<vmem>>) offsets(%dma_start3A_814 : memref<128xi32, #tpu.memory_space<vmem>>) semaphore(%arg12 : memref<!tpu.dma_semaphore, #tpu.memory_space<semaphore_mem>>)
      %dma_start3A_817 = arith.constant 29 : i32
      %dma_start3A_818 = arith.constant 29 : i32
      %dma_start3A_819 = arith.constant 0 : i32
      %dma_start3A_820 = tpu.memref_slice %arg9[%dma_start3A_818, %dma_start3A_819] : memref<64x128xf32, #tpu.memory_space<vmem>> -> memref<1x128xf32, #tpu.memory_space<vmem>>
      %dma_start3A_821 = tpu.memref_squeeze %dma_start3A_820 : memref<1x128xf32, #tpu.memory_space<vmem>> -> memref<128xf32, #tpu.memory_space<vmem>>
      %dma_start3A_822 = arith.constant 0 : i32
      %dma_start3A_823 = tpu.memref_slice %arg8[%dma_start3A_817, %dma_start3A_822] : memref<64x128xi32, #tpu.memory_space<vmem>> -> memref<1x128xi32, #tpu.memory_space<vmem>>
      %dma_start3A_824 = tpu.memref_squeeze %dma_start3A_823 : memref<1x128xi32, #tpu.memory_space<vmem>> -> memref<128xi32, #tpu.memory_space<vmem>>
      %dma_start3A_825 = arith.constant 0 : i32
      %dma_start3A_826 = tpu.memref_slice %arg2[%dma_start3A_825] : memref<166400000xf32, #tpu.memory_space<hbm>> -> memref<166400000xf32, #tpu.memory_space<hbm>>
      tpu.enqueue_indirect_dma source(%dma_start3A_826 : memref<166400000xf32, #tpu.memory_space<hbm>>) target(%dma_start3A_821 : memref<128xf32, #tpu.memory_space<vmem>>) offsets(%dma_start3A_824 : memref<128xi32, #tpu.memory_space<vmem>>) semaphore(%arg12 : memref<!tpu.dma_semaphore, #tpu.memory_space<semaphore_mem>>)
      %dma_start3A_827 = arith.constant 30 : i32
      %dma_start3A_828 = arith.constant 30 : i32
      %dma_start3A_829 = arith.constant 0 : i32
      %dma_start3A_830 = tpu.memref_slice %arg9[%dma_start3A_828, %dma_start3A_829] : memref<64x128xf32, #tpu.memory_space<vmem>> -> memref<1x128xf32, #tpu.memory_space<vmem>>
      %dma_start3A_831 = tpu.memref_squeeze %dma_start3A_830 : memref<1x128xf32, #tpu.memory_space<vmem>> -> memref<128xf32, #tpu.memory_space<vmem>>
      %dma_start3A_832 = arith.constant 0 : i32
      %dma_start3A_833 = tpu.memref_slice %arg8[%dma_start3A_827, %dma_start3A_832] : memref<64x128xi32, #tpu.memory_space<vmem>> -> memref<1x128xi32, #tpu.memory_space<vmem>>
      %dma_start3A_834 = tpu.memref_squeeze %dma_start3A_833 : memref<1x128xi32, #tpu.memory_space<vmem>> -> memref<128xi32, #tpu.memory_space<vmem>>
      %dma_start3A_835 = arith.constant 0 : i32
      %dma_start3A_836 = tpu.memref_slice %arg2[%dma_start3A_835] : memref<166400000xf32, #tpu.memory_space<hbm>> -> memref<166400000xf32, #tpu.memory_space<hbm>>
      tpu.enqueue_indirect_dma source(%dma_start3A_836 : memref<166400000xf32, #tpu.memory_space<hbm>>) target(%dma_start3A_831 : memref<128xf32, #tpu.memory_space<vmem>>) offsets(%dma_start3A_834 : memref<128xi32, #tpu.memory_space<vmem>>) semaphore(%arg12 : memref<!tpu.dma_semaphore, #tpu.memory_space<semaphore_mem>>)
      %dma_start3A_837 = arith.constant 31 : i32
      %dma_start3A_838 = arith.constant 31 : i32
      %dma_start3A_839 = arith.constant 0 : i32
      %dma_start3A_840 = tpu.memref_slice %arg9[%dma_start3A_838, %dma_start3A_839] : memref<64x128xf32, #tpu.memory_space<vmem>> -> memref<1x128xf32, #tpu.memory_space<vmem>>
      %dma_start3A_841 = tpu.memref_squeeze %dma_start3A_840 : memref<1x128xf32, #tpu.memory_space<vmem>> -> memref<128xf32, #tpu.memory_space<vmem>>
      %dma_start3A_842 = arith.constant 0 : i32
      %dma_start3A_843 = tpu.memref_slice %arg8[%dma_start3A_837, %dma_start3A_842] : memref<64x128xi32, #tpu.memory_space<vmem>> -> memref<1x128xi32, #tpu.memory_space<vmem>>
      %dma_start3A_844 = tpu.memref_squeeze %dma_start3A_843 : memref<1x128xi32, #tpu.memory_space<vmem>> -> memref<128xi32, #tpu.memory_space<vmem>>
      %dma_start3A_845 = arith.constant 0 : i32
      %dma_start3A_846 = tpu.memref_slice %arg2[%dma_start3A_845] : memref<166400000xf32, #tpu.memory_space<hbm>> -> memref<166400000xf32, #tpu.memory_space<hbm>>
      tpu.enqueue_indirect_dma source(%dma_start3A_846 : memref<166400000xf32, #tpu.memory_space<hbm>>) target(%dma_start3A_841 : memref<128xf32, #tpu.memory_space<vmem>>) offsets(%dma_start3A_844 : memref<128xi32, #tpu.memory_space<vmem>>) semaphore(%arg12 : memref<!tpu.dma_semaphore, #tpu.memory_space<semaphore_mem>>)
      %dma_start3A_847 = arith.constant 32 : i32
      %dma_start3A_848 = arith.constant 32 : i32
      %dma_start3A_849 = arith.constant 0 : i32
      %dma_start3A_850 = tpu.memref_slice %arg9[%dma_start3A_848, %dma_start3A_849] : memref<64x128xf32, #tpu.memory_space<vmem>> -> memref<1x128xf32, #tpu.memory_space<vmem>>
      %dma_start3A_851 = tpu.memref_squeeze %dma_start3A_850 : memref<1x128xf32, #tpu.memory_space<vmem>> -> memref<128xf32, #tpu.memory_space<vmem>>
      %dma_start3A_852 = arith.constant 0 : i32
      %dma_start3A_853 = tpu.memref_slice %arg8[%dma_start3A_847, %dma_start3A_852] : memref<64x128xi32, #tpu.memory_space<vmem>> -> memref<1x128xi32, #tpu.memory_space<vmem>>
      %dma_start3A_854 = tpu.memref_squeeze %dma_start3A_853 : memref<1x128xi32, #tpu.memory_space<vmem>> -> memref<128xi32, #tpu.memory_space<vmem>>
      %dma_start3A_855 = arith.constant 0 : i32
      %dma_start3A_856 = tpu.memref_slice %arg2[%dma_start3A_855] : memref<166400000xf32, #tpu.memory_space<hbm>> -> memref<166400000xf32, #tpu.memory_space<hbm>>
      tpu.enqueue_indirect_dma source(%dma_start3A_856 : memref<166400000xf32, #tpu.memory_space<hbm>>) target(%dma_start3A_851 : memref<128xf32, #tpu.memory_space<vmem>>) offsets(%dma_start3A_854 : memref<128xi32, #tpu.memory_space<vmem>>) semaphore(%arg12 : memref<!tpu.dma_semaphore, #tpu.memory_space<semaphore_mem>>)
      %dma_start3A_857 = arith.constant 33 : i32
      %dma_start3A_858 = arith.constant 33 : i32
      %dma_start3A_859 = arith.constant 0 : i32
      %dma_start3A_860 = tpu.memref_slice %arg9[%dma_start3A_858, %dma_start3A_859] : memref<64x128xf32, #tpu.memory_space<vmem>> -> memref<1x128xf32, #tpu.memory_space<vmem>>
      %dma_start3A_861 = tpu.memref_squeeze %dma_start3A_860 : memref<1x128xf32, #tpu.memory_space<vmem>> -> memref<128xf32, #tpu.memory_space<vmem>>
      %dma_start3A_862 = arith.constant 0 : i32
      %dma_start3A_863 = tpu.memref_slice %arg8[%dma_start3A_857, %dma_start3A_862] : memref<64x128xi32, #tpu.memory_space<vmem>> -> memref<1x128xi32, #tpu.memory_space<vmem>>
      %dma_start3A_864 = tpu.memref_squeeze %dma_start3A_863 : memref<1x128xi32, #tpu.memory_space<vmem>> -> memref<128xi32, #tpu.memory_space<vmem>>
      %dma_start3A_865 = arith.constant 0 : i32
      %dma_start3A_866 = tpu.memref_slice %arg2[%dma_start3A_865] : memref<166400000xf32, #tpu.memory_space<hbm>> -> memref<166400000xf32, #tpu.memory_space<hbm>>
      tpu.enqueue_indirect_dma source(%dma_start3A_866 : memref<166400000xf32, #tpu.memory_space<hbm>>) target(%dma_start3A_861 : memref<128xf32, #tpu.memory_space<vmem>>) offsets(%dma_start3A_864 : memref<128xi32, #tpu.memory_space<vmem>>) semaphore(%arg12 : memref<!tpu.dma_semaphore, #tpu.memory_space<semaphore_mem>>)
      %dma_start3A_867 = arith.constant 34 : i32
      %dma_start3A_868 = arith.constant 34 : i32
      %dma_start3A_869 = arith.constant 0 : i32
      %dma_start3A_870 = tpu.memref_slice %arg9[%dma_start3A_868, %dma_start3A_869] : memref<64x128xf32, #tpu.memory_space<vmem>> -> memref<1x128xf32, #tpu.memory_space<vmem>>
      %dma_start3A_871 = tpu.memref_squeeze %dma_start3A_870 : memref<1x128xf32, #tpu.memory_space<vmem>> -> memref<128xf32, #tpu.memory_space<vmem>>
      %dma_start3A_872 = arith.constant 0 : i32
      %dma_start3A_873 = tpu.memref_slice %arg8[%dma_start3A_867, %dma_start3A_872] : memref<64x128xi32, #tpu.memory_space<vmem>> -> memref<1x128xi32, #tpu.memory_space<vmem>>
      %dma_start3A_874 = tpu.memref_squeeze %dma_start3A_873 : memref<1x128xi32, #tpu.memory_space<vmem>> -> memref<128xi32, #tpu.memory_space<vmem>>
      %dma_start3A_875 = arith.constant 0 : i32
      %dma_start3A_876 = tpu.memref_slice %arg2[%dma_start3A_875] : memref<166400000xf32, #tpu.memory_space<hbm>> -> memref<166400000xf32, #tpu.memory_space<hbm>>
      tpu.enqueue_indirect_dma source(%dma_start3A_876 : memref<166400000xf32, #tpu.memory_space<hbm>>) target(%dma_start3A_871 : memref<128xf32, #tpu.memory_space<vmem>>) offsets(%dma_start3A_874 : memref<128xi32, #tpu.memory_space<vmem>>) semaphore(%arg12 : memref<!tpu.dma_semaphore, #tpu.memory_space<semaphore_mem>>)
      %dma_start3A_877 = arith.constant 35 : i32
      %dma_start3A_878 = arith.constant 35 : i32
      %dma_start3A_879 = arith.constant 0 : i32
      %dma_start3A_880 = tpu.memref_slice %arg9[%dma_start3A_878, %dma_start3A_879] : memref<64x128xf32, #tpu.memory_space<vmem>> -> memref<1x128xf32, #tpu.memory_space<vmem>>
      %dma_start3A_881 = tpu.memref_squeeze %dma_start3A_880 : memref<1x128xf32, #tpu.memory_space<vmem>> -> memref<128xf32, #tpu.memory_space<vmem>>
      %dma_start3A_882 = arith.constant 0 : i32
      %dma_start3A_883 = tpu.memref_slice %arg8[%dma_start3A_877, %dma_start3A_882] : memref<64x128xi32, #tpu.memory_space<vmem>> -> memref<1x128xi32, #tpu.memory_space<vmem>>
      %dma_start3A_884 = tpu.memref_squeeze %dma_start3A_883 : memref<1x128xi32, #tpu.memory_space<vmem>> -> memref<128xi32, #tpu.memory_space<vmem>>
      %dma_start3A_885 = arith.constant 0 : i32
      %dma_start3A_886 = tpu.memref_slice %arg2[%dma_start3A_885] : memref<166400000xf32, #tpu.memory_space<hbm>> -> memref<166400000xf32, #tpu.memory_space<hbm>>
      tpu.enqueue_indirect_dma source(%dma_start3A_886 : memref<166400000xf32, #tpu.memory_space<hbm>>) target(%dma_start3A_881 : memref<128xf32, #tpu.memory_space<vmem>>) offsets(%dma_start3A_884 : memref<128xi32, #tpu.memory_space<vmem>>) semaphore(%arg12 : memref<!tpu.dma_semaphore, #tpu.memory_space<semaphore_mem>>)
      %dma_start3A_887 = arith.constant 36 : i32
      %dma_start3A_888 = arith.constant 36 : i32
      %dma_start3A_889 = arith.constant 0 : i32
      %dma_start3A_890 = tpu.memref_slice %arg9[%dma_start3A_888, %dma_start3A_889] : memref<64x128xf32, #tpu.memory_space<vmem>> -> memref<1x128xf32, #tpu.memory_space<vmem>>
      %dma_start3A_891 = tpu.memref_squeeze %dma_start3A_890 : memref<1x128xf32, #tpu.memory_space<vmem>> -> memref<128xf32, #tpu.memory_space<vmem>>
      %dma_start3A_892 = arith.constant 0 : i32
      %dma_start3A_893 = tpu.memref_slice %arg8[%dma_start3A_887, %dma_start3A_892] : memref<64x128xi32, #tpu.memory_space<vmem>> -> memref<1x128xi32, #tpu.memory_space<vmem>>
      %dma_start3A_894 = tpu.memref_squeeze %dma_start3A_893 : memref<1x128xi32, #tpu.memory_space<vmem>> -> memref<128xi32, #tpu.memory_space<vmem>>
      %dma_start3A_895 = arith.constant 0 : i32
      %dma_start3A_896 = tpu.memref_slice %arg2[%dma_start3A_895] : memref<166400000xf32, #tpu.memory_space<hbm>> -> memref<166400000xf32, #tpu.memory_space<hbm>>
      tpu.enqueue_indirect_dma source(%dma_start3A_896 : memref<166400000xf32, #tpu.memory_space<hbm>>) target(%dma_start3A_891 : memref<128xf32, #tpu.memory_space<vmem>>) offsets(%dma_start3A_894 : memref<128xi32, #tpu.memory_space<vmem>>) semaphore(%arg12 : memref<!tpu.dma_semaphore, #tpu.memory_space<semaphore_mem>>)
      %dma_start3A_897 = arith.constant 37 : i32
      %dma_start3A_898 = arith.constant 37 : i32
      %dma_start3A_899 = arith.constant 0 : i32
      %dma_start3A_900 = tpu.memref_slice %arg9[%dma_start3A_898, %dma_start3A_899] : memref<64x128xf32, #tpu.memory_space<vmem>> -> memref<1x128xf32, #tpu.memory_space<vmem>>
      %dma_start3A_901 = tpu.memref_squeeze %dma_start3A_900 : memref<1x128xf32, #tpu.memory_space<vmem>> -> memref<128xf32, #tpu.memory_space<vmem>>
      %dma_start3A_902 = arith.constant 0 : i32
      %dma_start3A_903 = tpu.memref_slice %arg8[%dma_start3A_897, %dma_start3A_902] : memref<64x128xi32, #tpu.memory_space<vmem>> -> memref<1x128xi32, #tpu.memory_space<vmem>>
      %dma_start3A_904 = tpu.memref_squeeze %dma_start3A_903 : memref<1x128xi32, #tpu.memory_space<vmem>> -> memref<128xi32, #tpu.memory_space<vmem>>
      %dma_start3A_905 = arith.constant 0 : i32
      %dma_start3A_906 = tpu.memref_slice %arg2[%dma_start3A_905] : memref<166400000xf32, #tpu.memory_space<hbm>> -> memref<166400000xf32, #tpu.memory_space<hbm>>
      tpu.enqueue_indirect_dma source(%dma_start3A_906 : memref<166400000xf32, #tpu.memory_space<hbm>>) target(%dma_start3A_901 : memref<128xf32, #tpu.memory_space<vmem>>) offsets(%dma_start3A_904 : memref<128xi32, #tpu.memory_space<vmem>>) semaphore(%arg12 : memref<!tpu.dma_semaphore, #tpu.memory_space<semaphore_mem>>)
      %dma_start3A_907 = arith.constant 38 : i32
      %dma_start3A_908 = arith.constant 38 : i32
      %dma_start3A_909 = arith.constant 0 : i32
      %dma_start3A_910 = tpu.memref_slice %arg9[%dma_start3A_908, %dma_start3A_909] : memref<64x128xf32, #tpu.memory_space<vmem>> -> memref<1x128xf32, #tpu.memory_space<vmem>>
      %dma_start3A_911 = tpu.memref_squeeze %dma_start3A_910 : memref<1x128xf32, #tpu.memory_space<vmem>> -> memref<128xf32, #tpu.memory_space<vmem>>
      %dma_start3A_912 = arith.constant 0 : i32
      %dma_start3A_913 = tpu.memref_slice %arg8[%dma_start3A_907, %dma_start3A_912] : memref<64x128xi32, #tpu.memory_space<vmem>> -> memref<1x128xi32, #tpu.memory_space<vmem>>
      %dma_start3A_914 = tpu.memref_squeeze %dma_start3A_913 : memref<1x128xi32, #tpu.memory_space<vmem>> -> memref<128xi32, #tpu.memory_space<vmem>>
      %dma_start3A_915 = arith.constant 0 : i32
      %dma_start3A_916 = tpu.memref_slice %arg2[%dma_start3A_915] : memref<166400000xf32, #tpu.memory_space<hbm>> -> memref<166400000xf32, #tpu.memory_space<hbm>>
      tpu.enqueue_indirect_dma source(%dma_start3A_916 : memref<166400000xf32, #tpu.memory_space<hbm>>) target(%dma_start3A_911 : memref<128xf32, #tpu.memory_space<vmem>>) offsets(%dma_start3A_914 : memref<128xi32, #tpu.memory_space<vmem>>) semaphore(%arg12 : memref<!tpu.dma_semaphore, #tpu.memory_space<semaphore_mem>>)
      %dma_start3A_917 = arith.constant 39 : i32
      %dma_start3A_918 = arith.constant 39 : i32
      %dma_start3A_919 = arith.constant 0 : i32
      %dma_start3A_920 = tpu.memref_slice %arg9[%dma_start3A_918, %dma_start3A_919] : memref<64x128xf32, #tpu.memory_space<vmem>> -> memref<1x128xf32, #tpu.memory_space<vmem>>
      %dma_start3A_921 = tpu.memref_squeeze %dma_start3A_920 : memref<1x128xf32, #tpu.memory_space<vmem>> -> memref<128xf32, #tpu.memory_space<vmem>>
      %dma_start3A_922 = arith.constant 0 : i32
      %dma_start3A_923 = tpu.memref_slice %arg8[%dma_start3A_917, %dma_start3A_922] : memref<64x128xi32, #tpu.memory_space<vmem>> -> memref<1x128xi32, #tpu.memory_space<vmem>>
      %dma_start3A_924 = tpu.memref_squeeze %dma_start3A_923 : memref<1x128xi32, #tpu.memory_space<vmem>> -> memref<128xi32, #tpu.memory_space<vmem>>
      %dma_start3A_925 = arith.constant 0 : i32
      %dma_start3A_926 = tpu.memref_slice %arg2[%dma_start3A_925] : memref<166400000xf32, #tpu.memory_space<hbm>> -> memref<166400000xf32, #tpu.memory_space<hbm>>
      tpu.enqueue_indirect_dma source(%dma_start3A_926 : memref<166400000xf32, #tpu.memory_space<hbm>>) target(%dma_start3A_921 : memref<128xf32, #tpu.memory_space<vmem>>) offsets(%dma_start3A_924 : memref<128xi32, #tpu.memory_space<vmem>>) semaphore(%arg12 : memref<!tpu.dma_semaphore, #tpu.memory_space<semaphore_mem>>)
      %dma_start3A_927 = arith.constant 40 : i32
      %dma_start3A_928 = arith.constant 40 : i32
      %dma_start3A_929 = arith.constant 0 : i32
      %dma_start3A_930 = tpu.memref_slice %arg9[%dma_start3A_928, %dma_start3A_929] : memref<64x128xf32, #tpu.memory_space<vmem>> -> memref<1x128xf32, #tpu.memory_space<vmem>>
      %dma_start3A_931 = tpu.memref_squeeze %dma_start3A_930 : memref<1x128xf32, #tpu.memory_space<vmem>> -> memref<128xf32, #tpu.memory_space<vmem>>
      %dma_start3A_932 = arith.constant 0 : i32
      %dma_start3A_933 = tpu.memref_slice %arg8[%dma_start3A_927, %dma_start3A_932] : memref<64x128xi32, #tpu.memory_space<vmem>> -> memref<1x128xi32, #tpu.memory_space<vmem>>
      %dma_start3A_934 = tpu.memref_squeeze %dma_start3A_933 : memref<1x128xi32, #tpu.memory_space<vmem>> -> memref<128xi32, #tpu.memory_space<vmem>>
      %dma_start3A_935 = arith.constant 0 : i32
      %dma_start3A_936 = tpu.memref_slice %arg2[%dma_start3A_935] : memref<166400000xf32, #tpu.memory_space<hbm>> -> memref<166400000xf32, #tpu.memory_space<hbm>>
      tpu.enqueue_indirect_dma source(%dma_start3A_936 : memref<166400000xf32, #tpu.memory_space<hbm>>) target(%dma_start3A_931 : memref<128xf32, #tpu.memory_space<vmem>>) offsets(%dma_start3A_934 : memref<128xi32, #tpu.memory_space<vmem>>) semaphore(%arg12 : memref<!tpu.dma_semaphore, #tpu.memory_space<semaphore_mem>>)
      %dma_start3A_937 = arith.constant 41 : i32
      %dma_start3A_938 = arith.constant 41 : i32
      %dma_start3A_939 = arith.constant 0 : i32
      %dma_start3A_940 = tpu.memref_slice %arg9[%dma_start3A_938, %dma_start3A_939] : memref<64x128xf32, #tpu.memory_space<vmem>> -> memref<1x128xf32, #tpu.memory_space<vmem>>
      %dma_start3A_941 = tpu.memref_squeeze %dma_start3A_940 : memref<1x128xf32, #tpu.memory_space<vmem>> -> memref<128xf32, #tpu.memory_space<vmem>>
      %dma_start3A_942 = arith.constant 0 : i32
      %dma_start3A_943 = tpu.memref_slice %arg8[%dma_start3A_937, %dma_start3A_942] : memref<64x128xi32, #tpu.memory_space<vmem>> -> memref<1x128xi32, #tpu.memory_space<vmem>>
      %dma_start3A_944 = tpu.memref_squeeze %dma_start3A_943 : memref<1x128xi32, #tpu.memory_space<vmem>> -> memref<128xi32, #tpu.memory_space<vmem>>
      %dma_start3A_945 = arith.constant 0 : i32
      %dma_start3A_946 = tpu.memref_slice %arg2[%dma_start3A_945] : memref<166400000xf32, #tpu.memory_space<hbm>> -> memref<166400000xf32, #tpu.memory_space<hbm>>
      tpu.enqueue_indirect_dma source(%dma_start3A_946 : memref<166400000xf32, #tpu.memory_space<hbm>>) target(%dma_start3A_941 : memref<128xf32, #tpu.memory_space<vmem>>) offsets(%dma_start3A_944 : memref<128xi32, #tpu.memory_space<vmem>>) semaphore(%arg12 : memref<!tpu.dma_semaphore, #tpu.memory_space<semaphore_mem>>)
      %dma_start3A_947 = arith.constant 42 : i32
      %dma_start3A_948 = arith.constant 42 : i32
      %dma_start3A_949 = arith.constant 0 : i32
      %dma_start3A_950 = tpu.memref_slice %arg9[%dma_start3A_948, %dma_start3A_949] : memref<64x128xf32, #tpu.memory_space<vmem>> -> memref<1x128xf32, #tpu.memory_space<vmem>>
      %dma_start3A_951 = tpu.memref_squeeze %dma_start3A_950 : memref<1x128xf32, #tpu.memory_space<vmem>> -> memref<128xf32, #tpu.memory_space<vmem>>
      %dma_start3A_952 = arith.constant 0 : i32
      %dma_start3A_953 = tpu.memref_slice %arg8[%dma_start3A_947, %dma_start3A_952] : memref<64x128xi32, #tpu.memory_space<vmem>> -> memref<1x128xi32, #tpu.memory_space<vmem>>
      %dma_start3A_954 = tpu.memref_squeeze %dma_start3A_953 : memref<1x128xi32, #tpu.memory_space<vmem>> -> memref<128xi32, #tpu.memory_space<vmem>>
      %dma_start3A_955 = arith.constant 0 : i32
      %dma_start3A_956 = tpu.memref_slice %arg2[%dma_start3A_955] : memref<166400000xf32, #tpu.memory_space<hbm>> -> memref<166400000xf32, #tpu.memory_space<hbm>>
      tpu.enqueue_indirect_dma source(%dma_start3A_956 : memref<166400000xf32, #tpu.memory_space<hbm>>) target(%dma_start3A_951 : memref<128xf32, #tpu.memory_space<vmem>>) offsets(%dma_start3A_954 : memref<128xi32, #tpu.memory_space<vmem>>) semaphore(%arg12 : memref<!tpu.dma_semaphore, #tpu.memory_space<semaphore_mem>>)
      %dma_start3A_957 = arith.constant 43 : i32
      %dma_start3A_958 = arith.constant 43 : i32
      %dma_start3A_959 = arith.constant 0 : i32
      %dma_start3A_960 = tpu.memref_slice %arg9[%dma_start3A_958, %dma_start3A_959] : memref<64x128xf32, #tpu.memory_space<vmem>> -> memref<1x128xf32, #tpu.memory_space<vmem>>
      %dma_start3A_961 = tpu.memref_squeeze %dma_start3A_960 : memref<1x128xf32, #tpu.memory_space<vmem>> -> memref<128xf32, #tpu.memory_space<vmem>>
      %dma_start3A_962 = arith.constant 0 : i32
      %dma_start3A_963 = tpu.memref_slice %arg8[%dma_start3A_957, %dma_start3A_962] : memref<64x128xi32, #tpu.memory_space<vmem>> -> memref<1x128xi32, #tpu.memory_space<vmem>>
      %dma_start3A_964 = tpu.memref_squeeze %dma_start3A_963 : memref<1x128xi32, #tpu.memory_space<vmem>> -> memref<128xi32, #tpu.memory_space<vmem>>
      %dma_start3A_965 = arith.constant 0 : i32
      %dma_start3A_966 = tpu.memref_slice %arg2[%dma_start3A_965] : memref<166400000xf32, #tpu.memory_space<hbm>> -> memref<166400000xf32, #tpu.memory_space<hbm>>
      tpu.enqueue_indirect_dma source(%dma_start3A_966 : memref<166400000xf32, #tpu.memory_space<hbm>>) target(%dma_start3A_961 : memref<128xf32, #tpu.memory_space<vmem>>) offsets(%dma_start3A_964 : memref<128xi32, #tpu.memory_space<vmem>>) semaphore(%arg12 : memref<!tpu.dma_semaphore, #tpu.memory_space<semaphore_mem>>)
      %dma_start3A_967 = arith.constant 44 : i32
      %dma_start3A_968 = arith.constant 44 : i32
      %dma_start3A_969 = arith.constant 0 : i32
      %dma_start3A_970 = tpu.memref_slice %arg9[%dma_start3A_968, %dma_start3A_969] : memref<64x128xf32, #tpu.memory_space<vmem>> -> memref<1x128xf32, #tpu.memory_space<vmem>>
      %dma_start3A_971 = tpu.memref_squeeze %dma_start3A_970 : memref<1x128xf32, #tpu.memory_space<vmem>> -> memref<128xf32, #tpu.memory_space<vmem>>
      %dma_start3A_972 = arith.constant 0 : i32
      %dma_start3A_973 = tpu.memref_slice %arg8[%dma_start3A_967, %dma_start3A_972] : memref<64x128xi32, #tpu.memory_space<vmem>> -> memref<1x128xi32, #tpu.memory_space<vmem>>
      %dma_start3A_974 = tpu.memref_squeeze %dma_start3A_973 : memref<1x128xi32, #tpu.memory_space<vmem>> -> memref<128xi32, #tpu.memory_space<vmem>>
      %dma_start3A_975 = arith.constant 0 : i32
      %dma_start3A_976 = tpu.memref_slice %arg2[%dma_start3A_975] : memref<166400000xf32, #tpu.memory_space<hbm>> -> memref<166400000xf32, #tpu.memory_space<hbm>>
      tpu.enqueue_indirect_dma source(%dma_start3A_976 : memref<166400000xf32, #tpu.memory_space<hbm>>) target(%dma_start3A_971 : memref<128xf32, #tpu.memory_space<vmem>>) offsets(%dma_start3A_974 : memref<128xi32, #tpu.memory_space<vmem>>) semaphore(%arg12 : memref<!tpu.dma_semaphore, #tpu.memory_space<semaphore_mem>>)
      %dma_start3A_977 = arith.constant 45 : i32
      %dma_start3A_978 = arith.constant 45 : i32
      %dma_start3A_979 = arith.constant 0 : i32
      %dma_start3A_980 = tpu.memref_slice %arg9[%dma_start3A_978, %dma_start3A_979] : memref<64x128xf32, #tpu.memory_space<vmem>> -> memref<1x128xf32, #tpu.memory_space<vmem>>
      %dma_start3A_981 = tpu.memref_squeeze %dma_start3A_980 : memref<1x128xf32, #tpu.memory_space<vmem>> -> memref<128xf32, #tpu.memory_space<vmem>>
      %dma_start3A_982 = arith.constant 0 : i32
      %dma_start3A_983 = tpu.memref_slice %arg8[%dma_start3A_977, %dma_start3A_982] : memref<64x128xi32, #tpu.memory_space<vmem>> -> memref<1x128xi32, #tpu.memory_space<vmem>>
      %dma_start3A_984 = tpu.memref_squeeze %dma_start3A_983 : memref<1x128xi32, #tpu.memory_space<vmem>> -> memref<128xi32, #tpu.memory_space<vmem>>
      %dma_start3A_985 = arith.constant 0 : i32
      %dma_start3A_986 = tpu.memref_slice %arg2[%dma_start3A_985] : memref<166400000xf32, #tpu.memory_space<hbm>> -> memref<166400000xf32, #tpu.memory_space<hbm>>
      tpu.enqueue_indirect_dma source(%dma_start3A_986 : memref<166400000xf32, #tpu.memory_space<hbm>>) target(%dma_start3A_981 : memref<128xf32, #tpu.memory_space<vmem>>) offsets(%dma_start3A_984 : memref<128xi32, #tpu.memory_space<vmem>>) semaphore(%arg12 : memref<!tpu.dma_semaphore, #tpu.memory_space<semaphore_mem>>)
      %dma_start3A_987 = arith.constant 46 : i32
      %dma_start3A_988 = arith.constant 46 : i32
      %dma_start3A_989 = arith.constant 0 : i32
      %dma_start3A_990 = tpu.memref_slice %arg9[%dma_start3A_988, %dma_start3A_989] : memref<64x128xf32, #tpu.memory_space<vmem>> -> memref<1x128xf32, #tpu.memory_space<vmem>>
      %dma_start3A_991 = tpu.memref_squeeze %dma_start3A_990 : memref<1x128xf32, #tpu.memory_space<vmem>> -> memref<128xf32, #tpu.memory_space<vmem>>
      %dma_start3A_992 = arith.constant 0 : i32
      %dma_start3A_993 = tpu.memref_slice %arg8[%dma_start3A_987, %dma_start3A_992] : memref<64x128xi32, #tpu.memory_space<vmem>> -> memref<1x128xi32, #tpu.memory_space<vmem>>
      %dma_start3A_994 = tpu.memref_squeeze %dma_start3A_993 : memref<1x128xi32, #tpu.memory_space<vmem>> -> memref<128xi32, #tpu.memory_space<vmem>>
      %dma_start3A_995 = arith.constant 0 : i32
      %dma_start3A_996 = tpu.memref_slice %arg2[%dma_start3A_995] : memref<166400000xf32, #tpu.memory_space<hbm>> -> memref<166400000xf32, #tpu.memory_space<hbm>>
      tpu.enqueue_indirect_dma source(%dma_start3A_996 : memref<166400000xf32, #tpu.memory_space<hbm>>) target(%dma_start3A_991 : memref<128xf32, #tpu.memory_space<vmem>>) offsets(%dma_start3A_994 : memref<128xi32, #tpu.memory_space<vmem>>) semaphore(%arg12 : memref<!tpu.dma_semaphore, #tpu.memory_space<semaphore_mem>>)
      %dma_start3A_997 = arith.constant 47 : i32
      %dma_start3A_998 = arith.constant 47 : i32
      %dma_start3A_999 = arith.constant 0 : i32
      %dma_start3A_1000 = tpu.memref_slice %arg9[%dma_start3A_998, %dma_start3A_999] : memref<64x128xf32, #tpu.memory_space<vmem>> -> memref<1x128xf32, #tpu.memory_space<vmem>>
      %dma_start3A_1001 = tpu.memref_squeeze %dma_start3A_1000 : memref<1x128xf32, #tpu.memory_space<vmem>> -> memref<128xf32, #tpu.memory_space<vmem>>
      %dma_start3A_1002 = arith.constant 0 : i32
      %dma_start3A_1003 = tpu.memref_slice %arg8[%dma_start3A_997, %dma_start3A_1002] : memref<64x128xi32, #tpu.memory_space<vmem>> -> memref<1x128xi32, #tpu.memory_space<vmem>>
      %dma_start3A_1004 = tpu.memref_squeeze %dma_start3A_1003 : memref<1x128xi32, #tpu.memory_space<vmem>> -> memref<128xi32, #tpu.memory_space<vmem>>
      %dma_start3A_1005 = arith.constant 0 : i32
      %dma_start3A_1006 = tpu.memref_slice %arg2[%dma_start3A_1005] : memref<166400000xf32, #tpu.memory_space<hbm>> -> memref<166400000xf32, #tpu.memory_space<hbm>>
      tpu.enqueue_indirect_dma source(%dma_start3A_1006 : memref<166400000xf32, #tpu.memory_space<hbm>>) target(%dma_start3A_1001 : memref<128xf32, #tpu.memory_space<vmem>>) offsets(%dma_start3A_1004 : memref<128xi32, #tpu.memory_space<vmem>>) semaphore(%arg12 : memref<!tpu.dma_semaphore, #tpu.memory_space<semaphore_mem>>)
      %dma_start3A_1007 = arith.constant 48 : i32
      %dma_start3A_1008 = arith.constant 48 : i32
      %dma_start3A_1009 = arith.constant 0 : i32
      %dma_start3A_1010 = tpu.memref_slice %arg9[%dma_start3A_1008, %dma_start3A_1009] : memref<64x128xf32, #tpu.memory_space<vmem>> -> memref<1x128xf32, #tpu.memory_space<vmem>>
      %dma_start3A_1011 = tpu.memref_squeeze %dma_start3A_1010 : memref<1x128xf32, #tpu.memory_space<vmem>> -> memref<128xf32, #tpu.memory_space<vmem>>
      %dma_start3A_1012 = arith.constant 0 : i32
      %dma_start3A_1013 = tpu.memref_slice %arg8[%dma_start3A_1007, %dma_start3A_1012] : memref<64x128xi32, #tpu.memory_space<vmem>> -> memref<1x128xi32, #tpu.memory_space<vmem>>
      %dma_start3A_1014 = tpu.memref_squeeze %dma_start3A_1013 : memref<1x128xi32, #tpu.memory_space<vmem>> -> memref<128xi32, #tpu.memory_space<vmem>>
      %dma_start3A_1015 = arith.constant 0 : i32
      %dma_start3A_1016 = tpu.memref_slice %arg2[%dma_start3A_1015] : memref<166400000xf32, #tpu.memory_space<hbm>> -> memref<166400000xf32, #tpu.memory_space<hbm>>
      tpu.enqueue_indirect_dma source(%dma_start3A_1016 : memref<166400000xf32, #tpu.memory_space<hbm>>) target(%dma_start3A_1011 : memref<128xf32, #tpu.memory_space<vmem>>) offsets(%dma_start3A_1014 : memref<128xi32, #tpu.memory_space<vmem>>) semaphore(%arg12 : memref<!tpu.dma_semaphore, #tpu.memory_space<semaphore_mem>>)
      %dma_start3A_1017 = arith.constant 49 : i32
      %dma_start3A_1018 = arith.constant 49 : i32
      %dma_start3A_1019 = arith.constant 0 : i32
      %dma_start3A_1020 = tpu.memref_slice %arg9[%dma_start3A_1018, %dma_start3A_1019] : memref<64x128xf32, #tpu.memory_space<vmem>> -> memref<1x128xf32, #tpu.memory_space<vmem>>
      %dma_start3A_1021 = tpu.memref_squeeze %dma_start3A_1020 : memref<1x128xf32, #tpu.memory_space<vmem>> -> memref<128xf32, #tpu.memory_space<vmem>>
      %dma_start3A_1022 = arith.constant 0 : i32
      %dma_start3A_1023 = tpu.memref_slice %arg8[%dma_start3A_1017, %dma_start3A_1022] : memref<64x128xi32, #tpu.memory_space<vmem>> -> memref<1x128xi32, #tpu.memory_space<vmem>>
      %dma_start3A_1024 = tpu.memref_squeeze %dma_start3A_1023 : memref<1x128xi32, #tpu.memory_space<vmem>> -> memref<128xi32, #tpu.memory_space<vmem>>
      %dma_start3A_1025 = arith.constant 0 : i32
      %dma_start3A_1026 = tpu.memref_slice %arg2[%dma_start3A_1025] : memref<166400000xf32, #tpu.memory_space<hbm>> -> memref<166400000xf32, #tpu.memory_space<hbm>>
      tpu.enqueue_indirect_dma source(%dma_start3A_1026 : memref<166400000xf32, #tpu.memory_space<hbm>>) target(%dma_start3A_1021 : memref<128xf32, #tpu.memory_space<vmem>>) offsets(%dma_start3A_1024 : memref<128xi32, #tpu.memory_space<vmem>>) semaphore(%arg12 : memref<!tpu.dma_semaphore, #tpu.memory_space<semaphore_mem>>)
      %dma_start3A_1027 = arith.constant 50 : i32
      %dma_start3A_1028 = arith.constant 50 : i32
      %dma_start3A_1029 = arith.constant 0 : i32
      %dma_start3A_1030 = tpu.memref_slice %arg9[%dma_start3A_1028, %dma_start3A_1029] : memref<64x128xf32, #tpu.memory_space<vmem>> -> memref<1x128xf32, #tpu.memory_space<vmem>>
      %dma_start3A_1031 = tpu.memref_squeeze %dma_start3A_1030 : memref<1x128xf32, #tpu.memory_space<vmem>> -> memref<128xf32, #tpu.memory_space<vmem>>
      %dma_start3A_1032 = arith.constant 0 : i32
      %dma_start3A_1033 = tpu.memref_slice %arg8[%dma_start3A_1027, %dma_start3A_1032] : memref<64x128xi32, #tpu.memory_space<vmem>> -> memref<1x128xi32, #tpu.memory_space<vmem>>
      %dma_start3A_1034 = tpu.memref_squeeze %dma_start3A_1033 : memref<1x128xi32, #tpu.memory_space<vmem>> -> memref<128xi32, #tpu.memory_space<vmem>>
      %dma_start3A_1035 = arith.constant 0 : i32
      %dma_start3A_1036 = tpu.memref_slice %arg2[%dma_start3A_1035] : memref<166400000xf32, #tpu.memory_space<hbm>> -> memref<166400000xf32, #tpu.memory_space<hbm>>
      tpu.enqueue_indirect_dma source(%dma_start3A_1036 : memref<166400000xf32, #tpu.memory_space<hbm>>) target(%dma_start3A_1031 : memref<128xf32, #tpu.memory_space<vmem>>) offsets(%dma_start3A_1034 : memref<128xi32, #tpu.memory_space<vmem>>) semaphore(%arg12 : memref<!tpu.dma_semaphore, #tpu.memory_space<semaphore_mem>>)
      %dma_start3A_1037 = arith.constant 51 : i32
      %dma_start3A_1038 = arith.constant 51 : i32
      %dma_start3A_1039 = arith.constant 0 : i32
      %dma_start3A_1040 = tpu.memref_slice %arg9[%dma_start3A_1038, %dma_start3A_1039] : memref<64x128xf32, #tpu.memory_space<vmem>> -> memref<1x128xf32, #tpu.memory_space<vmem>>
      %dma_start3A_1041 = tpu.memref_squeeze %dma_start3A_1040 : memref<1x128xf32, #tpu.memory_space<vmem>> -> memref<128xf32, #tpu.memory_space<vmem>>
      %dma_start3A_1042 = arith.constant 0 : i32
      %dma_start3A_1043 = tpu.memref_slice %arg8[%dma_start3A_1037, %dma_start3A_1042] : memref<64x128xi32, #tpu.memory_space<vmem>> -> memref<1x128xi32, #tpu.memory_space<vmem>>
      %dma_start3A_1044 = tpu.memref_squeeze %dma_start3A_1043 : memref<1x128xi32, #tpu.memory_space<vmem>> -> memref<128xi32, #tpu.memory_space<vmem>>
      %dma_start3A_1045 = arith.constant 0 : i32
      %dma_start3A_1046 = tpu.memref_slice %arg2[%dma_start3A_1045] : memref<166400000xf32, #tpu.memory_space<hbm>> -> memref<166400000xf32, #tpu.memory_space<hbm>>
      tpu.enqueue_indirect_dma source(%dma_start3A_1046 : memref<166400000xf32, #tpu.memory_space<hbm>>) target(%dma_start3A_1041 : memref<128xf32, #tpu.memory_space<vmem>>) offsets(%dma_start3A_1044 : memref<128xi32, #tpu.memory_space<vmem>>) semaphore(%arg12 : memref<!tpu.dma_semaphore, #tpu.memory_space<semaphore_mem>>)
      %dma_start3A_1047 = arith.constant 52 : i32
      %dma_start3A_1048 = arith.constant 52 : i32
      %dma_start3A_1049 = arith.constant 0 : i32
      %dma_start3A_1050 = tpu.memref_slice %arg9[%dma_start3A_1048, %dma_start3A_1049] : memref<64x128xf32, #tpu.memory_space<vmem>> -> memref<1x128xf32, #tpu.memory_space<vmem>>
      %dma_start3A_1051 = tpu.memref_squeeze %dma_start3A_1050 : memref<1x128xf32, #tpu.memory_space<vmem>> -> memref<128xf32, #tpu.memory_space<vmem>>
      %dma_start3A_1052 = arith.constant 0 : i32
      %dma_start3A_1053 = tpu.memref_slice %arg8[%dma_start3A_1047, %dma_start3A_1052] : memref<64x128xi32, #tpu.memory_space<vmem>> -> memref<1x128xi32, #tpu.memory_space<vmem>>
      %dma_start3A_1054 = tpu.memref_squeeze %dma_start3A_1053 : memref<1x128xi32, #tpu.memory_space<vmem>> -> memref<128xi32, #tpu.memory_space<vmem>>
      %dma_start3A_1055 = arith.constant 0 : i32
      %dma_start3A_1056 = tpu.memref_slice %arg2[%dma_start3A_1055] : memref<166400000xf32, #tpu.memory_space<hbm>> -> memref<166400000xf32, #tpu.memory_space<hbm>>
      tpu.enqueue_indirect_dma source(%dma_start3A_1056 : memref<166400000xf32, #tpu.memory_space<hbm>>) target(%dma_start3A_1051 : memref<128xf32, #tpu.memory_space<vmem>>) offsets(%dma_start3A_1054 : memref<128xi32, #tpu.memory_space<vmem>>) semaphore(%arg12 : memref<!tpu.dma_semaphore, #tpu.memory_space<semaphore_mem>>)
      %dma_start3A_1057 = arith.constant 53 : i32
      %dma_start3A_1058 = arith.constant 53 : i32
      %dma_start3A_1059 = arith.constant 0 : i32
      %dma_start3A_1060 = tpu.memref_slice %arg9[%dma_start3A_1058, %dma_start3A_1059] : memref<64x128xf32, #tpu.memory_space<vmem>> -> memref<1x128xf32, #tpu.memory_space<vmem>>
      %dma_start3A_1061 = tpu.memref_squeeze %dma_start3A_1060 : memref<1x128xf32, #tpu.memory_space<vmem>> -> memref<128xf32, #tpu.memory_space<vmem>>
      %dma_start3A_1062 = arith.constant 0 : i32
      %dma_start3A_1063 = tpu.memref_slice %arg8[%dma_start3A_1057, %dma_start3A_1062] : memref<64x128xi32, #tpu.memory_space<vmem>> -> memref<1x128xi32, #tpu.memory_space<vmem>>
      %dma_start3A_1064 = tpu.memref_squeeze %dma_start3A_1063 : memref<1x128xi32, #tpu.memory_space<vmem>> -> memref<128xi32, #tpu.memory_space<vmem>>
      %dma_start3A_1065 = arith.constant 0 : i32
      %dma_start3A_1066 = tpu.memref_slice %arg2[%dma_start3A_1065] : memref<166400000xf32, #tpu.memory_space<hbm>> -> memref<166400000xf32, #tpu.memory_space<hbm>>
      tpu.enqueue_indirect_dma source(%dma_start3A_1066 : memref<166400000xf32, #tpu.memory_space<hbm>>) target(%dma_start3A_1061 : memref<128xf32, #tpu.memory_space<vmem>>) offsets(%dma_start3A_1064 : memref<128xi32, #tpu.memory_space<vmem>>) semaphore(%arg12 : memref<!tpu.dma_semaphore, #tpu.memory_space<semaphore_mem>>)
      %dma_start3A_1067 = arith.constant 54 : i32
      %dma_start3A_1068 = arith.constant 54 : i32
      %dma_start3A_1069 = arith.constant 0 : i32
      %dma_start3A_1070 = tpu.memref_slice %arg9[%dma_start3A_1068, %dma_start3A_1069] : memref<64x128xf32, #tpu.memory_space<vmem>> -> memref<1x128xf32, #tpu.memory_space<vmem>>
      %dma_start3A_1071 = tpu.memref_squeeze %dma_start3A_1070 : memref<1x128xf32, #tpu.memory_space<vmem>> -> memref<128xf32, #tpu.memory_space<vmem>>
      %dma_start3A_1072 = arith.constant 0 : i32
      %dma_start3A_1073 = tpu.memref_slice %arg8[%dma_start3A_1067, %dma_start3A_1072] : memref<64x128xi32, #tpu.memory_space<vmem>> -> memref<1x128xi32, #tpu.memory_space<vmem>>
      %dma_start3A_1074 = tpu.memref_squeeze %dma_start3A_1073 : memref<1x128xi32, #tpu.memory_space<vmem>> -> memref<128xi32, #tpu.memory_space<vmem>>
      %dma_start3A_1075 = arith.constant 0 : i32
      %dma_start3A_1076 = tpu.memref_slice %arg2[%dma_start3A_1075] : memref<166400000xf32, #tpu.memory_space<hbm>> -> memref<166400000xf32, #tpu.memory_space<hbm>>
      tpu.enqueue_indirect_dma source(%dma_start3A_1076 : memref<166400000xf32, #tpu.memory_space<hbm>>) target(%dma_start3A_1071 : memref<128xf32, #tpu.memory_space<vmem>>) offsets(%dma_start3A_1074 : memref<128xi32, #tpu.memory_space<vmem>>) semaphore(%arg12 : memref<!tpu.dma_semaphore, #tpu.memory_space<semaphore_mem>>)
      %dma_start3A_1077 = arith.constant 55 : i32
      %dma_start3A_1078 = arith.constant 55 : i32
      %dma_start3A_1079 = arith.constant 0 : i32
      %dma_start3A_1080 = tpu.memref_slice %arg9[%dma_start3A_1078, %dma_start3A_1079] : memref<64x128xf32, #tpu.memory_space<vmem>> -> memref<1x128xf32, #tpu.memory_space<vmem>>
      %dma_start3A_1081 = tpu.memref_squeeze %dma_start3A_1080 : memref<1x128xf32, #tpu.memory_space<vmem>> -> memref<128xf32, #tpu.memory_space<vmem>>
      %dma_start3A_1082 = arith.constant 0 : i32
      %dma_start3A_1083 = tpu.memref_slice %arg8[%dma_start3A_1077, %dma_start3A_1082] : memref<64x128xi32, #tpu.memory_space<vmem>> -> memref<1x128xi32, #tpu.memory_space<vmem>>
      %dma_start3A_1084 = tpu.memref_squeeze %dma_start3A_1083 : memref<1x128xi32, #tpu.memory_space<vmem>> -> memref<128xi32, #tpu.memory_space<vmem>>
      %dma_start3A_1085 = arith.constant 0 : i32
      %dma_start3A_1086 = tpu.memref_slice %arg2[%dma_start3A_1085] : memref<166400000xf32, #tpu.memory_space<hbm>> -> memref<166400000xf32, #tpu.memory_space<hbm>>
      tpu.enqueue_indirect_dma source(%dma_start3A_1086 : memref<166400000xf32, #tpu.memory_space<hbm>>) target(%dma_start3A_1081 : memref<128xf32, #tpu.memory_space<vmem>>) offsets(%dma_start3A_1084 : memref<128xi32, #tpu.memory_space<vmem>>) semaphore(%arg12 : memref<!tpu.dma_semaphore, #tpu.memory_space<semaphore_mem>>)
      %dma_start3A_1087 = arith.constant 56 : i32
      %dma_start3A_1088 = arith.constant 56 : i32
      %dma_start3A_1089 = arith.constant 0 : i32
      %dma_start3A_1090 = tpu.memref_slice %arg9[%dma_start3A_1088, %dma_start3A_1089] : memref<64x128xf32, #tpu.memory_space<vmem>> -> memref<1x128xf32, #tpu.memory_space<vmem>>
      %dma_start3A_1091 = tpu.memref_squeeze %dma_start3A_1090 : memref<1x128xf32, #tpu.memory_space<vmem>> -> memref<128xf32, #tpu.memory_space<vmem>>
      %dma_start3A_1092 = arith.constant 0 : i32
      %dma_start3A_1093 = tpu.memref_slice %arg8[%dma_start3A_1087, %dma_start3A_1092] : memref<64x128xi32, #tpu.memory_space<vmem>> -> memref<1x128xi32, #tpu.memory_space<vmem>>
      %dma_start3A_1094 = tpu.memref_squeeze %dma_start3A_1093 : memref<1x128xi32, #tpu.memory_space<vmem>> -> memref<128xi32, #tpu.memory_space<vmem>>
      %dma_start3A_1095 = arith.constant 0 : i32
      %dma_start3A_1096 = tpu.memref_slice %arg2[%dma_start3A_1095] : memref<166400000xf32, #tpu.memory_space<hbm>> -> memref<166400000xf32, #tpu.memory_space<hbm>>
      tpu.enqueue_indirect_dma source(%dma_start3A_1096 : memref<166400000xf32, #tpu.memory_space<hbm>>) target(%dma_start3A_1091 : memref<128xf32, #tpu.memory_space<vmem>>) offsets(%dma_start3A_1094 : memref<128xi32, #tpu.memory_space<vmem>>) semaphore(%arg12 : memref<!tpu.dma_semaphore, #tpu.memory_space<semaphore_mem>>)
      %dma_start3A_1097 = arith.constant 57 : i32
      %dma_start3A_1098 = arith.constant 57 : i32
      %dma_start3A_1099 = arith.constant 0 : i32
      %dma_start3A_1100 = tpu.memref_slice %arg9[%dma_start3A_1098, %dma_start3A_1099] : memref<64x128xf32, #tpu.memory_space<vmem>> -> memref<1x128xf32, #tpu.memory_space<vmem>>
      %dma_start3A_1101 = tpu.memref_squeeze %dma_start3A_1100 : memref<1x128xf32, #tpu.memory_space<vmem>> -> memref<128xf32, #tpu.memory_space<vmem>>
      %dma_start3A_1102 = arith.constant 0 : i32
      %dma_start3A_1103 = tpu.memref_slice %arg8[%dma_start3A_1097, %dma_start3A_1102] : memref<64x128xi32, #tpu.memory_space<vmem>> -> memref<1x128xi32, #tpu.memory_space<vmem>>
      %dma_start3A_1104 = tpu.memref_squeeze %dma_start3A_1103 : memref<1x128xi32, #tpu.memory_space<vmem>> -> memref<128xi32, #tpu.memory_space<vmem>>
      %dma_start3A_1105 = arith.constant 0 : i32
      %dma_start3A_1106 = tpu.memref_slice %arg2[%dma_start3A_1105] : memref<166400000xf32, #tpu.memory_space<hbm>> -> memref<166400000xf32, #tpu.memory_space<hbm>>
      tpu.enqueue_indirect_dma source(%dma_start3A_1106 : memref<166400000xf32, #tpu.memory_space<hbm>>) target(%dma_start3A_1101 : memref<128xf32, #tpu.memory_space<vmem>>) offsets(%dma_start3A_1104 : memref<128xi32, #tpu.memory_space<vmem>>) semaphore(%arg12 : memref<!tpu.dma_semaphore, #tpu.memory_space<semaphore_mem>>)
      %dma_start3A_1107 = arith.constant 58 : i32
      %dma_start3A_1108 = arith.constant 58 : i32
      %dma_start3A_1109 = arith.constant 0 : i32
      %dma_start3A_1110 = tpu.memref_slice %arg9[%dma_start3A_1108, %dma_start3A_1109] : memref<64x128xf32, #tpu.memory_space<vmem>> -> memref<1x128xf32, #tpu.memory_space<vmem>>
      %dma_start3A_1111 = tpu.memref_squeeze %dma_start3A_1110 : memref<1x128xf32, #tpu.memory_space<vmem>> -> memref<128xf32, #tpu.memory_space<vmem>>
      %dma_start3A_1112 = arith.constant 0 : i32
      %dma_start3A_1113 = tpu.memref_slice %arg8[%dma_start3A_1107, %dma_start3A_1112] : memref<64x128xi32, #tpu.memory_space<vmem>> -> memref<1x128xi32, #tpu.memory_space<vmem>>
      %dma_start3A_1114 = tpu.memref_squeeze %dma_start3A_1113 : memref<1x128xi32, #tpu.memory_space<vmem>> -> memref<128xi32, #tpu.memory_space<vmem>>
      %dma_start3A_1115 = arith.constant 0 : i32
      %dma_start3A_1116 = tpu.memref_slice %arg2[%dma_start3A_1115] : memref<166400000xf32, #tpu.memory_space<hbm>> -> memref<166400000xf32, #tpu.memory_space<hbm>>
      tpu.enqueue_indirect_dma source(%dma_start3A_1116 : memref<166400000xf32, #tpu.memory_space<hbm>>) target(%dma_start3A_1111 : memref<128xf32, #tpu.memory_space<vmem>>) offsets(%dma_start3A_1114 : memref<128xi32, #tpu.memory_space<vmem>>) semaphore(%arg12 : memref<!tpu.dma_semaphore, #tpu.memory_space<semaphore_mem>>)
      %dma_start3A_1117 = arith.constant 59 : i32
      %dma_start3A_1118 = arith.constant 59 : i32
      %dma_start3A_1119 = arith.constant 0 : i32
      %dma_start3A_1120 = tpu.memref_slice %arg9[%dma_start3A_1118, %dma_start3A_1119] : memref<64x128xf32, #tpu.memory_space<vmem>> -> memref<1x128xf32, #tpu.memory_space<vmem>>
      %dma_start3A_1121 = tpu.memref_squeeze %dma_start3A_1120 : memref<1x128xf32, #tpu.memory_space<vmem>> -> memref<128xf32, #tpu.memory_space<vmem>>
      %dma_start3A_1122 = arith.constant 0 : i32
      %dma_start3A_1123 = tpu.memref_slice %arg8[%dma_start3A_1117, %dma_start3A_1122] : memref<64x128xi32, #tpu.memory_space<vmem>> -> memref<1x128xi32, #tpu.memory_space<vmem>>
      %dma_start3A_1124 = tpu.memref_squeeze %dma_start3A_1123 : memref<1x128xi32, #tpu.memory_space<vmem>> -> memref<128xi32, #tpu.memory_space<vmem>>
      %dma_start3A_1125 = arith.constant 0 : i32
      %dma_start3A_1126 = tpu.memref_slice %arg2[%dma_start3A_1125] : memref<166400000xf32, #tpu.memory_space<hbm>> -> memref<166400000xf32, #tpu.memory_space<hbm>>
      tpu.enqueue_indirect_dma source(%dma_start3A_1126 : memref<166400000xf32, #tpu.memory_space<hbm>>) target(%dma_start3A_1121 : memref<128xf32, #tpu.memory_space<vmem>>) offsets(%dma_start3A_1124 : memref<128xi32, #tpu.memory_space<vmem>>) semaphore(%arg12 : memref<!tpu.dma_semaphore, #tpu.memory_space<semaphore_mem>>)
      %dma_start3A_1127 = arith.constant 60 : i32
      %dma_start3A_1128 = arith.constant 60 : i32
      %dma_start3A_1129 = arith.constant 0 : i32
      %dma_start3A_1130 = tpu.memref_slice %arg9[%dma_start3A_1128, %dma_start3A_1129] : memref<64x128xf32, #tpu.memory_space<vmem>> -> memref<1x128xf32, #tpu.memory_space<vmem>>
      %dma_start3A_1131 = tpu.memref_squeeze %dma_start3A_1130 : memref<1x128xf32, #tpu.memory_space<vmem>> -> memref<128xf32, #tpu.memory_space<vmem>>
      %dma_start3A_1132 = arith.constant 0 : i32
      %dma_start3A_1133 = tpu.memref_slice %arg8[%dma_start3A_1127, %dma_start3A_1132] : memref<64x128xi32, #tpu.memory_space<vmem>> -> memref<1x128xi32, #tpu.memory_space<vmem>>
      %dma_start3A_1134 = tpu.memref_squeeze %dma_start3A_1133 : memref<1x128xi32, #tpu.memory_space<vmem>> -> memref<128xi32, #tpu.memory_space<vmem>>
      %dma_start3A_1135 = arith.constant 0 : i32
      %dma_start3A_1136 = tpu.memref_slice %arg2[%dma_start3A_1135] : memref<166400000xf32, #tpu.memory_space<hbm>> -> memref<166400000xf32, #tpu.memory_space<hbm>>
      tpu.enqueue_indirect_dma source(%dma_start3A_1136 : memref<166400000xf32, #tpu.memory_space<hbm>>) target(%dma_start3A_1131 : memref<128xf32, #tpu.memory_space<vmem>>) offsets(%dma_start3A_1134 : memref<128xi32, #tpu.memory_space<vmem>>) semaphore(%arg12 : memref<!tpu.dma_semaphore, #tpu.memory_space<semaphore_mem>>)
      %dma_start3A_1137 = arith.constant 61 : i32
      %dma_start3A_1138 = arith.constant 61 : i32
      %dma_start3A_1139 = arith.constant 0 : i32
      %dma_start3A_1140 = tpu.memref_slice %arg9[%dma_start3A_1138, %dma_start3A_1139] : memref<64x128xf32, #tpu.memory_space<vmem>> -> memref<1x128xf32, #tpu.memory_space<vmem>>
      %dma_start3A_1141 = tpu.memref_squeeze %dma_start3A_1140 : memref<1x128xf32, #tpu.memory_space<vmem>> -> memref<128xf32, #tpu.memory_space<vmem>>
      %dma_start3A_1142 = arith.constant 0 : i32
      %dma_start3A_1143 = tpu.memref_slice %arg8[%dma_start3A_1137, %dma_start3A_1142] : memref<64x128xi32, #tpu.memory_space<vmem>> -> memref<1x128xi32, #tpu.memory_space<vmem>>
      %dma_start3A_1144 = tpu.memref_squeeze %dma_start3A_1143 : memref<1x128xi32, #tpu.memory_space<vmem>> -> memref<128xi32, #tpu.memory_space<vmem>>
      %dma_start3A_1145 = arith.constant 0 : i32
      %dma_start3A_1146 = tpu.memref_slice %arg2[%dma_start3A_1145] : memref<166400000xf32, #tpu.memory_space<hbm>> -> memref<166400000xf32, #tpu.memory_space<hbm>>
      tpu.enqueue_indirect_dma source(%dma_start3A_1146 : memref<166400000xf32, #tpu.memory_space<hbm>>) target(%dma_start3A_1141 : memref<128xf32, #tpu.memory_space<vmem>>) offsets(%dma_start3A_1144 : memref<128xi32, #tpu.memory_space<vmem>>) semaphore(%arg12 : memref<!tpu.dma_semaphore, #tpu.memory_space<semaphore_mem>>)
      %dma_start3A_1147 = arith.constant 62 : i32
      %dma_start3A_1148 = arith.constant 62 : i32
      %dma_start3A_1149 = arith.constant 0 : i32
      %dma_start3A_1150 = tpu.memref_slice %arg9[%dma_start3A_1148, %dma_start3A_1149] : memref<64x128xf32, #tpu.memory_space<vmem>> -> memref<1x128xf32, #tpu.memory_space<vmem>>
      %dma_start3A_1151 = tpu.memref_squeeze %dma_start3A_1150 : memref<1x128xf32, #tpu.memory_space<vmem>> -> memref<128xf32, #tpu.memory_space<vmem>>
      %dma_start3A_1152 = arith.constant 0 : i32
      %dma_start3A_1153 = tpu.memref_slice %arg8[%dma_start3A_1147, %dma_start3A_1152] : memref<64x128xi32, #tpu.memory_space<vmem>> -> memref<1x128xi32, #tpu.memory_space<vmem>>
      %dma_start3A_1154 = tpu.memref_squeeze %dma_start3A_1153 : memref<1x128xi32, #tpu.memory_space<vmem>> -> memref<128xi32, #tpu.memory_space<vmem>>
      %dma_start3A_1155 = arith.constant 0 : i32
      %dma_start3A_1156 = tpu.memref_slice %arg2[%dma_start3A_1155] : memref<166400000xf32, #tpu.memory_space<hbm>> -> memref<166400000xf32, #tpu.memory_space<hbm>>
      tpu.enqueue_indirect_dma source(%dma_start3A_1156 : memref<166400000xf32, #tpu.memory_space<hbm>>) target(%dma_start3A_1151 : memref<128xf32, #tpu.memory_space<vmem>>) offsets(%dma_start3A_1154 : memref<128xi32, #tpu.memory_space<vmem>>) semaphore(%arg12 : memref<!tpu.dma_semaphore, #tpu.memory_space<semaphore_mem>>)
      %dma_start3A_1157 = arith.constant 63 : i32
      %dma_start3A_1158 = arith.constant 63 : i32
      %dma_start3A_1159 = arith.constant 0 : i32
      %dma_start3A_1160 = tpu.memref_slice %arg9[%dma_start3A_1158, %dma_start3A_1159] : memref<64x128xf32, #tpu.memory_space<vmem>> -> memref<1x128xf32, #tpu.memory_space<vmem>>
      %dma_start3A_1161 = tpu.memref_squeeze %dma_start3A_1160 : memref<1x128xf32, #tpu.memory_space<vmem>> -> memref<128xf32, #tpu.memory_space<vmem>>
      %dma_start3A_1162 = arith.constant 0 : i32
      %dma_start3A_1163 = tpu.memref_slice %arg8[%dma_start3A_1157, %dma_start3A_1162] : memref<64x128xi32, #tpu.memory_space<vmem>> -> memref<1x128xi32, #tpu.memory_space<vmem>>
      %dma_start3A_1164 = tpu.memref_squeeze %dma_start3A_1163 : memref<1x128xi32, #tpu.memory_space<vmem>> -> memref<128xi32, #tpu.memory_space<vmem>>
      %dma_start3A_1165 = arith.constant 0 : i32
      %dma_start3A_1166 = tpu.memref_slice %arg2[%dma_start3A_1165] : memref<166400000xf32, #tpu.memory_space<hbm>> -> memref<166400000xf32, #tpu.memory_space<hbm>>
      tpu.enqueue_indirect_dma source(%dma_start3A_1166 : memref<166400000xf32, #tpu.memory_space<hbm>>) target(%dma_start3A_1161 : memref<128xf32, #tpu.memory_space<vmem>>) offsets(%dma_start3A_1164 : memref<128xi32, #tpu.memory_space<vmem>>) semaphore(%arg12 : memref<!tpu.dma_semaphore, #tpu.memory_space<semaphore_mem>>)
      %dma_wait3A_1167 = arith.constant 0 : i32
      %dma_wait3A_1168 = arith.constant 0 : i32
      %dma_wait3A_1169 = arith.constant 0 : i32
      %dma_wait3A_1170 = tpu.memref_slice %arg9[%dma_wait3A_1168, %dma_wait3A_1169] : memref<64x128xf32, #tpu.memory_space<vmem>> -> memref<1x128xf32, #tpu.memory_space<vmem>>
      %dma_wait3A_1171 = tpu.memref_squeeze %dma_wait3A_1170 : memref<1x128xf32, #tpu.memory_space<vmem>> -> memref<128xf32, #tpu.memory_space<vmem>>
      %dma_wait3A_1172 = arith.constant 0 : i32
      %dma_wait3A_1173 = tpu.memref_slice %arg8[%dma_wait3A_1167, %dma_wait3A_1172] : memref<64x128xi32, #tpu.memory_space<vmem>> -> memref<1x128xi32, #tpu.memory_space<vmem>>
      %dma_wait3A_1174 = tpu.memref_squeeze %dma_wait3A_1173 : memref<1x128xi32, #tpu.memory_space<vmem>> -> memref<128xi32, #tpu.memory_space<vmem>>
      %dma_wait3A_1175 = arith.constant 0 : i32
      %dma_wait3A_1176 = tpu.memref_slice %arg2[%dma_wait3A_1175] : memref<166400000xf32, #tpu.memory_space<hbm>> -> memref<166400000xf32, #tpu.memory_space<hbm>>
      tpu.wait_indirect_dma semaphore(%arg12 : memref<!tpu.dma_semaphore, #tpu.memory_space<semaphore_mem>>) src(%dma_wait3A_1176 : memref<166400000xf32, #tpu.memory_space<hbm>>) dst(%dma_wait3A_1171 : memref<128xf32, #tpu.memory_space<vmem>>)
      %dma_wait3A_1177 = arith.constant 1 : i32
      %dma_wait3A_1178 = arith.constant 1 : i32
      %dma_wait3A_1179 = arith.constant 0 : i32
      %dma_wait3A_1180 = tpu.memref_slice %arg9[%dma_wait3A_1178, %dma_wait3A_1179] : memref<64x128xf32, #tpu.memory_space<vmem>> -> memref<1x128xf32, #tpu.memory_space<vmem>>
      %dma_wait3A_1181 = tpu.memref_squeeze %dma_wait3A_1180 : memref<1x128xf32, #tpu.memory_space<vmem>> -> memref<128xf32, #tpu.memory_space<vmem>>
      %dma_wait3A_1182 = arith.constant 0 : i32
      %dma_wait3A_1183 = tpu.memref_slice %arg8[%dma_wait3A_1177, %dma_wait3A_1182] : memref<64x128xi32, #tpu.memory_space<vmem>> -> memref<1x128xi32, #tpu.memory_space<vmem>>
      %dma_wait3A_1184 = tpu.memref_squeeze %dma_wait3A_1183 : memref<1x128xi32, #tpu.memory_space<vmem>> -> memref<128xi32, #tpu.memory_space<vmem>>
      %dma_wait3A_1185 = arith.constant 0 : i32
      %dma_wait3A_1186 = tpu.memref_slice %arg2[%dma_wait3A_1185] : memref<166400000xf32, #tpu.memory_space<hbm>> -> memref<166400000xf32, #tpu.memory_space<hbm>>
      tpu.wait_indirect_dma semaphore(%arg12 : memref<!tpu.dma_semaphore, #tpu.memory_space<semaphore_mem>>) src(%dma_wait3A_1186 : memref<166400000xf32, #tpu.memory_space<hbm>>) dst(%dma_wait3A_1181 : memref<128xf32, #tpu.memory_space<vmem>>)
      %dma_wait3A_1187 = arith.constant 2 : i32
      %dma_wait3A_1188 = arith.constant 2 : i32
      %dma_wait3A_1189 = arith.constant 0 : i32
      %dma_wait3A_1190 = tpu.memref_slice %arg9[%dma_wait3A_1188, %dma_wait3A_1189] : memref<64x128xf32, #tpu.memory_space<vmem>> -> memref<1x128xf32, #tpu.memory_space<vmem>>
      %dma_wait3A_1191 = tpu.memref_squeeze %dma_wait3A_1190 : memref<1x128xf32, #tpu.memory_space<vmem>> -> memref<128xf32, #tpu.memory_space<vmem>>
      %dma_wait3A_1192 = arith.constant 0 : i32
      %dma_wait3A_1193 = tpu.memref_slice %arg8[%dma_wait3A_1187, %dma_wait3A_1192] : memref<64x128xi32, #tpu.memory_space<vmem>> -> memref<1x128xi32, #tpu.memory_space<vmem>>
      %dma_wait3A_1194 = tpu.memref_squeeze %dma_wait3A_1193 : memref<1x128xi32, #tpu.memory_space<vmem>> -> memref<128xi32, #tpu.memory_space<vmem>>
      %dma_wait3A_1195 = arith.constant 0 : i32
      %dma_wait3A_1196 = tpu.memref_slice %arg2[%dma_wait3A_1195] : memref<166400000xf32, #tpu.memory_space<hbm>> -> memref<166400000xf32, #tpu.memory_space<hbm>>
      tpu.wait_indirect_dma semaphore(%arg12 : memref<!tpu.dma_semaphore, #tpu.memory_space<semaphore_mem>>) src(%dma_wait3A_1196 : memref<166400000xf32, #tpu.memory_space<hbm>>) dst(%dma_wait3A_1191 : memref<128xf32, #tpu.memory_space<vmem>>)
      %dma_wait3A_1197 = arith.constant 3 : i32
      %dma_wait3A_1198 = arith.constant 3 : i32
      %dma_wait3A_1199 = arith.constant 0 : i32
      %dma_wait3A_1200 = tpu.memref_slice %arg9[%dma_wait3A_1198, %dma_wait3A_1199] : memref<64x128xf32, #tpu.memory_space<vmem>> -> memref<1x128xf32, #tpu.memory_space<vmem>>
      %dma_wait3A_1201 = tpu.memref_squeeze %dma_wait3A_1200 : memref<1x128xf32, #tpu.memory_space<vmem>> -> memref<128xf32, #tpu.memory_space<vmem>>
      %dma_wait3A_1202 = arith.constant 0 : i32
      %dma_wait3A_1203 = tpu.memref_slice %arg8[%dma_wait3A_1197, %dma_wait3A_1202] : memref<64x128xi32, #tpu.memory_space<vmem>> -> memref<1x128xi32, #tpu.memory_space<vmem>>
      %dma_wait3A_1204 = tpu.memref_squeeze %dma_wait3A_1203 : memref<1x128xi32, #tpu.memory_space<vmem>> -> memref<128xi32, #tpu.memory_space<vmem>>
      %dma_wait3A_1205 = arith.constant 0 : i32
      %dma_wait3A_1206 = tpu.memref_slice %arg2[%dma_wait3A_1205] : memref<166400000xf32, #tpu.memory_space<hbm>> -> memref<166400000xf32, #tpu.memory_space<hbm>>
      tpu.wait_indirect_dma semaphore(%arg12 : memref<!tpu.dma_semaphore, #tpu.memory_space<semaphore_mem>>) src(%dma_wait3A_1206 : memref<166400000xf32, #tpu.memory_space<hbm>>) dst(%dma_wait3A_1201 : memref<128xf32, #tpu.memory_space<vmem>>)
      %dma_wait3A_1207 = arith.constant 4 : i32
      %dma_wait3A_1208 = arith.constant 4 : i32
      %dma_wait3A_1209 = arith.constant 0 : i32
      %dma_wait3A_1210 = tpu.memref_slice %arg9[%dma_wait3A_1208, %dma_wait3A_1209] : memref<64x128xf32, #tpu.memory_space<vmem>> -> memref<1x128xf32, #tpu.memory_space<vmem>>
      %dma_wait3A_1211 = tpu.memref_squeeze %dma_wait3A_1210 : memref<1x128xf32, #tpu.memory_space<vmem>> -> memref<128xf32, #tpu.memory_space<vmem>>
      %dma_wait3A_1212 = arith.constant 0 : i32
      %dma_wait3A_1213 = tpu.memref_slice %arg8[%dma_wait3A_1207, %dma_wait3A_1212] : memref<64x128xi32, #tpu.memory_space<vmem>> -> memref<1x128xi32, #tpu.memory_space<vmem>>
      %dma_wait3A_1214 = tpu.memref_squeeze %dma_wait3A_1213 : memref<1x128xi32, #tpu.memory_space<vmem>> -> memref<128xi32, #tpu.memory_space<vmem>>
      %dma_wait3A_1215 = arith.constant 0 : i32
      %dma_wait3A_1216 = tpu.memref_slice %arg2[%dma_wait3A_1215] : memref<166400000xf32, #tpu.memory_space<hbm>> -> memref<166400000xf32, #tpu.memory_space<hbm>>
      tpu.wait_indirect_dma semaphore(%arg12 : memref<!tpu.dma_semaphore, #tpu.memory_space<semaphore_mem>>) src(%dma_wait3A_1216 : memref<166400000xf32, #tpu.memory_space<hbm>>) dst(%dma_wait3A_1211 : memref<128xf32, #tpu.memory_space<vmem>>)
      %dma_wait3A_1217 = arith.constant 5 : i32
      %dma_wait3A_1218 = arith.constant 5 : i32
      %dma_wait3A_1219 = arith.constant 0 : i32
      %dma_wait3A_1220 = tpu.memref_slice %arg9[%dma_wait3A_1218, %dma_wait3A_1219] : memref<64x128xf32, #tpu.memory_space<vmem>> -> memref<1x128xf32, #tpu.memory_space<vmem>>
      %dma_wait3A_1221 = tpu.memref_squeeze %dma_wait3A_1220 : memref<1x128xf32, #tpu.memory_space<vmem>> -> memref<128xf32, #tpu.memory_space<vmem>>
      %dma_wait3A_1222 = arith.constant 0 : i32
      %dma_wait3A_1223 = tpu.memref_slice %arg8[%dma_wait3A_1217, %dma_wait3A_1222] : memref<64x128xi32, #tpu.memory_space<vmem>> -> memref<1x128xi32, #tpu.memory_space<vmem>>
      %dma_wait3A_1224 = tpu.memref_squeeze %dma_wait3A_1223 : memref<1x128xi32, #tpu.memory_space<vmem>> -> memref<128xi32, #tpu.memory_space<vmem>>
      %dma_wait3A_1225 = arith.constant 0 : i32
      %dma_wait3A_1226 = tpu.memref_slice %arg2[%dma_wait3A_1225] : memref<166400000xf32, #tpu.memory_space<hbm>> -> memref<166400000xf32, #tpu.memory_space<hbm>>
      tpu.wait_indirect_dma semaphore(%arg12 : memref<!tpu.dma_semaphore, #tpu.memory_space<semaphore_mem>>) src(%dma_wait3A_1226 : memref<166400000xf32, #tpu.memory_space<hbm>>) dst(%dma_wait3A_1221 : memref<128xf32, #tpu.memory_space<vmem>>)
      %dma_wait3A_1227 = arith.constant 6 : i32
      %dma_wait3A_1228 = arith.constant 6 : i32
      %dma_wait3A_1229 = arith.constant 0 : i32
      %dma_wait3A_1230 = tpu.memref_slice %arg9[%dma_wait3A_1228, %dma_wait3A_1229] : memref<64x128xf32, #tpu.memory_space<vmem>> -> memref<1x128xf32, #tpu.memory_space<vmem>>
      %dma_wait3A_1231 = tpu.memref_squeeze %dma_wait3A_1230 : memref<1x128xf32, #tpu.memory_space<vmem>> -> memref<128xf32, #tpu.memory_space<vmem>>
      %dma_wait3A_1232 = arith.constant 0 : i32
      %dma_wait3A_1233 = tpu.memref_slice %arg8[%dma_wait3A_1227, %dma_wait3A_1232] : memref<64x128xi32, #tpu.memory_space<vmem>> -> memref<1x128xi32, #tpu.memory_space<vmem>>
      %dma_wait3A_1234 = tpu.memref_squeeze %dma_wait3A_1233 : memref<1x128xi32, #tpu.memory_space<vmem>> -> memref<128xi32, #tpu.memory_space<vmem>>
      %dma_wait3A_1235 = arith.constant 0 : i32
      %dma_wait3A_1236 = tpu.memref_slice %arg2[%dma_wait3A_1235] : memref<166400000xf32, #tpu.memory_space<hbm>> -> memref<166400000xf32, #tpu.memory_space<hbm>>
      tpu.wait_indirect_dma semaphore(%arg12 : memref<!tpu.dma_semaphore, #tpu.memory_space<semaphore_mem>>) src(%dma_wait3A_1236 : memref<166400000xf32, #tpu.memory_space<hbm>>) dst(%dma_wait3A_1231 : memref<128xf32, #tpu.memory_space<vmem>>)
      %dma_wait3A_1237 = arith.constant 7 : i32
      %dma_wait3A_1238 = arith.constant 7 : i32
      %dma_wait3A_1239 = arith.constant 0 : i32
      %dma_wait3A_1240 = tpu.memref_slice %arg9[%dma_wait3A_1238, %dma_wait3A_1239] : memref<64x128xf32, #tpu.memory_space<vmem>> -> memref<1x128xf32, #tpu.memory_space<vmem>>
      %dma_wait3A_1241 = tpu.memref_squeeze %dma_wait3A_1240 : memref<1x128xf32, #tpu.memory_space<vmem>> -> memref<128xf32, #tpu.memory_space<vmem>>
      %dma_wait3A_1242 = arith.constant 0 : i32
      %dma_wait3A_1243 = tpu.memref_slice %arg8[%dma_wait3A_1237, %dma_wait3A_1242] : memref<64x128xi32, #tpu.memory_space<vmem>> -> memref<1x128xi32, #tpu.memory_space<vmem>>
      %dma_wait3A_1244 = tpu.memref_squeeze %dma_wait3A_1243 : memref<1x128xi32, #tpu.memory_space<vmem>> -> memref<128xi32, #tpu.memory_space<vmem>>
      %dma_wait3A_1245 = arith.constant 0 : i32
      %dma_wait3A_1246 = tpu.memref_slice %arg2[%dma_wait3A_1245] : memref<166400000xf32, #tpu.memory_space<hbm>> -> memref<166400000xf32, #tpu.memory_space<hbm>>
      tpu.wait_indirect_dma semaphore(%arg12 : memref<!tpu.dma_semaphore, #tpu.memory_space<semaphore_mem>>) src(%dma_wait3A_1246 : memref<166400000xf32, #tpu.memory_space<hbm>>) dst(%dma_wait3A_1241 : memref<128xf32, #tpu.memory_space<vmem>>)
      %dma_wait3A_1247 = arith.constant 8 : i32
      %dma_wait3A_1248 = arith.constant 8 : i32
      %dma_wait3A_1249 = arith.constant 0 : i32
      %dma_wait3A_1250 = tpu.memref_slice %arg9[%dma_wait3A_1248, %dma_wait3A_1249] : memref<64x128xf32, #tpu.memory_space<vmem>> -> memref<1x128xf32, #tpu.memory_space<vmem>>
      %dma_wait3A_1251 = tpu.memref_squeeze %dma_wait3A_1250 : memref<1x128xf32, #tpu.memory_space<vmem>> -> memref<128xf32, #tpu.memory_space<vmem>>
      %dma_wait3A_1252 = arith.constant 0 : i32
      %dma_wait3A_1253 = tpu.memref_slice %arg8[%dma_wait3A_1247, %dma_wait3A_1252] : memref<64x128xi32, #tpu.memory_space<vmem>> -> memref<1x128xi32, #tpu.memory_space<vmem>>
      %dma_wait3A_1254 = tpu.memref_squeeze %dma_wait3A_1253 : memref<1x128xi32, #tpu.memory_space<vmem>> -> memref<128xi32, #tpu.memory_space<vmem>>
      %dma_wait3A_1255 = arith.constant 0 : i32
      %dma_wait3A_1256 = tpu.memref_slice %arg2[%dma_wait3A_1255] : memref<166400000xf32, #tpu.memory_space<hbm>> -> memref<166400000xf32, #tpu.memory_space<hbm>>
      tpu.wait_indirect_dma semaphore(%arg12 : memref<!tpu.dma_semaphore, #tpu.memory_space<semaphore_mem>>) src(%dma_wait3A_1256 : memref<166400000xf32, #tpu.memory_space<hbm>>) dst(%dma_wait3A_1251 : memref<128xf32, #tpu.memory_space<vmem>>)
      %dma_wait3A_1257 = arith.constant 9 : i32
      %dma_wait3A_1258 = arith.constant 9 : i32
      %dma_wait3A_1259 = arith.constant 0 : i32
      %dma_wait3A_1260 = tpu.memref_slice %arg9[%dma_wait3A_1258, %dma_wait3A_1259] : memref<64x128xf32, #tpu.memory_space<vmem>> -> memref<1x128xf32, #tpu.memory_space<vmem>>
      %dma_wait3A_1261 = tpu.memref_squeeze %dma_wait3A_1260 : memref<1x128xf32, #tpu.memory_space<vmem>> -> memref<128xf32, #tpu.memory_space<vmem>>
      %dma_wait3A_1262 = arith.constant 0 : i32
      %dma_wait3A_1263 = tpu.memref_slice %arg8[%dma_wait3A_1257, %dma_wait3A_1262] : memref<64x128xi32, #tpu.memory_space<vmem>> -> memref<1x128xi32, #tpu.memory_space<vmem>>
      %dma_wait3A_1264 = tpu.memref_squeeze %dma_wait3A_1263 : memref<1x128xi32, #tpu.memory_space<vmem>> -> memref<128xi32, #tpu.memory_space<vmem>>
      %dma_wait3A_1265 = arith.constant 0 : i32
      %dma_wait3A_1266 = tpu.memref_slice %arg2[%dma_wait3A_1265] : memref<166400000xf32, #tpu.memory_space<hbm>> -> memref<166400000xf32, #tpu.memory_space<hbm>>
      tpu.wait_indirect_dma semaphore(%arg12 : memref<!tpu.dma_semaphore, #tpu.memory_space<semaphore_mem>>) src(%dma_wait3A_1266 : memref<166400000xf32, #tpu.memory_space<hbm>>) dst(%dma_wait3A_1261 : memref<128xf32, #tpu.memory_space<vmem>>)
      %dma_wait3A_1267 = arith.constant 10 : i32
      %dma_wait3A_1268 = arith.constant 10 : i32
      %dma_wait3A_1269 = arith.constant 0 : i32
      %dma_wait3A_1270 = tpu.memref_slice %arg9[%dma_wait3A_1268, %dma_wait3A_1269] : memref<64x128xf32, #tpu.memory_space<vmem>> -> memref<1x128xf32, #tpu.memory_space<vmem>>
      %dma_wait3A_1271 = tpu.memref_squeeze %dma_wait3A_1270 : memref<1x128xf32, #tpu.memory_space<vmem>> -> memref<128xf32, #tpu.memory_space<vmem>>
      %dma_wait3A_1272 = arith.constant 0 : i32
      %dma_wait3A_1273 = tpu.memref_slice %arg8[%dma_wait3A_1267, %dma_wait3A_1272] : memref<64x128xi32, #tpu.memory_space<vmem>> -> memref<1x128xi32, #tpu.memory_space<vmem>>
      %dma_wait3A_1274 = tpu.memref_squeeze %dma_wait3A_1273 : memref<1x128xi32, #tpu.memory_space<vmem>> -> memref<128xi32, #tpu.memory_space<vmem>>
      %dma_wait3A_1275 = arith.constant 0 : i32
      %dma_wait3A_1276 = tpu.memref_slice %arg2[%dma_wait3A_1275] : memref<166400000xf32, #tpu.memory_space<hbm>> -> memref<166400000xf32, #tpu.memory_space<hbm>>
      tpu.wait_indirect_dma semaphore(%arg12 : memref<!tpu.dma_semaphore, #tpu.memory_space<semaphore_mem>>) src(%dma_wait3A_1276 : memref<166400000xf32, #tpu.memory_space<hbm>>) dst(%dma_wait3A_1271 : memref<128xf32, #tpu.memory_space<vmem>>)
      %dma_wait3A_1277 = arith.constant 11 : i32
      %dma_wait3A_1278 = arith.constant 11 : i32
      %dma_wait3A_1279 = arith.constant 0 : i32
      %dma_wait3A_1280 = tpu.memref_slice %arg9[%dma_wait3A_1278, %dma_wait3A_1279] : memref<64x128xf32, #tpu.memory_space<vmem>> -> memref<1x128xf32, #tpu.memory_space<vmem>>
      %dma_wait3A_1281 = tpu.memref_squeeze %dma_wait3A_1280 : memref<1x128xf32, #tpu.memory_space<vmem>> -> memref<128xf32, #tpu.memory_space<vmem>>
      %dma_wait3A_1282 = arith.constant 0 : i32
      %dma_wait3A_1283 = tpu.memref_slice %arg8[%dma_wait3A_1277, %dma_wait3A_1282] : memref<64x128xi32, #tpu.memory_space<vmem>> -> memref<1x128xi32, #tpu.memory_space<vmem>>
      %dma_wait3A_1284 = tpu.memref_squeeze %dma_wait3A_1283 : memref<1x128xi32, #tpu.memory_space<vmem>> -> memref<128xi32, #tpu.memory_space<vmem>>
      %dma_wait3A_1285 = arith.constant 0 : i32
      %dma_wait3A_1286 = tpu.memref_slice %arg2[%dma_wait3A_1285] : memref<166400000xf32, #tpu.memory_space<hbm>> -> memref<166400000xf32, #tpu.memory_space<hbm>>
      tpu.wait_indirect_dma semaphore(%arg12 : memref<!tpu.dma_semaphore, #tpu.memory_space<semaphore_mem>>) src(%dma_wait3A_1286 : memref<166400000xf32, #tpu.memory_space<hbm>>) dst(%dma_wait3A_1281 : memref<128xf32, #tpu.memory_space<vmem>>)
      %dma_wait3A_1287 = arith.constant 12 : i32
      %dma_wait3A_1288 = arith.constant 12 : i32
      %dma_wait3A_1289 = arith.constant 0 : i32
      %dma_wait3A_1290 = tpu.memref_slice %arg9[%dma_wait3A_1288, %dma_wait3A_1289] : memref<64x128xf32, #tpu.memory_space<vmem>> -> memref<1x128xf32, #tpu.memory_space<vmem>>
      %dma_wait3A_1291 = tpu.memref_squeeze %dma_wait3A_1290 : memref<1x128xf32, #tpu.memory_space<vmem>> -> memref<128xf32, #tpu.memory_space<vmem>>
      %dma_wait3A_1292 = arith.constant 0 : i32
      %dma_wait3A_1293 = tpu.memref_slice %arg8[%dma_wait3A_1287, %dma_wait3A_1292] : memref<64x128xi32, #tpu.memory_space<vmem>> -> memref<1x128xi32, #tpu.memory_space<vmem>>
      %dma_wait3A_1294 = tpu.memref_squeeze %dma_wait3A_1293 : memref<1x128xi32, #tpu.memory_space<vmem>> -> memref<128xi32, #tpu.memory_space<vmem>>
      %dma_wait3A_1295 = arith.constant 0 : i32
      %dma_wait3A_1296 = tpu.memref_slice %arg2[%dma_wait3A_1295] : memref<166400000xf32, #tpu.memory_space<hbm>> -> memref<166400000xf32, #tpu.memory_space<hbm>>
      tpu.wait_indirect_dma semaphore(%arg12 : memref<!tpu.dma_semaphore, #tpu.memory_space<semaphore_mem>>) src(%dma_wait3A_1296 : memref<166400000xf32, #tpu.memory_space<hbm>>) dst(%dma_wait3A_1291 : memref<128xf32, #tpu.memory_space<vmem>>)
      %dma_wait3A_1297 = arith.constant 13 : i32
      %dma_wait3A_1298 = arith.constant 13 : i32
      %dma_wait3A_1299 = arith.constant 0 : i32
      %dma_wait3A_1300 = tpu.memref_slice %arg9[%dma_wait3A_1298, %dma_wait3A_1299] : memref<64x128xf32, #tpu.memory_space<vmem>> -> memref<1x128xf32, #tpu.memory_space<vmem>>
      %dma_wait3A_1301 = tpu.memref_squeeze %dma_wait3A_1300 : memref<1x128xf32, #tpu.memory_space<vmem>> -> memref<128xf32, #tpu.memory_space<vmem>>
      %dma_wait3A_1302 = arith.constant 0 : i32
      %dma_wait3A_1303 = tpu.memref_slice %arg8[%dma_wait3A_1297, %dma_wait3A_1302] : memref<64x128xi32, #tpu.memory_space<vmem>> -> memref<1x128xi32, #tpu.memory_space<vmem>>
      %dma_wait3A_1304 = tpu.memref_squeeze %dma_wait3A_1303 : memref<1x128xi32, #tpu.memory_space<vmem>> -> memref<128xi32, #tpu.memory_space<vmem>>
      %dma_wait3A_1305 = arith.constant 0 : i32
      %dma_wait3A_1306 = tpu.memref_slice %arg2[%dma_wait3A_1305] : memref<166400000xf32, #tpu.memory_space<hbm>> -> memref<166400000xf32, #tpu.memory_space<hbm>>
      tpu.wait_indirect_dma semaphore(%arg12 : memref<!tpu.dma_semaphore, #tpu.memory_space<semaphore_mem>>) src(%dma_wait3A_1306 : memref<166400000xf32, #tpu.memory_space<hbm>>) dst(%dma_wait3A_1301 : memref<128xf32, #tpu.memory_space<vmem>>)
      %dma_wait3A_1307 = arith.constant 14 : i32
      %dma_wait3A_1308 = arith.constant 14 : i32
      %dma_wait3A_1309 = arith.constant 0 : i32
      %dma_wait3A_1310 = tpu.memref_slice %arg9[%dma_wait3A_1308, %dma_wait3A_1309] : memref<64x128xf32, #tpu.memory_space<vmem>> -> memref<1x128xf32, #tpu.memory_space<vmem>>
      %dma_wait3A_1311 = tpu.memref_squeeze %dma_wait3A_1310 : memref<1x128xf32, #tpu.memory_space<vmem>> -> memref<128xf32, #tpu.memory_space<vmem>>
      %dma_wait3A_1312 = arith.constant 0 : i32
      %dma_wait3A_1313 = tpu.memref_slice %arg8[%dma_wait3A_1307, %dma_wait3A_1312] : memref<64x128xi32, #tpu.memory_space<vmem>> -> memref<1x128xi32, #tpu.memory_space<vmem>>
      %dma_wait3A_1314 = tpu.memref_squeeze %dma_wait3A_1313 : memref<1x128xi32, #tpu.memory_space<vmem>> -> memref<128xi32, #tpu.memory_space<vmem>>
      %dma_wait3A_1315 = arith.constant 0 : i32
      %dma_wait3A_1316 = tpu.memref_slice %arg2[%dma_wait3A_1315] : memref<166400000xf32, #tpu.memory_space<hbm>> -> memref<166400000xf32, #tpu.memory_space<hbm>>
      tpu.wait_indirect_dma semaphore(%arg12 : memref<!tpu.dma_semaphore, #tpu.memory_space<semaphore_mem>>) src(%dma_wait3A_1316 : memref<166400000xf32, #tpu.memory_space<hbm>>) dst(%dma_wait3A_1311 : memref<128xf32, #tpu.memory_space<vmem>>)
      %dma_wait3A_1317 = arith.constant 15 : i32
      %dma_wait3A_1318 = arith.constant 15 : i32
      %dma_wait3A_1319 = arith.constant 0 : i32
      %dma_wait3A_1320 = tpu.memref_slice %arg9[%dma_wait3A_1318, %dma_wait3A_1319] : memref<64x128xf32, #tpu.memory_space<vmem>> -> memref<1x128xf32, #tpu.memory_space<vmem>>
      %dma_wait3A_1321 = tpu.memref_squeeze %dma_wait3A_1320 : memref<1x128xf32, #tpu.memory_space<vmem>> -> memref<128xf32, #tpu.memory_space<vmem>>
      %dma_wait3A_1322 = arith.constant 0 : i32
      %dma_wait3A_1323 = tpu.memref_slice %arg8[%dma_wait3A_1317, %dma_wait3A_1322] : memref<64x128xi32, #tpu.memory_space<vmem>> -> memref<1x128xi32, #tpu.memory_space<vmem>>
      %dma_wait3A_1324 = tpu.memref_squeeze %dma_wait3A_1323 : memref<1x128xi32, #tpu.memory_space<vmem>> -> memref<128xi32, #tpu.memory_space<vmem>>
      %dma_wait3A_1325 = arith.constant 0 : i32
      %dma_wait3A_1326 = tpu.memref_slice %arg2[%dma_wait3A_1325] : memref<166400000xf32, #tpu.memory_space<hbm>> -> memref<166400000xf32, #tpu.memory_space<hbm>>
      tpu.wait_indirect_dma semaphore(%arg12 : memref<!tpu.dma_semaphore, #tpu.memory_space<semaphore_mem>>) src(%dma_wait3A_1326 : memref<166400000xf32, #tpu.memory_space<hbm>>) dst(%dma_wait3A_1321 : memref<128xf32, #tpu.memory_space<vmem>>)
      %dma_wait3A_1327 = arith.constant 16 : i32
      %dma_wait3A_1328 = arith.constant 16 : i32
      %dma_wait3A_1329 = arith.constant 0 : i32
      %dma_wait3A_1330 = tpu.memref_slice %arg9[%dma_wait3A_1328, %dma_wait3A_1329] : memref<64x128xf32, #tpu.memory_space<vmem>> -> memref<1x128xf32, #tpu.memory_space<vmem>>
      %dma_wait3A_1331 = tpu.memref_squeeze %dma_wait3A_1330 : memref<1x128xf32, #tpu.memory_space<vmem>> -> memref<128xf32, #tpu.memory_space<vmem>>
      %dma_wait3A_1332 = arith.constant 0 : i32
      %dma_wait3A_1333 = tpu.memref_slice %arg8[%dma_wait3A_1327, %dma_wait3A_1332] : memref<64x128xi32, #tpu.memory_space<vmem>> -> memref<1x128xi32, #tpu.memory_space<vmem>>
      %dma_wait3A_1334 = tpu.memref_squeeze %dma_wait3A_1333 : memref<1x128xi32, #tpu.memory_space<vmem>> -> memref<128xi32, #tpu.memory_space<vmem>>
      %dma_wait3A_1335 = arith.constant 0 : i32
      %dma_wait3A_1336 = tpu.memref_slice %arg2[%dma_wait3A_1335] : memref<166400000xf32, #tpu.memory_space<hbm>> -> memref<166400000xf32, #tpu.memory_space<hbm>>
      tpu.wait_indirect_dma semaphore(%arg12 : memref<!tpu.dma_semaphore, #tpu.memory_space<semaphore_mem>>) src(%dma_wait3A_1336 : memref<166400000xf32, #tpu.memory_space<hbm>>) dst(%dma_wait3A_1331 : memref<128xf32, #tpu.memory_space<vmem>>)
      %dma_wait3A_1337 = arith.constant 17 : i32
      %dma_wait3A_1338 = arith.constant 17 : i32
      %dma_wait3A_1339 = arith.constant 0 : i32
      %dma_wait3A_1340 = tpu.memref_slice %arg9[%dma_wait3A_1338, %dma_wait3A_1339] : memref<64x128xf32, #tpu.memory_space<vmem>> -> memref<1x128xf32, #tpu.memory_space<vmem>>
      %dma_wait3A_1341 = tpu.memref_squeeze %dma_wait3A_1340 : memref<1x128xf32, #tpu.memory_space<vmem>> -> memref<128xf32, #tpu.memory_space<vmem>>
      %dma_wait3A_1342 = arith.constant 0 : i32
      %dma_wait3A_1343 = tpu.memref_slice %arg8[%dma_wait3A_1337, %dma_wait3A_1342] : memref<64x128xi32, #tpu.memory_space<vmem>> -> memref<1x128xi32, #tpu.memory_space<vmem>>
      %dma_wait3A_1344 = tpu.memref_squeeze %dma_wait3A_1343 : memref<1x128xi32, #tpu.memory_space<vmem>> -> memref<128xi32, #tpu.memory_space<vmem>>
      %dma_wait3A_1345 = arith.constant 0 : i32
      %dma_wait3A_1346 = tpu.memref_slice %arg2[%dma_wait3A_1345] : memref<166400000xf32, #tpu.memory_space<hbm>> -> memref<166400000xf32, #tpu.memory_space<hbm>>
      tpu.wait_indirect_dma semaphore(%arg12 : memref<!tpu.dma_semaphore, #tpu.memory_space<semaphore_mem>>) src(%dma_wait3A_1346 : memref<166400000xf32, #tpu.memory_space<hbm>>) dst(%dma_wait3A_1341 : memref<128xf32, #tpu.memory_space<vmem>>)
      %dma_wait3A_1347 = arith.constant 18 : i32
      %dma_wait3A_1348 = arith.constant 18 : i32
      %dma_wait3A_1349 = arith.constant 0 : i32
      %dma_wait3A_1350 = tpu.memref_slice %arg9[%dma_wait3A_1348, %dma_wait3A_1349] : memref<64x128xf32, #tpu.memory_space<vmem>> -> memref<1x128xf32, #tpu.memory_space<vmem>>
      %dma_wait3A_1351 = tpu.memref_squeeze %dma_wait3A_1350 : memref<1x128xf32, #tpu.memory_space<vmem>> -> memref<128xf32, #tpu.memory_space<vmem>>
      %dma_wait3A_1352 = arith.constant 0 : i32
      %dma_wait3A_1353 = tpu.memref_slice %arg8[%dma_wait3A_1347, %dma_wait3A_1352] : memref<64x128xi32, #tpu.memory_space<vmem>> -> memref<1x128xi32, #tpu.memory_space<vmem>>
      %dma_wait3A_1354 = tpu.memref_squeeze %dma_wait3A_1353 : memref<1x128xi32, #tpu.memory_space<vmem>> -> memref<128xi32, #tpu.memory_space<vmem>>
      %dma_wait3A_1355 = arith.constant 0 : i32
      %dma_wait3A_1356 = tpu.memref_slice %arg2[%dma_wait3A_1355] : memref<166400000xf32, #tpu.memory_space<hbm>> -> memref<166400000xf32, #tpu.memory_space<hbm>>
      tpu.wait_indirect_dma semaphore(%arg12 : memref<!tpu.dma_semaphore, #tpu.memory_space<semaphore_mem>>) src(%dma_wait3A_1356 : memref<166400000xf32, #tpu.memory_space<hbm>>) dst(%dma_wait3A_1351 : memref<128xf32, #tpu.memory_space<vmem>>)
      %dma_wait3A_1357 = arith.constant 19 : i32
      %dma_wait3A_1358 = arith.constant 19 : i32
      %dma_wait3A_1359 = arith.constant 0 : i32
      %dma_wait3A_1360 = tpu.memref_slice %arg9[%dma_wait3A_1358, %dma_wait3A_1359] : memref<64x128xf32, #tpu.memory_space<vmem>> -> memref<1x128xf32, #tpu.memory_space<vmem>>
      %dma_wait3A_1361 = tpu.memref_squeeze %dma_wait3A_1360 : memref<1x128xf32, #tpu.memory_space<vmem>> -> memref<128xf32, #tpu.memory_space<vmem>>
      %dma_wait3A_1362 = arith.constant 0 : i32
      %dma_wait3A_1363 = tpu.memref_slice %arg8[%dma_wait3A_1357, %dma_wait3A_1362] : memref<64x128xi32, #tpu.memory_space<vmem>> -> memref<1x128xi32, #tpu.memory_space<vmem>>
      %dma_wait3A_1364 = tpu.memref_squeeze %dma_wait3A_1363 : memref<1x128xi32, #tpu.memory_space<vmem>> -> memref<128xi32, #tpu.memory_space<vmem>>
      %dma_wait3A_1365 = arith.constant 0 : i32
      %dma_wait3A_1366 = tpu.memref_slice %arg2[%dma_wait3A_1365] : memref<166400000xf32, #tpu.memory_space<hbm>> -> memref<166400000xf32, #tpu.memory_space<hbm>>
      tpu.wait_indirect_dma semaphore(%arg12 : memref<!tpu.dma_semaphore, #tpu.memory_space<semaphore_mem>>) src(%dma_wait3A_1366 : memref<166400000xf32, #tpu.memory_space<hbm>>) dst(%dma_wait3A_1361 : memref<128xf32, #tpu.memory_space<vmem>>)
      %dma_wait3A_1367 = arith.constant 20 : i32
      %dma_wait3A_1368 = arith.constant 20 : i32
      %dma_wait3A_1369 = arith.constant 0 : i32
      %dma_wait3A_1370 = tpu.memref_slice %arg9[%dma_wait3A_1368, %dma_wait3A_1369] : memref<64x128xf32, #tpu.memory_space<vmem>> -> memref<1x128xf32, #tpu.memory_space<vmem>>
      %dma_wait3A_1371 = tpu.memref_squeeze %dma_wait3A_1370 : memref<1x128xf32, #tpu.memory_space<vmem>> -> memref<128xf32, #tpu.memory_space<vmem>>
      %dma_wait3A_1372 = arith.constant 0 : i32
      %dma_wait3A_1373 = tpu.memref_slice %arg8[%dma_wait3A_1367, %dma_wait3A_1372] : memref<64x128xi32, #tpu.memory_space<vmem>> -> memref<1x128xi32, #tpu.memory_space<vmem>>
      %dma_wait3A_1374 = tpu.memref_squeeze %dma_wait3A_1373 : memref<1x128xi32, #tpu.memory_space<vmem>> -> memref<128xi32, #tpu.memory_space<vmem>>
      %dma_wait3A_1375 = arith.constant 0 : i32
      %dma_wait3A_1376 = tpu.memref_slice %arg2[%dma_wait3A_1375] : memref<166400000xf32, #tpu.memory_space<hbm>> -> memref<166400000xf32, #tpu.memory_space<hbm>>
      tpu.wait_indirect_dma semaphore(%arg12 : memref<!tpu.dma_semaphore, #tpu.memory_space<semaphore_mem>>) src(%dma_wait3A_1376 : memref<166400000xf32, #tpu.memory_space<hbm>>) dst(%dma_wait3A_1371 : memref<128xf32, #tpu.memory_space<vmem>>)
      %dma_wait3A_1377 = arith.constant 21 : i32
      %dma_wait3A_1378 = arith.constant 21 : i32
      %dma_wait3A_1379 = arith.constant 0 : i32
      %dma_wait3A_1380 = tpu.memref_slice %arg9[%dma_wait3A_1378, %dma_wait3A_1379] : memref<64x128xf32, #tpu.memory_space<vmem>> -> memref<1x128xf32, #tpu.memory_space<vmem>>
      %dma_wait3A_1381 = tpu.memref_squeeze %dma_wait3A_1380 : memref<1x128xf32, #tpu.memory_space<vmem>> -> memref<128xf32, #tpu.memory_space<vmem>>
      %dma_wait3A_1382 = arith.constant 0 : i32
      %dma_wait3A_1383 = tpu.memref_slice %arg8[%dma_wait3A_1377, %dma_wait3A_1382] : memref<64x128xi32, #tpu.memory_space<vmem>> -> memref<1x128xi32, #tpu.memory_space<vmem>>
      %dma_wait3A_1384 = tpu.memref_squeeze %dma_wait3A_1383 : memref<1x128xi32, #tpu.memory_space<vmem>> -> memref<128xi32, #tpu.memory_space<vmem>>
      %dma_wait3A_1385 = arith.constant 0 : i32
      %dma_wait3A_1386 = tpu.memref_slice %arg2[%dma_wait3A_1385] : memref<166400000xf32, #tpu.memory_space<hbm>> -> memref<166400000xf32, #tpu.memory_space<hbm>>
      tpu.wait_indirect_dma semaphore(%arg12 : memref<!tpu.dma_semaphore, #tpu.memory_space<semaphore_mem>>) src(%dma_wait3A_1386 : memref<166400000xf32, #tpu.memory_space<hbm>>) dst(%dma_wait3A_1381 : memref<128xf32, #tpu.memory_space<vmem>>)
      %dma_wait3A_1387 = arith.constant 22 : i32
      %dma_wait3A_1388 = arith.constant 22 : i32
      %dma_wait3A_1389 = arith.constant 0 : i32
      %dma_wait3A_1390 = tpu.memref_slice %arg9[%dma_wait3A_1388, %dma_wait3A_1389] : memref<64x128xf32, #tpu.memory_space<vmem>> -> memref<1x128xf32, #tpu.memory_space<vmem>>
      %dma_wait3A_1391 = tpu.memref_squeeze %dma_wait3A_1390 : memref<1x128xf32, #tpu.memory_space<vmem>> -> memref<128xf32, #tpu.memory_space<vmem>>
      %dma_wait3A_1392 = arith.constant 0 : i32
      %dma_wait3A_1393 = tpu.memref_slice %arg8[%dma_wait3A_1387, %dma_wait3A_1392] : memref<64x128xi32, #tpu.memory_space<vmem>> -> memref<1x128xi32, #tpu.memory_space<vmem>>
      %dma_wait3A_1394 = tpu.memref_squeeze %dma_wait3A_1393 : memref<1x128xi32, #tpu.memory_space<vmem>> -> memref<128xi32, #tpu.memory_space<vmem>>
      %dma_wait3A_1395 = arith.constant 0 : i32
      %dma_wait3A_1396 = tpu.memref_slice %arg2[%dma_wait3A_1395] : memref<166400000xf32, #tpu.memory_space<hbm>> -> memref<166400000xf32, #tpu.memory_space<hbm>>
      tpu.wait_indirect_dma semaphore(%arg12 : memref<!tpu.dma_semaphore, #tpu.memory_space<semaphore_mem>>) src(%dma_wait3A_1396 : memref<166400000xf32, #tpu.memory_space<hbm>>) dst(%dma_wait3A_1391 : memref<128xf32, #tpu.memory_space<vmem>>)
      %dma_wait3A_1397 = arith.constant 23 : i32
      %dma_wait3A_1398 = arith.constant 23 : i32
      %dma_wait3A_1399 = arith.constant 0 : i32
      %dma_wait3A_1400 = tpu.memref_slice %arg9[%dma_wait3A_1398, %dma_wait3A_1399] : memref<64x128xf32, #tpu.memory_space<vmem>> -> memref<1x128xf32, #tpu.memory_space<vmem>>
      %dma_wait3A_1401 = tpu.memref_squeeze %dma_wait3A_1400 : memref<1x128xf32, #tpu.memory_space<vmem>> -> memref<128xf32, #tpu.memory_space<vmem>>
      %dma_wait3A_1402 = arith.constant 0 : i32
      %dma_wait3A_1403 = tpu.memref_slice %arg8[%dma_wait3A_1397, %dma_wait3A_1402] : memref<64x128xi32, #tpu.memory_space<vmem>> -> memref<1x128xi32, #tpu.memory_space<vmem>>
      %dma_wait3A_1404 = tpu.memref_squeeze %dma_wait3A_1403 : memref<1x128xi32, #tpu.memory_space<vmem>> -> memref<128xi32, #tpu.memory_space<vmem>>
      %dma_wait3A_1405 = arith.constant 0 : i32
      %dma_wait3A_1406 = tpu.memref_slice %arg2[%dma_wait3A_1405] : memref<166400000xf32, #tpu.memory_space<hbm>> -> memref<166400000xf32, #tpu.memory_space<hbm>>
      tpu.wait_indirect_dma semaphore(%arg12 : memref<!tpu.dma_semaphore, #tpu.memory_space<semaphore_mem>>) src(%dma_wait3A_1406 : memref<166400000xf32, #tpu.memory_space<hbm>>) dst(%dma_wait3A_1401 : memref<128xf32, #tpu.memory_space<vmem>>)
      %dma_wait3A_1407 = arith.constant 24 : i32
      %dma_wait3A_1408 = arith.constant 24 : i32
      %dma_wait3A_1409 = arith.constant 0 : i32
      %dma_wait3A_1410 = tpu.memref_slice %arg9[%dma_wait3A_1408, %dma_wait3A_1409] : memref<64x128xf32, #tpu.memory_space<vmem>> -> memref<1x128xf32, #tpu.memory_space<vmem>>
      %dma_wait3A_1411 = tpu.memref_squeeze %dma_wait3A_1410 : memref<1x128xf32, #tpu.memory_space<vmem>> -> memref<128xf32, #tpu.memory_space<vmem>>
      %dma_wait3A_1412 = arith.constant 0 : i32
      %dma_wait3A_1413 = tpu.memref_slice %arg8[%dma_wait3A_1407, %dma_wait3A_1412] : memref<64x128xi32, #tpu.memory_space<vmem>> -> memref<1x128xi32, #tpu.memory_space<vmem>>
      %dma_wait3A_1414 = tpu.memref_squeeze %dma_wait3A_1413 : memref<1x128xi32, #tpu.memory_space<vmem>> -> memref<128xi32, #tpu.memory_space<vmem>>
      %dma_wait3A_1415 = arith.constant 0 : i32
      %dma_wait3A_1416 = tpu.memref_slice %arg2[%dma_wait3A_1415] : memref<166400000xf32, #tpu.memory_space<hbm>> -> memref<166400000xf32, #tpu.memory_space<hbm>>
      tpu.wait_indirect_dma semaphore(%arg12 : memref<!tpu.dma_semaphore, #tpu.memory_space<semaphore_mem>>) src(%dma_wait3A_1416 : memref<166400000xf32, #tpu.memory_space<hbm>>) dst(%dma_wait3A_1411 : memref<128xf32, #tpu.memory_space<vmem>>)
      %dma_wait3A_1417 = arith.constant 25 : i32
      %dma_wait3A_1418 = arith.constant 25 : i32
      %dma_wait3A_1419 = arith.constant 0 : i32
      %dma_wait3A_1420 = tpu.memref_slice %arg9[%dma_wait3A_1418, %dma_wait3A_1419] : memref<64x128xf32, #tpu.memory_space<vmem>> -> memref<1x128xf32, #tpu.memory_space<vmem>>
      %dma_wait3A_1421 = tpu.memref_squeeze %dma_wait3A_1420 : memref<1x128xf32, #tpu.memory_space<vmem>> -> memref<128xf32, #tpu.memory_space<vmem>>
      %dma_wait3A_1422 = arith.constant 0 : i32
      %dma_wait3A_1423 = tpu.memref_slice %arg8[%dma_wait3A_1417, %dma_wait3A_1422] : memref<64x128xi32, #tpu.memory_space<vmem>> -> memref<1x128xi32, #tpu.memory_space<vmem>>
      %dma_wait3A_1424 = tpu.memref_squeeze %dma_wait3A_1423 : memref<1x128xi32, #tpu.memory_space<vmem>> -> memref<128xi32, #tpu.memory_space<vmem>>
      %dma_wait3A_1425 = arith.constant 0 : i32
      %dma_wait3A_1426 = tpu.memref_slice %arg2[%dma_wait3A_1425] : memref<166400000xf32, #tpu.memory_space<hbm>> -> memref<166400000xf32, #tpu.memory_space<hbm>>
      tpu.wait_indirect_dma semaphore(%arg12 : memref<!tpu.dma_semaphore, #tpu.memory_space<semaphore_mem>>) src(%dma_wait3A_1426 : memref<166400000xf32, #tpu.memory_space<hbm>>) dst(%dma_wait3A_1421 : memref<128xf32, #tpu.memory_space<vmem>>)
      %dma_wait3A_1427 = arith.constant 26 : i32
      %dma_wait3A_1428 = arith.constant 26 : i32
      %dma_wait3A_1429 = arith.constant 0 : i32
      %dma_wait3A_1430 = tpu.memref_slice %arg9[%dma_wait3A_1428, %dma_wait3A_1429] : memref<64x128xf32, #tpu.memory_space<vmem>> -> memref<1x128xf32, #tpu.memory_space<vmem>>
      %dma_wait3A_1431 = tpu.memref_squeeze %dma_wait3A_1430 : memref<1x128xf32, #tpu.memory_space<vmem>> -> memref<128xf32, #tpu.memory_space<vmem>>
      %dma_wait3A_1432 = arith.constant 0 : i32
      %dma_wait3A_1433 = tpu.memref_slice %arg8[%dma_wait3A_1427, %dma_wait3A_1432] : memref<64x128xi32, #tpu.memory_space<vmem>> -> memref<1x128xi32, #tpu.memory_space<vmem>>
      %dma_wait3A_1434 = tpu.memref_squeeze %dma_wait3A_1433 : memref<1x128xi32, #tpu.memory_space<vmem>> -> memref<128xi32, #tpu.memory_space<vmem>>
      %dma_wait3A_1435 = arith.constant 0 : i32
      %dma_wait3A_1436 = tpu.memref_slice %arg2[%dma_wait3A_1435] : memref<166400000xf32, #tpu.memory_space<hbm>> -> memref<166400000xf32, #tpu.memory_space<hbm>>
      tpu.wait_indirect_dma semaphore(%arg12 : memref<!tpu.dma_semaphore, #tpu.memory_space<semaphore_mem>>) src(%dma_wait3A_1436 : memref<166400000xf32, #tpu.memory_space<hbm>>) dst(%dma_wait3A_1431 : memref<128xf32, #tpu.memory_space<vmem>>)
      %dma_wait3A_1437 = arith.constant 27 : i32
      %dma_wait3A_1438 = arith.constant 27 : i32
      %dma_wait3A_1439 = arith.constant 0 : i32
      %dma_wait3A_1440 = tpu.memref_slice %arg9[%dma_wait3A_1438, %dma_wait3A_1439] : memref<64x128xf32, #tpu.memory_space<vmem>> -> memref<1x128xf32, #tpu.memory_space<vmem>>
      %dma_wait3A_1441 = tpu.memref_squeeze %dma_wait3A_1440 : memref<1x128xf32, #tpu.memory_space<vmem>> -> memref<128xf32, #tpu.memory_space<vmem>>
      %dma_wait3A_1442 = arith.constant 0 : i32
      %dma_wait3A_1443 = tpu.memref_slice %arg8[%dma_wait3A_1437, %dma_wait3A_1442] : memref<64x128xi32, #tpu.memory_space<vmem>> -> memref<1x128xi32, #tpu.memory_space<vmem>>
      %dma_wait3A_1444 = tpu.memref_squeeze %dma_wait3A_1443 : memref<1x128xi32, #tpu.memory_space<vmem>> -> memref<128xi32, #tpu.memory_space<vmem>>
      %dma_wait3A_1445 = arith.constant 0 : i32
      %dma_wait3A_1446 = tpu.memref_slice %arg2[%dma_wait3A_1445] : memref<166400000xf32, #tpu.memory_space<hbm>> -> memref<166400000xf32, #tpu.memory_space<hbm>>
      tpu.wait_indirect_dma semaphore(%arg12 : memref<!tpu.dma_semaphore, #tpu.memory_space<semaphore_mem>>) src(%dma_wait3A_1446 : memref<166400000xf32, #tpu.memory_space<hbm>>) dst(%dma_wait3A_1441 : memref<128xf32, #tpu.memory_space<vmem>>)
      %dma_wait3A_1447 = arith.constant 28 : i32
      %dma_wait3A_1448 = arith.constant 28 : i32
      %dma_wait3A_1449 = arith.constant 0 : i32
      %dma_wait3A_1450 = tpu.memref_slice %arg9[%dma_wait3A_1448, %dma_wait3A_1449] : memref<64x128xf32, #tpu.memory_space<vmem>> -> memref<1x128xf32, #tpu.memory_space<vmem>>
      %dma_wait3A_1451 = tpu.memref_squeeze %dma_wait3A_1450 : memref<1x128xf32, #tpu.memory_space<vmem>> -> memref<128xf32, #tpu.memory_space<vmem>>
      %dma_wait3A_1452 = arith.constant 0 : i32
      %dma_wait3A_1453 = tpu.memref_slice %arg8[%dma_wait3A_1447, %dma_wait3A_1452] : memref<64x128xi32, #tpu.memory_space<vmem>> -> memref<1x128xi32, #tpu.memory_space<vmem>>
      %dma_wait3A_1454 = tpu.memref_squeeze %dma_wait3A_1453 : memref<1x128xi32, #tpu.memory_space<vmem>> -> memref<128xi32, #tpu.memory_space<vmem>>
      %dma_wait3A_1455 = arith.constant 0 : i32
      %dma_wait3A_1456 = tpu.memref_slice %arg2[%dma_wait3A_1455] : memref<166400000xf32, #tpu.memory_space<hbm>> -> memref<166400000xf32, #tpu.memory_space<hbm>>
      tpu.wait_indirect_dma semaphore(%arg12 : memref<!tpu.dma_semaphore, #tpu.memory_space<semaphore_mem>>) src(%dma_wait3A_1456 : memref<166400000xf32, #tpu.memory_space<hbm>>) dst(%dma_wait3A_1451 : memref<128xf32, #tpu.memory_space<vmem>>)
      %dma_wait3A_1457 = arith.constant 29 : i32
      %dma_wait3A_1458 = arith.constant 29 : i32
      %dma_wait3A_1459 = arith.constant 0 : i32
      %dma_wait3A_1460 = tpu.memref_slice %arg9[%dma_wait3A_1458, %dma_wait3A_1459] : memref<64x128xf32, #tpu.memory_space<vmem>> -> memref<1x128xf32, #tpu.memory_space<vmem>>
      %dma_wait3A_1461 = tpu.memref_squeeze %dma_wait3A_1460 : memref<1x128xf32, #tpu.memory_space<vmem>> -> memref<128xf32, #tpu.memory_space<vmem>>
      %dma_wait3A_1462 = arith.constant 0 : i32
      %dma_wait3A_1463 = tpu.memref_slice %arg8[%dma_wait3A_1457, %dma_wait3A_1462] : memref<64x128xi32, #tpu.memory_space<vmem>> -> memref<1x128xi32, #tpu.memory_space<vmem>>
      %dma_wait3A_1464 = tpu.memref_squeeze %dma_wait3A_1463 : memref<1x128xi32, #tpu.memory_space<vmem>> -> memref<128xi32, #tpu.memory_space<vmem>>
      %dma_wait3A_1465 = arith.constant 0 : i32
      %dma_wait3A_1466 = tpu.memref_slice %arg2[%dma_wait3A_1465] : memref<166400000xf32, #tpu.memory_space<hbm>> -> memref<166400000xf32, #tpu.memory_space<hbm>>
      tpu.wait_indirect_dma semaphore(%arg12 : memref<!tpu.dma_semaphore, #tpu.memory_space<semaphore_mem>>) src(%dma_wait3A_1466 : memref<166400000xf32, #tpu.memory_space<hbm>>) dst(%dma_wait3A_1461 : memref<128xf32, #tpu.memory_space<vmem>>)
      %dma_wait3A_1467 = arith.constant 30 : i32
      %dma_wait3A_1468 = arith.constant 30 : i32
      %dma_wait3A_1469 = arith.constant 0 : i32
      %dma_wait3A_1470 = tpu.memref_slice %arg9[%dma_wait3A_1468, %dma_wait3A_1469] : memref<64x128xf32, #tpu.memory_space<vmem>> -> memref<1x128xf32, #tpu.memory_space<vmem>>
      %dma_wait3A_1471 = tpu.memref_squeeze %dma_wait3A_1470 : memref<1x128xf32, #tpu.memory_space<vmem>> -> memref<128xf32, #tpu.memory_space<vmem>>
      %dma_wait3A_1472 = arith.constant 0 : i32
      %dma_wait3A_1473 = tpu.memref_slice %arg8[%dma_wait3A_1467, %dma_wait3A_1472] : memref<64x128xi32, #tpu.memory_space<vmem>> -> memref<1x128xi32, #tpu.memory_space<vmem>>
      %dma_wait3A_1474 = tpu.memref_squeeze %dma_wait3A_1473 : memref<1x128xi32, #tpu.memory_space<vmem>> -> memref<128xi32, #tpu.memory_space<vmem>>
      %dma_wait3A_1475 = arith.constant 0 : i32
      %dma_wait3A_1476 = tpu.memref_slice %arg2[%dma_wait3A_1475] : memref<166400000xf32, #tpu.memory_space<hbm>> -> memref<166400000xf32, #tpu.memory_space<hbm>>
      tpu.wait_indirect_dma semaphore(%arg12 : memref<!tpu.dma_semaphore, #tpu.memory_space<semaphore_mem>>) src(%dma_wait3A_1476 : memref<166400000xf32, #tpu.memory_space<hbm>>) dst(%dma_wait3A_1471 : memref<128xf32, #tpu.memory_space<vmem>>)
      %dma_wait3A_1477 = arith.constant 31 : i32
      %dma_wait3A_1478 = arith.constant 31 : i32
      %dma_wait3A_1479 = arith.constant 0 : i32
      %dma_wait3A_1480 = tpu.memref_slice %arg9[%dma_wait3A_1478, %dma_wait3A_1479] : memref<64x128xf32, #tpu.memory_space<vmem>> -> memref<1x128xf32, #tpu.memory_space<vmem>>
      %dma_wait3A_1481 = tpu.memref_squeeze %dma_wait3A_1480 : memref<1x128xf32, #tpu.memory_space<vmem>> -> memref<128xf32, #tpu.memory_space<vmem>>
      %dma_wait3A_1482 = arith.constant 0 : i32
      %dma_wait3A_1483 = tpu.memref_slice %arg8[%dma_wait3A_1477, %dma_wait3A_1482] : memref<64x128xi32, #tpu.memory_space<vmem>> -> memref<1x128xi32, #tpu.memory_space<vmem>>
      %dma_wait3A_1484 = tpu.memref_squeeze %dma_wait3A_1483 : memref<1x128xi32, #tpu.memory_space<vmem>> -> memref<128xi32, #tpu.memory_space<vmem>>
      %dma_wait3A_1485 = arith.constant 0 : i32
      %dma_wait3A_1486 = tpu.memref_slice %arg2[%dma_wait3A_1485] : memref<166400000xf32, #tpu.memory_space<hbm>> -> memref<166400000xf32, #tpu.memory_space<hbm>>
      tpu.wait_indirect_dma semaphore(%arg12 : memref<!tpu.dma_semaphore, #tpu.memory_space<semaphore_mem>>) src(%dma_wait3A_1486 : memref<166400000xf32, #tpu.memory_space<hbm>>) dst(%dma_wait3A_1481 : memref<128xf32, #tpu.memory_space<vmem>>)
      %dma_wait3A_1487 = arith.constant 32 : i32
      %dma_wait3A_1488 = arith.constant 32 : i32
      %dma_wait3A_1489 = arith.constant 0 : i32
      %dma_wait3A_1490 = tpu.memref_slice %arg9[%dma_wait3A_1488, %dma_wait3A_1489] : memref<64x128xf32, #tpu.memory_space<vmem>> -> memref<1x128xf32, #tpu.memory_space<vmem>>
      %dma_wait3A_1491 = tpu.memref_squeeze %dma_wait3A_1490 : memref<1x128xf32, #tpu.memory_space<vmem>> -> memref<128xf32, #tpu.memory_space<vmem>>
      %dma_wait3A_1492 = arith.constant 0 : i32
      %dma_wait3A_1493 = tpu.memref_slice %arg8[%dma_wait3A_1487, %dma_wait3A_1492] : memref<64x128xi32, #tpu.memory_space<vmem>> -> memref<1x128xi32, #tpu.memory_space<vmem>>
      %dma_wait3A_1494 = tpu.memref_squeeze %dma_wait3A_1493 : memref<1x128xi32, #tpu.memory_space<vmem>> -> memref<128xi32, #tpu.memory_space<vmem>>
      %dma_wait3A_1495 = arith.constant 0 : i32
      %dma_wait3A_1496 = tpu.memref_slice %arg2[%dma_wait3A_1495] : memref<166400000xf32, #tpu.memory_space<hbm>> -> memref<166400000xf32, #tpu.memory_space<hbm>>
      tpu.wait_indirect_dma semaphore(%arg12 : memref<!tpu.dma_semaphore, #tpu.memory_space<semaphore_mem>>) src(%dma_wait3A_1496 : memref<166400000xf32, #tpu.memory_space<hbm>>) dst(%dma_wait3A_1491 : memref<128xf32, #tpu.memory_space<vmem>>)
      %dma_wait3A_1497 = arith.constant 33 : i32
      %dma_wait3A_1498 = arith.constant 33 : i32
      %dma_wait3A_1499 = arith.constant 0 : i32
      %dma_wait3A_1500 = tpu.memref_slice %arg9[%dma_wait3A_1498, %dma_wait3A_1499] : memref<64x128xf32, #tpu.memory_space<vmem>> -> memref<1x128xf32, #tpu.memory_space<vmem>>
      %dma_wait3A_1501 = tpu.memref_squeeze %dma_wait3A_1500 : memref<1x128xf32, #tpu.memory_space<vmem>> -> memref<128xf32, #tpu.memory_space<vmem>>
      %dma_wait3A_1502 = arith.constant 0 : i32
      %dma_wait3A_1503 = tpu.memref_slice %arg8[%dma_wait3A_1497, %dma_wait3A_1502] : memref<64x128xi32, #tpu.memory_space<vmem>> -> memref<1x128xi32, #tpu.memory_space<vmem>>
      %dma_wait3A_1504 = tpu.memref_squeeze %dma_wait3A_1503 : memref<1x128xi32, #tpu.memory_space<vmem>> -> memref<128xi32, #tpu.memory_space<vmem>>
      %dma_wait3A_1505 = arith.constant 0 : i32
      %dma_wait3A_1506 = tpu.memref_slice %arg2[%dma_wait3A_1505] : memref<166400000xf32, #tpu.memory_space<hbm>> -> memref<166400000xf32, #tpu.memory_space<hbm>>
      tpu.wait_indirect_dma semaphore(%arg12 : memref<!tpu.dma_semaphore, #tpu.memory_space<semaphore_mem>>) src(%dma_wait3A_1506 : memref<166400000xf32, #tpu.memory_space<hbm>>) dst(%dma_wait3A_1501 : memref<128xf32, #tpu.memory_space<vmem>>)
      %dma_wait3A_1507 = arith.constant 34 : i32
      %dma_wait3A_1508 = arith.constant 34 : i32
      %dma_wait3A_1509 = arith.constant 0 : i32
      %dma_wait3A_1510 = tpu.memref_slice %arg9[%dma_wait3A_1508, %dma_wait3A_1509] : memref<64x128xf32, #tpu.memory_space<vmem>> -> memref<1x128xf32, #tpu.memory_space<vmem>>
      %dma_wait3A_1511 = tpu.memref_squeeze %dma_wait3A_1510 : memref<1x128xf32, #tpu.memory_space<vmem>> -> memref<128xf32, #tpu.memory_space<vmem>>
      %dma_wait3A_1512 = arith.constant 0 : i32
      %dma_wait3A_1513 = tpu.memref_slice %arg8[%dma_wait3A_1507, %dma_wait3A_1512] : memref<64x128xi32, #tpu.memory_space<vmem>> -> memref<1x128xi32, #tpu.memory_space<vmem>>
      %dma_wait3A_1514 = tpu.memref_squeeze %dma_wait3A_1513 : memref<1x128xi32, #tpu.memory_space<vmem>> -> memref<128xi32, #tpu.memory_space<vmem>>
      %dma_wait3A_1515 = arith.constant 0 : i32
      %dma_wait3A_1516 = tpu.memref_slice %arg2[%dma_wait3A_1515] : memref<166400000xf32, #tpu.memory_space<hbm>> -> memref<166400000xf32, #tpu.memory_space<hbm>>
      tpu.wait_indirect_dma semaphore(%arg12 : memref<!tpu.dma_semaphore, #tpu.memory_space<semaphore_mem>>) src(%dma_wait3A_1516 : memref<166400000xf32, #tpu.memory_space<hbm>>) dst(%dma_wait3A_1511 : memref<128xf32, #tpu.memory_space<vmem>>)
      %dma_wait3A_1517 = arith.constant 35 : i32
      %dma_wait3A_1518 = arith.constant 35 : i32
      %dma_wait3A_1519 = arith.constant 0 : i32
      %dma_wait3A_1520 = tpu.memref_slice %arg9[%dma_wait3A_1518, %dma_wait3A_1519] : memref<64x128xf32, #tpu.memory_space<vmem>> -> memref<1x128xf32, #tpu.memory_space<vmem>>
      %dma_wait3A_1521 = tpu.memref_squeeze %dma_wait3A_1520 : memref<1x128xf32, #tpu.memory_space<vmem>> -> memref<128xf32, #tpu.memory_space<vmem>>
      %dma_wait3A_1522 = arith.constant 0 : i32
      %dma_wait3A_1523 = tpu.memref_slice %arg8[%dma_wait3A_1517, %dma_wait3A_1522] : memref<64x128xi32, #tpu.memory_space<vmem>> -> memref<1x128xi32, #tpu.memory_space<vmem>>
      %dma_wait3A_1524 = tpu.memref_squeeze %dma_wait3A_1523 : memref<1x128xi32, #tpu.memory_space<vmem>> -> memref<128xi32, #tpu.memory_space<vmem>>
      %dma_wait3A_1525 = arith.constant 0 : i32
      %dma_wait3A_1526 = tpu.memref_slice %arg2[%dma_wait3A_1525] : memref<166400000xf32, #tpu.memory_space<hbm>> -> memref<166400000xf32, #tpu.memory_space<hbm>>
      tpu.wait_indirect_dma semaphore(%arg12 : memref<!tpu.dma_semaphore, #tpu.memory_space<semaphore_mem>>) src(%dma_wait3A_1526 : memref<166400000xf32, #tpu.memory_space<hbm>>) dst(%dma_wait3A_1521 : memref<128xf32, #tpu.memory_space<vmem>>)
      %dma_wait3A_1527 = arith.constant 36 : i32
      %dma_wait3A_1528 = arith.constant 36 : i32
      %dma_wait3A_1529 = arith.constant 0 : i32
      %dma_wait3A_1530 = tpu.memref_slice %arg9[%dma_wait3A_1528, %dma_wait3A_1529] : memref<64x128xf32, #tpu.memory_space<vmem>> -> memref<1x128xf32, #tpu.memory_space<vmem>>
      %dma_wait3A_1531 = tpu.memref_squeeze %dma_wait3A_1530 : memref<1x128xf32, #tpu.memory_space<vmem>> -> memref<128xf32, #tpu.memory_space<vmem>>
      %dma_wait3A_1532 = arith.constant 0 : i32
      %dma_wait3A_1533 = tpu.memref_slice %arg8[%dma_wait3A_1527, %dma_wait3A_1532] : memref<64x128xi32, #tpu.memory_space<vmem>> -> memref<1x128xi32, #tpu.memory_space<vmem>>
      %dma_wait3A_1534 = tpu.memref_squeeze %dma_wait3A_1533 : memref<1x128xi32, #tpu.memory_space<vmem>> -> memref<128xi32, #tpu.memory_space<vmem>>
      %dma_wait3A_1535 = arith.constant 0 : i32
      %dma_wait3A_1536 = tpu.memref_slice %arg2[%dma_wait3A_1535] : memref<166400000xf32, #tpu.memory_space<hbm>> -> memref<166400000xf32, #tpu.memory_space<hbm>>
      tpu.wait_indirect_dma semaphore(%arg12 : memref<!tpu.dma_semaphore, #tpu.memory_space<semaphore_mem>>) src(%dma_wait3A_1536 : memref<166400000xf32, #tpu.memory_space<hbm>>) dst(%dma_wait3A_1531 : memref<128xf32, #tpu.memory_space<vmem>>)
      %dma_wait3A_1537 = arith.constant 37 : i32
      %dma_wait3A_1538 = arith.constant 37 : i32
      %dma_wait3A_1539 = arith.constant 0 : i32
      %dma_wait3A_1540 = tpu.memref_slice %arg9[%dma_wait3A_1538, %dma_wait3A_1539] : memref<64x128xf32, #tpu.memory_space<vmem>> -> memref<1x128xf32, #tpu.memory_space<vmem>>
      %dma_wait3A_1541 = tpu.memref_squeeze %dma_wait3A_1540 : memref<1x128xf32, #tpu.memory_space<vmem>> -> memref<128xf32, #tpu.memory_space<vmem>>
      %dma_wait3A_1542 = arith.constant 0 : i32
      %dma_wait3A_1543 = tpu.memref_slice %arg8[%dma_wait3A_1537, %dma_wait3A_1542] : memref<64x128xi32, #tpu.memory_space<vmem>> -> memref<1x128xi32, #tpu.memory_space<vmem>>
      %dma_wait3A_1544 = tpu.memref_squeeze %dma_wait3A_1543 : memref<1x128xi32, #tpu.memory_space<vmem>> -> memref<128xi32, #tpu.memory_space<vmem>>
      %dma_wait3A_1545 = arith.constant 0 : i32
      %dma_wait3A_1546 = tpu.memref_slice %arg2[%dma_wait3A_1545] : memref<166400000xf32, #tpu.memory_space<hbm>> -> memref<166400000xf32, #tpu.memory_space<hbm>>
      tpu.wait_indirect_dma semaphore(%arg12 : memref<!tpu.dma_semaphore, #tpu.memory_space<semaphore_mem>>) src(%dma_wait3A_1546 : memref<166400000xf32, #tpu.memory_space<hbm>>) dst(%dma_wait3A_1541 : memref<128xf32, #tpu.memory_space<vmem>>)
      %dma_wait3A_1547 = arith.constant 38 : i32
      %dma_wait3A_1548 = arith.constant 38 : i32
      %dma_wait3A_1549 = arith.constant 0 : i32
      %dma_wait3A_1550 = tpu.memref_slice %arg9[%dma_wait3A_1548, %dma_wait3A_1549] : memref<64x128xf32, #tpu.memory_space<vmem>> -> memref<1x128xf32, #tpu.memory_space<vmem>>
      %dma_wait3A_1551 = tpu.memref_squeeze %dma_wait3A_1550 : memref<1x128xf32, #tpu.memory_space<vmem>> -> memref<128xf32, #tpu.memory_space<vmem>>
      %dma_wait3A_1552 = arith.constant 0 : i32
      %dma_wait3A_1553 = tpu.memref_slice %arg8[%dma_wait3A_1547, %dma_wait3A_1552] : memref<64x128xi32, #tpu.memory_space<vmem>> -> memref<1x128xi32, #tpu.memory_space<vmem>>
      %dma_wait3A_1554 = tpu.memref_squeeze %dma_wait3A_1553 : memref<1x128xi32, #tpu.memory_space<vmem>> -> memref<128xi32, #tpu.memory_space<vmem>>
      %dma_wait3A_1555 = arith.constant 0 : i32
      %dma_wait3A_1556 = tpu.memref_slice %arg2[%dma_wait3A_1555] : memref<166400000xf32, #tpu.memory_space<hbm>> -> memref<166400000xf32, #tpu.memory_space<hbm>>
      tpu.wait_indirect_dma semaphore(%arg12 : memref<!tpu.dma_semaphore, #tpu.memory_space<semaphore_mem>>) src(%dma_wait3A_1556 : memref<166400000xf32, #tpu.memory_space<hbm>>) dst(%dma_wait3A_1551 : memref<128xf32, #tpu.memory_space<vmem>>)
      %dma_wait3A_1557 = arith.constant 39 : i32
      %dma_wait3A_1558 = arith.constant 39 : i32
      %dma_wait3A_1559 = arith.constant 0 : i32
      %dma_wait3A_1560 = tpu.memref_slice %arg9[%dma_wait3A_1558, %dma_wait3A_1559] : memref<64x128xf32, #tpu.memory_space<vmem>> -> memref<1x128xf32, #tpu.memory_space<vmem>>
      %dma_wait3A_1561 = tpu.memref_squeeze %dma_wait3A_1560 : memref<1x128xf32, #tpu.memory_space<vmem>> -> memref<128xf32, #tpu.memory_space<vmem>>
      %dma_wait3A_1562 = arith.constant 0 : i32
      %dma_wait3A_1563 = tpu.memref_slice %arg8[%dma_wait3A_1557, %dma_wait3A_1562] : memref<64x128xi32, #tpu.memory_space<vmem>> -> memref<1x128xi32, #tpu.memory_space<vmem>>
      %dma_wait3A_1564 = tpu.memref_squeeze %dma_wait3A_1563 : memref<1x128xi32, #tpu.memory_space<vmem>> -> memref<128xi32, #tpu.memory_space<vmem>>
      %dma_wait3A_1565 = arith.constant 0 : i32
      %dma_wait3A_1566 = tpu.memref_slice %arg2[%dma_wait3A_1565] : memref<166400000xf32, #tpu.memory_space<hbm>> -> memref<166400000xf32, #tpu.memory_space<hbm>>
      tpu.wait_indirect_dma semaphore(%arg12 : memref<!tpu.dma_semaphore, #tpu.memory_space<semaphore_mem>>) src(%dma_wait3A_1566 : memref<166400000xf32, #tpu.memory_space<hbm>>) dst(%dma_wait3A_1561 : memref<128xf32, #tpu.memory_space<vmem>>)
      %dma_wait3A_1567 = arith.constant 40 : i32
      %dma_wait3A_1568 = arith.constant 40 : i32
      %dma_wait3A_1569 = arith.constant 0 : i32
      %dma_wait3A_1570 = tpu.memref_slice %arg9[%dma_wait3A_1568, %dma_wait3A_1569] : memref<64x128xf32, #tpu.memory_space<vmem>> -> memref<1x128xf32, #tpu.memory_space<vmem>>
      %dma_wait3A_1571 = tpu.memref_squeeze %dma_wait3A_1570 : memref<1x128xf32, #tpu.memory_space<vmem>> -> memref<128xf32, #tpu.memory_space<vmem>>
      %dma_wait3A_1572 = arith.constant 0 : i32
      %dma_wait3A_1573 = tpu.memref_slice %arg8[%dma_wait3A_1567, %dma_wait3A_1572] : memref<64x128xi32, #tpu.memory_space<vmem>> -> memref<1x128xi32, #tpu.memory_space<vmem>>
      %dma_wait3A_1574 = tpu.memref_squeeze %dma_wait3A_1573 : memref<1x128xi32, #tpu.memory_space<vmem>> -> memref<128xi32, #tpu.memory_space<vmem>>
      %dma_wait3A_1575 = arith.constant 0 : i32
      %dma_wait3A_1576 = tpu.memref_slice %arg2[%dma_wait3A_1575] : memref<166400000xf32, #tpu.memory_space<hbm>> -> memref<166400000xf32, #tpu.memory_space<hbm>>
      tpu.wait_indirect_dma semaphore(%arg12 : memref<!tpu.dma_semaphore, #tpu.memory_space<semaphore_mem>>) src(%dma_wait3A_1576 : memref<166400000xf32, #tpu.memory_space<hbm>>) dst(%dma_wait3A_1571 : memref<128xf32, #tpu.memory_space<vmem>>)
      %dma_wait3A_1577 = arith.constant 41 : i32
      %dma_wait3A_1578 = arith.constant 41 : i32
      %dma_wait3A_1579 = arith.constant 0 : i32
      %dma_wait3A_1580 = tpu.memref_slice %arg9[%dma_wait3A_1578, %dma_wait3A_1579] : memref<64x128xf32, #tpu.memory_space<vmem>> -> memref<1x128xf32, #tpu.memory_space<vmem>>
      %dma_wait3A_1581 = tpu.memref_squeeze %dma_wait3A_1580 : memref<1x128xf32, #tpu.memory_space<vmem>> -> memref<128xf32, #tpu.memory_space<vmem>>
      %dma_wait3A_1582 = arith.constant 0 : i32
      %dma_wait3A_1583 = tpu.memref_slice %arg8[%dma_wait3A_1577, %dma_wait3A_1582] : memref<64x128xi32, #tpu.memory_space<vmem>> -> memref<1x128xi32, #tpu.memory_space<vmem>>
      %dma_wait3A_1584 = tpu.memref_squeeze %dma_wait3A_1583 : memref<1x128xi32, #tpu.memory_space<vmem>> -> memref<128xi32, #tpu.memory_space<vmem>>
      %dma_wait3A_1585 = arith.constant 0 : i32
      %dma_wait3A_1586 = tpu.memref_slice %arg2[%dma_wait3A_1585] : memref<166400000xf32, #tpu.memory_space<hbm>> -> memref<166400000xf32, #tpu.memory_space<hbm>>
      tpu.wait_indirect_dma semaphore(%arg12 : memref<!tpu.dma_semaphore, #tpu.memory_space<semaphore_mem>>) src(%dma_wait3A_1586 : memref<166400000xf32, #tpu.memory_space<hbm>>) dst(%dma_wait3A_1581 : memref<128xf32, #tpu.memory_space<vmem>>)
      %dma_wait3A_1587 = arith.constant 42 : i32
      %dma_wait3A_1588 = arith.constant 42 : i32
      %dma_wait3A_1589 = arith.constant 0 : i32
      %dma_wait3A_1590 = tpu.memref_slice %arg9[%dma_wait3A_1588, %dma_wait3A_1589] : memref<64x128xf32, #tpu.memory_space<vmem>> -> memref<1x128xf32, #tpu.memory_space<vmem>>
      %dma_wait3A_1591 = tpu.memref_squeeze %dma_wait3A_1590 : memref<1x128xf32, #tpu.memory_space<vmem>> -> memref<128xf32, #tpu.memory_space<vmem>>
      %dma_wait3A_1592 = arith.constant 0 : i32
      %dma_wait3A_1593 = tpu.memref_slice %arg8[%dma_wait3A_1587, %dma_wait3A_1592] : memref<64x128xi32, #tpu.memory_space<vmem>> -> memref<1x128xi32, #tpu.memory_space<vmem>>
      %dma_wait3A_1594 = tpu.memref_squeeze %dma_wait3A_1593 : memref<1x128xi32, #tpu.memory_space<vmem>> -> memref<128xi32, #tpu.memory_space<vmem>>
      %dma_wait3A_1595 = arith.constant 0 : i32
      %dma_wait3A_1596 = tpu.memref_slice %arg2[%dma_wait3A_1595] : memref<166400000xf32, #tpu.memory_space<hbm>> -> memref<166400000xf32, #tpu.memory_space<hbm>>
      tpu.wait_indirect_dma semaphore(%arg12 : memref<!tpu.dma_semaphore, #tpu.memory_space<semaphore_mem>>) src(%dma_wait3A_1596 : memref<166400000xf32, #tpu.memory_space<hbm>>) dst(%dma_wait3A_1591 : memref<128xf32, #tpu.memory_space<vmem>>)
      %dma_wait3A_1597 = arith.constant 43 : i32
      %dma_wait3A_1598 = arith.constant 43 : i32
      %dma_wait3A_1599 = arith.constant 0 : i32
      %dma_wait3A_1600 = tpu.memref_slice %arg9[%dma_wait3A_1598, %dma_wait3A_1599] : memref<64x128xf32, #tpu.memory_space<vmem>> -> memref<1x128xf32, #tpu.memory_space<vmem>>
      %dma_wait3A_1601 = tpu.memref_squeeze %dma_wait3A_1600 : memref<1x128xf32, #tpu.memory_space<vmem>> -> memref<128xf32, #tpu.memory_space<vmem>>
      %dma_wait3A_1602 = arith.constant 0 : i32
      %dma_wait3A_1603 = tpu.memref_slice %arg8[%dma_wait3A_1597, %dma_wait3A_1602] : memref<64x128xi32, #tpu.memory_space<vmem>> -> memref<1x128xi32, #tpu.memory_space<vmem>>
      %dma_wait3A_1604 = tpu.memref_squeeze %dma_wait3A_1603 : memref<1x128xi32, #tpu.memory_space<vmem>> -> memref<128xi32, #tpu.memory_space<vmem>>
      %dma_wait3A_1605 = arith.constant 0 : i32
      %dma_wait3A_1606 = tpu.memref_slice %arg2[%dma_wait3A_1605] : memref<166400000xf32, #tpu.memory_space<hbm>> -> memref<166400000xf32, #tpu.memory_space<hbm>>
      tpu.wait_indirect_dma semaphore(%arg12 : memref<!tpu.dma_semaphore, #tpu.memory_space<semaphore_mem>>) src(%dma_wait3A_1606 : memref<166400000xf32, #tpu.memory_space<hbm>>) dst(%dma_wait3A_1601 : memref<128xf32, #tpu.memory_space<vmem>>)
      %dma_wait3A_1607 = arith.constant 44 : i32
      %dma_wait3A_1608 = arith.constant 44 : i32
      %dma_wait3A_1609 = arith.constant 0 : i32
      %dma_wait3A_1610 = tpu.memref_slice %arg9[%dma_wait3A_1608, %dma_wait3A_1609] : memref<64x128xf32, #tpu.memory_space<vmem>> -> memref<1x128xf32, #tpu.memory_space<vmem>>
      %dma_wait3A_1611 = tpu.memref_squeeze %dma_wait3A_1610 : memref<1x128xf32, #tpu.memory_space<vmem>> -> memref<128xf32, #tpu.memory_space<vmem>>
      %dma_wait3A_1612 = arith.constant 0 : i32
      %dma_wait3A_1613 = tpu.memref_slice %arg8[%dma_wait3A_1607, %dma_wait3A_1612] : memref<64x128xi32, #tpu.memory_space<vmem>> -> memref<1x128xi32, #tpu.memory_space<vmem>>
      %dma_wait3A_1614 = tpu.memref_squeeze %dma_wait3A_1613 : memref<1x128xi32, #tpu.memory_space<vmem>> -> memref<128xi32, #tpu.memory_space<vmem>>
      %dma_wait3A_1615 = arith.constant 0 : i32
      %dma_wait3A_1616 = tpu.memref_slice %arg2[%dma_wait3A_1615] : memref<166400000xf32, #tpu.memory_space<hbm>> -> memref<166400000xf32, #tpu.memory_space<hbm>>
      tpu.wait_indirect_dma semaphore(%arg12 : memref<!tpu.dma_semaphore, #tpu.memory_space<semaphore_mem>>) src(%dma_wait3A_1616 : memref<166400000xf32, #tpu.memory_space<hbm>>) dst(%dma_wait3A_1611 : memref<128xf32, #tpu.memory_space<vmem>>)
      %dma_wait3A_1617 = arith.constant 45 : i32
      %dma_wait3A_1618 = arith.constant 45 : i32
      %dma_wait3A_1619 = arith.constant 0 : i32
      %dma_wait3A_1620 = tpu.memref_slice %arg9[%dma_wait3A_1618, %dma_wait3A_1619] : memref<64x128xf32, #tpu.memory_space<vmem>> -> memref<1x128xf32, #tpu.memory_space<vmem>>
      %dma_wait3A_1621 = tpu.memref_squeeze %dma_wait3A_1620 : memref<1x128xf32, #tpu.memory_space<vmem>> -> memref<128xf32, #tpu.memory_space<vmem>>
      %dma_wait3A_1622 = arith.constant 0 : i32
      %dma_wait3A_1623 = tpu.memref_slice %arg8[%dma_wait3A_1617, %dma_wait3A_1622] : memref<64x128xi32, #tpu.memory_space<vmem>> -> memref<1x128xi32, #tpu.memory_space<vmem>>
      %dma_wait3A_1624 = tpu.memref_squeeze %dma_wait3A_1623 : memref<1x128xi32, #tpu.memory_space<vmem>> -> memref<128xi32, #tpu.memory_space<vmem>>
      %dma_wait3A_1625 = arith.constant 0 : i32
      %dma_wait3A_1626 = tpu.memref_slice %arg2[%dma_wait3A_1625] : memref<166400000xf32, #tpu.memory_space<hbm>> -> memref<166400000xf32, #tpu.memory_space<hbm>>
      tpu.wait_indirect_dma semaphore(%arg12 : memref<!tpu.dma_semaphore, #tpu.memory_space<semaphore_mem>>) src(%dma_wait3A_1626 : memref<166400000xf32, #tpu.memory_space<hbm>>) dst(%dma_wait3A_1621 : memref<128xf32, #tpu.memory_space<vmem>>)
      %dma_wait3A_1627 = arith.constant 46 : i32
      %dma_wait3A_1628 = arith.constant 46 : i32
      %dma_wait3A_1629 = arith.constant 0 : i32
      %dma_wait3A_1630 = tpu.memref_slice %arg9[%dma_wait3A_1628, %dma_wait3A_1629] : memref<64x128xf32, #tpu.memory_space<vmem>> -> memref<1x128xf32, #tpu.memory_space<vmem>>
      %dma_wait3A_1631 = tpu.memref_squeeze %dma_wait3A_1630 : memref<1x128xf32, #tpu.memory_space<vmem>> -> memref<128xf32, #tpu.memory_space<vmem>>
      %dma_wait3A_1632 = arith.constant 0 : i32
      %dma_wait3A_1633 = tpu.memref_slice %arg8[%dma_wait3A_1627, %dma_wait3A_1632] : memref<64x128xi32, #tpu.memory_space<vmem>> -> memref<1x128xi32, #tpu.memory_space<vmem>>
      %dma_wait3A_1634 = tpu.memref_squeeze %dma_wait3A_1633 : memref<1x128xi32, #tpu.memory_space<vmem>> -> memref<128xi32, #tpu.memory_space<vmem>>
      %dma_wait3A_1635 = arith.constant 0 : i32
      %dma_wait3A_1636 = tpu.memref_slice %arg2[%dma_wait3A_1635] : memref<166400000xf32, #tpu.memory_space<hbm>> -> memref<166400000xf32, #tpu.memory_space<hbm>>
      tpu.wait_indirect_dma semaphore(%arg12 : memref<!tpu.dma_semaphore, #tpu.memory_space<semaphore_mem>>) src(%dma_wait3A_1636 : memref<166400000xf32, #tpu.memory_space<hbm>>) dst(%dma_wait3A_1631 : memref<128xf32, #tpu.memory_space<vmem>>)
      %dma_wait3A_1637 = arith.constant 47 : i32
      %dma_wait3A_1638 = arith.constant 47 : i32
      %dma_wait3A_1639 = arith.constant 0 : i32
      %dma_wait3A_1640 = tpu.memref_slice %arg9[%dma_wait3A_1638, %dma_wait3A_1639] : memref<64x128xf32, #tpu.memory_space<vmem>> -> memref<1x128xf32, #tpu.memory_space<vmem>>
      %dma_wait3A_1641 = tpu.memref_squeeze %dma_wait3A_1640 : memref<1x128xf32, #tpu.memory_space<vmem>> -> memref<128xf32, #tpu.memory_space<vmem>>
      %dma_wait3A_1642 = arith.constant 0 : i32
      %dma_wait3A_1643 = tpu.memref_slice %arg8[%dma_wait3A_1637, %dma_wait3A_1642] : memref<64x128xi32, #tpu.memory_space<vmem>> -> memref<1x128xi32, #tpu.memory_space<vmem>>
      %dma_wait3A_1644 = tpu.memref_squeeze %dma_wait3A_1643 : memref<1x128xi32, #tpu.memory_space<vmem>> -> memref<128xi32, #tpu.memory_space<vmem>>
      %dma_wait3A_1645 = arith.constant 0 : i32
      %dma_wait3A_1646 = tpu.memref_slice %arg2[%dma_wait3A_1645] : memref<166400000xf32, #tpu.memory_space<hbm>> -> memref<166400000xf32, #tpu.memory_space<hbm>>
      tpu.wait_indirect_dma semaphore(%arg12 : memref<!tpu.dma_semaphore, #tpu.memory_space<semaphore_mem>>) src(%dma_wait3A_1646 : memref<166400000xf32, #tpu.memory_space<hbm>>) dst(%dma_wait3A_1641 : memref<128xf32, #tpu.memory_space<vmem>>)
      %dma_wait3A_1647 = arith.constant 48 : i32
      %dma_wait3A_1648 = arith.constant 48 : i32
      %dma_wait3A_1649 = arith.constant 0 : i32
      %dma_wait3A_1650 = tpu.memref_slice %arg9[%dma_wait3A_1648, %dma_wait3A_1649] : memref<64x128xf32, #tpu.memory_space<vmem>> -> memref<1x128xf32, #tpu.memory_space<vmem>>
      %dma_wait3A_1651 = tpu.memref_squeeze %dma_wait3A_1650 : memref<1x128xf32, #tpu.memory_space<vmem>> -> memref<128xf32, #tpu.memory_space<vmem>>
      %dma_wait3A_1652 = arith.constant 0 : i32
      %dma_wait3A_1653 = tpu.memref_slice %arg8[%dma_wait3A_1647, %dma_wait3A_1652] : memref<64x128xi32, #tpu.memory_space<vmem>> -> memref<1x128xi32, #tpu.memory_space<vmem>>
      %dma_wait3A_1654 = tpu.memref_squeeze %dma_wait3A_1653 : memref<1x128xi32, #tpu.memory_space<vmem>> -> memref<128xi32, #tpu.memory_space<vmem>>
      %dma_wait3A_1655 = arith.constant 0 : i32
      %dma_wait3A_1656 = tpu.memref_slice %arg2[%dma_wait3A_1655] : memref<166400000xf32, #tpu.memory_space<hbm>> -> memref<166400000xf32, #tpu.memory_space<hbm>>
      tpu.wait_indirect_dma semaphore(%arg12 : memref<!tpu.dma_semaphore, #tpu.memory_space<semaphore_mem>>) src(%dma_wait3A_1656 : memref<166400000xf32, #tpu.memory_space<hbm>>) dst(%dma_wait3A_1651 : memref<128xf32, #tpu.memory_space<vmem>>)
      %dma_wait3A_1657 = arith.constant 49 : i32
      %dma_wait3A_1658 = arith.constant 49 : i32
      %dma_wait3A_1659 = arith.constant 0 : i32
      %dma_wait3A_1660 = tpu.memref_slice %arg9[%dma_wait3A_1658, %dma_wait3A_1659] : memref<64x128xf32, #tpu.memory_space<vmem>> -> memref<1x128xf32, #tpu.memory_space<vmem>>
      %dma_wait3A_1661 = tpu.memref_squeeze %dma_wait3A_1660 : memref<1x128xf32, #tpu.memory_space<vmem>> -> memref<128xf32, #tpu.memory_space<vmem>>
      %dma_wait3A_1662 = arith.constant 0 : i32
      %dma_wait3A_1663 = tpu.memref_slice %arg8[%dma_wait3A_1657, %dma_wait3A_1662] : memref<64x128xi32, #tpu.memory_space<vmem>> -> memref<1x128xi32, #tpu.memory_space<vmem>>
      %dma_wait3A_1664 = tpu.memref_squeeze %dma_wait3A_1663 : memref<1x128xi32, #tpu.memory_space<vmem>> -> memref<128xi32, #tpu.memory_space<vmem>>
      %dma_wait3A_1665 = arith.constant 0 : i32
      %dma_wait3A_1666 = tpu.memref_slice %arg2[%dma_wait3A_1665] : memref<166400000xf32, #tpu.memory_space<hbm>> -> memref<166400000xf32, #tpu.memory_space<hbm>>
      tpu.wait_indirect_dma semaphore(%arg12 : memref<!tpu.dma_semaphore, #tpu.memory_space<semaphore_mem>>) src(%dma_wait3A_1666 : memref<166400000xf32, #tpu.memory_space<hbm>>) dst(%dma_wait3A_1661 : memref<128xf32, #tpu.memory_space<vmem>>)
      %dma_wait3A_1667 = arith.constant 50 : i32
      %dma_wait3A_1668 = arith.constant 50 : i32
      %dma_wait3A_1669 = arith.constant 0 : i32
      %dma_wait3A_1670 = tpu.memref_slice %arg9[%dma_wait3A_1668, %dma_wait3A_1669] : memref<64x128xf32, #tpu.memory_space<vmem>> -> memref<1x128xf32, #tpu.memory_space<vmem>>
      %dma_wait3A_1671 = tpu.memref_squeeze %dma_wait3A_1670 : memref<1x128xf32, #tpu.memory_space<vmem>> -> memref<128xf32, #tpu.memory_space<vmem>>
      %dma_wait3A_1672 = arith.constant 0 : i32
      %dma_wait3A_1673 = tpu.memref_slice %arg8[%dma_wait3A_1667, %dma_wait3A_1672] : memref<64x128xi32, #tpu.memory_space<vmem>> -> memref<1x128xi32, #tpu.memory_space<vmem>>
      %dma_wait3A_1674 = tpu.memref_squeeze %dma_wait3A_1673 : memref<1x128xi32, #tpu.memory_space<vmem>> -> memref<128xi32, #tpu.memory_space<vmem>>
      %dma_wait3A_1675 = arith.constant 0 : i32
      %dma_wait3A_1676 = tpu.memref_slice %arg2[%dma_wait3A_1675] : memref<166400000xf32, #tpu.memory_space<hbm>> -> memref<166400000xf32, #tpu.memory_space<hbm>>
      tpu.wait_indirect_dma semaphore(%arg12 : memref<!tpu.dma_semaphore, #tpu.memory_space<semaphore_mem>>) src(%dma_wait3A_1676 : memref<166400000xf32, #tpu.memory_space<hbm>>) dst(%dma_wait3A_1671 : memref<128xf32, #tpu.memory_space<vmem>>)
      %dma_wait3A_1677 = arith.constant 51 : i32
      %dma_wait3A_1678 = arith.constant 51 : i32
      %dma_wait3A_1679 = arith.constant 0 : i32
      %dma_wait3A_1680 = tpu.memref_slice %arg9[%dma_wait3A_1678, %dma_wait3A_1679] : memref<64x128xf32, #tpu.memory_space<vmem>> -> memref<1x128xf32, #tpu.memory_space<vmem>>
      %dma_wait3A_1681 = tpu.memref_squeeze %dma_wait3A_1680 : memref<1x128xf32, #tpu.memory_space<vmem>> -> memref<128xf32, #tpu.memory_space<vmem>>
      %dma_wait3A_1682 = arith.constant 0 : i32
      %dma_wait3A_1683 = tpu.memref_slice %arg8[%dma_wait3A_1677, %dma_wait3A_1682] : memref<64x128xi32, #tpu.memory_space<vmem>> -> memref<1x128xi32, #tpu.memory_space<vmem>>
      %dma_wait3A_1684 = tpu.memref_squeeze %dma_wait3A_1683 : memref<1x128xi32, #tpu.memory_space<vmem>> -> memref<128xi32, #tpu.memory_space<vmem>>
      %dma_wait3A_1685 = arith.constant 0 : i32
      %dma_wait3A_1686 = tpu.memref_slice %arg2[%dma_wait3A_1685] : memref<166400000xf32, #tpu.memory_space<hbm>> -> memref<166400000xf32, #tpu.memory_space<hbm>>
      tpu.wait_indirect_dma semaphore(%arg12 : memref<!tpu.dma_semaphore, #tpu.memory_space<semaphore_mem>>) src(%dma_wait3A_1686 : memref<166400000xf32, #tpu.memory_space<hbm>>) dst(%dma_wait3A_1681 : memref<128xf32, #tpu.memory_space<vmem>>)
      %dma_wait3A_1687 = arith.constant 52 : i32
      %dma_wait3A_1688 = arith.constant 52 : i32
      %dma_wait3A_1689 = arith.constant 0 : i32
      %dma_wait3A_1690 = tpu.memref_slice %arg9[%dma_wait3A_1688, %dma_wait3A_1689] : memref<64x128xf32, #tpu.memory_space<vmem>> -> memref<1x128xf32, #tpu.memory_space<vmem>>
      %dma_wait3A_1691 = tpu.memref_squeeze %dma_wait3A_1690 : memref<1x128xf32, #tpu.memory_space<vmem>> -> memref<128xf32, #tpu.memory_space<vmem>>
      %dma_wait3A_1692 = arith.constant 0 : i32
      %dma_wait3A_1693 = tpu.memref_slice %arg8[%dma_wait3A_1687, %dma_wait3A_1692] : memref<64x128xi32, #tpu.memory_space<vmem>> -> memref<1x128xi32, #tpu.memory_space<vmem>>
      %dma_wait3A_1694 = tpu.memref_squeeze %dma_wait3A_1693 : memref<1x128xi32, #tpu.memory_space<vmem>> -> memref<128xi32, #tpu.memory_space<vmem>>
      %dma_wait3A_1695 = arith.constant 0 : i32
      %dma_wait3A_1696 = tpu.memref_slice %arg2[%dma_wait3A_1695] : memref<166400000xf32, #tpu.memory_space<hbm>> -> memref<166400000xf32, #tpu.memory_space<hbm>>
      tpu.wait_indirect_dma semaphore(%arg12 : memref<!tpu.dma_semaphore, #tpu.memory_space<semaphore_mem>>) src(%dma_wait3A_1696 : memref<166400000xf32, #tpu.memory_space<hbm>>) dst(%dma_wait3A_1691 : memref<128xf32, #tpu.memory_space<vmem>>)
      %dma_wait3A_1697 = arith.constant 53 : i32
      %dma_wait3A_1698 = arith.constant 53 : i32
      %dma_wait3A_1699 = arith.constant 0 : i32
      %dma_wait3A_1700 = tpu.memref_slice %arg9[%dma_wait3A_1698, %dma_wait3A_1699] : memref<64x128xf32, #tpu.memory_space<vmem>> -> memref<1x128xf32, #tpu.memory_space<vmem>>
      %dma_wait3A_1701 = tpu.memref_squeeze %dma_wait3A_1700 : memref<1x128xf32, #tpu.memory_space<vmem>> -> memref<128xf32, #tpu.memory_space<vmem>>
      %dma_wait3A_1702 = arith.constant 0 : i32
      %dma_wait3A_1703 = tpu.memref_slice %arg8[%dma_wait3A_1697, %dma_wait3A_1702] : memref<64x128xi32, #tpu.memory_space<vmem>> -> memref<1x128xi32, #tpu.memory_space<vmem>>
      %dma_wait3A_1704 = tpu.memref_squeeze %dma_wait3A_1703 : memref<1x128xi32, #tpu.memory_space<vmem>> -> memref<128xi32, #tpu.memory_space<vmem>>
      %dma_wait3A_1705 = arith.constant 0 : i32
      %dma_wait3A_1706 = tpu.memref_slice %arg2[%dma_wait3A_1705] : memref<166400000xf32, #tpu.memory_space<hbm>> -> memref<166400000xf32, #tpu.memory_space<hbm>>
      tpu.wait_indirect_dma semaphore(%arg12 : memref<!tpu.dma_semaphore, #tpu.memory_space<semaphore_mem>>) src(%dma_wait3A_1706 : memref<166400000xf32, #tpu.memory_space<hbm>>) dst(%dma_wait3A_1701 : memref<128xf32, #tpu.memory_space<vmem>>)
      %dma_wait3A_1707 = arith.constant 54 : i32
      %dma_wait3A_1708 = arith.constant 54 : i32
      %dma_wait3A_1709 = arith.constant 0 : i32
      %dma_wait3A_1710 = tpu.memref_slice %arg9[%dma_wait3A_1708, %dma_wait3A_1709] : memref<64x128xf32, #tpu.memory_space<vmem>> -> memref<1x128xf32, #tpu.memory_space<vmem>>
      %dma_wait3A_1711 = tpu.memref_squeeze %dma_wait3A_1710 : memref<1x128xf32, #tpu.memory_space<vmem>> -> memref<128xf32, #tpu.memory_space<vmem>>
      %dma_wait3A_1712 = arith.constant 0 : i32
      %dma_wait3A_1713 = tpu.memref_slice %arg8[%dma_wait3A_1707, %dma_wait3A_1712] : memref<64x128xi32, #tpu.memory_space<vmem>> -> memref<1x128xi32, #tpu.memory_space<vmem>>
      %dma_wait3A_1714 = tpu.memref_squeeze %dma_wait3A_1713 : memref<1x128xi32, #tpu.memory_space<vmem>> -> memref<128xi32, #tpu.memory_space<vmem>>
      %dma_wait3A_1715 = arith.constant 0 : i32
      %dma_wait3A_1716 = tpu.memref_slice %arg2[%dma_wait3A_1715] : memref<166400000xf32, #tpu.memory_space<hbm>> -> memref<166400000xf32, #tpu.memory_space<hbm>>
      tpu.wait_indirect_dma semaphore(%arg12 : memref<!tpu.dma_semaphore, #tpu.memory_space<semaphore_mem>>) src(%dma_wait3A_1716 : memref<166400000xf32, #tpu.memory_space<hbm>>) dst(%dma_wait3A_1711 : memref<128xf32, #tpu.memory_space<vmem>>)
      %dma_wait3A_1717 = arith.constant 55 : i32
      %dma_wait3A_1718 = arith.constant 55 : i32
      %dma_wait3A_1719 = arith.constant 0 : i32
      %dma_wait3A_1720 = tpu.memref_slice %arg9[%dma_wait3A_1718, %dma_wait3A_1719] : memref<64x128xf32, #tpu.memory_space<vmem>> -> memref<1x128xf32, #tpu.memory_space<vmem>>
      %dma_wait3A_1721 = tpu.memref_squeeze %dma_wait3A_1720 : memref<1x128xf32, #tpu.memory_space<vmem>> -> memref<128xf32, #tpu.memory_space<vmem>>
      %dma_wait3A_1722 = arith.constant 0 : i32
      %dma_wait3A_1723 = tpu.memref_slice %arg8[%dma_wait3A_1717, %dma_wait3A_1722] : memref<64x128xi32, #tpu.memory_space<vmem>> -> memref<1x128xi32, #tpu.memory_space<vmem>>
      %dma_wait3A_1724 = tpu.memref_squeeze %dma_wait3A_1723 : memref<1x128xi32, #tpu.memory_space<vmem>> -> memref<128xi32, #tpu.memory_space<vmem>>
      %dma_wait3A_1725 = arith.constant 0 : i32
      %dma_wait3A_1726 = tpu.memref_slice %arg2[%dma_wait3A_1725] : memref<166400000xf32, #tpu.memory_space<hbm>> -> memref<166400000xf32, #tpu.memory_space<hbm>>
      tpu.wait_indirect_dma semaphore(%arg12 : memref<!tpu.dma_semaphore, #tpu.memory_space<semaphore_mem>>) src(%dma_wait3A_1726 : memref<166400000xf32, #tpu.memory_space<hbm>>) dst(%dma_wait3A_1721 : memref<128xf32, #tpu.memory_space<vmem>>)
      %dma_wait3A_1727 = arith.constant 56 : i32
      %dma_wait3A_1728 = arith.constant 56 : i32
      %dma_wait3A_1729 = arith.constant 0 : i32
      %dma_wait3A_1730 = tpu.memref_slice %arg9[%dma_wait3A_1728, %dma_wait3A_1729] : memref<64x128xf32, #tpu.memory_space<vmem>> -> memref<1x128xf32, #tpu.memory_space<vmem>>
      %dma_wait3A_1731 = tpu.memref_squeeze %dma_wait3A_1730 : memref<1x128xf32, #tpu.memory_space<vmem>> -> memref<128xf32, #tpu.memory_space<vmem>>
      %dma_wait3A_1732 = arith.constant 0 : i32
      %dma_wait3A_1733 = tpu.memref_slice %arg8[%dma_wait3A_1727, %dma_wait3A_1732] : memref<64x128xi32, #tpu.memory_space<vmem>> -> memref<1x128xi32, #tpu.memory_space<vmem>>
      %dma_wait3A_1734 = tpu.memref_squeeze %dma_wait3A_1733 : memref<1x128xi32, #tpu.memory_space<vmem>> -> memref<128xi32, #tpu.memory_space<vmem>>
      %dma_wait3A_1735 = arith.constant 0 : i32
      %dma_wait3A_1736 = tpu.memref_slice %arg2[%dma_wait3A_1735] : memref<166400000xf32, #tpu.memory_space<hbm>> -> memref<166400000xf32, #tpu.memory_space<hbm>>
      tpu.wait_indirect_dma semaphore(%arg12 : memref<!tpu.dma_semaphore, #tpu.memory_space<semaphore_mem>>) src(%dma_wait3A_1736 : memref<166400000xf32, #tpu.memory_space<hbm>>) dst(%dma_wait3A_1731 : memref<128xf32, #tpu.memory_space<vmem>>)
      %dma_wait3A_1737 = arith.constant 57 : i32
      %dma_wait3A_1738 = arith.constant 57 : i32
      %dma_wait3A_1739 = arith.constant 0 : i32
      %dma_wait3A_1740 = tpu.memref_slice %arg9[%dma_wait3A_1738, %dma_wait3A_1739] : memref<64x128xf32, #tpu.memory_space<vmem>> -> memref<1x128xf32, #tpu.memory_space<vmem>>
      %dma_wait3A_1741 = tpu.memref_squeeze %dma_wait3A_1740 : memref<1x128xf32, #tpu.memory_space<vmem>> -> memref<128xf32, #tpu.memory_space<vmem>>
      %dma_wait3A_1742 = arith.constant 0 : i32
      %dma_wait3A_1743 = tpu.memref_slice %arg8[%dma_wait3A_1737, %dma_wait3A_1742] : memref<64x128xi32, #tpu.memory_space<vmem>> -> memref<1x128xi32, #tpu.memory_space<vmem>>
      %dma_wait3A_1744 = tpu.memref_squeeze %dma_wait3A_1743 : memref<1x128xi32, #tpu.memory_space<vmem>> -> memref<128xi32, #tpu.memory_space<vmem>>
      %dma_wait3A_1745 = arith.constant 0 : i32
      %dma_wait3A_1746 = tpu.memref_slice %arg2[%dma_wait3A_1745] : memref<166400000xf32, #tpu.memory_space<hbm>> -> memref<166400000xf32, #tpu.memory_space<hbm>>
      tpu.wait_indirect_dma semaphore(%arg12 : memref<!tpu.dma_semaphore, #tpu.memory_space<semaphore_mem>>) src(%dma_wait3A_1746 : memref<166400000xf32, #tpu.memory_space<hbm>>) dst(%dma_wait3A_1741 : memref<128xf32, #tpu.memory_space<vmem>>)
      %dma_wait3A_1747 = arith.constant 58 : i32
      %dma_wait3A_1748 = arith.constant 58 : i32
      %dma_wait3A_1749 = arith.constant 0 : i32
      %dma_wait3A_1750 = tpu.memref_slice %arg9[%dma_wait3A_1748, %dma_wait3A_1749] : memref<64x128xf32, #tpu.memory_space<vmem>> -> memref<1x128xf32, #tpu.memory_space<vmem>>
      %dma_wait3A_1751 = tpu.memref_squeeze %dma_wait3A_1750 : memref<1x128xf32, #tpu.memory_space<vmem>> -> memref<128xf32, #tpu.memory_space<vmem>>
      %dma_wait3A_1752 = arith.constant 0 : i32
      %dma_wait3A_1753 = tpu.memref_slice %arg8[%dma_wait3A_1747, %dma_wait3A_1752] : memref<64x128xi32, #tpu.memory_space<vmem>> -> memref<1x128xi32, #tpu.memory_space<vmem>>
      %dma_wait3A_1754 = tpu.memref_squeeze %dma_wait3A_1753 : memref<1x128xi32, #tpu.memory_space<vmem>> -> memref<128xi32, #tpu.memory_space<vmem>>
      %dma_wait3A_1755 = arith.constant 0 : i32
      %dma_wait3A_1756 = tpu.memref_slice %arg2[%dma_wait3A_1755] : memref<166400000xf32, #tpu.memory_space<hbm>> -> memref<166400000xf32, #tpu.memory_space<hbm>>
      tpu.wait_indirect_dma semaphore(%arg12 : memref<!tpu.dma_semaphore, #tpu.memory_space<semaphore_mem>>) src(%dma_wait3A_1756 : memref<166400000xf32, #tpu.memory_space<hbm>>) dst(%dma_wait3A_1751 : memref<128xf32, #tpu.memory_space<vmem>>)
      %dma_wait3A_1757 = arith.constant 59 : i32
      %dma_wait3A_1758 = arith.constant 59 : i32
      %dma_wait3A_1759 = arith.constant 0 : i32
      %dma_wait3A_1760 = tpu.memref_slice %arg9[%dma_wait3A_1758, %dma_wait3A_1759] : memref<64x128xf32, #tpu.memory_space<vmem>> -> memref<1x128xf32, #tpu.memory_space<vmem>>
      %dma_wait3A_1761 = tpu.memref_squeeze %dma_wait3A_1760 : memref<1x128xf32, #tpu.memory_space<vmem>> -> memref<128xf32, #tpu.memory_space<vmem>>
      %dma_wait3A_1762 = arith.constant 0 : i32
      %dma_wait3A_1763 = tpu.memref_slice %arg8[%dma_wait3A_1757, %dma_wait3A_1762] : memref<64x128xi32, #tpu.memory_space<vmem>> -> memref<1x128xi32, #tpu.memory_space<vmem>>
      %dma_wait3A_1764 = tpu.memref_squeeze %dma_wait3A_1763 : memref<1x128xi32, #tpu.memory_space<vmem>> -> memref<128xi32, #tpu.memory_space<vmem>>
      %dma_wait3A_1765 = arith.constant 0 : i32
      %dma_wait3A_1766 = tpu.memref_slice %arg2[%dma_wait3A_1765] : memref<166400000xf32, #tpu.memory_space<hbm>> -> memref<166400000xf32, #tpu.memory_space<hbm>>
      tpu.wait_indirect_dma semaphore(%arg12 : memref<!tpu.dma_semaphore, #tpu.memory_space<semaphore_mem>>) src(%dma_wait3A_1766 : memref<166400000xf32, #tpu.memory_space<hbm>>) dst(%dma_wait3A_1761 : memref<128xf32, #tpu.memory_space<vmem>>)
      %dma_wait3A_1767 = arith.constant 60 : i32
      %dma_wait3A_1768 = arith.constant 60 : i32
      %dma_wait3A_1769 = arith.constant 0 : i32
      %dma_wait3A_1770 = tpu.memref_slice %arg9[%dma_wait3A_1768, %dma_wait3A_1769] : memref<64x128xf32, #tpu.memory_space<vmem>> -> memref<1x128xf32, #tpu.memory_space<vmem>>
      %dma_wait3A_1771 = tpu.memref_squeeze %dma_wait3A_1770 : memref<1x128xf32, #tpu.memory_space<vmem>> -> memref<128xf32, #tpu.memory_space<vmem>>
      %dma_wait3A_1772 = arith.constant 0 : i32
      %dma_wait3A_1773 = tpu.memref_slice %arg8[%dma_wait3A_1767, %dma_wait3A_1772] : memref<64x128xi32, #tpu.memory_space<vmem>> -> memref<1x128xi32, #tpu.memory_space<vmem>>
      %dma_wait3A_1774 = tpu.memref_squeeze %dma_wait3A_1773 : memref<1x128xi32, #tpu.memory_space<vmem>> -> memref<128xi32, #tpu.memory_space<vmem>>
      %dma_wait3A_1775 = arith.constant 0 : i32
      %dma_wait3A_1776 = tpu.memref_slice %arg2[%dma_wait3A_1775] : memref<166400000xf32, #tpu.memory_space<hbm>> -> memref<166400000xf32, #tpu.memory_space<hbm>>
      tpu.wait_indirect_dma semaphore(%arg12 : memref<!tpu.dma_semaphore, #tpu.memory_space<semaphore_mem>>) src(%dma_wait3A_1776 : memref<166400000xf32, #tpu.memory_space<hbm>>) dst(%dma_wait3A_1771 : memref<128xf32, #tpu.memory_space<vmem>>)
      %dma_wait3A_1777 = arith.constant 61 : i32
      %dma_wait3A_1778 = arith.constant 61 : i32
      %dma_wait3A_1779 = arith.constant 0 : i32
      %dma_wait3A_1780 = tpu.memref_slice %arg9[%dma_wait3A_1778, %dma_wait3A_1779] : memref<64x128xf32, #tpu.memory_space<vmem>> -> memref<1x128xf32, #tpu.memory_space<vmem>>
      %dma_wait3A_1781 = tpu.memref_squeeze %dma_wait3A_1780 : memref<1x128xf32, #tpu.memory_space<vmem>> -> memref<128xf32, #tpu.memory_space<vmem>>
      %dma_wait3A_1782 = arith.constant 0 : i32
      %dma_wait3A_1783 = tpu.memref_slice %arg8[%dma_wait3A_1777, %dma_wait3A_1782] : memref<64x128xi32, #tpu.memory_space<vmem>> -> memref<1x128xi32, #tpu.memory_space<vmem>>
      %dma_wait3A_1784 = tpu.memref_squeeze %dma_wait3A_1783 : memref<1x128xi32, #tpu.memory_space<vmem>> -> memref<128xi32, #tpu.memory_space<vmem>>
      %dma_wait3A_1785 = arith.constant 0 : i32
      %dma_wait3A_1786 = tpu.memref_slice %arg2[%dma_wait3A_1785] : memref<166400000xf32, #tpu.memory_space<hbm>> -> memref<166400000xf32, #tpu.memory_space<hbm>>
      tpu.wait_indirect_dma semaphore(%arg12 : memref<!tpu.dma_semaphore, #tpu.memory_space<semaphore_mem>>) src(%dma_wait3A_1786 : memref<166400000xf32, #tpu.memory_space<hbm>>) dst(%dma_wait3A_1781 : memref<128xf32, #tpu.memory_space<vmem>>)
      %dma_wait3A_1787 = arith.constant 62 : i32
      %dma_wait3A_1788 = arith.constant 62 : i32
      %dma_wait3A_1789 = arith.constant 0 : i32
      %dma_wait3A_1790 = tpu.memref_slice %arg9[%dma_wait3A_1788, %dma_wait3A_1789] : memref<64x128xf32, #tpu.memory_space<vmem>> -> memref<1x128xf32, #tpu.memory_space<vmem>>
      %dma_wait3A_1791 = tpu.memref_squeeze %dma_wait3A_1790 : memref<1x128xf32, #tpu.memory_space<vmem>> -> memref<128xf32, #tpu.memory_space<vmem>>
      %dma_wait3A_1792 = arith.constant 0 : i32
      %dma_wait3A_1793 = tpu.memref_slice %arg8[%dma_wait3A_1787, %dma_wait3A_1792] : memref<64x128xi32, #tpu.memory_space<vmem>> -> memref<1x128xi32, #tpu.memory_space<vmem>>
      %dma_wait3A_1794 = tpu.memref_squeeze %dma_wait3A_1793 : memref<1x128xi32, #tpu.memory_space<vmem>> -> memref<128xi32, #tpu.memory_space<vmem>>
      %dma_wait3A_1795 = arith.constant 0 : i32
      %dma_wait3A_1796 = tpu.memref_slice %arg2[%dma_wait3A_1795] : memref<166400000xf32, #tpu.memory_space<hbm>> -> memref<166400000xf32, #tpu.memory_space<hbm>>
      tpu.wait_indirect_dma semaphore(%arg12 : memref<!tpu.dma_semaphore, #tpu.memory_space<semaphore_mem>>) src(%dma_wait3A_1796 : memref<166400000xf32, #tpu.memory_space<hbm>>) dst(%dma_wait3A_1791 : memref<128xf32, #tpu.memory_space<vmem>>)
      %dma_wait3A_1797 = arith.constant 63 : i32
      %dma_wait3A_1798 = arith.constant 63 : i32
      %dma_wait3A_1799 = arith.constant 0 : i32
      %dma_wait3A_1800 = tpu.memref_slice %arg9[%dma_wait3A_1798, %dma_wait3A_1799] : memref<64x128xf32, #tpu.memory_space<vmem>> -> memref<1x128xf32, #tpu.memory_space<vmem>>
      %dma_wait3A_1801 = tpu.memref_squeeze %dma_wait3A_1800 : memref<1x128xf32, #tpu.memory_space<vmem>> -> memref<128xf32, #tpu.memory_space<vmem>>
      %dma_wait3A_1802 = arith.constant 0 : i32
      %dma_wait3A_1803 = tpu.memref_slice %arg8[%dma_wait3A_1797, %dma_wait3A_1802] : memref<64x128xi32, #tpu.memory_space<vmem>> -> memref<1x128xi32, #tpu.memory_space<vmem>>
      %dma_wait3A_1804 = tpu.memref_squeeze %dma_wait3A_1803 : memref<1x128xi32, #tpu.memory_space<vmem>> -> memref<128xi32, #tpu.memory_space<vmem>>
      %dma_wait3A_1805 = arith.constant 0 : i32
      %dma_wait3A_1806 = tpu.memref_slice %arg2[%dma_wait3A_1805] : memref<166400000xf32, #tpu.memory_space<hbm>> -> memref<166400000xf32, #tpu.memory_space<hbm>>
      tpu.wait_indirect_dma semaphore(%arg12 : memref<!tpu.dma_semaphore, #tpu.memory_space<semaphore_mem>>) src(%dma_wait3A_1806 : memref<166400000xf32, #tpu.memory_space<hbm>>) dst(%dma_wait3A_1801 : memref<128xf32, #tpu.memory_space<vmem>>)
      %mul3A_1807 = arith.constant 64 : i32
      %mul3A_1808 = arith.muli %scan3A_524, %mul3A_1807 : i32
      "tpu.region"() ({
        %run_scoped3A = tpu.sem_alloc : memref<!tpu.dma_semaphore, #tpu.memory_space<semaphore_mem>>
        %dma_start3A_1809 = arith.constant 0 : i32
        %dma_start3A_1810 = tpu.memref_slice %arg6[%add3A, %mul3A_1808, %dma_start3A_1809] : memref<32x1664x128xf32, #tpu.memory_space<hbm>> -> memref<1x64x128xf32, #tpu.memory_space<hbm>>
        %dma_start3A_1811 = tpu.memref_squeeze %dma_start3A_1810 : memref<1x64x128xf32, #tpu.memory_space<hbm>> -> memref<64x128xf32, #tpu.memory_space<hbm>>
        %dma_start3A_1812 = arith.constant 0 : i32
        %dma_start3A_1813 = tpu.memref_slice %arg6[%add3A, %mul3A_1808, %dma_start3A_1812] : memref<32x1664x128xf32, #tpu.memory_space<hbm>> -> memref<1x64x128xf32, #tpu.memory_space<hbm>>
        %dma_start3A_1814 = tpu.memref_squeeze %dma_start3A_1813 : memref<1x64x128xf32, #tpu.memory_space<hbm>> -> memref<64x128xf32, #tpu.memory_space<hbm>>
        tpu.enqueue_dma source(%arg9 : memref<64x128xf32, #tpu.memory_space<vmem>>) target(%dma_start3A_1814 : memref<64x128xf32, #tpu.memory_space<hbm>>) target_semaphore(%run_scoped3A : memref<!tpu.dma_semaphore, #tpu.memory_space<semaphore_mem>>)
        %dma_wait3A_1815 = arith.constant 0 : i32
        %dma_wait3A_1816 = tpu.memref_slice %arg6[%add3A, %mul3A_1808, %dma_wait3A_1815] : memref<32x1664x128xf32, #tpu.memory_space<hbm>> -> memref<1x64x128xf32, #tpu.memory_space<hbm>>
        %dma_wait3A_1817 = tpu.memref_squeeze %dma_wait3A_1816 : memref<1x64x128xf32, #tpu.memory_space<hbm>> -> memref<64x128xf32, #tpu.memory_space<hbm>>
        %dma_wait3A_1818 = arith.constant 0 : i32
        %dma_wait3A_1819 = tpu.memref_slice %arg6[%add3A, %mul3A_1808, %dma_wait3A_1818] : memref<32x1664x128xf32, #tpu.memory_space<hbm>> -> memref<1x64x128xf32, #tpu.memory_space<hbm>>
        %dma_wait3A_1820 = tpu.memref_squeeze %dma_wait3A_1819 : memref<1x64x128xf32, #tpu.memory_space<hbm>> -> memref<64x128xf32, #tpu.memory_space<hbm>>
        tpu.wait_dma2 semaphore(%run_scoped3A : memref<!tpu.dma_semaphore, #tpu.memory_space<semaphore_mem>>) src(%arg9 : memref<64x128xf32, #tpu.memory_space<vmem>>) dst(%dma_wait3A_1820 : memref<64x128xf32, #tpu.memory_space<hbm>>)
        tpu.yield
      }) : () -> ()
    }
    %scan3A_523 = arith.constant 26 : i32
    return
  }
}

module attributes {stable_mosaic.version = 14 : i64} {
  func.func @_mlp_body(%arg0: i32, %arg1: memref<1x1664x128xf32, #tpu.memory_space<vmem>>, %arg2: memref<1x26x128xf32, #tpu.memory_space<vmem>>, %arg3: memref<1024x1664xf32, #tpu.memory_space<vmem>>, %arg4: memref<1024x1xf32, #tpu.memory_space<vmem>>, %arg5: memref<512x1024xf32, #tpu.memory_space<vmem>>, %arg6: memref<512x1xf32, #tpu.memory_space<vmem>>, %arg7: memref<1x512xf32, #tpu.memory_space<vmem>>, %arg8: memref<1x1xf32, #tpu.memory_space<vmem>>, %arg9: memref<1x1xf32, #tpu.memory_space<vmem>>, %arg10: memref<64x1664xf32, #tpu.memory_space<vmem>>, %arg11: memref<1x1x128xf32, #tpu.memory_space<vmem>>) attributes {dimension_semantics = [#tpu.dimension_semantics<arbitrary>], iteration_bounds = array<i64: 32>, scalar_prefetch = 0 : i64, scratch_operands = 0 : i64, tpu.core_type = #tpu.core_type<tc>, window_params = [{transform_indices = @transform_0, window_bounds = array<i64: 1, 1664, 128>}, {transform_indices = @transform_1, window_bounds = array<i64: 1, 26, 128>}, {pipeline_mode = #tpu.pipeline_mode<synchronous>, transform_indices = @transform_2, window_bounds = array<i64: 1024, 1664>}, {pipeline_mode = #tpu.pipeline_mode<synchronous>, transform_indices = @transform_3, window_bounds = array<i64: 1024, 1>}, {pipeline_mode = #tpu.pipeline_mode<synchronous>, transform_indices = @transform_4, window_bounds = array<i64: 512, 1024>}, {pipeline_mode = #tpu.pipeline_mode<synchronous>, transform_indices = @transform_5, window_bounds = array<i64: 512, 1>}, {pipeline_mode = #tpu.pipeline_mode<synchronous>, transform_indices = @transform_6, window_bounds = array<i64: 1, 512>}, {pipeline_mode = #tpu.pipeline_mode<synchronous>, transform_indices = @transform_7, window_bounds = array<i64: 1, 1>}, {pipeline_mode = #tpu.pipeline_mode<synchronous>, transform_indices = @transform_8, window_bounds = array<i64: 1, 1>}, {pipeline_mode = #tpu.pipeline_mode<synchronous>, transform_indices = @transform_9, window_bounds = array<i64: 64, 1664>}, {transform_indices = @transform_10, window_bounds = array<i64: 1, 1, 128>}]} {
    %get3A = arith.constant 0 : index
    %get3A_0 = arith.constant 0 : index
    %get3A_1 = arith.constant 0 : index
    %get3A_2 = vector.load %arg1[%get3A, %get3A_0, %get3A_1] : memref<1x1664x128xf32, #tpu.memory_space<vmem>>, vector<1x1664x128xf32>
    %get3A_3 = vector.shape_cast %get3A_2 : vector<1x1664x128xf32> to vector<1664x128xf32>
    %get3A_4 = arith.constant 0 : index
    %get3A_5 = arith.constant 0 : index
    %get3A_6 = vector.load %arg10[%get3A_4, %get3A_5] : memref<64x1664xf32, #tpu.memory_space<vmem>>, vector<64x1664xf32>
    %dot_general3A = arith.constant dense<0.000000e+00> : vector<64x128xf32>
    %dot_general3A_7 = tpu.matmul %get3A_6, %get3A_3, %dot_general3A {dimension_numbers = #tpu.dot_dimension_numbers<[1], [0], [0], [1], [0, 0, 1, 1], [], []>, transpose_lhs_hint = false} : vector<64x1664xf32>, vector<1664x128xf32>, vector<64x128xf32> -> vector<64x128xf32>
    %mul3A = arith.mulf %dot_general3A_7, %dot_general3A_7 : vector<64x128xf32>
    %reduce_sum3A = arith.constant dense<0.000000e+00> : vector<128xf32>
    %reduce_sum3A_8 = vector.multi_reduction <add>, %mul3A, %reduce_sum3A [0] : vector<64x128xf32> to vector<128xf32>
    %mul3A_9 = arith.mulf %get3A_3, %get3A_3 : vector<1664x128xf32>
    %reduce_sum3A_10 = arith.constant dense<0.000000e+00> : vector<128xf32>
    %reduce_sum3A_11 = vector.multi_reduction <add>, %mul3A_9, %reduce_sum3A_10 [0] : vector<1664x128xf32> to vector<128xf32>
    %sub3A = arith.subf %reduce_sum3A_8, %reduce_sum3A_11 : vector<128xf32>
    %mul3A_12 = arith.constant 5.000000e-01 : f32
    %mul3A_13 = vector.broadcast %mul3A_12 : f32 to vector<128xf32>
    %mul3A_14 = arith.mulf %mul3A_13, %sub3A : vector<128xf32>
    %get3A_15 = arith.constant 0 : index
    %get3A_16 = arith.constant 0 : index
    %get3A_17 = arith.constant 0 : index
    %get3A_18 = vector.load %arg2[%get3A_15, %get3A_16, %get3A_17] : memref<1x26x128xf32, #tpu.memory_space<vmem>>, vector<1x26x128xf32>
    %get3A_19 = vector.shape_cast %get3A_18 : vector<1x26x128xf32> to vector<26x128xf32>
    %reduce_sum3A_20 = arith.constant dense<0.000000e+00> : vector<128xf32>
    %reduce_sum3A_21 = vector.multi_reduction <add>, %get3A_19, %reduce_sum3A_20 [0] : vector<26x128xf32> to vector<128xf32>
    %add3A = arith.addf %mul3A_14, %reduce_sum3A_21 : vector<128xf32>
    %get3A_22 = arith.constant 0 : index
    %get3A_23 = arith.constant 0 : index
    %get3A_24 = vector.load %arg3[%get3A_22, %get3A_23] : memref<1024x1664xf32, #tpu.memory_space<vmem>>, vector<1024x1664xf32>
    %dot_general3A_25 = arith.constant dense<0.000000e+00> : vector<1024x128xf32>
    %dot_general3A_26 = tpu.matmul %get3A_24, %get3A_3, %dot_general3A_25 {dimension_numbers = #tpu.dot_dimension_numbers<[1], [0], [0], [1], [0, 0, 1, 1], [], []>, transpose_lhs_hint = false} : vector<1024x1664xf32>, vector<1664x128xf32>, vector<1024x128xf32> -> vector<1024x128xf32>
    %get3A_27 = arith.constant 0 : index
    %get3A_28 = arith.constant 0 : index
    %get3A_29 = vector.load %arg4[%get3A_27, %get3A_28] : memref<1024x1xf32, #tpu.memory_space<vmem>>, vector<1024x1xf32>
    %add3A_30 = vector.broadcast %get3A_29 : vector<1024x1xf32> to vector<1024x128xf32>
    %add3A_31 = arith.addf %dot_general3A_26, %add3A_30 : vector<1024x128xf32>
    %gt3A = arith.constant 0.000000e+00 : f32
    %gt3A_32 = vector.broadcast %gt3A : f32 to vector<1024x128xf32>
    %gt3A_33 = arith.cmpf ogt, %add3A_31, %gt3A_32 : vector<1024x128xf32>
    %mul3A_34 = arith.constant 2.000000e-01 : f32
    %mul3A_35 = vector.broadcast %mul3A_34 : f32 to vector<1024x128xf32>
    %mul3A_36 = arith.mulf %mul3A_35, %add3A_31 : vector<1024x128xf32>
    %select_n3A = arith.select %gt3A_33, %add3A_31, %mul3A_36 : vector<1024x128xi1>, vector<1024x128xf32>
    %get3A_37 = arith.constant 0 : index
    %get3A_38 = arith.constant 0 : index
    %get3A_39 = vector.load %arg5[%get3A_37, %get3A_38] : memref<512x1024xf32, #tpu.memory_space<vmem>>, vector<512x1024xf32>
    %dot_general3A_40 = arith.constant dense<0.000000e+00> : vector<512x128xf32>
    %dot_general3A_41 = tpu.matmul %get3A_39, %select_n3A, %dot_general3A_40 {dimension_numbers = #tpu.dot_dimension_numbers<[1], [0], [0], [1], [0, 0, 1, 1], [], []>, transpose_lhs_hint = false} : vector<512x1024xf32>, vector<1024x128xf32>, vector<512x128xf32> -> vector<512x128xf32>
    %get3A_42 = arith.constant 0 : index
    %get3A_43 = arith.constant 0 : index
    %get3A_44 = vector.load %arg6[%get3A_42, %get3A_43] : memref<512x1xf32, #tpu.memory_space<vmem>>, vector<512x1xf32>
    %add3A_45 = vector.broadcast %get3A_44 : vector<512x1xf32> to vector<512x128xf32>
    %add3A_46 = arith.addf %dot_general3A_41, %add3A_45 : vector<512x128xf32>
    %gt3A_47 = arith.constant 0.000000e+00 : f32
    %gt3A_48 = vector.broadcast %gt3A_47 : f32 to vector<512x128xf32>
    %gt3A_49 = arith.cmpf ogt, %add3A_46, %gt3A_48 : vector<512x128xf32>
    %mul3A_50 = arith.constant 2.000000e-01 : f32
    %mul3A_51 = vector.broadcast %mul3A_50 : f32 to vector<512x128xf32>
    %mul3A_52 = arith.mulf %mul3A_51, %add3A_46 : vector<512x128xf32>
    %select_n3A_53 = arith.select %gt3A_49, %add3A_46, %mul3A_52 : vector<512x128xi1>, vector<512x128xf32>
    %get3A_54 = arith.constant 0 : index
    %get3A_55 = arith.constant 0 : index
    %get3A_56 = vector.load %arg7[%get3A_54, %get3A_55] : memref<1x512xf32, #tpu.memory_space<vmem>>, vector<1x512xf32>
    %dot_general3A_57 = arith.constant dense<0.000000e+00> : vector<1x128xf32>
    %dot_general3A_58 = tpu.matmul %get3A_56, %select_n3A_53, %dot_general3A_57 {dimension_numbers = #tpu.dot_dimension_numbers<[1], [0], [0], [1], [0, 0, 1, 1], [], []>, transpose_lhs_hint = false} : vector<1x512xf32>, vector<512x128xf32>, vector<1x128xf32> -> vector<1x128xf32>
    %get3A_59 = arith.constant 0 : index
    %get3A_60 = arith.constant 0 : index
    %get3A_61 = vector.load %arg8[%get3A_59, %get3A_60] : memref<1x1xf32, #tpu.memory_space<vmem>>, vector<1x1xf32>
    %add3A_62 = vector.broadcast %get3A_61 : vector<1x1xf32> to vector<1x128xf32>
    %add3A_63 = arith.addf %dot_general3A_58, %add3A_62 : vector<1x128xf32>
    %broadcast_in_dim3A = vector.shape_cast %add3A : vector<128xf32> to vector<1x128xf32>
    %add3A_64 = arith.addf %add3A_63, %broadcast_in_dim3A : vector<1x128xf32>
    %get3A_65 = arith.constant 0 : index
    %get3A_66 = arith.constant 0 : index
    %get3A_67 = vector.load %arg9[%get3A_65, %get3A_66] : memref<1x1xf32, #tpu.memory_space<vmem>>, vector<1x1xf32>
    %add3A_68 = vector.broadcast %get3A_67 : vector<1x1xf32> to vector<1x128xf32>
    %add3A_69 = arith.addf %add3A_64, %add3A_68 : vector<1x128xf32>
    %swap3A = arith.constant 0 : index
    %swap3A_70 = arith.constant 0 : index
    %swap3A_71 = arith.constant 0 : index
    %swap3A_72 = vector.load %arg11[%swap3A, %swap3A_70, %swap3A_71] : memref<1x1x128xf32, #tpu.memory_space<vmem>>, vector<1x1x128xf32>
    %swap3A_73 = vector.shape_cast %swap3A_72 : vector<1x1x128xf32> to vector<1x128xf32>
    %swap3A_74 = vector.shape_cast %add3A_69 : vector<1x128xf32> to vector<1x1x128xf32>
    tpu.vector_store %arg11[%swap3A, %swap3A_70, %swap3A_71], %swap3A_74 {strides = array<i32>} : memref<1x1x128xf32, #tpu.memory_space<vmem>>, vector<1x1x128xf32>,
    return
  }
  func.func @transform_0(%arg0: i32) -> (i32, i32, i32) {
    %c0_i32 = arith.constant 0 : i32
    %c0_i32_0 = arith.constant 0 : i32
    %c0_i32_1 = arith.constant 0 : i32
    return %arg0, %c0_i32, %c0_i32_0 : i32, i32, i32
  }
  func.func @transform_1(%arg0: i32) -> (i32, i32, i32) {
    %c0_i32 = arith.constant 0 : i32
    %c0_i32_0 = arith.constant 0 : i32
    %c0_i32_1 = arith.constant 0 : i32
    return %arg0, %c0_i32, %c0_i32_0 : i32, i32, i32
  }
  func.func @transform_2(%arg0: i32) -> (i32, i32) {
    %c0_i32 = arith.constant 0 : i32
    %c0_i32_0 = arith.constant 0 : i32
    %c0_i32_1 = arith.constant 0 : i32
    return %c0_i32, %c0_i32_0 : i32, i32
  }
  func.func @transform_3(%arg0: i32) -> (i32, i32) {
    %c0_i32 = arith.constant 0 : i32
    %c0_i32_0 = arith.constant 0 : i32
    %c0_i32_1 = arith.constant 0 : i32
    return %c0_i32, %c0_i32_0 : i32, i32
  }
  func.func @transform_4(%arg0: i32) -> (i32, i32) {
    %c0_i32 = arith.constant 0 : i32
    %c0_i32_0 = arith.constant 0 : i32
    %c0_i32_1 = arith.constant 0 : i32
    return %c0_i32, %c0_i32_0 : i32, i32
  }
  func.func @transform_5(%arg0: i32) -> (i32, i32) {
    %c0_i32 = arith.constant 0 : i32
    %c0_i32_0 = arith.constant 0 : i32
    %c0_i32_1 = arith.constant 0 : i32
    return %c0_i32, %c0_i32_0 : i32, i32
  }
  func.func @transform_6(%arg0: i32) -> (i32, i32) {
    %c0_i32 = arith.constant 0 : i32
    %c0_i32_0 = arith.constant 0 : i32
    %c0_i32_1 = arith.constant 0 : i32
    return %c0_i32, %c0_i32_0 : i32, i32
  }
  func.func @transform_7(%arg0: i32) -> (i32, i32) {
    %c0_i32 = arith.constant 0 : i32
    %c0_i32_0 = arith.constant 0 : i32
    %c0_i32_1 = arith.constant 0 : i32
    return %c0_i32, %c0_i32_0 : i32, i32
  }
  func.func @transform_8(%arg0: i32) -> (i32, i32) {
    %c0_i32 = arith.constant 0 : i32
    %c0_i32_0 = arith.constant 0 : i32
    %c0_i32_1 = arith.constant 0 : i32
    return %c0_i32, %c0_i32_0 : i32, i32
  }
  func.func @transform_9(%arg0: i32) -> (i32, i32) {
    %c0_i32 = arith.constant 0 : i32
    %c0_i32_0 = arith.constant 0 : i32
    %c0_i32_1 = arith.constant 0 : i32
    return %c0_i32, %c0_i32_0 : i32, i32
  }
  func.func @transform_10(%arg0: i32) -> (i32, i32, i32) {
    %c0_i32 = arith.constant 0 : i32
    %c0_i32_0 = arith.constant 0 : i32
    %c0_i32_1 = arith.constant 0 : i32
    return %arg0, %c0_i32, %c0_i32_0 : i32, i32, i32
  }
}

</mosaic_0001>

<sc_bundles>
// kernel: kernel.4.cloned.1.call-start
scs
__scs_entry_jumppad:
0x0: {  	(pc) =	sbr.rel $0x88, $3  }
0x1: {  	(tag) =	ssettag $0x0;
	lr =	simm.s32 $0x1  }
0x2: {  	[smem:$0x3F97] =	sst lr;
	_ =	strace $0xD0000000  }
0x3: {  	_ = 	snop  }
0x4: {  	_ = 	snop  }
0x5: {  	_ = 	snop  }
0x6: {  	_ = 	snop  }
0x7: {  	_ = 	snop  }
__scs_overlays_trampoline_lowered:
0x8: {  	[smem:$0x3FA6] =	sst s0  }
0x9: {  	[smem:$0x3FA7] =	sst s1  }
0xa: {  	[smem:$0x3FA8] =	sst s2  }
0xb: {  	[smem:$0x3FA9] =	sst s3  }
0xc: {  	[smem:$0x3FAA] =	sst s4  }
0xd: {  	[smem:$0x3FAB] =	sst s5  }
0xe: {  	[smem:$0x3FAC] =	sst s6  }
0xf: {  	[smem:$0x3FAD] =	sst s7  }
0x10: {  	[smem:$0x3FAE] =	sst s8  }
0x11: {  	[smem:$0x3FAF] =	sst s9;
	s0 =	simm.s32 @!p0 $0x0  }
0x12: {  	s1 =	sld [smem:$0x3F95];
	s0 =	simm.s32 @p0 $0x1  }
0x13: {  	[smem:$0x3FB0] =	sst s0;
	s0 =	simm.s32 @!p1 $0x0  }
0x14: {  	s2 =	sld [smem:$0x3F94];
	s0 =	simm.s32 @p1 $0x1  }
0x15: {  	[smem:$0x3FB1] =	sst s0;
	s0 =	simm.s32 @!p2 $0x0  }
0x16: {  	s3 =	sld [smem:$0x3FDB];
	s0 =	simm.s32 @p2 $0x1  }
0x17: {  	s4 =	simm.s32 $0x1BF5;
	[smem:$0x3FB3] =	sst s0  }
0x18: {  	s0 =	sld [smem:$0x3F96];
	_ =	swait.ge [sflag:s4], $0x0  }
0x19: {  	s7 =	sld [smem:$0x3F97]  }
0x1a: {  	s8 =	sadd.s32 $0xFFFFE003, lr  }
0x1b: {  	s9 =	sadd.s32 $0xFFFFFEF7, lr;
	s5 =	simm.s32 $0xFFFFFFFF;
	p2 =	slt.u32 s8, $0xFFFFF086  }
0x1c: {  	p1 =	slt.u32 s9, $0xF7A;
	s5 =	simm.s32 @!p2 $0x0  }
0x1d: {  	s5 =	simm.s32 @p1 $0x1;
	p0 =	seq.s32 s7, s2  }
0x1e: {  	s7 =	smul.u32 @!p0 $0xF7A, s2;
	p2 =	seq.s32 @!p0 s5, $0x0  }
0x1f: {  	s9 =	smul.u32 $0xF7A, s1;
	s8 =	simm.s32 @!p0 $0x1BF5;
	p2 =	por !p2, p0  }
0x20: {  	[sflag:s8] =	ssyncset.s32 @!p0 $0xFFFFF086;
	s6 =	sadd.s32 @!p0 s3, s7;
	s7 =	simm.s32 @!p0 $0x108  }
0x21: {  	s3 =	sadd.s32 s3, s9;
	s6 =	sadd.s32 @!p0 $0x88, s6;
	s7 =	simm.s32 @p2 $0x1082  }
0x22: {  	[simem:s7], [sflag:s8] =	dma.local @!p0 [hbm:s6], $0xF7A  }
0x23: {  	s9 =	sor.u32 $0xD0000000, s2;
	s6 =	simm.s32 $0x108;
	_ =	swait.ge @!p0 [sflag:s8], $0x0  }
0x24: {  	s3 =	sadd.s32 $0x88, s3;
	s6 =	simm.s32 @!p1 $0x1082;
	[sflag:s4] =	ssyncset.s32 $0xFFFFF086  }
0x25: {  	[simem:s6], [sflag:s4] =	dma.local [hbm:s3], $0xF7A  }
0x26: {  	[smem:$0x3F97] =	sst s1;
	(tag) =	ssettag s2;
	_ =	strace s9  }
0x27: {  	s1 =	sld [smem:$0x3FA7]  }
0x28: {  	s2 =	sld [smem:$0x3FA8]  }
0x29: {  	s4 =	sld [smem:$0x3FAA]  }
0x2a: {  	p0 =	seq.s32 s5, $0x0;
	s5 =	sld [smem:$0x3FAB]  }
0x2b: {  	s6 =	sld [smem:$0x3FAC]  }
0x2c: {  	s7 =	sld [smem:$0x3FAD]  }
0x2d: {  	s3 =	simm.s32 $0x108;
	s8 =	sld [smem:$0x3FAE]  }
0x2e: {  	s3 =	simm.s32 @!p0 $0x1082;
	s9 =	sld [smem:$0x3FAF]  }
0x2f: {  	lr =	sadd.s32 s0, s3;
	s0 =	sld [smem:$0x3FA6]  }
0x30: {  	s3 =	sld [smem:$0x3FA9]  }
0x31: {  	[smem:$0x3FB2] =	sst s10  }
0x32: {  	s10 =	sld [smem:$0x3FB0];
	_ =	sdelay $0x3  }
0x33: {  	p0 =	seq.s32 s10, $0x1;
	s10 =	sld [smem:$0x3FB2];
	_ =	sdelay $0x3  }
0x34: {  	[smem:$0x3FB2] =	sst s10  }
0x35: {  	s10 =	sld [smem:$0x3FB1];
	_ =	sdelay $0x3  }
0x36: {  	p1 =	seq.s32 s10, $0x1;
	s10 =	sld [smem:$0x3FB2];
	_ =	sdelay $0x3  }
0x37: {  	[smem:$0x3FB2] =	sst s10  }
0x38: {  	s10 =	sld [smem:$0x3FB3]  }
0x39: {  	_ = 	snop;
	(pc) =	sbr.ind lr, $3  }
0x3a: {  	_ = 	snop  }
0x3b: {  	_ = 	snop  }
0x3c: {  	p2 =	seq.s32 s10, $0x1;
	s10 =	sld [smem:$0x3FB2]  }
0x3d: {  	_ =	shalt  }
0x3e: {  	_ =	shalt  }
0x3f: {  	_ =	shalt  }
0x40: {  	_ =	shalt  }
0x41: {  	_ =	shalt  }
0x42: {  	_ =	shalt  }
0x43: {  	_ =	shalt  }
0x44: {  	_ =	shalt  }
0x45: {  	_ =	shalt  }
0x46: {  	_ =	shalt  }
0x47: {  	_ =	shalt  }
0x48: {  	_ =	shalt  }
0x49: {  	_ =	shalt  }
0x4a: {  	_ =	shalt  }
0x4b: {  	_ =	shalt  }
0x4c: {  	_ =	shalt  }
0x4d: {  	_ =	shalt  }
0x4e: {  	_ =	shalt  }
0x4f: {  	_ =	shalt  }
0x50: {  	_ =	shalt  }
0x51: {  	_ =	shalt  }
0x52: {  	_ =	shalt  }
0x53: {  	_ =	shalt  }
0x54: {  	_ =	shalt  }
0x55: {  	_ =	shalt  }
0x56: {  	_ =	shalt  }
0x57: {  	_ =	shalt  }
0x58: {  	_ =	shalt  }
0x59: {  	_ =	shalt  }
0x5a: {  	_ =	shalt  }
0x5b: {  	_ =	shalt  }
0x5c: {  	_ =	shalt  }
0x5d: {  	_ =	shalt  }
0x5e: {  	_ =	shalt  }
0x5f: {  	_ =	shalt  }
0x60: {  	_ =	shalt  }
0x61: {  	_ =	shalt  }
0x62: {  	_ =	shalt  }
0x63: {  	_ =	shalt  }
0x64: {  	_ =	shalt  }
0x65: {  	_ =	shalt  }
0x66: {  	_ =	shalt  }
0x67: {  	_ =	shalt  }
0x68: {  	_ =	shalt  }
0x69: {  	_ =	shalt  }
0x6a: {  	_ =	shalt  }
0x6b: {  	_ =	shalt  }
0x6c: {  	_ =	shalt  }
0x6d: {  	_ =	shalt  }
0x6e: {  	_ =	shalt  }
0x6f: {  	_ =	shalt  }
0x70: {  	_ =	shalt  }
0x71: {  	_ =	shalt  }
0x72: {  	_ =	shalt  }
0x73: {  	_ =	shalt  }
0x74: {  	_ =	shalt  }
0x75: {  	_ =	shalt  }
0x76: {  	_ =	shalt  }
0x77: {  	_ =	shalt  }
0x78: {  	_ =	shalt  }
0x79: {  	_ =	shalt  }
0x7a: {  	_ =	shalt  }
0x7b: {  	_ =	shalt  }
0x7c: {  	_ =	shalt  }
0x7d: {  	_ =	shalt  }
0x7e: {  	_ =	shalt  }
0x7f: {  	_ =	shalt  }
0x80: {  	_ =	shalt  }
0x81: {  	_ =	shalt  }
0x82: {  	_ =	shalt  }
0x83: {  	_ =	shalt  }
0x84: {  	_ =	shalt  }
0x85: {  	_ =	shalt  }
0x86: {  	_ =	shalt  }
0x87: {  	_ =	shalt  }
.Lfunc_end0:
.L_simem_size_0:
called_computation_lowered:
.L_overlay_start_0:
0x88: {  	s2 =	sld [smem:$0x3FD9]  }
0x89: {  	s3 =	sld [smem:$0x3FFE];
	_ =	sdelay $0x1  }
0x8a: {  	s1 =	srdreg.scid  }
0x8b: {  	s0 =	sand.u32 $0x1, s1  }
0x8c: {  	s16 =	sshll.u32 s0, $0xA;
	s2 =	sadd.s32 s3, s2  }
0x8d: {  	s2 =	sadd.s32 s2, s16  }
0x8e: {  	[smem:$0x3FBE] =	sst s2  }
0x8f: {  	_ = 	snop  }
0x90: {  	(tm) =	ssettm $0x1  }
0x91: {  	s17 =	sld [smem:$0x3FFB];
	_ =	sdelay $0x3  }
0x92: {  	_ =	strace s17  }
0x93: {  	s2 =	sld [smem:$0x3FFC];
	_ =	sdelay $0x3  }
0x94: {  	_ =	strace s2  }
0x95: {  	s2 =	sld [smem:$0x3FFD];
	_ =	sdelay $0x3  }
0x96: {  	_ =	strace s2  }
0x97: {  	_ =	strace $0x8FFFFFFF  }
0x98: {  	s18 =	sld [smem:$0x3FDB];
	_ =	sdelay $0x1  }
0x99: {  	s19 =	simm.s32 $_scs_section_size  }
0x9a: {  	s4 =	simm.s32 $_size__tile_overlayer_lowered;
	s5 =	simm.s32 $_tile_overlayer_lowered  }
0x9b: {  	s22 =	simm.s32 $0x1BFF;
	s21 =	sshll.u32 s5, $0x1;
	s2 =	sadd.s32 s19, s18  }
0x9c: {  	s6 =	simm.s32 $0x0;
	s20 =	sshll.u32 s4, $0x1;
	s4 =	sadd.s32 s21, s2  }
0x9d: {  	[timem:s6], [sflag:s22] =	dma.local [hbm:s4], s20  }
0x9e: {  	_ =	swait.ge [sflag:s22], s20  }
0x9f: {  	s3 =	ssub.s32 $0x0, s20;
	[sflag:s22] =	ssyncset.done $0x0  }
0xa0: {  	[sflag:s22] =	ssyncadd.s32 s3;
	_ =	sdelay $0x1  }
0xa1: {  	s23 =	simm.s32 $0x1B8B  }
0xa2: {  	_ =	swait.ge [sflag:s23], $0x1  }
0xa3: {  	[sflag:s23] =	ssyncset.done $0x0  }
0xa4: {  	s25 =	simm.s32 $0x1B8E;
	s24 =	sld [smem:$0x3FFE];
	[sflag:s23] =	ssyncadd.s32 $0xFFFFFFFF  }
0xa5: {  	s26 =	simm.s32 $execute0_lowered;
	[smem:$0x3FD2] =	sst s25  }
0xa6: {  	s4 =	sshll.u32 s26, $0x1;
	_ =	strace $0x80000046;
	[dreg:$0x1] =	wrdreg $0xFFFFFFFF  }
0xa7: {  	s28 =	simm.s32 $_size_execute0_lowered;
	s2 =	sadd.s32 s2, s4;
	[dreg:$0x0] =	wrdreg $0x0  }
0xa8: {  	s4 =	sshll.u32 s28, $0x1;
	[dreg:$0x2] =	wrdreg s2  }
0xa9: {  	[dreg:$0x3] =	wrdreg s4  }
0xaa: {  	[dreg:$0x4] =	wrdreg $0xC0  }
0xab: {  	_ =	task [dreg:s6], $0x5FFFF  }
0xac: {  	[dreg:$0x1] =	wrdreg $0xFFFFFFFF  }
0xad: {  	[dreg:$0x0] =	wrdreg $0x60  }
0xae: {  	[dreg:$0x2] =	wrdreg s24  }
0xaf: {  	[dreg:$0x3] =	wrdreg $0x9  }
0xb0: {  	_ =	task.clear_ibuf [dreg:s6], $0x4FFFF;
	_ =	strace $0x90000046  }
0xb1: {  	s29 =	simm.s32 $0x9;
	_ =	strace $0x80000048  }
0xb2: {  	_ =	swait.ge [sflag:s29], $0x1  }
0xb3: {  	[sflag:s29] =	ssyncadd.s32 $0xFFFFFFFF  }
0xb4: {  	_ =	strace $0x90000048  }
0xb5: {  	_ =	sfence  }
0xb6: {  	s30 =	sld [smem:$0x0];
	_ =	sdelay $0x2  }
0xb7: {  	s31 =	sshll.u32 s1, $0xD;
	s1 =	sshrl.u32 s1, $0x2  }
0xb8: {  	s3 =	sand.u32 $0x4000, s31;
	s1 =	sadd.s32 s1, s30  }
0xb9: {  	s0 =	sor.u32 s3, s0;
	s1 =	sshll.u32 s1, $0x11  }
0xba: {  	s0 =	sor.u32 s1, s0  }
0xbb: {  	s0 =	sadd.s32 $0x8F2B, s0  }
0xbc: {  	[sflag:s0] =	ssyncadd.remote.s32 $0x1  }
0xbd: {  	_ =	sfence.sel $0xFFFF  }
0xbe: {  	[dreg:$0x0] =	wrdreg $0xFFFFFFFF;
	(pc) =	sbr.abs _section_cstart, $3  }
0xbf: {  	[dreg:$0x1] =	wrdreg $0xFFFFFFFF  }
0xc0: {  	_ =	task.clear_ibuf [dreg:s6], $0x2FFFF;
	_ =	strace $0x9FFFFFFF  }
0xc1: {  	(tm) =	ssettm $0x7FFFFFFF  }
tec
execute0_lowered:
.L_overlay_start_1:
0x0: {  	(tag) =	ssettag $0x1  }
0x1: {  	s0 =	srdreg.scid;
	s5 =	stileid.u32  }
0x2: {  	s0 =	sand.u32 $0x1, s0;
	s2 =	smul.u32 $0x68000, s5  }
0x3: {  	s3 =	smul.u32 $0x34000, s0;
	_ =	sdelay $0x1  }
0x4: {  	s1 =	rddreg [dreg:$0x0];
	s3 =	sadd.s32 s3, s2;
	s2 =	simm.s32 $0x0  }
0x5: {  	s8 =	simm.s32 $0x2080;
	[smem:$0x7FF] =	sst s2  }
0x6: {  	s9 =	simm.s32 $0x100;
	_ =	strace $0x80000047;
	[dreg:$0x4] =	wrdreg s8  }
0x7: {  	s10 =	simm.s32 $0x2100;
	[dreg:$0x5] =	wrdreg s9  }
0x8: {  	s11 =	simm.s32 $0x180;
	[dreg:$0x6] =	wrdreg s10  }
0x9: {  	s12 =	simm.s32 $0x2180;
	[dreg:$0x7] =	wrdreg s11  }
0xa: {  	s13 =	simm.s32 $0x200;
	[dreg:$0x8] =	wrdreg s12  }
0xb: {  	s14 =	simm.s32 $0x2200;
	[dreg:$0x9] =	wrdreg s13  }
0xc: {  	s15 =	simm.s32 $0x280;
	[dreg:$0xa] =	wrdreg s14  }
0xd: {  	s16 =	simm.s32 $0x2280;
	[dreg:$0xb] =	wrdreg s15  }
0xe: {  	s17 =	simm.s32 $0x300;
	[dreg:$0xc] =	wrdreg s16  }
0xf: {  	s18 =	simm.s32 $0x2300;
	[dreg:$0xd] =	wrdreg s17  }
0x10: {  	s19 =	simm.s32 $0x380;
	[dreg:$0xe] =	wrdreg s18  }
0x11: {  	s20 =	simm.s32 $0x2380;
	[dreg:$0xf] =	wrdreg s19  }
0x12: {  	s21 =	simm.s32 $0x400;
	[dreg:$0x10] =	wrdreg s20  }
0x13: {  	s22 =	simm.s32 $0x2400;
	[dreg:$0x11] =	wrdreg s21  }
0x14: {  	s23 =	simm.s32 $0x480;
	[dreg:$0x12] =	wrdreg s22  }
0x15: {  	s24 =	simm.s32 $0x2480;
	[dreg:$0x13] =	wrdreg s23  }
0x16: {  	s25 =	simm.s32 $0x500;
	[dreg:$0x14] =	wrdreg s24  }
0x17: {  	s26 =	simm.s32 $0x2500;
	[dreg:$0x15] =	wrdreg s25  }
0x18: {  	s6 =	simm.s32 $0x2580;
	[dreg:$0x16] =	wrdreg s26  }
0x19: {  	s7 =	simm.s32 $0x600;
	[dreg:$0x18] =	wrdreg s6  }
0x1a: {  	[dreg:$0x19] =	wrdreg s7;
	s8 =	simm.s32 $0x2600  }
0x1b: {  	s9 =	simm.s32 $0x680;
	[dreg:$0x1a] =	wrdreg s8  }
0x1c: {  	s10 =	simm.s32 $0x2680;
	[dreg:$0x1b] =	wrdreg s9  }
0x1d: {  	s11 =	simm.s32 $0x700;
	[dreg:$0x1c] =	wrdreg s10  }
0x1e: {  	s12 =	simm.s32 $0x2700;
	[dreg:$0x1d] =	wrdreg s11  }
0x1f: {  	s13 =	simm.s32 $0x780;
	[dreg:$0x1e] =	wrdreg s12  }
0x20: {  	s14 =	simm.s32 $0x2780;
	[dreg:$0x1f] =	wrdreg s13  }
0x21: {  	s15 =	simm.s32 $0x800;
	[smem:$0x7AF] =	sst s14  }
0x22: {  	s16 =	simm.s32 $0x2800;
	[smem:$0x7B0] =	sst s15  }
0x23: {  	s17 =	simm.s32 $0x880;
	[smem:$0x7B1] =	sst s16  }
0x24: {  	s18 =	simm.s32 $0x2880;
	[smem:$0x7B2] =	sst s17  }
0x25: {  	s19 =	simm.s32 $0x900;
	[smem:$0x7B3] =	sst s18  }
0x26: {  	s20 =	simm.s32 $0x2900;
	[smem:$0x7B4] =	sst s19  }
0x27: {  	s21 =	simm.s32 $0x980;
	[smem:$0x7B5] =	sst s20  }
0x28: {  	s22 =	simm.s32 $0x2980;
	[smem:$0x7B6] =	sst s21  }
0x29: {  	s23 =	simm.s32 $0xA00;
	[smem:$0x7B7] =	sst s22  }
0x2a: {  	s24 =	simm.s32 $0x2A00;
	[smem:$0x7B8] =	sst s23  }
0x2b: {  	s25 =	simm.s32 $0xA80;
	[smem:$0x7B9] =	sst s24  }
0x2c: {  	s26 =	simm.s32 $0x2A80;
	[smem:$0x7BA] =	sst s25  }
0x2d: {  	s3 =	sshrl.u32 s3, $0x3;
	s6 =	simm.s32 $0x2B00;
	[smem:$0x7BB] =	sst s26  }
0x2e: {  	s3 =	sadd.s32 s3, s1;
	s7 =	simm.s32 $0xB80;
	[smem:$0x7BD] =	sst s6  }
0x2f: {  	s4 =	sadd.s32 $0x1558A00, s3;
	[smem:$0x7BE] =	sst s7  }
0x30: {  	s3 =	sadd.s32 $0x1488A00, s3;
	[dreg:$0x2] =	wrdreg s4  }
0x31: {  	s8 =	simm.s32 $0x2B80;
	[dreg:$0x3] =	wrdreg s3  }
0x32: {  	s9 =	simm.s32 $0xC00;
	[smem:$0x7BF] =	sst s8  }
0x33: {  	s10 =	simm.s32 $0x2C00;
	[smem:$0x7C0] =	sst s9  }
0x34: {  	s11 =	simm.s32 $0xC80;
	[smem:$0x7C1] =	sst s10  }
0x35: {  	s12 =	simm.s32 $0x2C80;
	[smem:$0x7C2] =	sst s11  }
0x36: {  	s13 =	simm.s32 $0xD00;
	[smem:$0x7C3] =	sst s12  }
0x37: {  	s14 =	simm.s32 $0x2D00;
	[smem:$0x7C4] =	sst s13  }
0x38: {  	s15 =	simm.s32 $0xD80;
	[smem:$0x7C5] =	sst s14  }
0x39: {  	s16 =	simm.s32 $0x2D80;
	[smem:$0x7C6] =	sst s15  }
0x3a: {  	s17 =	simm.s32 $0xE00;
	[smem:$0x7C7] =	sst s16  }
0x3b: {  	s18 =	simm.s32 $0x2E00;
	[smem:$0x7C8] =	sst s17  }
0x3c: {  	s19 =	simm.s32 $0xE80;
	[smem:$0x7C9] =	sst s18  }
0x3d: {  	s20 =	simm.s32 $0x2E80;
	[smem:$0x7CA] =	sst s19  }
0x3e: {  	s21 =	simm.s32 $0xF00;
	[smem:$0x7CB] =	sst s20  }
0x3f: {  	s22 =	simm.s32 $0x2F00;
	[smem:$0x7CC] =	sst s21  }
0x40: {  	s23 =	simm.s32 $0xF80;
	[smem:$0x7CD] =	sst s22  }
0x41: {  	s24 =	simm.s32 $0x2F80;
	[smem:$0x7CE] =	sst s23  }
0x42: {  	s25 =	simm.s32 $0x1000;
	[smem:$0x7CF] =	sst s24  }
0x43: {  	s26 =	simm.s32 $0x3000;
	[smem:$0x7D0] =	sst s25  }
0x44: {  	s6 =	simm.s32 $0x3080;
	[smem:$0x7D1] =	sst s26  }
0x45: {  	s7 =	simm.s32 $0x1100;
	[smem:$0x7D3] =	sst s6  }
0x46: {  	s4 =	simm.s32 $0x580;
	[smem:$0x7D4] =	sst s7  }
0x47: {  	s8 =	simm.s32 $0x3100;
	[dreg:$0x17] =	wrdreg s4  }
0x48: {  	s9 =	simm.s32 $0x1180;
	[smem:$0x7D5] =	sst s8  }
0x49: {  	s10 =	simm.s32 $0x3180;
	[smem:$0x7D6] =	sst s9  }
0x4a: {  	s11 =	simm.s32 $0x1200;
	[smem:$0x7D7] =	sst s10  }
0x4b: {  	s12 =	simm.s32 $0x3200;
	[smem:$0x7D8] =	sst s11  }
0x4c: {  	s13 =	simm.s32 $0x1280;
	[smem:$0x7D9] =	sst s12  }
0x4d: {  	s14 =	simm.s32 $0x3280;
	[smem:$0x7DA] =	sst s13  }
0x4e: {  	s15 =	simm.s32 $0x1300;
	[smem:$0x7DB] =	sst s14  }
0x4f: {  	s16 =	simm.s32 $0x3300;
	[smem:$0x7DC] =	sst s15  }
0x50: {  	s17 =	simm.s32 $0x1380;
	[smem:$0x7DD] =	sst s16  }
0x51: {  	s18 =	simm.s32 $0x3380;
	[smem:$0x7DE] =	sst s17  }
0x52: {  	s19 =	simm.s32 $0x1400;
	[smem:$0x7DF] =	sst s18  }
0x53: {  	s6 =	simm.s32 $0x3400;
	[smem:$0x7E0] =	sst s19  }
0x54: {  	s20 =	simm.s32 $0x1480;
	[smem:$0x7E1] =	sst s6  }
0x55: {  	s21 =	simm.s32 $0x3480;
	[smem:$0x7E2] =	sst s20  }
0x56: {  	s22 =	simm.s32 $0x1500;
	[smem:$0x7E3] =	sst s21  }
0x57: {  	s24 =	simm.s32 $0x3500;
	[smem:$0x7E4] =	sst s22  }
0x58: {  	s25 =	simm.s32 $0x1580;
	[smem:$0x7E5] =	sst s24  }
0x59: {  	s7 =	simm.s32 $0x3580;
	[smem:$0x7E7] =	sst s25  }
0x5a: {  	s4 =	simm.s32 $0xB00;
	[smem:$0x7E9] =	sst s7  }
0x5b: {  	s8 =	simm.s32 $0x1600;
	[smem:$0x7BC] =	sst s4  }
0x5c: {  	s9 =	simm.s32 $0x3600;
	[smem:$0x7EB] =	sst s8  }
0x5d: {  	s10 =	simm.s32 $0x1680;
	[smem:$0x7EC] =	sst s9  }
0x5e: {  	s11 =	simm.s32 $0x3680;
	[smem:$0x7ED] =	sst s10  }
0x5f: {  	s28 =	simm.s32 $0x1C00;
	s12 =	simm.s32 $0x1700;
	[smem:$0x7EE] =	sst s11  }
0x60: {  	s29 =	simm.s32 $0x3C00;
	s13 =	simm.s32 $0x3700;
	[smem:$0x7EF] =	sst s12  }
0x61: {  	s30 =	simm.s32 $0x1C80;
	s14 =	simm.s32 $0x1780;
	[smem:$0x7F0] =	sst s13  }
0x62: {  	s31 =	simm.s32 $0x3C80;
	s15 =	simm.s32 $0x3780;
	[smem:$0x7F1] =	sst s14  }
0x63: {  	s5 =	sshll.u32 s5, $0x1;
	s16 =	simm.s32 $0x1800;
	[smem:$0x7F2] =	sst s15  }
0x64: {  	s5 =	sor.u32 s0, s5;
	s17 =	simm.s32 $0x3800;
	[smem:$0x7F3] =	sst s16  }
0x65: {  	s0 =	ssub.s32 $0x2, s0;
	s18 =	simm.s32 $0x1880;
	[smem:$0x7F4] =	sst s17  }
0x66: {  	s5 =	smul.u32 $0x1A0, s5;
	s19 =	simm.s32 $0x3880;
	[smem:$0x7F5] =	sst s18  }
0x67: {  	s3 =	sadd.s32 $0x1600, s1;
	s20 =	simm.s32 $0x1900;
	[smem:$0x7F6] =	sst s19  }
0x68: {  	s23 =	sshrl.u32 s0, $0x1;
	s21 =	simm.s32 $0x3900;
	[smem:$0x7F7] =	sst s20  }
0x69: {  	s0 =	ssub.s32 s0, s23;
	s22 =	simm.s32 $0x1980;
	[smem:$0x7F8] =	sst s21  }
0x6a: {  	s23 =	simm.s32 $0x3980;
	s24 =	simm.s32 $0x1A00;
	[smem:$0x7F9] =	sst s22  }
0x6b: {  	s25 =	simm.s32 $0x3A00;
	s6 =	simm.s32 $0x1;
	[smem:$0x7FA] =	sst s23  }
0x6c: {  	s4 =	simm.s32 $0x1080;
	s0 =	smax.u32 s0, $0x1;
	[smem:$0x7FB] =	sst s24  }
0x6d: {  	s9 =	simm.s32 $0x3;
	s10 =	simm.s32 $0x80;
	[smem:$0x7FC] =	sst s25  }
0x6e: {  	s20 =	simm.s32 $0x2;
	s21 =	simm.s32 $0x2000;
	s12 =	simm.s32 $0x1D80  }
0x6f: {  	s13 =	simm.s32 $0x3D80;
	s14 =	simm.s32 $0x1E00;
	s15 =	simm.s32 $0x3E00  }
0x70: {  	s16 =	simm.s32 $0x1E80;
	s17 =	simm.s32 $0x3E80;
	s18 =	simm.s32 $0x1F00  }
0x71: {  	s19 =	simm.s32 $0x3F00;
	s8 =	simm.s32 $0x1F80;
	s11 =	simm.s32 $0x0  }
0x72: {  	[smem:$0x7D2] =	sst s4;
	s4 =	sadd.s32 $0x1439400, s1;
	s1 =	sadd.s32 s5, s1  }
0x73: {  	s25 =	simm.s32 $0x3B00;
	[smem:$0x7EA] =	sst s0;
	s26 =	sadd.s32 $0x13D7800, s1  }
0x74: {  	s0 =	simm.s32 $0x3D00;
	s1 =	sadd.s32 $0x13DAC00, s1;
	[smem:$0x7E6] =	sst s26  }
0x75: {  	s5 =	simm.s32 $0x3F80;
	[smem:$0x7E8] =	sst s1;
	s26 =	simm.s32 $0x1A80  }
0x76: {  	s1 =	simm.s32 $0x1D00;
	[smem:$0x7FD] =	sst s26;
	s26 =	simm.s32 $0x3B80  }
.LBB2_1:
0x77: {  	s7 =	sld [smem:$0x7E6];
	_ =	sdelay $0x1  }
0x78: {  	[smem:$0x7AE] =	sst s11;
	s24 =	simm.s32 $0x4000  }
0x79: {  	[tilespmem:s24], [sflag:$0x3] =	stream.linear.gather [hbm4b:s7+s2], $0xD00, $0x38;
	[tilespmem:$0x5A00] =	vst v63  }
0x7a: {  	_ =	swait.ge [sflag:s9], $0xD00  }
0x7b: {  	[sflag:s9] =	ssyncset.done $0x0  }
0x7c: {  	s22 =	simm.s32 $0x4D00;
	[sflag:s9] =	ssyncadd.s32 $0xFFFFF300  }
0x7d: {  	[tilespmem:s22], [sflag:$0x2] =	stream.indirect.gather [hbm4b:s4+s10], $0x1, s24, s10, $0xb8;
	[tilespmem:$0x5A00] =	vst v63  }
0x7e: {  	s23 =	simm.s32 $0x4080;
	s24 =	simm.s32 $0x4D80  }
0x7f: {  	[tilespmem:s24], [sflag:$0x2] =	stream.indirect.gather [hbm4b:s4+s10], $0x1, s23, s10, $0xb8;
	[tilespmem:$0x5A00] =	vst v63  }
0x80: {  	s23 =	simm.s32 $0x4100;
	s24 =	simm.s32 $0x4E00  }
0x81: {  	[tilespmem:s24], [sflag:$0x2] =	stream.indirect.gather [hbm4b:s4+s10], $0x1, s23, s10, $0xb8;
	[tilespmem:$0x5A00] =	vst v63  }
0x82: {  	s23 =	simm.s32 $0x4180;
	s24 =	simm.s32 $0x4E80  }
0x83: {  	[tilespmem:s24], [sflag:$0x2] =	stream.indirect.gather [hbm4b:s4+s10], $0x1, s23, s10, $0xb8;
	[tilespmem:$0x5A00] =	vst v63  }
0x84: {  	s23 =	simm.s32 $0x4200;
	s24 =	simm.s32 $0x4F00  }
0x85: {  	[tilespmem:s24], [sflag:$0x2] =	stream.indirect.gather [hbm4b:s4+s10], $0x1, s23, s10, $0xb8;
	[tilespmem:$0x5A00] =	vst v63  }
0x86: {  	s23 =	simm.s32 $0x4280;
	s24 =	simm.s32 $0x4F80  }
0x87: {  	[tilespmem:s24], [sflag:$0x2] =	stream.indirect.gather [hbm4b:s4+s10], $0x1, s23, s10, $0xb8;
	[tilespmem:$0x5A00] =	vst v63  }
0x88: {  	s23 =	simm.s32 $0x4300;
	s24 =	simm.s32 $0x5000  }
0x89: {  	[tilespmem:s24], [sflag:$0x2] =	stream.indirect.gather [hbm4b:s4+s10], $0x1, s23, s10, $0xb8;
	[tilespmem:$0x5A00] =	vst v63  }
0x8a: {  	s23 =	simm.s32 $0x4380;
	s24 =	simm.s32 $0x5080  }
0x8b: {  	[tilespmem:s24], [sflag:$0x2] =	stream.indirect.gather [hbm4b:s4+s10], $0x1, s23, s10, $0xb8;
	[tilespmem:$0x5A00] =	vst v63  }
0x8c: {  	s23 =	simm.s32 $0x4400;
	s24 =	simm.s32 $0x5100  }
0x8d: {  	[tilespmem:s24], [sflag:$0x2] =	stream.indirect.gather [hbm4b:s4+s10], $0x1, s23, s10, $0xb8;
	[tilespmem:$0x5A00] =	vst v63  }
0x8e: {  	s23 =	simm.s32 $0x4480;
	s24 =	simm.s32 $0x5180  }
0x8f: {  	[tilespmem:s24], [sflag:$0x2] =	stream.indirect.gather [hbm4b:s4+s10], $0x1, s23, s10, $0xb8;
	[tilespmem:$0x5A00] =	vst v63  }
0x90: {  	s23 =	simm.s32 $0x4500;
	s24 =	simm.s32 $0x5200  }
0x91: {  	[tilespmem:s24], [sflag:$0x2] =	stream.indirect.gather [hbm4b:s4+s10], $0x1, s23, s10, $0xb8;
	[tilespmem:$0x5A00] =	vst v63  }
0x92: {  	s23 =	simm.s32 $0x4580;
	s24 =	simm.s32 $0x5280  }
0x93: {  	[tilespmem:s24], [sflag:$0x2] =	stream.indirect.gather [hbm4b:s4+s10], $0x1, s23, s10, $0xb8;
	[tilespmem:$0x5A00] =	vst v63  }
0x94: {  	s23 =	simm.s32 $0x4600;
	s24 =	simm.s32 $0x5300  }
0x95: {  	[tilespmem:s24], [sflag:$0x2] =	stream.indirect.gather [hbm4b:s4+s10], $0x1, s23, s10, $0xb8;
	[tilespmem:$0x5A00] =	vst v63  }
0x96: {  	s23 =	simm.s32 $0x4680;
	s24 =	simm.s32 $0x5380  }
0x97: {  	[tilespmem:s24], [sflag:$0x2] =	stream.indirect.gather [hbm4b:s4+s10], $0x1, s23, s10, $0xb8;
	[tilespmem:$0x5A00] =	vst v63  }
0x98: {  	s23 =	simm.s32 $0x4700;
	s24 =	simm.s32 $0x5400  }
0x99: {  	[tilespmem:s24], [sflag:$0x2] =	stream.indirect.gather [hbm4b:s4+s10], $0x1, s23, s10, $0xb8;
	[tilespmem:$0x5A00] =	vst v63  }
0x9a: {  	s23 =	simm.s32 $0x4780;
	s24 =	simm.s32 $0x5480  }
0x9b: {  	[tilespmem:s24], [sflag:$0x2] =	stream.indirect.gather [hbm4b:s4+s10], $0x1, s23, s10, $0xb8;
	[tilespmem:$0x5A00] =	vst v63  }
0x9c: {  	s23 =	simm.s32 $0x4800;
	s24 =	simm.s32 $0x5500  }
0x9d: {  	[tilespmem:s24], [sflag:$0x2] =	stream.indirect.gather [hbm4b:s4+s10], $0x1, s23, s10, $0xb8;
	[tilespmem:$0x5A00] =	vst v63  }
0x9e: {  	s23 =	simm.s32 $0x4880;
	s24 =	simm.s32 $0x5580  }
0x9f: {  	[tilespmem:s24], [sflag:$0x2] =	stream.indirect.gather [hbm4b:s4+s10], $0x1, s23, s10, $0xb8;
	[tilespmem:$0x5A00] =	vst v63  }
0xa0: {  	s23 =	simm.s32 $0x4900;
	s24 =	simm.s32 $0x5600  }
0xa1: {  	[tilespmem:s24], [sflag:$0x2] =	stream.indirect.gather [hbm4b:s4+s10], $0x1, s23, s10, $0xb8;
	[tilespmem:$0x5A00] =	vst v63  }
0xa2: {  	s23 =	simm.s32 $0x4980;
	s24 =	simm.s32 $0x5680  }
0xa3: {  	[tilespmem:s24], [sflag:$0x2] =	stream.indirect.gather [hbm4b:s4+s10], $0x1, s23, s10, $0xb8;
	[tilespmem:$0x5A00] =	vst v63  }
0xa4: {  	s23 =	simm.s32 $0x4A00;
	s24 =	simm.s32 $0x5700  }
0xa5: {  	[tilespmem:s24], [sflag:$0x2] =	stream.indirect.gather [hbm4b:s4+s10], $0x1, s23, s10, $0xb8;
	[tilespmem:$0x5A00] =	vst v63  }
0xa6: {  	s23 =	simm.s32 $0x4A80;
	s24 =	simm.s32 $0x5780  }
0xa7: {  	[tilespmem:s24], [sflag:$0x2] =	stream.indirect.gather [hbm4b:s4+s10], $0x1, s23, s10, $0xb8;
	[tilespmem:$0x5A00] =	vst v63  }
0xa8: {  	s23 =	simm.s32 $0x4B00;
	s24 =	simm.s32 $0x5800  }
0xa9: {  	[tilespmem:s24], [sflag:$0x2] =	stream.indirect.gather [hbm4b:s4+s10], $0x1, s23, s10, $0xb8;
	[tilespmem:$0x5A00] =	vst v63  }
0xaa: {  	s23 =	simm.s32 $0x4B80;
	s24 =	simm.s32 $0x5880  }
0xab: {  	[tilespmem:s24], [sflag:$0x2] =	stream.indirect.gather [hbm4b:s4+s10], $0x1, s23, s10, $0xb8;
	[tilespmem:$0x5A00] =	vst v63  }
0xac: {  	s23 =	simm.s32 $0x4C00;
	s24 =	simm.s32 $0x5900  }
0xad: {  	[tilespmem:s24], [sflag:$0x2] =	stream.indirect.gather [hbm4b:s4+s10], $0x1, s23, s10, $0xb8;
	[tilespmem:$0x5A00] =	vst v63  }
0xae: {  	s11 =	simm.s32 $0x4C80;
	s23 =	simm.s32 $0x5980  }
0xaf: {  	[tilespmem:s23], [sflag:$0x2] =	stream.indirect.gather [hbm4b:s4+s10], $0x1, s11, s10, $0xb8;
	[tilespmem:$0x5A00] =	vst v63  }
0xb0: {  	_ =	swait.ge [sflag:s20], $0x80  }
0xb1: {  	[sflag:s20] =	ssyncset.done $0x0  }
0xb2: {  	[sflag:s20] =	ssyncadd.s32 $0xFFFFFF80  }
0xb3: {  	_ =	swait.ge [sflag:s20], $0x80  }
0xb4: {  	[sflag:s20] =	ssyncset.done $0x0  }
0xb5: {  	[sflag:s20] =	ssyncadd.s32 $0xFFFFFF80  }
0xb6: {  	_ =	swait.ge [sflag:s20], $0x80  }
0xb7: {  	[sflag:s20] =	ssyncset.done $0x0  }
0xb8: {  	[sflag:s20] =	ssyncadd.s32 $0xFFFFFF80  }
0xb9: {  	_ =	swait.ge [sflag:s20], $0x80  }
0xba: {  	[sflag:s20] =	ssyncset.done $0x0  }
0xbb: {  	[sflag:s20] =	ssyncadd.s32 $0xFFFFFF80  }
0xbc: {  	_ =	swait.ge [sflag:s20], $0x80  }
0xbd: {  	[sflag:s20] =	ssyncset.done $0x0  }
0xbe: {  	[sflag:s20] =	ssyncadd.s32 $0xFFFFFF80  }
0xbf: {  	_ =	swait.ge [sflag:s20], $0x80  }
0xc0: {  	[sflag:s20] =	ssyncset.done $0x0  }
0xc1: {  	[sflag:s20] =	ssyncadd.s32 $0xFFFFFF80  }
0xc2: {  	_ =	swait.ge [sflag:s20], $0x80  }
0xc3: {  	[sflag:s20] =	ssyncset.done $0x0  }
0xc4: {  	[sflag:s20] =	ssyncadd.s32 $0xFFFFFF80  }
0xc5: {  	_ =	swait.ge [sflag:s20], $0x80  }
0xc6: {  	[sflag:s20] =	ssyncset.done $0x0  }
0xc7: {  	[sflag:s20] =	ssyncadd.s32 $0xFFFFFF80  }
0xc8: {  	_ =	swait.ge [sflag:s20], $0x80  }
0xc9: {  	[sflag:s20] =	ssyncset.done $0x0  }
0xca: {  	[sflag:s20] =	ssyncadd.s32 $0xFFFFFF80  }
0xcb: {  	_ =	swait.ge [sflag:s20], $0x80  }
0xcc: {  	[sflag:s20] =	ssyncset.done $0x0  }
0xcd: {  	[sflag:s20] =	ssyncadd.s32 $0xFFFFFF80  }
0xce: {  	_ =	swait.ge [sflag:s20], $0x80  }
0xcf: {  	[sflag:s20] =	ssyncset.done $0x0  }
0xd0: {  	[sflag:s20] =	ssyncadd.s32 $0xFFFFFF80  }
0xd1: {  	_ =	swait.ge [sflag:s20], $0x80  }
0xd2: {  	[sflag:s20] =	ssyncset.done $0x0  }
0xd3: {  	[sflag:s20] =	ssyncadd.s32 $0xFFFFFF80  }
0xd4: {  	_ =	swait.ge [sflag:s20], $0x80  }
0xd5: {  	[sflag:s20] =	ssyncset.done $0x0  }
0xd6: {  	[sflag:s20] =	ssyncadd.s32 $0xFFFFFF80  }
0xd7: {  	_ =	swait.ge [sflag:s20], $0x80  }
0xd8: {  	[sflag:s20] =	ssyncset.done $0x0  }
0xd9: {  	[sflag:s20] =	ssyncadd.s32 $0xFFFFFF80  }
0xda: {  	_ =	swait.ge [sflag:s20], $0x80  }
0xdb: {  	[sflag:s20] =	ssyncset.done $0x0  }
0xdc: {  	[sflag:s20] =	ssyncadd.s32 $0xFFFFFF80  }
0xdd: {  	_ =	swait.ge [sflag:s20], $0x80  }
0xde: {  	[sflag:s20] =	ssyncset.done $0x0  }
0xdf: {  	[sflag:s20] =	ssyncadd.s32 $0xFFFFFF80  }
0xe0: {  	_ =	swait.ge [sflag:s20], $0x80  }
0xe1: {  	[sflag:s20] =	ssyncset.done $0x0  }
0xe2: {  	[sflag:s20] =	ssyncadd.s32 $0xFFFFFF80  }
0xe3: {  	_ =	swait.ge [sflag:s20], $0x80  }
0xe4: {  	[sflag:s20] =	ssyncset.done $0x0  }
0xe5: {  	[sflag:s20] =	ssyncadd.s32 $0xFFFFFF80  }
0xe6: {  	_ =	swait.ge [sflag:s20], $0x80  }
0xe7: {  	[sflag:s20] =	ssyncset.done $0x0  }
0xe8: {  	[sflag:s20] =	ssyncadd.s32 $0xFFFFFF80  }
0xe9: {  	_ =	swait.ge [sflag:s20], $0x80  }
0xea: {  	[sflag:s20] =	ssyncset.done $0x0  }
0xeb: {  	[sflag:s20] =	ssyncadd.s32 $0xFFFFFF80  }
0xec: {  	_ =	swait.ge [sflag:s20], $0x80  }
0xed: {  	[sflag:s20] =	ssyncset.done $0x0  }
0xee: {  	[sflag:s20] =	ssyncadd.s32 $0xFFFFFF80  }
0xef: {  	_ =	swait.ge [sflag:s20], $0x80  }
0xf0: {  	[sflag:s20] =	ssyncset.done $0x0  }
0xf1: {  	[sflag:s20] =	ssyncadd.s32 $0xFFFFFF80  }
0xf2: {  	_ =	swait.ge [sflag:s20], $0x80  }
0xf3: {  	[sflag:s20] =	ssyncset.done $0x0  }
0xf4: {  	[sflag:s20] =	ssyncadd.s32 $0xFFFFFF80  }
0xf5: {  	_ =	swait.ge [sflag:s20], $0x80  }
0xf6: {  	[sflag:s20] =	ssyncset.done $0x0  }
0xf7: {  	[sflag:s20] =	ssyncadd.s32 $0xFFFFFF80  }
0xf8: {  	_ =	swait.ge [sflag:s20], $0x80  }
0xf9: {  	[sflag:s20] =	ssyncset.done $0x0  }
0xfa: {  	[sflag:s20] =	ssyncadd.s32 $0xFFFFFF80  }
0xfb: {  	_ =	swait.ge [sflag:s20], $0x80  }
0xfc: {  	s24 =	sld [smem:$0x7E8]  }
0xfd: {  	[sflag:s20] =	ssyncset.done $0x0  }
0xfe: {  	[sflag:s20] =	ssyncadd.s32 $0xFFFFFF80  }
0xff: {  	[hbm4b:s24+s2] =	stream.linear.scatter [tilespmem:s22], [sflag:$0x3], $0xD00, $0x38;
	[tilespmem:$0x5A00] =	vst v63  }
0x100: {  	_ =	swait.ge [sflag:s9], $0xD00  }
0x101: {  	[sflag:s9] =	ssyncset.done $0x0  }
0x102: {  	s11 =	simm.s32 $0x0;
	[sflag:s9] =	ssyncadd.s32 $0xFFFFF300  }
.LBB2_2:
0x103: {  	s7 =	rddreg [dreg:$0x3]  }
0x104: {  	s7 =	sadd.s32 s11, s7  }
0x105: {  	[tilespmem:s2], [sflag:$0x3] =	stream.linear.gather [hbm4b:s7+s2], $0x2000, $0x38;
	[tilespmem:$0x5A00] =	vst v63  }
0x106: {  	_ =	swait.ge [sflag:s9], $0x2000  }
0x107: {  	s24 =	rddreg [dreg:$0x4]  }
0x108: {  	[sflag:s9] =	ssyncset.done $0x0;
	s22 =	rddreg [dreg:$0x5]  }
0x109: {  	s23 =	rddreg [dreg:$0x6];
	[sflag:s9] =	ssyncadd.s32 $0xFFFFE000  }
0x10a: {  	[tilespmem:s21], [sflag:$0x1] =	stream.indirect.gather [hbm4b:s3+s10], $0x1, s2, s10, $0xb8;
	[tilespmem:$0x5A00] =	vst v63  }
0x10b: {  	s7 =	rddreg [dreg:$0x7]  }
0x10c: {  	[tilespmem:s24], [sflag:$0x1] =	stream.indirect.gather [hbm4b:s3+s10], $0x1, s10, s10, $0xb8;
	[tilespmem:$0x5A00] =	vst v63  }
0x10d: {  	s24 =	rddreg [dreg:$0xa]  }
0x10e: {  	[tilespmem:s23], [sflag:$0x1] =	stream.indirect.gather [hbm4b:s3+s10], $0x1, s22, s10, $0xb8;
	[tilespmem:$0x5A00] =	vst v63  }
0x10f: {  	s22 =	rddreg [dreg:$0x8]  }
0x110: {  	s23 =	rddreg [dreg:$0x9]  }
0x111: {  	[tilespmem:s22], [sflag:$0x1] =	stream.indirect.gather [hbm4b:s3+s10], $0x1, s7, s10, $0xb8;
	[tilespmem:$0x5A00] =	vst v63  }
0x112: {  	s7 =	rddreg [dreg:$0xb]  }
0x113: {  	s22 =	rddreg [dreg:$0xc]  }
0x114: {  	[tilespmem:s24], [sflag:$0x1] =	stream.indirect.gather [hbm4b:s3+s10], $0x1, s23, s10, $0xb8;
	[tilespmem:$0x5A00] =	vst v63  }
0x115: {  	s23 =	rddreg [dreg:$0xd]  }
0x116: {  	s24 =	rddreg [dreg:$0xe]  }
0x117: {  	[tilespmem:s22], [sflag:$0x1] =	stream.indirect.gather [hbm4b:s3+s10], $0x1, s7, s10, $0xb8;
	[tilespmem:$0x5A00] =	vst v63  }
0x118: {  	s7 =	rddreg [dreg:$0xf]  }
0x119: {  	s22 =	rddreg [dreg:$0x10]  }
0x11a: {  	[tilespmem:s24], [sflag:$0x1] =	stream.indirect.gather [hbm4b:s3+s10], $0x1, s23, s10, $0xb8;
	[tilespmem:$0x5A00] =	vst v63  }
0x11b: {  	s23 =	rddreg [dreg:$0x11]  }
0x11c: {  	s24 =	rddreg [dreg:$0x12]  }
0x11d: {  	[tilespmem:s22], [sflag:$0x1] =	stream.indirect.gather [hbm4b:s3+s10], $0x1, s7, s10, $0xb8;
	[tilespmem:$0x5A00] =	vst v63  }
0x11e: {  	s7 =	rddreg [dreg:$0x13]  }
0x11f: {  	s22 =	rddreg [dreg:$0x14]  }
0x120: {  	[tilespmem:s24], [sflag:$0x1] =	stream.indirect.gather [hbm4b:s3+s10], $0x1, s23, s10, $0xb8;
	[tilespmem:$0x5A00] =	vst v63  }
0x121: {  	s23 =	rddreg [dreg:$0x15]  }
0x122: {  	s24 =	rddreg [dreg:$0x16]  }
0x123: {  	[tilespmem:s22], [sflag:$0x1] =	stream.indirect.gather [hbm4b:s3+s10], $0x1, s7, s10, $0xb8;
	[tilespmem:$0x5A00] =	vst v63  }
0x124: {  	s7 =	rddreg [dreg:$0x17]  }
0x125: {  	s22 =	rddreg [dreg:$0x18]  }
0x126: {  	[tilespmem:s24], [sflag:$0x1] =	stream.indirect.gather [hbm4b:s3+s10], $0x1, s23, s10, $0xb8;
	[tilespmem:$0x5A00] =	vst v63  }
0x127: {  	s23 =	rddreg [dreg:$0x19]  }
0x128: {  	s24 =	rddreg [dreg:$0x1a]  }
0x129: {  	[tilespmem:s22], [sflag:$0x1] =	stream.indirect.gather [hbm4b:s3+s10], $0x1, s7, s10, $0xb8;
	[tilespmem:$0x5A00] =	vst v63  }
0x12a: {  	s7 =	rddreg [dreg:$0x1b]  }
0x12b: {  	s22 =	rddreg [dreg:$0x1c]  }
0x12c: {  	[tilespmem:s24], [sflag:$0x1] =	stream.indirect.gather [hbm4b:s3+s10], $0x1, s23, s10, $0xb8;
	[tilespmem:$0x5A00] =	vst v63  }
0x12d: {  	s23 =	rddreg [dreg:$0x1d]  }
0x12e: {  	s24 =	rddreg [dreg:$0x1e]  }
0x12f: {  	[tilespmem:s22], [sflag:$0x1] =	stream.indirect.gather [hbm4b:s3+s10], $0x1, s7, s10, $0xb8;
	[tilespmem:$0x5A00] =	vst v63  }
0x130: {  	s7 =	rddreg [dreg:$0x1f]  }
0x131: {  	s22 =	sld [smem:$0x7AF]  }
0x132: {  	[tilespmem:s24], [sflag:$0x1] =	stream.indirect.gather [hbm4b:s3+s10], $0x1, s23, s10, $0xb8;
	[tilespmem:$0x5A00] =	vst v63  }
0x133: {  	s23 =	sld [smem:$0x7B0]  }
0x134: {  	s24 =	sld [smem:$0x7B1]  }
0x135: {  	[tilespmem:s22], [sflag:$0x1] =	stream.indirect.gather [hbm4b:s3+s10], $0x1, s7, s10, $0xb8;
	[tilespmem:$0x5A00] =	vst v63  }
0x136: {  	s7 =	sld [smem:$0x7B2]  }
0x137: {  	s22 =	sld [smem:$0x7B3]  }
0x138: {  	[tilespmem:s24], [sflag:$0x1] =	stream.indirect.gather [hbm4b:s3+s10], $0x1, s23, s10, $0xb8;
	[tilespmem:$0x5A00] =	vst v63  }
0x139: {  	s23 =	sld [smem:$0x7B4]  }
0x13a: {  	s24 =	sld [smem:$0x7B5]  }
0x13b: {  	[tilespmem:s22], [sflag:$0x1] =	stream.indirect.gather [hbm4b:s3+s10], $0x1, s7, s10, $0xb8;
	[tilespmem:$0x5A00] =	vst v63  }
0x13c: {  	s7 =	sld [smem:$0x7B6]  }
0x13d: {  	s22 =	sld [smem:$0x7B7]  }
0x13e: {  	[tilespmem:s24], [sflag:$0x1] =	stream.indirect.gather [hbm4b:s3+s10], $0x1, s23, s10, $0xb8;
	[tilespmem:$0x5A00] =	vst v63  }
0x13f: {  	s23 =	sld [smem:$0x7B8]  }
0x140: {  	s24 =	sld [smem:$0x7B9]  }
0x141: {  	[tilespmem:s22], [sflag:$0x1] =	stream.indirect.gather [hbm4b:s3+s10], $0x1, s7, s10, $0xb8;
	[tilespmem:$0x5A00] =	vst v63  }
0x142: {  	s7 =	sld [smem:$0x7BA]  }
0x143: {  	s22 =	sld [smem:$0x7BB]  }
0x144: {  	[tilespmem:s24], [sflag:$0x1] =	stream.indirect.gather [hbm4b:s3+s10], $0x1, s23, s10, $0xb8;
	[tilespmem:$0x5A00] =	vst v63  }
0x145: {  	s23 =	sld [smem:$0x7BC]  }
0x146: {  	s24 =	sld [smem:$0x7BD]  }
0x147: {  	[tilespmem:s22], [sflag:$0x1] =	stream.indirect.gather [hbm4b:s3+s10], $0x1, s7, s10, $0xb8;
	[tilespmem:$0x5A00] =	vst v63  }
0x148: {  	s7 =	sld [smem:$0x7BE]  }
0x149: {  	s22 =	sld [smem:$0x7BF]  }
0x14a: {  	[tilespmem:s24], [sflag:$0x1] =	stream.indirect.gather [hbm4b:s3+s10], $0x1, s23, s10, $0xb8;
	[tilespmem:$0x5A00] =	vst v63  }
0x14b: {  	s23 =	sld [smem:$0x7C0]  }
0x14c: {  	s24 =	sld [smem:$0x7C1]  }
0x14d: {  	[tilespmem:s22], [sflag:$0x1] =	stream.indirect.gather [hbm4b:s3+s10], $0x1, s7, s10, $0xb8;
	[tilespmem:$0x5A00] =	vst v63  }
0x14e: {  	s7 =	sld [smem:$0x7C2]  }
0x14f: {  	s22 =	sld [smem:$0x7C3]  }
0x150: {  	[tilespmem:s24], [sflag:$0x1] =	stream.indirect.gather [hbm4b:s3+s10], $0x1, s23, s10, $0xb8;
	[tilespmem:$0x5A00] =	vst v63  }
0x151: {  	s23 =	sld [smem:$0x7C4]  }
0x152: {  	s24 =	sld [smem:$0x7C5]  }
0x153: {  	[tilespmem:s22], [sflag:$0x1] =	stream.indirect.gather [hbm4b:s3+s10], $0x1, s7, s10, $0xb8;
	[tilespmem:$0x5A00] =	vst v63  }
0x154: {  	s7 =	sld [smem:$0x7C6]  }
0x155: {  	s22 =	sld [smem:$0x7C7]  }
0x156: {  	[tilespmem:s24], [sflag:$0x1] =	stream.indirect.gather [hbm4b:s3+s10], $0x1, s23, s10, $0xb8;
	[tilespmem:$0x5A00] =	vst v63  }
0x157: {  	s23 =	sld [smem:$0x7C8]  }
0x158: {  	s24 =	sld [smem:$0x7C9]  }
0x159: {  	[tilespmem:s22], [sflag:$0x1] =	stream.indirect.gather [hbm4b:s3+s10], $0x1, s7, s10, $0xb8;
	[tilespmem:$0x5A00] =	vst v63  }
0x15a: {  	s7 =	sld [smem:$0x7CA]  }
0x15b: {  	s22 =	sld [smem:$0x7CB]  }
0x15c: {  	[tilespmem:s24], [sflag:$0x1] =	stream.indirect.gather [hbm4b:s3+s10], $0x1, s23, s10, $0xb8;
	[tilespmem:$0x5A00] =	vst v63  }
0x15d: {  	s23 =	sld [smem:$0x7CC]  }
0x15e: {  	s24 =	sld [smem:$0x7CD]  }
0x15f: {  	[tilespmem:s22], [sflag:$0x1] =	stream.indirect.gather [hbm4b:s3+s10], $0x1, s7, s10, $0xb8;
	[tilespmem:$0x5A00] =	vst v63  }
0x160: {  	s7 =	sld [smem:$0x7CE]  }
0x161: {  	s22 =	sld [smem:$0x7CF]  }
0x162: {  	[tilespmem:s24], [sflag:$0x1] =	stream.indirect.gather [hbm4b:s3+s10], $0x1, s23, s10, $0xb8;
	[tilespmem:$0x5A00] =	vst v63  }
0x163: {  	s23 =	sld [smem:$0x7D0]  }
0x164: {  	s24 =	sld [smem:$0x7D1]  }
0x165: {  	[tilespmem:s22], [sflag:$0x1] =	stream.indirect.gather [hbm4b:s3+s10], $0x1, s7, s10, $0xb8;
	[tilespmem:$0x5A00] =	vst v63  }
0x166: {  	s7 =	sld [smem:$0x7D2]  }
0x167: {  	s22 =	sld [smem:$0x7D3]  }
0x168: {  	[tilespmem:s24], [sflag:$0x1] =	stream.indirect.gather [hbm4b:s3+s10], $0x1, s23, s10, $0xb8;
	[tilespmem:$0x5A00] =	vst v63  }
0x169: {  	s23 =	sld [smem:$0x7D4]  }
0x16a: {  	s24 =	sld [smem:$0x7D5]  }
0x16b: {  	[tilespmem:s22], [sflag:$0x1] =	stream.indirect.gather [hbm4b:s3+s10], $0x1, s7, s10, $0xb8;
	[tilespmem:$0x5A00] =	vst v63  }
0x16c: {  	s7 =	sld [smem:$0x7D6]  }
0x16d: {  	s22 =	sld [smem:$0x7D7]  }
0x16e: {  	[tilespmem:s24], [sflag:$0x1] =	stream.indirect.gather [hbm4b:s3+s10], $0x1, s23, s10, $0xb8;
	[tilespmem:$0x5A00] =	vst v63  }
0x16f: {  	s23 =	sld [smem:$0x7D8]  }
0x170: {  	s24 =	sld [smem:$0x7D9]  }
0x171: {  	[tilespmem:s22], [sflag:$0x1] =	stream.indirect.gather [hbm4b:s3+s10], $0x1, s7, s10, $0xb8;
	[tilespmem:$0x5A00] =	vst v63  }
0x172: {  	s7 =	sld [smem:$0x7DA]  }
0x173: {  	s22 =	sld [smem:$0x7DB]  }
0x174: {  	[tilespmem:s24], [sflag:$0x1] =	stream.indirect.gather [hbm4b:s3+s10], $0x1, s23, s10, $0xb8;
	[tilespmem:$0x5A00] =	vst v63  }
0x175: {  	s23 =	sld [smem:$0x7DC]  }
0x176: {  	s24 =	sld [smem:$0x7DD]  }
0x177: {  	[tilespmem:s22], [sflag:$0x1] =	stream.indirect.gather [hbm4b:s3+s10], $0x1, s7, s10, $0xb8;
	[tilespmem:$0x5A00] =	vst v63  }
0x178: {  	s7 =	sld [smem:$0x7DE]  }
0x179: {  	s22 =	sld [smem:$0x7DF]  }
0x17a: {  	[tilespmem:s24], [sflag:$0x1] =	stream.indirect.gather [hbm4b:s3+s10], $0x1, s23, s10, $0xb8;
	[tilespmem:$0x5A00] =	vst v63  }
0x17b: {  	s23 =	sld [smem:$0x7E0]  }
0x17c: {  	s24 =	sld [smem:$0x7E1]  }
0x17d: {  	[tilespmem:s22], [sflag:$0x1] =	stream.indirect.gather [hbm4b:s3+s10], $0x1, s7, s10, $0xb8;
	[tilespmem:$0x5A00] =	vst v63  }
0x17e: {  	s7 =	sld [smem:$0x7E2]  }
0x17f: {  	s22 =	sld [smem:$0x7E3]  }
0x180: {  	[tilespmem:s24], [sflag:$0x1] =	stream.indirect.gather [hbm4b:s3+s10], $0x1, s23, s10, $0xb8;
	[tilespmem:$0x5A00] =	vst v63  }
0x181: {  	s23 =	sld [smem:$0x7E4]  }
0x182: {  	s24 =	sld [smem:$0x7E5]  }
0x183: {  	[tilespmem:s22], [sflag:$0x1] =	stream.indirect.gather [hbm4b:s3+s10], $0x1, s7, s10, $0xb8;
	[tilespmem:$0x5A00] =	vst v63  }
0x184: {  	s7 =	sld [smem:$0x7E7]  }
0x185: {  	s22 =	sld [smem:$0x7E9]  }
0x186: {  	[tilespmem:s24], [sflag:$0x1] =	stream.indirect.gather [hbm4b:s3+s10], $0x1, s23, s10, $0xb8;
	[tilespmem:$0x5A00] =	vst v63  }
0x187: {  	s23 =	sld [smem:$0x7EB]  }
0x188: {  	s24 =	sld [smem:$0x7EC]  }
0x189: {  	[tilespmem:s22], [sflag:$0x1] =	stream.indirect.gather [hbm4b:s3+s10], $0x1, s7, s10, $0xb8;
	[tilespmem:$0x5A00] =	vst v63  }
0x18a: {  	s7 =	sld [smem:$0x7ED]  }
0x18b: {  	s22 =	sld [smem:$0x7EE]  }
0x18c: {  	[tilespmem:s24], [sflag:$0x1] =	stream.indirect.gather [hbm4b:s3+s10], $0x1, s23, s10, $0xb8;
	[tilespmem:$0x5A00] =	vst v63  }
0x18d: {  	s23 =	sld [smem:$0x7EF]  }
0x18e: {  	s24 =	sld [smem:$0x7F0]  }
0x18f: {  	[tilespmem:s22], [sflag:$0x1] =	stream.indirect.gather [hbm4b:s3+s10], $0x1, s7, s10, $0xb8;
	[tilespmem:$0x5A00] =	vst v63  }
0x190: {  	s7 =	sld [smem:$0x7F1]  }
0x191: {  	s22 =	sld [smem:$0x7F2]  }
0x192: {  	[tilespmem:s24], [sflag:$0x1] =	stream.indirect.gather [hbm4b:s3+s10], $0x1, s23, s10, $0xb8;
	[tilespmem:$0x5A00] =	vst v63  }
0x193: {  	s23 =	sld [smem:$0x7F3]  }
0x194: {  	s24 =	sld [smem:$0x7F4]  }
0x195: {  	[tilespmem:s22], [sflag:$0x1] =	stream.indirect.gather [hbm4b:s3+s10], $0x1, s7, s10, $0xb8;
	[tilespmem:$0x5A00] =	vst v63  }
0x196: {  	s7 =	sld [smem:$0x7F5]  }
0x197: {  	s22 =	sld [smem:$0x7F6]  }
0x198: {  	[tilespmem:s24], [sflag:$0x1] =	stream.indirect.gather [hbm4b:s3+s10], $0x1, s23, s10, $0xb8;
	[tilespmem:$0x5A00] =	vst v63  }
0x199: {  	s23 =	sld [smem:$0x7F7]  }
0x19a: {  	s24 =	sld [smem:$0x7F8]  }
0x19b: {  	[tilespmem:s22], [sflag:$0x1] =	stream.indirect.gather [hbm4b:s3+s10], $0x1, s7, s10, $0xb8;
	[tilespmem:$0x5A00] =	vst v63  }
0x19c: {  	s7 =	sld [smem:$0x7F9]  }
0x19d: {  	s22 =	sld [smem:$0x7FA]  }
0x19e: {  	[tilespmem:s24], [sflag:$0x1] =	stream.indirect.gather [hbm4b:s3+s10], $0x1, s23, s10, $0xb8;
	[tilespmem:$0x5A00] =	vst v63  }
0x19f: {  	s23 =	sld [smem:$0x7FB]  }
0x1a0: {  	s24 =	sld [smem:$0x7FC]  }
0x1a1: {  	[tilespmem:s22], [sflag:$0x1] =	stream.indirect.gather [hbm4b:s3+s10], $0x1, s7, s10, $0xb8;
	[tilespmem:$0x5A00] =	vst v63  }
0x1a2: {  	s22 =	sld [smem:$0x7FD]  }
0x1a3: {  	[tilespmem:s24], [sflag:$0x1] =	stream.indirect.gather [hbm4b:s3+s10], $0x1, s23, s10, $0xb8;
	[tilespmem:$0x5A00] =	vst v63  }
0x1a4: {  	s24 =	simm.s32 $0x3A80  }
0x1a5: {  	[tilespmem:s24], [sflag:$0x1] =	stream.indirect.gather [hbm4b:s3+s10], $0x1, s22, s10, $0xb8;
	[tilespmem:$0x5A00] =	vst v63  }
0x1a6: {  	s23 =	simm.s32 $0x1B00  }
0x1a7: {  	[tilespmem:s25], [sflag:$0x1] =	stream.indirect.gather [hbm4b:s3+s10], $0x1, s23, s10, $0xb8;
	[tilespmem:$0x5A00] =	vst v63  }
0x1a8: {  	s23 =	simm.s32 $0x1B80  }
0x1a9: {  	[tilespmem:s26], [sflag:$0x1] =	stream.indirect.gather [hbm4b:s3+s10], $0x1, s23, s10, $0xb8;
	[tilespmem:$0x5A00] =	vst v63  }
0x1aa: {  	_ = 	snop  }
0x1ab: {  	[tilespmem:s29], [sflag:$0x1] =	stream.indirect.gather [hbm4b:s3+s10], $0x1, s28, s10, $0xb8;
	[tilespmem:$0x5A00] =	vst v63  }
0x1ac: {  	_ = 	snop  }
0x1ad: {  	[tilespmem:s31], [sflag:$0x1] =	stream.indirect.gather [hbm4b:s3+s10], $0x1, s30, s10, $0xb8;
	[tilespmem:$0x5A00] =	vst v63  }
0x1ae: {  	_ = 	snop  }
0x1af: {  	[tilespmem:s0], [sflag:$0x1] =	stream.indirect.gather [hbm4b:s3+s10], $0x1, s1, s10, $0xb8;
	[tilespmem:$0x5A00] =	vst v63  }
0x1b0: {  	_ = 	snop  }
0x1b1: {  	[tilespmem:s13], [sflag:$0x1] =	stream.indirect.gather [hbm4b:s3+s10], $0x1, s12, s10, $0xb8;
	[tilespmem:$0x5A00] =	vst v63  }
0x1b2: {  	_ = 	snop  }
0x1b3: {  	[tilespmem:s15], [sflag:$0x1] =	stream.indirect.gather [hbm4b:s3+s10], $0x1, s14, s10, $0xb8;
	[tilespmem:$0x5A00] =	vst v63  }
0x1b4: {  	_ = 	snop  }
0x1b5: {  	[tilespmem:s17], [sflag:$0x1] =	stream.indirect.gather [hbm4b:s3+s10], $0x1, s16, s10, $0xb8;
	[tilespmem:$0x5A00] =	vst v63  }
0x1b6: {  	_ = 	snop  }
0x1b7: {  	[tilespmem:s19], [sflag:$0x1] =	stream.indirect.gather [hbm4b:s3+s10], $0x1, s18, s10, $0xb8;
	[tilespmem:$0x5A00] =	vst v63  }
0x1b8: {  	_ = 	snop  }
0x1b9: {  	[tilespmem:s5], [sflag:$0x1] =	stream.indirect.gather [hbm4b:s3+s10], $0x1, s8, s10, $0xb8;
	[tilespmem:$0x5A00] =	vst v63  }
0x1ba: {  	_ =	swait.ge [sflag:s6], $0x80  }
0x1bb: {  	[sflag:s6] =	ssyncset.done $0x0  }
0x1bc: {  	[sflag:s6] =	ssyncadd.s32 $0xFFFFFF80  }
0x1bd: {  	_ =	swait.ge [sflag:s6], $0x80  }
0x1be: {  	[sflag:s6] =	ssyncset.done $0x0  }
0x1bf: {  	[sflag:s6] =	ssyncadd.s32 $0xFFFFFF80  }
0x1c0: {  	_ =	swait.ge [sflag:s6], $0x80  }
0x1c1: {  	[sflag:s6] =	ssyncset.done $0x0  }
0x1c2: {  	[sflag:s6] =	ssyncadd.s32 $0xFFFFFF80  }
0x1c3: {  	_ =	swait.ge [sflag:s6], $0x80  }
0x1c4: {  	[sflag:s6] =	ssyncset.done $0x0  }
0x1c5: {  	[sflag:s6] =	ssyncadd.s32 $0xFFFFFF80  }
0x1c6: {  	_ =	swait.ge [sflag:s6], $0x80  }
0x1c7: {  	[sflag:s6] =	ssyncset.done $0x0  }
0x1c8: {  	[sflag:s6] =	ssyncadd.s32 $0xFFFFFF80  }
0x1c9: {  	_ =	swait.ge [sflag:s6], $0x80  }
0x1ca: {  	[sflag:s6] =	ssyncset.done $0x0  }
0x1cb: {  	[sflag:s6] =	ssyncadd.s32 $0xFFFFFF80  }
0x1cc: {  	_ =	swait.ge [sflag:s6], $0x80  }
0x1cd: {  	[sflag:s6] =	ssyncset.done $0x0  }
0x1ce: {  	[sflag:s6] =	ssyncadd.s32 $0xFFFFFF80  }
0x1cf: {  	_ =	swait.ge [sflag:s6], $0x80  }
0x1d0: {  	[sflag:s6] =	ssyncset.done $0x0  }
0x1d1: {  	[sflag:s6] =	ssyncadd.s32 $0xFFFFFF80  }
0x1d2: {  	_ =	swait.ge [sflag:s6], $0x80  }
0x1d3: {  	[sflag:s6] =	ssyncset.done $0x0  }
0x1d4: {  	[sflag:s6] =	ssyncadd.s32 $0xFFFFFF80  }
0x1d5: {  	_ =	swait.ge [sflag:s6], $0x80  }
0x1d6: {  	[sflag:s6] =	ssyncset.done $0x0  }
0x1d7: {  	[sflag:s6] =	ssyncadd.s32 $0xFFFFFF80  }
0x1d8: {  	_ =	swait.ge [sflag:s6], $0x80  }
0x1d9: {  	[sflag:s6] =	ssyncset.done $0x0  }
0x1da: {  	[sflag:s6] =	ssyncadd.s32 $0xFFFFFF80  }
0x1db: {  	_ =	swait.ge [sflag:s6], $0x80  }
0x1dc: {  	[sflag:s6] =	ssyncset.done $0x0  }
0x1dd: {  	[sflag:s6] =	ssyncadd.s32 $0xFFFFFF80  }
0x1de: {  	_ =	swait.ge [sflag:s6], $0x80  }
0x1df: {  	[sflag:s6] =	ssyncset.done $0x0  }
0x1e0: {  	[sflag:s6] =	ssyncadd.s32 $0xFFFFFF80  }
0x1e1: {  	_ =	swait.ge [sflag:s6], $0x80  }
0x1e2: {  	[sflag:s6] =	ssyncset.done $0x0  }
0x1e3: {  	[sflag:s6] =	ssyncadd.s32 $0xFFFFFF80  }
0x1e4: {  	_ =	swait.ge [sflag:s6], $0x80  }
0x1e5: {  	[sflag:s6] =	ssyncset.done $0x0  }
0x1e6: {  	[sflag:s6] =	ssyncadd.s32 $0xFFFFFF80  }
0x1e7: {  	_ =	swait.ge [sflag:s6], $0x80  }
0x1e8: {  	[sflag:s6] =	ssyncset.done $0x0  }
0x1e9: {  	[sflag:s6] =	ssyncadd.s32 $0xFFFFFF80  }
0x1ea: {  	_ =	swait.ge [sflag:s6], $0x80  }
0x1eb: {  	[sflag:s6] =	ssyncset.done $0x0  }
0x1ec: {  	[sflag:s6] =	ssyncadd.s32 $0xFFFFFF80  }
0x1ed: {  	_ =	swait.ge [sflag:s6], $0x80  }
0x1ee: {  	[sflag:s6] =	ssyncset.done $0x0  }
0x1ef: {  	[sflag:s6] =	ssyncadd.s32 $0xFFFFFF80  }
0x1f0: {  	_ =	swait.ge [sflag:s6], $0x80  }
0x1f1: {  	[sflag:s6] =	ssyncset.done $0x0  }
0x1f2: {  	[sflag:s6] =	ssyncadd.s32 $0xFFFFFF80  }
0x1f3: {  	_ =	swait.ge [sflag:s6], $0x80  }
0x1f4: {  	[sflag:s6] =	ssyncset.done $0x0  }
0x1f5: {  	[sflag:s6] =	ssyncadd.s32 $0xFFFFFF80  }
0x1f6: {  	_ =	swait.ge [sflag:s6], $0x80  }
0x1f7: {  	[sflag:s6] =	ssyncset.done $0x0  }
0x1f8: {  	[sflag:s6] =	ssyncadd.s32 $0xFFFFFF80  }
0x1f9: {  	_ =	swait.ge [sflag:s6], $0x80  }
0x1fa: {  	[sflag:s6] =	ssyncset.done $0x0  }
0x1fb: {  	[sflag:s6] =	ssyncadd.s32 $0xFFFFFF80  }
0x1fc: {  	_ =	swait.ge [sflag:s6], $0x80  }
0x1fd: {  	[sflag:s6] =	ssyncset.done $0x0  }
0x1fe: {  	[sflag:s6] =	ssyncadd.s32 $0xFFFFFF80  }
0x1ff: {  	_ =	swait.ge [sflag:s6], $0x80  }
0x200: {  	[sflag:s6] =	ssyncset.done $0x0  }
0x201: {  	[sflag:s6] =	ssyncadd.s32 $0xFFFFFF80  }
0x202: {  	_ =	swait.ge [sflag:s6], $0x80  }
0x203: {  	[sflag:s6] =	ssyncset.done $0x0  }
0x204: {  	[sflag:s6] =	ssyncadd.s32 $0xFFFFFF80  }
0x205: {  	_ =	swait.ge [sflag:s6], $0x80  }
0x206: {  	[sflag:s6] =	ssyncset.done $0x0  }
0x207: {  	[sflag:s6] =	ssyncadd.s32 $0xFFFFFF80  }
0x208: {  	_ =	swait.ge [sflag:s6], $0x80  }
0x209: {  	[sflag:s6] =	ssyncset.done $0x0  }
0x20a: {  	[sflag:s6] =	ssyncadd.s32 $0xFFFFFF80  }
0x20b: {  	_ =	swait.ge [sflag:s6], $0x80  }
0x20c: {  	[sflag:s6] =	ssyncset.done $0x0  }
0x20d: {  	[sflag:s6] =	ssyncadd.s32 $0xFFFFFF80  }
0x20e: {  	_ =	swait.ge [sflag:s6], $0x80  }
0x20f: {  	[sflag:s6] =	ssyncset.done $0x0  }
0x210: {  	[sflag:s6] =	ssyncadd.s32 $0xFFFFFF80  }
0x211: {  	_ =	swait.ge [sflag:s6], $0x80  }
0x212: {  	[sflag:s6] =	ssyncset.done $0x0  }
0x213: {  	[sflag:s6] =	ssyncadd.s32 $0xFFFFFF80  }
0x214: {  	_ =	swait.ge [sflag:s6], $0x80  }
0x215: {  	[sflag:s6] =	ssyncset.done $0x0  }
0x216: {  	[sflag:s6] =	ssyncadd.s32 $0xFFFFFF80  }
0x217: {  	_ =	swait.ge [sflag:s6], $0x80  }
0x218: {  	[sflag:s6] =	ssyncset.done $0x0  }
0x219: {  	[sflag:s6] =	ssyncadd.s32 $0xFFFFFF80  }
0x21a: {  	_ =	swait.ge [sflag:s6], $0x80  }
0x21b: {  	[sflag:s6] =	ssyncset.done $0x0  }
0x21c: {  	[sflag:s6] =	ssyncadd.s32 $0xFFFFFF80  }
0x21d: {  	_ =	swait.ge [sflag:s6], $0x80  }
0x21e: {  	[sflag:s6] =	ssyncset.done $0x0  }
0x21f: {  	[sflag:s6] =	ssyncadd.s32 $0xFFFFFF80  }
0x220: {  	_ =	swait.ge [sflag:s6], $0x80  }
0x221: {  	[sflag:s6] =	ssyncset.done $0x0  }
0x222: {  	[sflag:s6] =	ssyncadd.s32 $0xFFFFFF80  }
0x223: {  	_ =	swait.ge [sflag:s6], $0x80  }
0x224: {  	[sflag:s6] =	ssyncset.done $0x0  }
0x225: {  	[sflag:s6] =	ssyncadd.s32 $0xFFFFFF80  }
0x226: {  	_ =	swait.ge [sflag:s6], $0x80  }
0x227: {  	[sflag:s6] =	ssyncset.done $0x0  }
0x228: {  	[sflag:s6] =	ssyncadd.s32 $0xFFFFFF80  }
0x229: {  	_ =	swait.ge [sflag:s6], $0x80  }
0x22a: {  	[sflag:s6] =	ssyncset.done $0x0  }
0x22b: {  	[sflag:s6] =	ssyncadd.s32 $0xFFFFFF80  }
0x22c: {  	_ =	swait.ge [sflag:s6], $0x80  }
0x22d: {  	[sflag:s6] =	ssyncset.done $0x0  }
0x22e: {  	[sflag:s6] =	ssyncadd.s32 $0xFFFFFF80  }
0x22f: {  	_ =	swait.ge [sflag:s6], $0x80  }
0x230: {  	[sflag:s6] =	ssyncset.done $0x0  }
0x231: {  	[sflag:s6] =	ssyncadd.s32 $0xFFFFFF80  }
0x232: {  	_ =	swait.ge [sflag:s6], $0x80  }
0x233: {  	[sflag:s6] =	ssyncset.done $0x0  }
0x234: {  	[sflag:s6] =	ssyncadd.s32 $0xFFFFFF80  }
0x235: {  	_ =	swait.ge [sflag:s6], $0x80  }
0x236: {  	[sflag:s6] =	ssyncset.done $0x0  }
0x237: {  	[sflag:s6] =	ssyncadd.s32 $0xFFFFFF80  }
0x238: {  	_ =	swait.ge [sflag:s6], $0x80  }
0x239: {  	[sflag:s6] =	ssyncset.done $0x0  }
0x23a: {  	[sflag:s6] =	ssyncadd.s32 $0xFFFFFF80  }
0x23b: {  	_ =	swait.ge [sflag:s6], $0x80  }
0x23c: {  	[sflag:s6] =	ssyncset.done $0x0  }
0x23d: {  	[sflag:s6] =	ssyncadd.s32 $0xFFFFFF80  }
0x23e: {  	_ =	swait.ge [sflag:s6], $0x80  }
0x23f: {  	[sflag:s6] =	ssyncset.done $0x0  }
0x240: {  	[sflag:s6] =	ssyncadd.s32 $0xFFFFFF80  }
0x241: {  	_ =	swait.ge [sflag:s6], $0x80  }
0x242: {  	[sflag:s6] =	ssyncset.done $0x0  }
0x243: {  	[sflag:s6] =	ssyncadd.s32 $0xFFFFFF80  }
0x244: {  	_ =	swait.ge [sflag:s6], $0x80  }
0x245: {  	[sflag:s6] =	ssyncset.done $0x0  }
0x246: {  	[sflag:s6] =	ssyncadd.s32 $0xFFFFFF80  }
0x247: {  	_ =	swait.ge [sflag:s6], $0x80  }
0x248: {  	[sflag:s6] =	ssyncset.done $0x0  }
0x249: {  	[sflag:s6] =	ssyncadd.s32 $0xFFFFFF80  }
0x24a: {  	_ =	swait.ge [sflag:s6], $0x80  }
0x24b: {  	[sflag:s6] =	ssyncset.done $0x0  }
0x24c: {  	[sflag:s6] =	ssyncadd.s32 $0xFFFFFF80  }
0x24d: {  	_ =	swait.ge [sflag:s6], $0x80  }
0x24e: {  	[sflag:s6] =	ssyncset.done $0x0  }
0x24f: {  	[sflag:s6] =	ssyncadd.s32 $0xFFFFFF80  }
0x250: {  	_ =	swait.ge [sflag:s6], $0x80  }
0x251: {  	[sflag:s6] =	ssyncset.done $0x0  }
0x252: {  	[sflag:s6] =	ssyncadd.s32 $0xFFFFFF80  }
0x253: {  	_ =	swait.ge [sflag:s6], $0x80  }
0x254: {  	[sflag:s6] =	ssyncset.done $0x0  }
0x255: {  	[sflag:s6] =	ssyncadd.s32 $0xFFFFFF80  }
0x256: {  	_ =	swait.ge [sflag:s6], $0x80  }
0x257: {  	[sflag:s6] =	ssyncset.done $0x0  }
0x258: {  	[sflag:s6] =	ssyncadd.s32 $0xFFFFFF80  }
0x259: {  	_ =	swait.ge [sflag:s6], $0x80  }
0x25a: {  	[sflag:s6] =	ssyncset.done $0x0  }
0x25b: {  	[sflag:s6] =	ssyncadd.s32 $0xFFFFFF80  }
0x25c: {  	_ =	swait.ge [sflag:s6], $0x80  }
0x25d: {  	[sflag:s6] =	ssyncset.done $0x0  }
0x25e: {  	[sflag:s6] =	ssyncadd.s32 $0xFFFFFF80  }
0x25f: {  	_ =	swait.ge [sflag:s6], $0x80  }
0x260: {  	[sflag:s6] =	ssyncset.done $0x0  }
0x261: {  	[sflag:s6] =	ssyncadd.s32 $0xFFFFFF80  }
0x262: {  	_ =	swait.ge [sflag:s6], $0x80  }
0x263: {  	[sflag:s6] =	ssyncset.done $0x0  }
0x264: {  	[sflag:s6] =	ssyncadd.s32 $0xFFFFFF80  }
0x265: {  	_ =	swait.ge [sflag:s6], $0x80  }
0x266: {  	[sflag:s6] =	ssyncset.done $0x0  }
0x267: {  	[sflag:s6] =	ssyncadd.s32 $0xFFFFFF80  }
0x268: {  	_ =	swait.ge [sflag:s6], $0x80  }
0x269: {  	[sflag:s6] =	ssyncset.done $0x0  }
0x26a: {  	[sflag:s6] =	ssyncadd.s32 $0xFFFFFF80  }
0x26b: {  	_ =	swait.ge [sflag:s6], $0x80  }
0x26c: {  	[sflag:s6] =	ssyncset.done $0x0  }
0x26d: {  	[sflag:s6] =	ssyncadd.s32 $0xFFFFFF80  }
0x26e: {  	_ =	swait.ge [sflag:s6], $0x80  }
0x26f: {  	[sflag:s6] =	ssyncset.done $0x0  }
0x270: {  	[sflag:s6] =	ssyncadd.s32 $0xFFFFFF80  }
0x271: {  	_ =	swait.ge [sflag:s6], $0x80  }
0x272: {  	[sflag:s6] =	ssyncset.done $0x0  }
0x273: {  	[sflag:s6] =	ssyncadd.s32 $0xFFFFFF80  }
0x274: {  	_ =	swait.ge [sflag:s6], $0x80  }
0x275: {  	[sflag:s6] =	ssyncset.done $0x0  }
0x276: {  	[sflag:s6] =	ssyncadd.s32 $0xFFFFFF80  }
0x277: {  	_ =	swait.ge [sflag:s6], $0x80  }
0x278: {  	p0 =	sne.s32 s11, $0x6400;
	s24 =	rddreg [dreg:$0x2];
	[sflag:s6] =	ssyncset.done $0x0  }
.Ltmp0:
0x279: {  	[sflag:s6] =	ssyncadd.s32 $0xFFFFFF80;
	s7 =	sadd.s32 s11, s24;
	(pc) =	sbr.rel @p0 .LBB2_2-.Ltmp0, $4  }
0x27a: {  	[hbm4b:s7+s2] =	stream.linear.scatter [tilespmem:s21], [sflag:$0x3], $0x2000, $0x38;
	[tilespmem:$0x5A00] =	vst v63  }
0x27b: {  	_ =	swait.ge [sflag:s9], $0x2000  }
0x27c: {  	[sflag:s9] =	ssyncset.done $0x0  }
0x27d: {  	s11 =	sadd.s32 $0x400, s11;
	[sflag:s9] =	ssyncadd.s32 $0xFFFFE000  }
0x27e: {  	s11 =	sld [smem:$0x7AE]  }
0x27f: {  	s7 =	sld [smem:$0x7EA];
	_ =	sdelay $0x1  }
0x280: {  	s11 =	sadd.s32 $0x1, s11  }
0x281: {  	p0 =	sne.s32 s11, s7  }
.Ltmp1:
0x282: {  	_ = 	snop;
	(pc) =	sbr.rel @p0 .LBB2_1-.Ltmp1, $1  }
0x283: {  	_ =	sdelay $0x3  }
0x284: {  	_ =	sfence.sel $0x180000  }
0x285: {  	[bflag:$0x0] =	sbarrier.arrive $0xFFFF  }
0x286: {  	_ =	strace $0x90000047  }
0x287: {  	s0 =	stileid.u32;
	[bflag:$0x2] =	sbarrier.arrive $0xFFFF  }
0x288: {  	p0 =	sne.s32 s0, $0x0;
	s0 =	rddreg [dreg:$0x1]  }
0x289: {  	s0 =	sadd.s32 @!p0 $0x100000, s0  }
0x28a: {  	[sflag:s0] =	ssyncadd.tile.s32 @!p0 $0x1;
	_ =	shalt  }
.Lfunc_end2:
_tile_overlayer_lowered:
.L_overlay_start_2:
0x28b: {  	(tag) =	ssettag $0x2  }
0x28c: {  	s0 =	rddreg [dreg:$0x0];
	s2 =	stileid.u32  }
0x28d: {  	s1 =	rddreg [dreg:$0x1];
	p0 =	sne.s32 s2, $0x0  }
0x28e: {  	s3 =	rddreg [dreg:$0x2];
	[bflag:$0x3] =	sbarrier.arrive $0xFFFF;
	s2 =	simm.s32 @!p0 $0x1C03  }
0x28f: {  	[timem:s3], [sflag:s2] =	dma.local @!p0 [hbm:s0], s1  }
0x290: {  	s0 =	simm.s32 @!p0 $0x3  }
0x291: {  	_ =	swait.ge @!p0 [sflag:s0], s1  }
0x292: {  	s1 =	ssub.s32 @!p0 $0x0, s1;
	[sflag:s0] =	ssyncset.done @!p0 $0x0  }
0x293: {  	[sflag:s0] =	ssyncadd.s32 @!p0 s1  }
0x294: {  	[bflag:$0x3] =	sbarrier.arrive $0xFFFF  }
0x295: {  	_ =	shalt  }

</sc_bundles>
